<compile_context>
chip_gen: v7x
topology: tpu7x:2x2x1
jax: 0.10.2.dev20260603
libtpu: 0.0.44.dev20260713+nightly
codegen_flags: <defaults>
</compile_context>

<pallas_src>
import functools

import jax
import jax.numpy as jnp
from jax import lax
from jax.experimental import pallas as pl
from jax.experimental.pallas import tpu as pltpu
from jax.experimental.pallas import tpu_sc as plsc

_B, _N, _D = 4096, 200, 64
_LANES = 16
_DT = _D // 8
_BT = _B // 128
_BLOCK = _BT * 8 * 128
_SPLIT = 1
_UNIT = _BLOCK // _SPLIT
_UBT = _BT // _SPLIT
_NC, _NS = 2, 16
_NW = _NC * _NS
_UPW = _N * _DT * _SPLIT // _NW
_NBUF = 2
_POS = _NBUF * _UNIT
assert _UPW % _NBUF == 0

_mesh = plsc.VectorSubcoreMesh(core_axis_name="c", subcore_axis_name="s")


@functools.partial(
    pl.kernel,
    out_type=jax.ShapeDtypeStruct((_N * _D * _B,), jnp.float32),
    mesh=_mesh,
    scratch_types=(
        [pltpu.VMEM((_NBUF * _UNIT + _N * _D + _LANES,), jnp.float32)]
        + [pltpu.SemaphoreType.DMA] * (2 * _NBUF)
    ),
)
def _sc_add(x_hbm, pos_hbm, out_hbm, *scr):
    vm = scr[0]
    in_sems = scr[1:1 + _NBUF]
    out_sems = scr[1 + _NBUF:]

    wid = lax.axis_index("s") * _NC + lax.axis_index("c")
    ubase = wid * _UPW

    def start_in(k, u):
        pltpu.async_copy(
            x_hbm.at[pl.ds(u * _UNIT, _UNIT)],
            vm.at[pl.ds(k * _UNIT, _UNIT)], in_sems[k])

    def wait_in(k):
        pltpu.make_async_copy(
            x_hbm.at[pl.ds(0, _UNIT)],
            vm.at[pl.ds(k * _UNIT, _UNIT)], in_sems[k]).wait()

    def start_out(k, u):
        pltpu.async_copy(
            vm.at[pl.ds(k * _UNIT, _UNIT)],
            out_hbm.at[pl.ds(u * _UNIT, _UNIT)], out_sems[k])

    def wait_out(k):
        pltpu.make_async_copy(
            vm.at[pl.ds(k * _UNIT, _UNIT)],
            out_hbm.at[pl.ds(0, _UNIT)], out_sems[k]).wait()

    def add_pos(k, u):
        pbase = _POS + (u // _SPLIT) * 8
        pv16 = vm[pl.ds(pbase, _LANES)]
        pvecs = [jnp.broadcast_to(pv16[ds], (_LANES,)) for ds in range(8)]

        @plsc.parallel_loop(0, _UBT, 1, unroll=2)
        def bt_body(bt):
            base = k * _UNIT + bt * 1024
            for ds in range(8):
                pv = pvecs[ds]
                for j in range(8):
                    sl = pl.ds(base + ds * 128 + j * _LANES, _LANES)
                    vm[sl] = vm[sl] + pv

    for k in range(_NBUF):
        start_in(k, ubase + k)
    pltpu.sync_copy(pos_hbm.at[pl.ds(0, _N * _D)], vm.at[pl.ds(_POS, _N * _D)])

    def step(g, carry):
        for k in range(_NBUF):
            u = ubase + g * _NBUF + k
            wait_in(k)
            add_pos(k, u)
            start_out(k, u)
        for k in range(_NBUF):
            wait_out(k)
            start_in(k, ubase + (g + 1) * _NBUF + k)
        return carry

    steps = _UPW // _NBUF
    lax.fori_loop(0, steps - 1, step, 0)

    for k in range(_NBUF):
        u = ubase + (steps - 1) * _NBUF + k
        wait_in(k)
        add_pos(k, u)
        start_out(k, u)
    for k in range(_NBUF):
        wait_out(k)


def kernel(x, pos_table):
    xv = (x.transpose(1, 2, 0)
           .reshape(_N, _DT, 8, _BT, 128)
           .transpose(0, 1, 3, 2, 4)
           .reshape(-1))
    pv = pos_table[:_N].reshape(-1)
    out = _sc_add(xv, pv)
    return (out.reshape(_N, _DT, _BT, 8, 128)
               .transpose(0, 1, 3, 2, 4)
               .reshape(_N, _D, _B)
               .transpose(2, 0, 1))

# --- scband reference (transcript-rebuilt; emitter-appended) ---
"""Pipeline reference for scband-positional-encoding-10273561772190 (READ-ONLY COPY).

The authoritative reference and input builder live on the scoring server;
editing this copy changes nothing except your own understanding.
"""

import jax, jax.numpy as jnp
import numpy as np

D_MODEL = 64
MAX_LEN = 256

def setup_inputs(seed: int = 0) -> dict:
    key = jax.random.key(seed)
    k1, k2 = jax.random.split(key)
    x = jax.random.normal(k1, (4096, 200, 64), dtype=jnp.float32)
    pos_table = jax.random.normal(k2, (MAX_LEN, D_MODEL), dtype=jnp.float32) * 0.02
    return {"x": x, "pos_table": pos_table}

def reference(x, pos_table):
    B, N, D = x.shape
    positions = jnp.arange(N)  # [N]
    # embedding lookup: gather rows from pos_table, broadcast over batch
    pos_emb = jnp.take(pos_table, positions, axis=0)  # [N, D]
    return x + pos_emb[None, :, :]

if __name__ == "__main__":
    import jax
    _d = setup_inputs()
    print(jax.jit(kernel)(*tuple(_d.values())))

</pallas_src>

<mosaic_0001>
#map = affine_map<(d0, d1) -> (0)>
module attributes {stable_mosaic.version = 14 : i64} {
  func.func @_sc_add(%arg0: i32, %arg1: i32, %arg2: memref<52428800xf32, #tpu.memory_space<hbm>>, %arg3: memref<12800xf32, #tpu.memory_space<hbm>>, %arg4: memref<52428800xf32, #tpu.memory_space<hbm>>, %arg5: memref<78352xf32, #tpu.memory_space<vmem>>, %arg6: memref<!tpu.dma_semaphore, #tpu.memory_space<semaphore_mem>>, %arg7: memref<!tpu.dma_semaphore, #tpu.memory_space<semaphore_mem>>, %arg8: memref<!tpu.dma_semaphore, #tpu.memory_space<semaphore_mem>>, %arg9: memref<!tpu.dma_semaphore, #tpu.memory_space<semaphore_mem>>) attributes {dimension_semantics = [#tpu.dimension_semantics<core_parallel>, #tpu.dimension_semantics<subcore_parallel>], iteration_bounds = array<i64: 2, 16>, scalar_prefetch = 0 : i64, scratch_operands = 5 : i64, tpu.core_type = #tpu.core_type<sc_vector_subcore>, window_params = [{transform_indices = #map}, {transform_indices = #map}, {transform_indices = #map}]} {
    %mul3A = arith.constant 2 : i32
    %mul3A_0 = arith.muli %arg1, %mul3A : i32
    %add3A = arith.addi %mul3A_0, %arg0 : i32
    %mul3A_1 = arith.constant 50 : i32
    %mul3A_2 = arith.muli %add3A, %mul3A_1 : i32
    %add3A_3 = arith.constant 0 : i32
    %add3A_4 = arith.addi %mul3A_2, %add3A_3 : i32
    %mul3A_5 = arith.constant 32768 : i32
    %mul3A_6 = arith.muli %add3A_4, %mul3A_5 : i32
    %dma_start3A = arith.constant 0 : i32
    %dma_start3A_7 = tpu.memref_slice %arg5[%dma_start3A] : memref<78352xf32, #tpu.memory_space<vmem>> -> memref<32768xf32, #tpu.memory_space<vmem>>
    %dma_start3A_8 = tpu.memref_slice %arg2[%mul3A_6] : memref<52428800xf32, #tpu.memory_space<hbm>> -> memref<32768xf32, #tpu.memory_space<hbm>>
    %dma_start3A_9 = arith.constant 0 : i32
    %dma_start3A_10 = tpu.memref_slice %arg5[%dma_start3A_9] : memref<78352xf32, #tpu.memory_space<vmem>> -> memref<32768xf32, #tpu.memory_space<vmem>>
    %dma_start3A_11 = tpu.memref_slice %arg2[%mul3A_6] : memref<52428800xf32, #tpu.memory_space<hbm>> -> memref<32768xf32, #tpu.memory_space<hbm>>
    tpu.enqueue_dma source(%dma_start3A_11 : memref<32768xf32, #tpu.memory_space<hbm>>) target(%dma_start3A_10 : memref<32768xf32, #tpu.memory_space<vmem>>) target_semaphore(%arg6 : memref<!tpu.dma_semaphore, #tpu.memory_space<semaphore_mem>>)
    %add3A_12 = arith.constant 1 : i32
    %add3A_13 = arith.addi %mul3A_2, %add3A_12 : i32
    %mul3A_14 = arith.constant 32768 : i32
    %mul3A_15 = arith.muli %add3A_13, %mul3A_14 : i32
    %dma_start3A_16 = arith.constant 32768 : i32
    %dma_start3A_17 = tpu.memref_slice %arg5[%dma_start3A_16] : memref<78352xf32, #tpu.memory_space<vmem>> -> memref<32768xf32, #tpu.memory_space<vmem>>
    %dma_start3A_18 = tpu.memref_slice %arg2[%mul3A_15] : memref<52428800xf32, #tpu.memory_space<hbm>> -> memref<32768xf32, #tpu.memory_space<hbm>>
    %dma_start3A_19 = arith.constant 32768 : i32
    %dma_start3A_20 = tpu.memref_slice %arg5[%dma_start3A_19] : memref<78352xf32, #tpu.memory_space<vmem>> -> memref<32768xf32, #tpu.memory_space<vmem>>
    %dma_start3A_21 = tpu.memref_slice %arg2[%mul3A_15] : memref<52428800xf32, #tpu.memory_space<hbm>> -> memref<32768xf32, #tpu.memory_space<hbm>>
    tpu.enqueue_dma source(%dma_start3A_21 : memref<32768xf32, #tpu.memory_space<hbm>>) target(%dma_start3A_20 : memref<32768xf32, #tpu.memory_space<vmem>>) target_semaphore(%arg7 : memref<!tpu.dma_semaphore, #tpu.memory_space<semaphore_mem>>)
    "tpu.region"() ({
      %run_scoped3A = tpu.sem_alloc : memref<!tpu.dma_semaphore, #tpu.memory_space<semaphore_mem>>
      %dma_start3A_185 = arith.constant 65536 : i32
      %dma_start3A_186 = tpu.memref_slice %arg5[%dma_start3A_185] : memref<78352xf32, #tpu.memory_space<vmem>> -> memref<12800xf32, #tpu.memory_space<vmem>>
      %dma_start3A_187 = arith.constant 0 : i32
      %dma_start3A_188 = tpu.memref_slice %arg3[%dma_start3A_187] : memref<12800xf32, #tpu.memory_space<hbm>> -> memref<12800xf32, #tpu.memory_space<hbm>>
      %dma_start3A_189 = arith.constant 65536 : i32
      %dma_start3A_190 = tpu.memref_slice %arg5[%dma_start3A_189] : memref<78352xf32, #tpu.memory_space<vmem>> -> memref<12800xf32, #tpu.memory_space<vmem>>
      %dma_start3A_191 = arith.constant 0 : i32
      %dma_start3A_192 = tpu.memref_slice %arg3[%dma_start3A_191] : memref<12800xf32, #tpu.memory_space<hbm>> -> memref<12800xf32, #tpu.memory_space<hbm>>
      tpu.enqueue_dma source(%dma_start3A_192 : memref<12800xf32, #tpu.memory_space<hbm>>) target(%dma_start3A_190 : memref<12800xf32, #tpu.memory_space<vmem>>) target_semaphore(%run_scoped3A : memref<!tpu.dma_semaphore, #tpu.memory_space<semaphore_mem>>)
      %dma_wait3A_193 = arith.constant 65536 : i32
      %dma_wait3A_194 = tpu.memref_slice %arg5[%dma_wait3A_193] : memref<78352xf32, #tpu.memory_space<vmem>> -> memref<12800xf32, #tpu.memory_space<vmem>>
      %dma_wait3A_195 = arith.constant 0 : i32
      %dma_wait3A_196 = tpu.memref_slice %arg3[%dma_wait3A_195] : memref<12800xf32, #tpu.memory_space<hbm>> -> memref<12800xf32, #tpu.memory_space<hbm>>
      %dma_wait3A_197 = arith.constant 65536 : i32
      %dma_wait3A_198 = tpu.memref_slice %arg5[%dma_wait3A_197] : memref<78352xf32, #tpu.memory_space<vmem>> -> memref<12800xf32, #tpu.memory_space<vmem>>
      %dma_wait3A_199 = arith.constant 0 : i32
      %dma_wait3A_200 = tpu.memref_slice %arg3[%dma_wait3A_199] : memref<12800xf32, #tpu.memory_space<hbm>> -> memref<12800xf32, #tpu.memory_space<hbm>>
      tpu.wait_dma2 semaphore(%run_scoped3A : memref<!tpu.dma_semaphore, #tpu.memory_space<semaphore_mem>>) src(%dma_wait3A_200 : memref<12800xf32, #tpu.memory_space<hbm>>) dst(%dma_wait3A_198 : memref<12800xf32, #tpu.memory_space<vmem>>)
      tpu.yield
    }) : () -> ()
    %scan3A = arith.constant 0 : i32
    %scan3A_22 = arith.constant 0 : i32
    %scan3A_23 = arith.constant 24 : i32
    %scan3A_24 = arith.addi %scan3A_22, %scan3A_23 : i32
    %scan3A_25 = arith.constant 1 : i32
    scf.for %scan3A_185 = %scan3A_22 to %scan3A_24 step %scan3A_25  : i32 {
      %mul3A_186 = arith.constant 2 : i32
      %mul3A_187 = arith.muli %scan3A_185, %mul3A_186 : i32
      %add3A_188 = arith.addi %mul3A_2, %mul3A_187 : i32
      %add3A_189 = arith.constant 0 : i32
      %add3A_190 = arith.addi %add3A_188, %add3A_189 : i32
      %dma_wait3A_191 = arith.constant 0 : i32
      %dma_wait3A_192 = tpu.memref_slice %arg5[%dma_wait3A_191] : memref<78352xf32, #tpu.memory_space<vmem>> -> memref<32768xf32, #tpu.memory_space<vmem>>
      %dma_wait3A_193 = arith.constant 0 : i32
      %dma_wait3A_194 = tpu.memref_slice %arg2[%dma_wait3A_193] : memref<52428800xf32, #tpu.memory_space<hbm>> -> memref<32768xf32, #tpu.memory_space<hbm>>
      %dma_wait3A_195 = arith.constant 0 : i32
      %dma_wait3A_196 = tpu.memref_slice %arg5[%dma_wait3A_195] : memref<78352xf32, #tpu.memory_space<vmem>> -> memref<32768xf32, #tpu.memory_space<vmem>>
      %dma_wait3A_197 = arith.constant 0 : i32
      %dma_wait3A_198 = tpu.memref_slice %arg2[%dma_wait3A_197] : memref<52428800xf32, #tpu.memory_space<hbm>> -> memref<32768xf32, #tpu.memory_space<hbm>>
      tpu.wait_dma2 semaphore(%arg6 : memref<!tpu.dma_semaphore, #tpu.memory_space<semaphore_mem>>) src(%dma_wait3A_198 : memref<32768xf32, #tpu.memory_space<hbm>>) dst(%dma_wait3A_196 : memref<32768xf32, #tpu.memory_space<vmem>>)
      %jit3A_199 = arith.constant 1 : i32
      %div3A_200 = arith.divsi %add3A_190, %jit3A_199 : i32
      %sign3A_201 = arith.constant 0 : i32
      %sign3A_202 = arith.cmpi sgt, %add3A_190, %sign3A_201 : i32
      %sign3A_203 = arith.extui %sign3A_202 : i1 to i32
      %sign3A_204 = arith.constant 0 : i32
      %sign3A_205 = arith.cmpi slt, %add3A_190, %sign3A_204 : i32
      %sign3A_206 = arith.extui %sign3A_205 : i1 to i32
      %sign3A_207 = arith.subi %sign3A_203, %sign3A_206 : i32
      %sign3A_208 = arith.constant 0 : i32
      %sign3A_209 = arith.cmpi sgt, %jit3A_199, %sign3A_208 : i32
      %sign3A_210 = arith.extui %sign3A_209 : i1 to i32
      %sign3A_211 = arith.constant 0 : i32
      %sign3A_212 = arith.cmpi slt, %jit3A_199, %sign3A_211 : i32
      %sign3A_213 = arith.extui %sign3A_212 : i1 to i32
      %sign3A_214 = arith.subi %sign3A_210, %sign3A_213 : i32
      %ne3A_215 = arith.cmpi ne, %sign3A_207, %sign3A_214 : i32
      %rem3A_216 = arith.remsi %add3A_190, %jit3A_199 : i32
      %ne3A_217 = arith.constant 0 : i32
      %ne3A_218 = arith.cmpi ne, %rem3A_216, %ne3A_217 : i32
      %and3A_219 = arith.andi %ne3A_215, %ne3A_218 : i1
      %sub3A_220 = arith.constant 1 : i32
      %sub3A_221 = arith.subi %div3A_200, %sub3A_220 : i32
      %select_n3A_222 = arith.select %and3A_219, %sub3A_221, %div3A_200 : i32
      %mul3A_223 = arith.constant 8 : i32
      %mul3A_224 = arith.muli %select_n3A_222, %mul3A_223 : i32
      %add3A_225 = arith.constant 65536 : i32
      %add3A_226 = arith.addi %add3A_225, %mul3A_224 : i32
      %get3A_227 = arith.index_cast %add3A_226 : i32 to index
      %get3A_228 = tpu.vector_load %arg5[%get3A_227] {strides = array<i32>} : memref<78352xf32, #tpu.memory_space<vmem>>, vector<16xf32>,
      %get3A_229 = vector.shape_cast %get3A_228 : vector<16xf32> to vector<16xf32>
      %slice3A_230 = vector.extract_strided_slice %get3A_229 {offsets = [0], sizes = [1], strides = [1]} : vector<16xf32> to vector<1xf32>
      %squeeze3A_231 = vector.extract %slice3A_230[0] : f32 from vector<1xf32>
      %broadcast_in_dim3A_232 = vector.broadcast %squeeze3A_231 : f32 to vector<16xf32>
      %slice3A_233 = vector.extract_strided_slice %get3A_229 {offsets = [1], sizes = [1], strides = [1]} : vector<16xf32> to vector<1xf32>
      %squeeze3A_234 = vector.extract %slice3A_233[0] : f32 from vector<1xf32>
      %broadcast_in_dim3A_235 = vector.broadcast %squeeze3A_234 : f32 to vector<16xf32>
      %slice3A_236 = vector.extract_strided_slice %get3A_229 {offsets = [2], sizes = [1], strides = [1]} : vector<16xf32> to vector<1xf32>
      %squeeze3A_237 = vector.extract %slice3A_236[0] : f32 from vector<1xf32>
      %broadcast_in_dim3A_238 = vector.broadcast %squeeze3A_237 : f32 to vector<16xf32>
      %slice3A_239 = vector.extract_strided_slice %get3A_229 {offsets = [3], sizes = [1], strides = [1]} : vector<16xf32> to vector<1xf32>
      %squeeze3A_240 = vector.extract %slice3A_239[0] : f32 from vector<1xf32>
      %broadcast_in_dim3A_241 = vector.broadcast %squeeze3A_240 : f32 to vector<16xf32>
      %slice3A_242 = vector.extract_strided_slice %get3A_229 {offsets = [4], sizes = [1], strides = [1]} : vector<16xf32> to vector<1xf32>
      %squeeze3A_243 = vector.extract %slice3A_242[0] : f32 from vector<1xf32>
      %broadcast_in_dim3A_244 = vector.broadcast %squeeze3A_243 : f32 to vector<16xf32>
      %slice3A_245 = vector.extract_strided_slice %get3A_229 {offsets = [5], sizes = [1], strides = [1]} : vector<16xf32> to vector<1xf32>
      %squeeze3A_246 = vector.extract %slice3A_245[0] : f32 from vector<1xf32>
      %broadcast_in_dim3A_247 = vector.broadcast %squeeze3A_246 : f32 to vector<16xf32>
      %slice3A_248 = vector.extract_strided_slice %get3A_229 {offsets = [6], sizes = [1], strides = [1]} : vector<16xf32> to vector<1xf32>
      %squeeze3A_249 = vector.extract %slice3A_248[0] : f32 from vector<1xf32>
      %broadcast_in_dim3A_250 = vector.broadcast %squeeze3A_249 : f32 to vector<16xf32>
      %slice3A_251 = vector.extract_strided_slice %get3A_229 {offsets = [7], sizes = [1], strides = [1]} : vector<16xf32> to vector<1xf32>
      %squeeze3A_252 = vector.extract %slice3A_251[0] : f32 from vector<1xf32>
      %broadcast_in_dim3A_253 = vector.broadcast %squeeze3A_252 : f32 to vector<16xf32>
      %parallel_loop3A_254 = arith.constant 0 : i32
      %parallel_loop3A_255 = arith.constant 32 : i32
      %parallel_loop3A_256 = arith.constant 1 : i32
      scf.for %parallel_loop3A_390 = %parallel_loop3A_254 to %parallel_loop3A_255 step %parallel_loop3A_256  : i32 {
        %parallel_loop3A_391 = arith.constant 1024 : i32
        %parallel_loop3A_392 = arith.muli %parallel_loop3A_390, %parallel_loop3A_391 : i32
        %parallel_loop3A_393 = arith.constant 0 : i32
        %parallel_loop3A_394 = arith.addi %parallel_loop3A_393, %parallel_loop3A_392 : i32
        %parallel_loop3A_395 = arith.constant 0 : i32
        %parallel_loop3A_396 = arith.addi %parallel_loop3A_394, %parallel_loop3A_395 : i32
        %parallel_loop3A_397 = arith.constant 0 : i32
        %parallel_loop3A_398 = arith.addi %parallel_loop3A_396, %parallel_loop3A_397 : i32
        %parallel_loop3A_399 = arith.index_cast %parallel_loop3A_398 : i32 to index
        %parallel_loop3A_400 = tpu.vector_load %arg5[%parallel_loop3A_399] {strides = array<i32>} : memref<78352xf32, #tpu.memory_space<vmem>>, vector<16xf32>,
        %parallel_loop3A_401 = vector.shape_cast %parallel_loop3A_400 : vector<16xf32> to vector<16xf32>
        %parallel_loop3A_402 = arith.addf %parallel_loop3A_401, %broadcast_in_dim3A_232 : vector<16xf32>
        %parallel_loop3A_403 = arith.index_cast %parallel_loop3A_398 : i32 to index
        %parallel_loop3A_404 = tpu.vector_load %arg5[%parallel_loop3A_403] {strides = array<i32>} : memref<78352xf32, #tpu.memory_space<vmem>>, vector<16xf32>,
        %parallel_loop3A_405 = vector.shape_cast %parallel_loop3A_404 : vector<16xf32> to vector<16xf32>
        %parallel_loop3A_406 = vector.shape_cast %parallel_loop3A_402 : vector<16xf32> to vector<16xf32>
        tpu.vector_store %arg5[%parallel_loop3A_403], %parallel_loop3A_406 {strides = array<i32>} : memref<78352xf32, #tpu.memory_space<vmem>>, vector<16xf32>,
        %parallel_loop3A_407 = arith.constant 0 : i32
        %parallel_loop3A_408 = arith.addi %parallel_loop3A_394, %parallel_loop3A_407 : i32
        %parallel_loop3A_409 = arith.constant 16 : i32
        %parallel_loop3A_410 = arith.addi %parallel_loop3A_408, %parallel_loop3A_409 : i32
        %parallel_loop3A_411 = arith.index_cast %parallel_loop3A_410 : i32 to index
        %parallel_loop3A_412 = tpu.vector_load %arg5[%parallel_loop3A_411] {strides = array<i32>} : memref<78352xf32, #tpu.memory_space<vmem>>, vector<16xf32>,
        %parallel_loop3A_413 = vector.shape_cast %parallel_loop3A_412 : vector<16xf32> to vector<16xf32>
        %parallel_loop3A_414 = arith.addf %parallel_loop3A_413, %broadcast_in_dim3A_232 : vector<16xf32>
        %parallel_loop3A_415 = arith.index_cast %parallel_loop3A_410 : i32 to index
        %parallel_loop3A_416 = tpu.vector_load %arg5[%parallel_loop3A_415] {strides = array<i32>} : memref<78352xf32, #tpu.memory_space<vmem>>, vector<16xf32>,
        %parallel_loop3A_417 = vector.shape_cast %parallel_loop3A_416 : vector<16xf32> to vector<16xf32>
        %parallel_loop3A_418 = vector.shape_cast %parallel_loop3A_414 : vector<16xf32> to vector<16xf32>
        tpu.vector_store %arg5[%parallel_loop3A_415], %parallel_loop3A_418 {strides = array<i32>} : memref<78352xf32, #tpu.memory_space<vmem>>, vector<16xf32>,
        %parallel_loop3A_419 = arith.constant 0 : i32
        %parallel_loop3A_420 = arith.addi %parallel_loop3A_394, %parallel_loop3A_419 : i32
        %parallel_loop3A_421 = arith.constant 32 : i32
        %parallel_loop3A_422 = arith.addi %parallel_loop3A_420, %parallel_loop3A_421 : i32
        %parallel_loop3A_423 = arith.index_cast %parallel_loop3A_422 : i32 to index
        %parallel_loop3A_424 = tpu.vector_load %arg5[%parallel_loop3A_423] {strides = array<i32>} : memref<78352xf32, #tpu.memory_space<vmem>>, vector<16xf32>,
        %parallel_loop3A_425 = vector.shape_cast %parallel_loop3A_424 : vector<16xf32> to vector<16xf32>
        %parallel_loop3A_426 = arith.addf %parallel_loop3A_425, %broadcast_in_dim3A_232 : vector<16xf32>
        %parallel_loop3A_427 = arith.index_cast %parallel_loop3A_422 : i32 to index
        %parallel_loop3A_428 = tpu.vector_load %arg5[%parallel_loop3A_427] {strides = array<i32>} : memref<78352xf32, #tpu.memory_space<vmem>>, vector<16xf32>,
        %parallel_loop3A_429 = vector.shape_cast %parallel_loop3A_428 : vector<16xf32> to vector<16xf32>
        %parallel_loop3A_430 = vector.shape_cast %parallel_loop3A_426 : vector<16xf32> to vector<16xf32>
        tpu.vector_store %arg5[%parallel_loop3A_427], %parallel_loop3A_430 {strides = array<i32>} : memref<78352xf32, #tpu.memory_space<vmem>>, vector<16xf32>,
        %parallel_loop3A_431 = arith.constant 0 : i32
        %parallel_loop3A_432 = arith.addi %parallel_loop3A_394, %parallel_loop3A_431 : i32
        %parallel_loop3A_433 = arith.constant 48 : i32
        %parallel_loop3A_434 = arith.addi %parallel_loop3A_432, %parallel_loop3A_433 : i32
        %parallel_loop3A_435 = arith.index_cast %parallel_loop3A_434 : i32 to index
        %parallel_loop3A_436 = tpu.vector_load %arg5[%parallel_loop3A_435] {strides = array<i32>} : memref<78352xf32, #tpu.memory_space<vmem>>, vector<16xf32>,
        %parallel_loop3A_437 = vector.shape_cast %parallel_loop3A_436 : vector<16xf32> to vector<16xf32>
        %parallel_loop3A_438 = arith.addf %parallel_loop3A_437, %broadcast_in_dim3A_232 : vector<16xf32>
        %parallel_loop3A_439 = arith.index_cast %parallel_loop3A_434 : i32 to index
        %parallel_loop3A_440 = tpu.vector_load %arg5[%parallel_loop3A_439] {strides = array<i32>} : memref<78352xf32, #tpu.memory_space<vmem>>, vector<16xf32>,
        %parallel_loop3A_441 = vector.shape_cast %parallel_loop3A_440 : vector<16xf32> to vector<16xf32>
        %parallel_loop3A_442 = vector.shape_cast %parallel_loop3A_438 : vector<16xf32> to vector<16xf32>
        tpu.vector_store %arg5[%parallel_loop3A_439], %parallel_loop3A_442 {strides = array<i32>} : memref<78352xf32, #tpu.memory_space<vmem>>, vector<16xf32>,
        %parallel_loop3A_443 = arith.constant 0 : i32
        %parallel_loop3A_444 = arith.addi %parallel_loop3A_394, %parallel_loop3A_443 : i32
        %parallel_loop3A_445 = arith.constant 64 : i32
        %parallel_loop3A_446 = arith.addi %parallel_loop3A_444, %parallel_loop3A_445 : i32
        %parallel_loop3A_447 = arith.index_cast %parallel_loop3A_446 : i32 to index
        %parallel_loop3A_448 = tpu.vector_load %arg5[%parallel_loop3A_447] {strides = array<i32>} : memref<78352xf32, #tpu.memory_space<vmem>>, vector<16xf32>,
        %parallel_loop3A_449 = vector.shape_cast %parallel_loop3A_448 : vector<16xf32> to vector<16xf32>
        %parallel_loop3A_450 = arith.addf %parallel_loop3A_449, %broadcast_in_dim3A_232 : vector<16xf32>
        %parallel_loop3A_451 = arith.index_cast %parallel_loop3A_446 : i32 to index
        %parallel_loop3A_452 = tpu.vector_load %arg5[%parallel_loop3A_451] {strides = array<i32>} : memref<78352xf32, #tpu.memory_space<vmem>>, vector<16xf32>,
        %parallel_loop3A_453 = vector.shape_cast %parallel_loop3A_452 : vector<16xf32> to vector<16xf32>
        %parallel_loop3A_454 = vector.shape_cast %parallel_loop3A_450 : vector<16xf32> to vector<16xf32>
        tpu.vector_store %arg5[%parallel_loop3A_451], %parallel_loop3A_454 {strides = array<i32>} : memref<78352xf32, #tpu.memory_space<vmem>>, vector<16xf32>,
        %parallel_loop3A_455 = arith.constant 0 : i32
        %parallel_loop3A_456 = arith.addi %parallel_loop3A_394, %parallel_loop3A_455 : i32
        %parallel_loop3A_457 = arith.constant 80 : i32
        %parallel_loop3A_458 = arith.addi %parallel_loop3A_456, %parallel_loop3A_457 : i32
        %parallel_loop3A_459 = arith.index_cast %parallel_loop3A_458 : i32 to index
        %parallel_loop3A_460 = tpu.vector_load %arg5[%parallel_loop3A_459] {strides = array<i32>} : memref<78352xf32, #tpu.memory_space<vmem>>, vector<16xf32>,
        %parallel_loop3A_461 = vector.shape_cast %parallel_loop3A_460 : vector<16xf32> to vector<16xf32>
        %parallel_loop3A_462 = arith.addf %parallel_loop3A_461, %broadcast_in_dim3A_232 : vector<16xf32>
        %parallel_loop3A_463 = arith.index_cast %parallel_loop3A_458 : i32 to index
        %parallel_loop3A_464 = tpu.vector_load %arg5[%parallel_loop3A_463] {strides = array<i32>} : memref<78352xf32, #tpu.memory_space<vmem>>, vector<16xf32>,
        %parallel_loop3A_465 = vector.shape_cast %parallel_loop3A_464 : vector<16xf32> to vector<16xf32>
        %parallel_loop3A_466 = vector.shape_cast %parallel_loop3A_462 : vector<16xf32> to vector<16xf32>
        tpu.vector_store %arg5[%parallel_loop3A_463], %parallel_loop3A_466 {strides = array<i32>} : memref<78352xf32, #tpu.memory_space<vmem>>, vector<16xf32>,
        %parallel_loop3A_467 = arith.constant 0 : i32
        %parallel_loop3A_468 = arith.addi %parallel_loop3A_394, %parallel_loop3A_467 : i32
        %parallel_loop3A_469 = arith.constant 96 : i32
        %parallel_loop3A_470 = arith.addi %parallel_loop3A_468, %parallel_loop3A_469 : i32
        %parallel_loop3A_471 = arith.index_cast %parallel_loop3A_470 : i32 to index
        %parallel_loop3A_472 = tpu.vector_load %arg5[%parallel_loop3A_471] {strides = array<i32>} : memref<78352xf32, #tpu.memory_space<vmem>>, vector<16xf32>,
        %parallel_loop3A_473 = vector.shape_cast %parallel_loop3A_472 : vector<16xf32> to vector<16xf32>
        %parallel_loop3A_474 = arith.addf %parallel_loop3A_473, %broadcast_in_dim3A_232 : vector<16xf32>
        %parallel_loop3A_475 = arith.index_cast %parallel_loop3A_470 : i32 to index
        %parallel_loop3A_476 = tpu.vector_load %arg5[%parallel_loop3A_475] {strides = array<i32>} : memref<78352xf32, #tpu.memory_space<vmem>>, vector<16xf32>,
        %parallel_loop3A_477 = vector.shape_cast %parallel_loop3A_476 : vector<16xf32> to vector<16xf32>
        %parallel_loop3A_478 = vector.shape_cast %parallel_loop3A_474 : vector<16xf32> to vector<16xf32>
        tpu.vector_store %arg5[%parallel_loop3A_475], %parallel_loop3A_478 {strides = array<i32>} : memref<78352xf32, #tpu.memory_space<vmem>>, vector<16xf32>,
        %parallel_loop3A_479 = arith.constant 0 : i32
        %parallel_loop3A_480 = arith.addi %parallel_loop3A_394, %parallel_loop3A_479 : i32
        %parallel_loop3A_481 = arith.constant 112 : i32
        %parallel_loop3A_482 = arith.addi %parallel_loop3A_480, %parallel_loop3A_481 : i32
        %parallel_loop3A_483 = arith.index_cast %parallel_loop3A_482 : i32 to index
        %parallel_loop3A_484 = tpu.vector_load %arg5[%parallel_loop3A_483] {strides = array<i32>} : memref<78352xf32, #tpu.memory_space<vmem>>, vector<16xf32>,
        %parallel_loop3A_485 = vector.shape_cast %parallel_loop3A_484 : vector<16xf32> to vector<16xf32>
        %parallel_loop3A_486 = arith.addf %parallel_loop3A_485, %broadcast_in_dim3A_232 : vector<16xf32>
        %parallel_loop3A_487 = arith.index_cast %parallel_loop3A_482 : i32 to index
        %parallel_loop3A_488 = tpu.vector_load %arg5[%parallel_loop3A_487] {strides = array<i32>} : memref<78352xf32, #tpu.memory_space<vmem>>, vector<16xf32>,
        %parallel_loop3A_489 = vector.shape_cast %parallel_loop3A_488 : vector<16xf32> to vector<16xf32>
        %parallel_loop3A_490 = vector.shape_cast %parallel_loop3A_486 : vector<16xf32> to vector<16xf32>
        tpu.vector_store %arg5[%parallel_loop3A_487], %parallel_loop3A_490 {strides = array<i32>} : memref<78352xf32, #tpu.memory_space<vmem>>, vector<16xf32>,
        %parallel_loop3A_491 = arith.constant 128 : i32
        %parallel_loop3A_492 = arith.addi %parallel_loop3A_394, %parallel_loop3A_491 : i32
        %parallel_loop3A_493 = arith.constant 0 : i32
        %parallel_loop3A_494 = arith.addi %parallel_loop3A_492, %parallel_loop3A_493 : i32
        %parallel_loop3A_495 = arith.index_cast %parallel_loop3A_494 : i32 to index
        %parallel_loop3A_496 = tpu.vector_load %arg5[%parallel_loop3A_495] {strides = array<i32>} : memref<78352xf32, #tpu.memory_space<vmem>>, vector<16xf32>,
        %parallel_loop3A_497 = vector.shape_cast %parallel_loop3A_496 : vector<16xf32> to vector<16xf32>
        %parallel_loop3A_498 = arith.addf %parallel_loop3A_497, %broadcast_in_dim3A_235 : vector<16xf32>
        %parallel_loop3A_499 = arith.index_cast %parallel_loop3A_494 : i32 to index
        %parallel_loop3A_500 = tpu.vector_load %arg5[%parallel_loop3A_499] {strides = array<i32>} : memref<78352xf32, #tpu.memory_space<vmem>>, vector<16xf32>,
        %parallel_loop3A_501 = vector.shape_cast %parallel_loop3A_500 : vector<16xf32> to vector<16xf32>
        %parallel_loop3A_502 = vector.shape_cast %parallel_loop3A_498 : vector<16xf32> to vector<16xf32>
        tpu.vector_store %arg5[%parallel_loop3A_499], %parallel_loop3A_502 {strides = array<i32>} : memref<78352xf32, #tpu.memory_space<vmem>>, vector<16xf32>,
        %parallel_loop3A_503 = arith.constant 128 : i32
        %parallel_loop3A_504 = arith.addi %parallel_loop3A_394, %parallel_loop3A_503 : i32
        %parallel_loop3A_505 = arith.constant 16 : i32
        %parallel_loop3A_506 = arith.addi %parallel_loop3A_504, %parallel_loop3A_505 : i32
        %parallel_loop3A_507 = arith.index_cast %parallel_loop3A_506 : i32 to index
        %parallel_loop3A_508 = tpu.vector_load %arg5[%parallel_loop3A_507] {strides = array<i32>} : memref<78352xf32, #tpu.memory_space<vmem>>, vector<16xf32>,
        %parallel_loop3A_509 = vector.shape_cast %parallel_loop3A_508 : vector<16xf32> to vector<16xf32>
        %parallel_loop3A_510 = arith.addf %parallel_loop3A_509, %broadcast_in_dim3A_235 : vector<16xf32>
        %parallel_loop3A_511 = arith.index_cast %parallel_loop3A_506 : i32 to index
        %parallel_loop3A_512 = tpu.vector_load %arg5[%parallel_loop3A_511] {strides = array<i32>} : memref<78352xf32, #tpu.memory_space<vmem>>, vector<16xf32>,
        %parallel_loop3A_513 = vector.shape_cast %parallel_loop3A_512 : vector<16xf32> to vector<16xf32>
        %parallel_loop3A_514 = vector.shape_cast %parallel_loop3A_510 : vector<16xf32> to vector<16xf32>
        tpu.vector_store %arg5[%parallel_loop3A_511], %parallel_loop3A_514 {strides = array<i32>} : memref<78352xf32, #tpu.memory_space<vmem>>, vector<16xf32>,
        %parallel_loop3A_515 = arith.constant 128 : i32
        %parallel_loop3A_516 = arith.addi %parallel_loop3A_394, %parallel_loop3A_515 : i32
        %parallel_loop3A_517 = arith.constant 32 : i32
        %parallel_loop3A_518 = arith.addi %parallel_loop3A_516, %parallel_loop3A_517 : i32
        %parallel_loop3A_519 = arith.index_cast %parallel_loop3A_518 : i32 to index
        %parallel_loop3A_520 = tpu.vector_load %arg5[%parallel_loop3A_519] {strides = array<i32>} : memref<78352xf32, #tpu.memory_space<vmem>>, vector<16xf32>,
        %parallel_loop3A_521 = vector.shape_cast %parallel_loop3A_520 : vector<16xf32> to vector<16xf32>
        %parallel_loop3A_522 = arith.addf %parallel_loop3A_521, %broadcast_in_dim3A_235 : vector<16xf32>
        %parallel_loop3A_523 = arith.index_cast %parallel_loop3A_518 : i32 to index
        %parallel_loop3A_524 = tpu.vector_load %arg5[%parallel_loop3A_523] {strides = array<i32>} : memref<78352xf32, #tpu.memory_space<vmem>>, vector<16xf32>,
        %parallel_loop3A_525 = vector.shape_cast %parallel_loop3A_524 : vector<16xf32> to vector<16xf32>
        %parallel_loop3A_526 = vector.shape_cast %parallel_loop3A_522 : vector<16xf32> to vector<16xf32>
        tpu.vector_store %arg5[%parallel_loop3A_523], %parallel_loop3A_526 {strides = array<i32>} : memref<78352xf32, #tpu.memory_space<vmem>>, vector<16xf32>,
        %parallel_loop3A_527 = arith.constant 128 : i32
        %parallel_loop3A_528 = arith.addi %parallel_loop3A_394, %parallel_loop3A_527 : i32
        %parallel_loop3A_529 = arith.constant 48 : i32
        %parallel_loop3A_530 = arith.addi %parallel_loop3A_528, %parallel_loop3A_529 : i32
        %parallel_loop3A_531 = arith.index_cast %parallel_loop3A_530 : i32 to index
        %parallel_loop3A_532 = tpu.vector_load %arg5[%parallel_loop3A_531] {strides = array<i32>} : memref<78352xf32, #tpu.memory_space<vmem>>, vector<16xf32>,
        %parallel_loop3A_533 = vector.shape_cast %parallel_loop3A_532 : vector<16xf32> to vector<16xf32>
        %parallel_loop3A_534 = arith.addf %parallel_loop3A_533, %broadcast_in_dim3A_235 : vector<16xf32>
        %parallel_loop3A_535 = arith.index_cast %parallel_loop3A_530 : i32 to index
        %parallel_loop3A_536 = tpu.vector_load %arg5[%parallel_loop3A_535] {strides = array<i32>} : memref<78352xf32, #tpu.memory_space<vmem>>, vector<16xf32>,
        %parallel_loop3A_537 = vector.shape_cast %parallel_loop3A_536 : vector<16xf32> to vector<16xf32>
        %parallel_loop3A_538 = vector.shape_cast %parallel_loop3A_534 : vector<16xf32> to vector<16xf32>
        tpu.vector_store %arg5[%parallel_loop3A_535], %parallel_loop3A_538 {strides = array<i32>} : memref<78352xf32, #tpu.memory_space<vmem>>, vector<16xf32>,
        %parallel_loop3A_539 = arith.constant 128 : i32
        %parallel_loop3A_540 = arith.addi %parallel_loop3A_394, %parallel_loop3A_539 : i32
        %parallel_loop3A_541 = arith.constant 64 : i32
        %parallel_loop3A_542 = arith.addi %parallel_loop3A_540, %parallel_loop3A_541 : i32
        %parallel_loop3A_543 = arith.index_cast %parallel_loop3A_542 : i32 to index
        %parallel_loop3A_544 = tpu.vector_load %arg5[%parallel_loop3A_543] {strides = array<i32>} : memref<78352xf32, #tpu.memory_space<vmem>>, vector<16xf32>,
        %parallel_loop3A_545 = vector.shape_cast %parallel_loop3A_544 : vector<16xf32> to vector<16xf32>
        %parallel_loop3A_546 = arith.addf %parallel_loop3A_545, %broadcast_in_dim3A_235 : vector<16xf32>
        %parallel_loop3A_547 = arith.index_cast %parallel_loop3A_542 : i32 to index
        %parallel_loop3A_548 = tpu.vector_load %arg5[%parallel_loop3A_547] {strides = array<i32>} : memref<78352xf32, #tpu.memory_space<vmem>>, vector<16xf32>,
        %parallel_loop3A_549 = vector.shape_cast %parallel_loop3A_548 : vector<16xf32> to vector<16xf32>
        %parallel_loop3A_550 = vector.shape_cast %parallel_loop3A_546 : vector<16xf32> to vector<16xf32>
        tpu.vector_store %arg5[%parallel_loop3A_547], %parallel_loop3A_550 {strides = array<i32>} : memref<78352xf32, #tpu.memory_space<vmem>>, vector<16xf32>,
        %parallel_loop3A_551 = arith.constant 128 : i32
        %parallel_loop3A_552 = arith.addi %parallel_loop3A_394, %parallel_loop3A_551 : i32
        %parallel_loop3A_553 = arith.constant 80 : i32
        %parallel_loop3A_554 = arith.addi %parallel_loop3A_552, %parallel_loop3A_553 : i32
        %parallel_loop3A_555 = arith.index_cast %parallel_loop3A_554 : i32 to index
        %parallel_loop3A_556 = tpu.vector_load %arg5[%parallel_loop3A_555] {strides = array<i32>} : memref<78352xf32, #tpu.memory_space<vmem>>, vector<16xf32>,
        %parallel_loop3A_557 = vector.shape_cast %parallel_loop3A_556 : vector<16xf32> to vector<16xf32>
        %parallel_loop3A_558 = arith.addf %parallel_loop3A_557, %broadcast_in_dim3A_235 : vector<16xf32>
        %parallel_loop3A_559 = arith.index_cast %parallel_loop3A_554 : i32 to index
        %parallel_loop3A_560 = tpu.vector_load %arg5[%parallel_loop3A_559] {strides = array<i32>} : memref<78352xf32, #tpu.memory_space<vmem>>, vector<16xf32>,
        %parallel_loop3A_561 = vector.shape_cast %parallel_loop3A_560 : vector<16xf32> to vector<16xf32>
        %parallel_loop3A_562 = vector.shape_cast %parallel_loop3A_558 : vector<16xf32> to vector<16xf32>
        tpu.vector_store %arg5[%parallel_loop3A_559], %parallel_loop3A_562 {strides = array<i32>} : memref<78352xf32, #tpu.memory_space<vmem>>, vector<16xf32>,
        %parallel_loop3A_563 = arith.constant 128 : i32
        %parallel_loop3A_564 = arith.addi %parallel_loop3A_394, %parallel_loop3A_563 : i32
        %parallel_loop3A_565 = arith.constant 96 : i32
        %parallel_loop3A_566 = arith.addi %parallel_loop3A_564, %parallel_loop3A_565 : i32
        %parallel_loop3A_567 = arith.index_cast %parallel_loop3A_566 : i32 to index
        %parallel_loop3A_568 = tpu.vector_load %arg5[%parallel_loop3A_567] {strides = array<i32>} : memref<78352xf32, #tpu.memory_space<vmem>>, vector<16xf32>,
        %parallel_loop3A_569 = vector.shape_cast %parallel_loop3A_568 : vector<16xf32> to vector<16xf32>
        %parallel_loop3A_570 = arith.addf %parallel_loop3A_569, %broadcast_in_dim3A_235 : vector<16xf32>
        %parallel_loop3A_571 = arith.index_cast %parallel_loop3A_566 : i32 to index
        %parallel_loop3A_572 = tpu.vector_load %arg5[%parallel_loop3A_571] {strides = array<i32>} : memref<78352xf32, #tpu.memory_space<vmem>>, vector<16xf32>,
        %parallel_loop3A_573 = vector.shape_cast %parallel_loop3A_572 : vector<16xf32> to vector<16xf32>
        %parallel_loop3A_574 = vector.shape_cast %parallel_loop3A_570 : vector<16xf32> to vector<16xf32>
        tpu.vector_store %arg5[%parallel_loop3A_571], %parallel_loop3A_574 {strides = array<i32>} : memref<78352xf32, #tpu.memory_space<vmem>>, vector<16xf32>,
        %parallel_loop3A_575 = arith.constant 128 : i32
        %parallel_loop3A_576 = arith.addi %parallel_loop3A_394, %parallel_loop3A_575 : i32
        %parallel_loop3A_577 = arith.constant 112 : i32
        %parallel_loop3A_578 = arith.addi %parallel_loop3A_576, %parallel_loop3A_577 : i32
        %parallel_loop3A_579 = arith.index_cast %parallel_loop3A_578 : i32 to index
        %parallel_loop3A_580 = tpu.vector_load %arg5[%parallel_loop3A_579] {strides = array<i32>} : memref<78352xf32, #tpu.memory_space<vmem>>, vector<16xf32>,
        %parallel_loop3A_581 = vector.shape_cast %parallel_loop3A_580 : vector<16xf32> to vector<16xf32>
        %parallel_loop3A_582 = arith.addf %parallel_loop3A_581, %broadcast_in_dim3A_235 : vector<16xf32>
        %parallel_loop3A_583 = arith.index_cast %parallel_loop3A_578 : i32 to index
        %parallel_loop3A_584 = tpu.vector_load %arg5[%parallel_loop3A_583] {strides = array<i32>} : memref<78352xf32, #tpu.memory_space<vmem>>, vector<16xf32>,
        %parallel_loop3A_585 = vector.shape_cast %parallel_loop3A_584 : vector<16xf32> to vector<16xf32>
        %parallel_loop3A_586 = vector.shape_cast %parallel_loop3A_582 : vector<16xf32> to vector<16xf32>
        tpu.vector_store %arg5[%parallel_loop3A_583], %parallel_loop3A_586 {strides = array<i32>} : memref<78352xf32, #tpu.memory_space<vmem>>, vector<16xf32>,
        %parallel_loop3A_587 = arith.constant 256 : i32
        %parallel_loop3A_588 = arith.addi %parallel_loop3A_394, %parallel_loop3A_587 : i32
        %parallel_loop3A_589 = arith.constant 0 : i32
        %parallel_loop3A_590 = arith.addi %parallel_loop3A_588, %parallel_loop3A_589 : i32
        %parallel_loop3A_591 = arith.index_cast %parallel_loop3A_590 : i32 to index
        %parallel_loop3A_592 = tpu.vector_load %arg5[%parallel_loop3A_591] {strides = array<i32>} : memref<78352xf32, #tpu.memory_space<vmem>>, vector<16xf32>,
        %parallel_loop3A_593 = vector.shape_cast %parallel_loop3A_592 : vector<16xf32> to vector<16xf32>
        %parallel_loop3A_594 = arith.addf %parallel_loop3A_593, %broadcast_in_dim3A_238 : vector<16xf32>
        %parallel_loop3A_595 = arith.index_cast %parallel_loop3A_590 : i32 to index
        %parallel_loop3A_596 = tpu.vector_load %arg5[%parallel_loop3A_595] {strides = array<i32>} : memref<78352xf32, #tpu.memory_space<vmem>>, vector<16xf32>,
        %parallel_loop3A_597 = vector.shape_cast %parallel_loop3A_596 : vector<16xf32> to vector<16xf32>
        %parallel_loop3A_598 = vector.shape_cast %parallel_loop3A_594 : vector<16xf32> to vector<16xf32>
        tpu.vector_store %arg5[%parallel_loop3A_595], %parallel_loop3A_598 {strides = array<i32>} : memref<78352xf32, #tpu.memory_space<vmem>>, vector<16xf32>,
        %parallel_loop3A_599 = arith.constant 256 : i32
        %parallel_loop3A_600 = arith.addi %parallel_loop3A_394, %parallel_loop3A_599 : i32
        %parallel_loop3A_601 = arith.constant 16 : i32
        %parallel_loop3A_602 = arith.addi %parallel_loop3A_600, %parallel_loop3A_601 : i32
        %parallel_loop3A_603 = arith.index_cast %parallel_loop3A_602 : i32 to index
        %parallel_loop3A_604 = tpu.vector_load %arg5[%parallel_loop3A_603] {strides = array<i32>} : memref<78352xf32, #tpu.memory_space<vmem>>, vector<16xf32>,
        %parallel_loop3A_605 = vector.shape_cast %parallel_loop3A_604 : vector<16xf32> to vector<16xf32>
        %parallel_loop3A_606 = arith.addf %parallel_loop3A_605, %broadcast_in_dim3A_238 : vector<16xf32>
        %parallel_loop3A_607 = arith.index_cast %parallel_loop3A_602 : i32 to index
        %parallel_loop3A_608 = tpu.vector_load %arg5[%parallel_loop3A_607] {strides = array<i32>} : memref<78352xf32, #tpu.memory_space<vmem>>, vector<16xf32>,
        %parallel_loop3A_609 = vector.shape_cast %parallel_loop3A_608 : vector<16xf32> to vector<16xf32>
        %parallel_loop3A_610 = vector.shape_cast %parallel_loop3A_606 : vector<16xf32> to vector<16xf32>
        tpu.vector_store %arg5[%parallel_loop3A_607], %parallel_loop3A_610 {strides = array<i32>} : memref<78352xf32, #tpu.memory_space<vmem>>, vector<16xf32>,
        %parallel_loop3A_611 = arith.constant 256 : i32
        %parallel_loop3A_612 = arith.addi %parallel_loop3A_394, %parallel_loop3A_611 : i32
        %parallel_loop3A_613 = arith.constant 32 : i32
        %parallel_loop3A_614 = arith.addi %parallel_loop3A_612, %parallel_loop3A_613 : i32
        %parallel_loop3A_615 = arith.index_cast %parallel_loop3A_614 : i32 to index
        %parallel_loop3A_616 = tpu.vector_load %arg5[%parallel_loop3A_615] {strides = array<i32>} : memref<78352xf32, #tpu.memory_space<vmem>>, vector<16xf32>,
        %parallel_loop3A_617 = vector.shape_cast %parallel_loop3A_616 : vector<16xf32> to vector<16xf32>
        %parallel_loop3A_618 = arith.addf %parallel_loop3A_617, %broadcast_in_dim3A_238 : vector<16xf32>
        %parallel_loop3A_619 = arith.index_cast %parallel_loop3A_614 : i32 to index
        %parallel_loop3A_620 = tpu.vector_load %arg5[%parallel_loop3A_619] {strides = array<i32>} : memref<78352xf32, #tpu.memory_space<vmem>>, vector<16xf32>,
        %parallel_loop3A_621 = vector.shape_cast %parallel_loop3A_620 : vector<16xf32> to vector<16xf32>
        %parallel_loop3A_622 = vector.shape_cast %parallel_loop3A_618 : vector<16xf32> to vector<16xf32>
        tpu.vector_store %arg5[%parallel_loop3A_619], %parallel_loop3A_622 {strides = array<i32>} : memref<78352xf32, #tpu.memory_space<vmem>>, vector<16xf32>,
        %parallel_loop3A_623 = arith.constant 256 : i32
        %parallel_loop3A_624 = arith.addi %parallel_loop3A_394, %parallel_loop3A_623 : i32
        %parallel_loop3A_625 = arith.constant 48 : i32
        %parallel_loop3A_626 = arith.addi %parallel_loop3A_624, %parallel_loop3A_625 : i32
        %parallel_loop3A_627 = arith.index_cast %parallel_loop3A_626 : i32 to index
        %parallel_loop3A_628 = tpu.vector_load %arg5[%parallel_loop3A_627] {strides = array<i32>} : memref<78352xf32, #tpu.memory_space<vmem>>, vector<16xf32>,
        %parallel_loop3A_629 = vector.shape_cast %parallel_loop3A_628 : vector<16xf32> to vector<16xf32>
        %parallel_loop3A_630 = arith.addf %parallel_loop3A_629, %broadcast_in_dim3A_238 : vector<16xf32>
        %parallel_loop3A_631 = arith.index_cast %parallel_loop3A_626 : i32 to index
        %parallel_loop3A_632 = tpu.vector_load %arg5[%parallel_loop3A_631] {strides = array<i32>} : memref<78352xf32, #tpu.memory_space<vmem>>, vector<16xf32>,
        %parallel_loop3A_633 = vector.shape_cast %parallel_loop3A_632 : vector<16xf32> to vector<16xf32>
        %parallel_loop3A_634 = vector.shape_cast %parallel_loop3A_630 : vector<16xf32> to vector<16xf32>
        tpu.vector_store %arg5[%parallel_loop3A_631], %parallel_loop3A_634 {strides = array<i32>} : memref<78352xf32, #tpu.memory_space<vmem>>, vector<16xf32>,
        %parallel_loop3A_635 = arith.constant 256 : i32
        %parallel_loop3A_636 = arith.addi %parallel_loop3A_394, %parallel_loop3A_635 : i32
        %parallel_loop3A_637 = arith.constant 64 : i32
        %parallel_loop3A_638 = arith.addi %parallel_loop3A_636, %parallel_loop3A_637 : i32
        %parallel_loop3A_639 = arith.index_cast %parallel_loop3A_638 : i32 to index
        %parallel_loop3A_640 = tpu.vector_load %arg5[%parallel_loop3A_639] {strides = array<i32>} : memref<78352xf32, #tpu.memory_space<vmem>>, vector<16xf32>,
        %parallel_loop3A_641 = vector.shape_cast %parallel_loop3A_640 : vector<16xf32> to vector<16xf32>
        %parallel_loop3A_642 = arith.addf %parallel_loop3A_641, %broadcast_in_dim3A_238 : vector<16xf32>
        %parallel_loop3A_643 = arith.index_cast %parallel_loop3A_638 : i32 to index
        %parallel_loop3A_644 = tpu.vector_load %arg5[%parallel_loop3A_643] {strides = array<i32>} : memref<78352xf32, #tpu.memory_space<vmem>>, vector<16xf32>,
        %parallel_loop3A_645 = vector.shape_cast %parallel_loop3A_644 : vector<16xf32> to vector<16xf32>
        %parallel_loop3A_646 = vector.shape_cast %parallel_loop3A_642 : vector<16xf32> to vector<16xf32>
        tpu.vector_store %arg5[%parallel_loop3A_643], %parallel_loop3A_646 {strides = array<i32>} : memref<78352xf32, #tpu.memory_space<vmem>>, vector<16xf32>,
        %parallel_loop3A_647 = arith.constant 256 : i32
        %parallel_loop3A_648 = arith.addi %parallel_loop3A_394, %parallel_loop3A_647 : i32
        %parallel_loop3A_649 = arith.constant 80 : i32
        %parallel_loop3A_650 = arith.addi %parallel_loop3A_648, %parallel_loop3A_649 : i32
        %parallel_loop3A_651 = arith.index_cast %parallel_loop3A_650 : i32 to index
        %parallel_loop3A_652 = tpu.vector_load %arg5[%parallel_loop3A_651] {strides = array<i32>} : memref<78352xf32, #tpu.memory_space<vmem>>, vector<16xf32>,
        %parallel_loop3A_653 = vector.shape_cast %parallel_loop3A_652 : vector<16xf32> to vector<16xf32>
        %parallel_loop3A_654 = arith.addf %parallel_loop3A_653, %broadcast_in_dim3A_238 : vector<16xf32>
        %parallel_loop3A_655 = arith.index_cast %parallel_loop3A_650 : i32 to index
        %parallel_loop3A_656 = tpu.vector_load %arg5[%parallel_loop3A_655] {strides = array<i32>} : memref<78352xf32, #tpu.memory_space<vmem>>, vector<16xf32>,
        %parallel_loop3A_657 = vector.shape_cast %parallel_loop3A_656 : vector<16xf32> to vector<16xf32>
        %parallel_loop3A_658 = vector.shape_cast %parallel_loop3A_654 : vector<16xf32> to vector<16xf32>
        tpu.vector_store %arg5[%parallel_loop3A_655], %parallel_loop3A_658 {strides = array<i32>} : memref<78352xf32, #tpu.memory_space<vmem>>, vector<16xf32>,
        %parallel_loop3A_659 = arith.constant 256 : i32
        %parallel_loop3A_660 = arith.addi %parallel_loop3A_394, %parallel_loop3A_659 : i32
        %parallel_loop3A_661 = arith.constant 96 : i32
        %parallel_loop3A_662 = arith.addi %parallel_loop3A_660, %parallel_loop3A_661 : i32
        %parallel_loop3A_663 = arith.index_cast %parallel_loop3A_662 : i32 to index
        %parallel_loop3A_664 = tpu.vector_load %arg5[%parallel_loop3A_663] {strides = array<i32>} : memref<78352xf32, #tpu.memory_space<vmem>>, vector<16xf32>,
        %parallel_loop3A_665 = vector.shape_cast %parallel_loop3A_664 : vector<16xf32> to vector<16xf32>
        %parallel_loop3A_666 = arith.addf %parallel_loop3A_665, %broadcast_in_dim3A_238 : vector<16xf32>
        %parallel_loop3A_667 = arith.index_cast %parallel_loop3A_662 : i32 to index
        %parallel_loop3A_668 = tpu.vector_load %arg5[%parallel_loop3A_667] {strides = array<i32>} : memref<78352xf32, #tpu.memory_space<vmem>>, vector<16xf32>,
        %parallel_loop3A_669 = vector.shape_cast %parallel_loop3A_668 : vector<16xf32> to vector<16xf32>
        %parallel_loop3A_670 = vector.shape_cast %parallel_loop3A_666 : vector<16xf32> to vector<16xf32>
        tpu.vector_store %arg5[%parallel_loop3A_667], %parallel_loop3A_670 {strides = array<i32>} : memref<78352xf32, #tpu.memory_space<vmem>>, vector<16xf32>,
        %parallel_loop3A_671 = arith.constant 256 : i32
        %parallel_loop3A_672 = arith.addi %parallel_loop3A_394, %parallel_loop3A_671 : i32
        %parallel_loop3A_673 = arith.constant 112 : i32
        %parallel_loop3A_674 = arith.addi %parallel_loop3A_672, %parallel_loop3A_673 : i32
        %parallel_loop3A_675 = arith.index_cast %parallel_loop3A_674 : i32 to index
        %parallel_loop3A_676 = tpu.vector_load %arg5[%parallel_loop3A_675] {strides = array<i32>} : memref<78352xf32, #tpu.memory_space<vmem>>, vector<16xf32>,
        %parallel_loop3A_677 = vector.shape_cast %parallel_loop3A_676 : vector<16xf32> to vector<16xf32>
        %parallel_loop3A_678 = arith.addf %parallel_loop3A_677, %broadcast_in_dim3A_238 : vector<16xf32>
        %parallel_loop3A_679 = arith.index_cast %parallel_loop3A_674 : i32 to index
        %parallel_loop3A_680 = tpu.vector_load %arg5[%parallel_loop3A_679] {strides = array<i32>} : memref<78352xf32, #tpu.memory_space<vmem>>, vector<16xf32>,
        %parallel_loop3A_681 = vector.shape_cast %parallel_loop3A_680 : vector<16xf32> to vector<16xf32>
        %parallel_loop3A_682 = vector.shape_cast %parallel_loop3A_678 : vector<16xf32> to vector<16xf32>
        tpu.vector_store %arg5[%parallel_loop3A_679], %parallel_loop3A_682 {strides = array<i32>} : memref<78352xf32, #tpu.memory_space<vmem>>, vector<16xf32>,
        %parallel_loop3A_683 = arith.constant 384 : i32
        %parallel_loop3A_684 = arith.addi %parallel_loop3A_394, %parallel_loop3A_683 : i32
        %parallel_loop3A_685 = arith.constant 0 : i32
        %parallel_loop3A_686 = arith.addi %parallel_loop3A_684, %parallel_loop3A_685 : i32
        %parallel_loop3A_687 = arith.index_cast %parallel_loop3A_686 : i32 to index
        %parallel_loop3A_688 = tpu.vector_load %arg5[%parallel_loop3A_687] {strides = array<i32>} : memref<78352xf32, #tpu.memory_space<vmem>>, vector<16xf32>,
        %parallel_loop3A_689 = vector.shape_cast %parallel_loop3A_688 : vector<16xf32> to vector<16xf32>
        %parallel_loop3A_690 = arith.addf %parallel_loop3A_689, %broadcast_in_dim3A_241 : vector<16xf32>
        %parallel_loop3A_691 = arith.index_cast %parallel_loop3A_686 : i32 to index
        %parallel_loop3A_692 = tpu.vector_load %arg5[%parallel_loop3A_691] {strides = array<i32>} : memref<78352xf32, #tpu.memory_space<vmem>>, vector<16xf32>,
        %parallel_loop3A_693 = vector.shape_cast %parallel_loop3A_692 : vector<16xf32> to vector<16xf32>
        %parallel_loop3A_694 = vector.shape_cast %parallel_loop3A_690 : vector<16xf32> to vector<16xf32>
        tpu.vector_store %arg5[%parallel_loop3A_691], %parallel_loop3A_694 {strides = array<i32>} : memref<78352xf32, #tpu.memory_space<vmem>>, vector<16xf32>,
        %parallel_loop3A_695 = arith.constant 384 : i32
        %parallel_loop3A_696 = arith.addi %parallel_loop3A_394, %parallel_loop3A_695 : i32
        %parallel_loop3A_697 = arith.constant 16 : i32
        %parallel_loop3A_698 = arith.addi %parallel_loop3A_696, %parallel_loop3A_697 : i32
        %parallel_loop3A_699 = arith.index_cast %parallel_loop3A_698 : i32 to index
        %parallel_loop3A_700 = tpu.vector_load %arg5[%parallel_loop3A_699] {strides = array<i32>} : memref<78352xf32, #tpu.memory_space<vmem>>, vector<16xf32>,
        %parallel_loop3A_701 = vector.shape_cast %parallel_loop3A_700 : vector<16xf32> to vector<16xf32>
        %parallel_loop3A_702 = arith.addf %parallel_loop3A_701, %broadcast_in_dim3A_241 : vector<16xf32>
        %parallel_loop3A_703 = arith.index_cast %parallel_loop3A_698 : i32 to index
        %parallel_loop3A_704 = tpu.vector_load %arg5[%parallel_loop3A_703] {strides = array<i32>} : memref<78352xf32, #tpu.memory_space<vmem>>, vector<16xf32>,
        %parallel_loop3A_705 = vector.shape_cast %parallel_loop3A_704 : vector<16xf32> to vector<16xf32>
        %parallel_loop3A_706 = vector.shape_cast %parallel_loop3A_702 : vector<16xf32> to vector<16xf32>
        tpu.vector_store %arg5[%parallel_loop3A_703], %parallel_loop3A_706 {strides = array<i32>} : memref<78352xf32, #tpu.memory_space<vmem>>, vector<16xf32>,
        %parallel_loop3A_707 = arith.constant 384 : i32
        %parallel_loop3A_708 = arith.addi %parallel_loop3A_394, %parallel_loop3A_707 : i32
        %parallel_loop3A_709 = arith.constant 32 : i32
        %parallel_loop3A_710 = arith.addi %parallel_loop3A_708, %parallel_loop3A_709 : i32
        %parallel_loop3A_711 = arith.index_cast %parallel_loop3A_710 : i32 to index
        %parallel_loop3A_712 = tpu.vector_load %arg5[%parallel_loop3A_711] {strides = array<i32>} : memref<78352xf32, #tpu.memory_space<vmem>>, vector<16xf32>,
        %parallel_loop3A_713 = vector.shape_cast %parallel_loop3A_712 : vector<16xf32> to vector<16xf32>
        %parallel_loop3A_714 = arith.addf %parallel_loop3A_713, %broadcast_in_dim3A_241 : vector<16xf32>
        %parallel_loop3A_715 = arith.index_cast %parallel_loop3A_710 : i32 to index
        %parallel_loop3A_716 = tpu.vector_load %arg5[%parallel_loop3A_715] {strides = array<i32>} : memref<78352xf32, #tpu.memory_space<vmem>>, vector<16xf32>,
        %parallel_loop3A_717 = vector.shape_cast %parallel_loop3A_716 : vector<16xf32> to vector<16xf32>
        %parallel_loop3A_718 = vector.shape_cast %parallel_loop3A_714 : vector<16xf32> to vector<16xf32>
        tpu.vector_store %arg5[%parallel_loop3A_715], %parallel_loop3A_718 {strides = array<i32>} : memref<78352xf32, #tpu.memory_space<vmem>>, vector<16xf32>,
        %parallel_loop3A_719 = arith.constant 384 : i32
        %parallel_loop3A_720 = arith.addi %parallel_loop3A_394, %parallel_loop3A_719 : i32
        %parallel_loop3A_721 = arith.constant 48 : i32
        %parallel_loop3A_722 = arith.addi %parallel_loop3A_720, %parallel_loop3A_721 : i32
        %parallel_loop3A_723 = arith.index_cast %parallel_loop3A_722 : i32 to index
        %parallel_loop3A_724 = tpu.vector_load %arg5[%parallel_loop3A_723] {strides = array<i32>} : memref<78352xf32, #tpu.memory_space<vmem>>, vector<16xf32>,
        %parallel_loop3A_725 = vector.shape_cast %parallel_loop3A_724 : vector<16xf32> to vector<16xf32>
        %parallel_loop3A_726 = arith.addf %parallel_loop3A_725, %broadcast_in_dim3A_241 : vector<16xf32>
        %parallel_loop3A_727 = arith.index_cast %parallel_loop3A_722 : i32 to index
        %parallel_loop3A_728 = tpu.vector_load %arg5[%parallel_loop3A_727] {strides = array<i32>} : memref<78352xf32, #tpu.memory_space<vmem>>, vector<16xf32>,
        %parallel_loop3A_729 = vector.shape_cast %parallel_loop3A_728 : vector<16xf32> to vector<16xf32>
        %parallel_loop3A_730 = vector.shape_cast %parallel_loop3A_726 : vector<16xf32> to vector<16xf32>
        tpu.vector_store %arg5[%parallel_loop3A_727], %parallel_loop3A_730 {strides = array<i32>} : memref<78352xf32, #tpu.memory_space<vmem>>, vector<16xf32>,
        %parallel_loop3A_731 = arith.constant 384 : i32
        %parallel_loop3A_732 = arith.addi %parallel_loop3A_394, %parallel_loop3A_731 : i32
        %parallel_loop3A_733 = arith.constant 64 : i32
        %parallel_loop3A_734 = arith.addi %parallel_loop3A_732, %parallel_loop3A_733 : i32
        %parallel_loop3A_735 = arith.index_cast %parallel_loop3A_734 : i32 to index
        %parallel_loop3A_736 = tpu.vector_load %arg5[%parallel_loop3A_735] {strides = array<i32>} : memref<78352xf32, #tpu.memory_space<vmem>>, vector<16xf32>,
        %parallel_loop3A_737 = vector.shape_cast %parallel_loop3A_736 : vector<16xf32> to vector<16xf32>
        %parallel_loop3A_738 = arith.addf %parallel_loop3A_737, %broadcast_in_dim3A_241 : vector<16xf32>
        %parallel_loop3A_739 = arith.index_cast %parallel_loop3A_734 : i32 to index
        %parallel_loop3A_740 = tpu.vector_load %arg5[%parallel_loop3A_739] {strides = array<i32>} : memref<78352xf32, #tpu.memory_space<vmem>>, vector<16xf32>,
        %parallel_loop3A_741 = vector.shape_cast %parallel_loop3A_740 : vector<16xf32> to vector<16xf32>
        %parallel_loop3A_742 = vector.shape_cast %parallel_loop3A_738 : vector<16xf32> to vector<16xf32>
        tpu.vector_store %arg5[%parallel_loop3A_739], %parallel_loop3A_742 {strides = array<i32>} : memref<78352xf32, #tpu.memory_space<vmem>>, vector<16xf32>,
        %parallel_loop3A_743 = arith.constant 384 : i32
        %parallel_loop3A_744 = arith.addi %parallel_loop3A_394, %parallel_loop3A_743 : i32
        %parallel_loop3A_745 = arith.constant 80 : i32
        %parallel_loop3A_746 = arith.addi %parallel_loop3A_744, %parallel_loop3A_745 : i32
        %parallel_loop3A_747 = arith.index_cast %parallel_loop3A_746 : i32 to index
        %parallel_loop3A_748 = tpu.vector_load %arg5[%parallel_loop3A_747] {strides = array<i32>} : memref<78352xf32, #tpu.memory_space<vmem>>, vector<16xf32>,
        %parallel_loop3A_749 = vector.shape_cast %parallel_loop3A_748 : vector<16xf32> to vector<16xf32>
        %parallel_loop3A_750 = arith.addf %parallel_loop3A_749, %broadcast_in_dim3A_241 : vector<16xf32>
        %parallel_loop3A_751 = arith.index_cast %parallel_loop3A_746 : i32 to index
        %parallel_loop3A_752 = tpu.vector_load %arg5[%parallel_loop3A_751] {strides = array<i32>} : memref<78352xf32, #tpu.memory_space<vmem>>, vector<16xf32>,
        %parallel_loop3A_753 = vector.shape_cast %parallel_loop3A_752 : vector<16xf32> to vector<16xf32>
        %parallel_loop3A_754 = vector.shape_cast %parallel_loop3A_750 : vector<16xf32> to vector<16xf32>
        tpu.vector_store %arg5[%parallel_loop3A_751], %parallel_loop3A_754 {strides = array<i32>} : memref<78352xf32, #tpu.memory_space<vmem>>, vector<16xf32>,
        %parallel_loop3A_755 = arith.constant 384 : i32
        %parallel_loop3A_756 = arith.addi %parallel_loop3A_394, %parallel_loop3A_755 : i32
        %parallel_loop3A_757 = arith.constant 96 : i32
        %parallel_loop3A_758 = arith.addi %parallel_loop3A_756, %parallel_loop3A_757 : i32
        %parallel_loop3A_759 = arith.index_cast %parallel_loop3A_758 : i32 to index
        %parallel_loop3A_760 = tpu.vector_load %arg5[%parallel_loop3A_759] {strides = array<i32>} : memref<78352xf32, #tpu.memory_space<vmem>>, vector<16xf32>,
        %parallel_loop3A_761 = vector.shape_cast %parallel_loop3A_760 : vector<16xf32> to vector<16xf32>
        %parallel_loop3A_762 = arith.addf %parallel_loop3A_761, %broadcast_in_dim3A_241 : vector<16xf32>
        %parallel_loop3A_763 = arith.index_cast %parallel_loop3A_758 : i32 to index
        %parallel_loop3A_764 = tpu.vector_load %arg5[%parallel_loop3A_763] {strides = array<i32>} : memref<78352xf32, #tpu.memory_space<vmem>>, vector<16xf32>,
        %parallel_loop3A_765 = vector.shape_cast %parallel_loop3A_764 : vector<16xf32> to vector<16xf32>
        %parallel_loop3A_766 = vector.shape_cast %parallel_loop3A_762 : vector<16xf32> to vector<16xf32>
        tpu.vector_store %arg5[%parallel_loop3A_763], %parallel_loop3A_766 {strides = array<i32>} : memref<78352xf32, #tpu.memory_space<vmem>>, vector<16xf32>,
        %parallel_loop3A_767 = arith.constant 384 : i32
        %parallel_loop3A_768 = arith.addi %parallel_loop3A_394, %parallel_loop3A_767 : i32
        %parallel_loop3A_769 = arith.constant 112 : i32
        %parallel_loop3A_770 = arith.addi %parallel_loop3A_768, %parallel_loop3A_769 : i32
        %parallel_loop3A_771 = arith.index_cast %parallel_loop3A_770 : i32 to index
        %parallel_loop3A_772 = tpu.vector_load %arg5[%parallel_loop3A_771] {strides = array<i32>} : memref<78352xf32, #tpu.memory_space<vmem>>, vector<16xf32>,
        %parallel_loop3A_773 = vector.shape_cast %parallel_loop3A_772 : vector<16xf32> to vector<16xf32>
        %parallel_loop3A_774 = arith.addf %parallel_loop3A_773, %broadcast_in_dim3A_241 : vector<16xf32>
        %parallel_loop3A_775 = arith.index_cast %parallel_loop3A_770 : i32 to index
        %parallel_loop3A_776 = tpu.vector_load %arg5[%parallel_loop3A_775] {strides = array<i32>} : memref<78352xf32, #tpu.memory_space<vmem>>, vector<16xf32>,
        %parallel_loop3A_777 = vector.shape_cast %parallel_loop3A_776 : vector<16xf32> to vector<16xf32>
        %parallel_loop3A_778 = vector.shape_cast %parallel_loop3A_774 : vector<16xf32> to vector<16xf32>
        tpu.vector_store %arg5[%parallel_loop3A_775], %parallel_loop3A_778 {strides = array<i32>} : memref<78352xf32, #tpu.memory_space<vmem>>, vector<16xf32>,
        %parallel_loop3A_779 = arith.constant 512 : i32
        %parallel_loop3A_780 = arith.addi %parallel_loop3A_394, %parallel_loop3A_779 : i32
        %parallel_loop3A_781 = arith.constant 0 : i32
        %parallel_loop3A_782 = arith.addi %parallel_loop3A_780, %parallel_loop3A_781 : i32
        %parallel_loop3A_783 = arith.index_cast %parallel_loop3A_782 : i32 to index
        %parallel_loop3A_784 = tpu.vector_load %arg5[%parallel_loop3A_783] {strides = array<i32>} : memref<78352xf32, #tpu.memory_space<vmem>>, vector<16xf32>,
        %parallel_loop3A_785 = vector.shape_cast %parallel_loop3A_784 : vector<16xf32> to vector<16xf32>
        %parallel_loop3A_786 = arith.addf %parallel_loop3A_785, %broadcast_in_dim3A_244 : vector<16xf32>
        %parallel_loop3A_787 = arith.index_cast %parallel_loop3A_782 : i32 to index
        %parallel_loop3A_788 = tpu.vector_load %arg5[%parallel_loop3A_787] {strides = array<i32>} : memref<78352xf32, #tpu.memory_space<vmem>>, vector<16xf32>,
        %parallel_loop3A_789 = vector.shape_cast %parallel_loop3A_788 : vector<16xf32> to vector<16xf32>
        %parallel_loop3A_790 = vector.shape_cast %parallel_loop3A_786 : vector<16xf32> to vector<16xf32>
        tpu.vector_store %arg5[%parallel_loop3A_787], %parallel_loop3A_790 {strides = array<i32>} : memref<78352xf32, #tpu.memory_space<vmem>>, vector<16xf32>,
        %parallel_loop3A_791 = arith.constant 512 : i32
        %parallel_loop3A_792 = arith.addi %parallel_loop3A_394, %parallel_loop3A_791 : i32
        %parallel_loop3A_793 = arith.constant 16 : i32
        %parallel_loop3A_794 = arith.addi %parallel_loop3A_792, %parallel_loop3A_793 : i32
        %parallel_loop3A_795 = arith.index_cast %parallel_loop3A_794 : i32 to index
        %parallel_loop3A_796 = tpu.vector_load %arg5[%parallel_loop3A_795] {strides = array<i32>} : memref<78352xf32, #tpu.memory_space<vmem>>, vector<16xf32>,
        %parallel_loop3A_797 = vector.shape_cast %parallel_loop3A_796 : vector<16xf32> to vector<16xf32>
        %parallel_loop3A_798 = arith.addf %parallel_loop3A_797, %broadcast_in_dim3A_244 : vector<16xf32>
        %parallel_loop3A_799 = arith.index_cast %parallel_loop3A_794 : i32 to index
        %parallel_loop3A_800 = tpu.vector_load %arg5[%parallel_loop3A_799] {strides = array<i32>} : memref<78352xf32, #tpu.memory_space<vmem>>, vector<16xf32>,
        %parallel_loop3A_801 = vector.shape_cast %parallel_loop3A_800 : vector<16xf32> to vector<16xf32>
        %parallel_loop3A_802 = vector.shape_cast %parallel_loop3A_798 : vector<16xf32> to vector<16xf32>
        tpu.vector_store %arg5[%parallel_loop3A_799], %parallel_loop3A_802 {strides = array<i32>} : memref<78352xf32, #tpu.memory_space<vmem>>, vector<16xf32>,
        %parallel_loop3A_803 = arith.constant 512 : i32
        %parallel_loop3A_804 = arith.addi %parallel_loop3A_394, %parallel_loop3A_803 : i32
        %parallel_loop3A_805 = arith.constant 32 : i32
        %parallel_loop3A_806 = arith.addi %parallel_loop3A_804, %parallel_loop3A_805 : i32
        %parallel_loop3A_807 = arith.index_cast %parallel_loop3A_806 : i32 to index
        %parallel_loop3A_808 = tpu.vector_load %arg5[%parallel_loop3A_807] {strides = array<i32>} : memref<78352xf32, #tpu.memory_space<vmem>>, vector<16xf32>,
        %parallel_loop3A_809 = vector.shape_cast %parallel_loop3A_808 : vector<16xf32> to vector<16xf32>
        %parallel_loop3A_810 = arith.addf %parallel_loop3A_809, %broadcast_in_dim3A_244 : vector<16xf32>
        %parallel_loop3A_811 = arith.index_cast %parallel_loop3A_806 : i32 to index
        %parallel_loop3A_812 = tpu.vector_load %arg5[%parallel_loop3A_811] {strides = array<i32>} : memref<78352xf32, #tpu.memory_space<vmem>>, vector<16xf32>,
        %parallel_loop3A_813 = vector.shape_cast %parallel_loop3A_812 : vector<16xf32> to vector<16xf32>
        %parallel_loop3A_814 = vector.shape_cast %parallel_loop3A_810 : vector<16xf32> to vector<16xf32>
        tpu.vector_store %arg5[%parallel_loop3A_811], %parallel_loop3A_814 {strides = array<i32>} : memref<78352xf32, #tpu.memory_space<vmem>>, vector<16xf32>,
        %parallel_loop3A_815 = arith.constant 512 : i32
        %parallel_loop3A_816 = arith.addi %parallel_loop3A_394, %parallel_loop3A_815 : i32
        %parallel_loop3A_817 = arith.constant 48 : i32
        %parallel_loop3A_818 = arith.addi %parallel_loop3A_816, %parallel_loop3A_817 : i32
        %parallel_loop3A_819 = arith.index_cast %parallel_loop3A_818 : i32 to index
        %parallel_loop3A_820 = tpu.vector_load %arg5[%parallel_loop3A_819] {strides = array<i32>} : memref<78352xf32, #tpu.memory_space<vmem>>, vector<16xf32>,
        %parallel_loop3A_821 = vector.shape_cast %parallel_loop3A_820 : vector<16xf32> to vector<16xf32>
        %parallel_loop3A_822 = arith.addf %parallel_loop3A_821, %broadcast_in_dim3A_244 : vector<16xf32>
        %parallel_loop3A_823 = arith.index_cast %parallel_loop3A_818 : i32 to index
        %parallel_loop3A_824 = tpu.vector_load %arg5[%parallel_loop3A_823] {strides = array<i32>} : memref<78352xf32, #tpu.memory_space<vmem>>, vector<16xf32>,
        %parallel_loop3A_825 = vector.shape_cast %parallel_loop3A_824 : vector<16xf32> to vector<16xf32>
        %parallel_loop3A_826 = vector.shape_cast %parallel_loop3A_822 : vector<16xf32> to vector<16xf32>
        tpu.vector_store %arg5[%parallel_loop3A_823], %parallel_loop3A_826 {strides = array<i32>} : memref<78352xf32, #tpu.memory_space<vmem>>, vector<16xf32>,
        %parallel_loop3A_827 = arith.constant 512 : i32
        %parallel_loop3A_828 = arith.addi %parallel_loop3A_394, %parallel_loop3A_827 : i32
        %parallel_loop3A_829 = arith.constant 64 : i32
        %parallel_loop3A_830 = arith.addi %parallel_loop3A_828, %parallel_loop3A_829 : i32
        %parallel_loop3A_831 = arith.index_cast %parallel_loop3A_830 : i32 to index
        %parallel_loop3A_832 = tpu.vector_load %arg5[%parallel_loop3A_831] {strides = array<i32>} : memref<78352xf32, #tpu.memory_space<vmem>>, vector<16xf32>,
        %parallel_loop3A_833 = vector.shape_cast %parallel_loop3A_832 : vector<16xf32> to vector<16xf32>
        %parallel_loop3A_834 = arith.addf %parallel_loop3A_833, %broadcast_in_dim3A_244 : vector<16xf32>
        %parallel_loop3A_835 = arith.index_cast %parallel_loop3A_830 : i32 to index
        %parallel_loop3A_836 = tpu.vector_load %arg5[%parallel_loop3A_835] {strides = array<i32>} : memref<78352xf32, #tpu.memory_space<vmem>>, vector<16xf32>,
        %parallel_loop3A_837 = vector.shape_cast %parallel_loop3A_836 : vector<16xf32> to vector<16xf32>
        %parallel_loop3A_838 = vector.shape_cast %parallel_loop3A_834 : vector<16xf32> to vector<16xf32>
        tpu.vector_store %arg5[%parallel_loop3A_835], %parallel_loop3A_838 {strides = array<i32>} : memref<78352xf32, #tpu.memory_space<vmem>>, vector<16xf32>,
        %parallel_loop3A_839 = arith.constant 512 : i32
        %parallel_loop3A_840 = arith.addi %parallel_loop3A_394, %parallel_loop3A_839 : i32
        %parallel_loop3A_841 = arith.constant 80 : i32
        %parallel_loop3A_842 = arith.addi %parallel_loop3A_840, %parallel_loop3A_841 : i32
        %parallel_loop3A_843 = arith.index_cast %parallel_loop3A_842 : i32 to index
        %parallel_loop3A_844 = tpu.vector_load %arg5[%parallel_loop3A_843] {strides = array<i32>} : memref<78352xf32, #tpu.memory_space<vmem>>, vector<16xf32>,
        %parallel_loop3A_845 = vector.shape_cast %parallel_loop3A_844 : vector<16xf32> to vector<16xf32>
        %parallel_loop3A_846 = arith.addf %parallel_loop3A_845, %broadcast_in_dim3A_244 : vector<16xf32>
        %parallel_loop3A_847 = arith.index_cast %parallel_loop3A_842 : i32 to index
        %parallel_loop3A_848 = tpu.vector_load %arg5[%parallel_loop3A_847] {strides = array<i32>} : memref<78352xf32, #tpu.memory_space<vmem>>, vector<16xf32>,
        %parallel_loop3A_849 = vector.shape_cast %parallel_loop3A_848 : vector<16xf32> to vector<16xf32>
        %parallel_loop3A_850 = vector.shape_cast %parallel_loop3A_846 : vector<16xf32> to vector<16xf32>
        tpu.vector_store %arg5[%parallel_loop3A_847], %parallel_loop3A_850 {strides = array<i32>} : memref<78352xf32, #tpu.memory_space<vmem>>, vector<16xf32>,
        %parallel_loop3A_851 = arith.constant 512 : i32
        %parallel_loop3A_852 = arith.addi %parallel_loop3A_394, %parallel_loop3A_851 : i32
        %parallel_loop3A_853 = arith.constant 96 : i32
        %parallel_loop3A_854 = arith.addi %parallel_loop3A_852, %parallel_loop3A_853 : i32
        %parallel_loop3A_855 = arith.index_cast %parallel_loop3A_854 : i32 to index
        %parallel_loop3A_856 = tpu.vector_load %arg5[%parallel_loop3A_855] {strides = array<i32>} : memref<78352xf32, #tpu.memory_space<vmem>>, vector<16xf32>,
        %parallel_loop3A_857 = vector.shape_cast %parallel_loop3A_856 : vector<16xf32> to vector<16xf32>
        %parallel_loop3A_858 = arith.addf %parallel_loop3A_857, %broadcast_in_dim3A_244 : vector<16xf32>
        %parallel_loop3A_859 = arith.index_cast %parallel_loop3A_854 : i32 to index
        %parallel_loop3A_860 = tpu.vector_load %arg5[%parallel_loop3A_859] {strides = array<i32>} : memref<78352xf32, #tpu.memory_space<vmem>>, vector<16xf32>,
        %parallel_loop3A_861 = vector.shape_cast %parallel_loop3A_860 : vector<16xf32> to vector<16xf32>
        %parallel_loop3A_862 = vector.shape_cast %parallel_loop3A_858 : vector<16xf32> to vector<16xf32>
        tpu.vector_store %arg5[%parallel_loop3A_859], %parallel_loop3A_862 {strides = array<i32>} : memref<78352xf32, #tpu.memory_space<vmem>>, vector<16xf32>,
        %parallel_loop3A_863 = arith.constant 512 : i32
        %parallel_loop3A_864 = arith.addi %parallel_loop3A_394, %parallel_loop3A_863 : i32
        %parallel_loop3A_865 = arith.constant 112 : i32
        %parallel_loop3A_866 = arith.addi %parallel_loop3A_864, %parallel_loop3A_865 : i32
        %parallel_loop3A_867 = arith.index_cast %parallel_loop3A_866 : i32 to index
        %parallel_loop3A_868 = tpu.vector_load %arg5[%parallel_loop3A_867] {strides = array<i32>} : memref<78352xf32, #tpu.memory_space<vmem>>, vector<16xf32>,
        %parallel_loop3A_869 = vector.shape_cast %parallel_loop3A_868 : vector<16xf32> to vector<16xf32>
        %parallel_loop3A_870 = arith.addf %parallel_loop3A_869, %broadcast_in_dim3A_244 : vector<16xf32>
        %parallel_loop3A_871 = arith.index_cast %parallel_loop3A_866 : i32 to index
        %parallel_loop3A_872 = tpu.vector_load %arg5[%parallel_loop3A_871] {strides = array<i32>} : memref<78352xf32, #tpu.memory_space<vmem>>, vector<16xf32>,
        %parallel_loop3A_873 = vector.shape_cast %parallel_loop3A_872 : vector<16xf32> to vector<16xf32>
        %parallel_loop3A_874 = vector.shape_cast %parallel_loop3A_870 : vector<16xf32> to vector<16xf32>
        tpu.vector_store %arg5[%parallel_loop3A_871], %parallel_loop3A_874 {strides = array<i32>} : memref<78352xf32, #tpu.memory_space<vmem>>, vector<16xf32>,
        %parallel_loop3A_875 = arith.constant 640 : i32
        %parallel_loop3A_876 = arith.addi %parallel_loop3A_394, %parallel_loop3A_875 : i32
        %parallel_loop3A_877 = arith.constant 0 : i32
        %parallel_loop3A_878 = arith.addi %parallel_loop3A_876, %parallel_loop3A_877 : i32
        %parallel_loop3A_879 = arith.index_cast %parallel_loop3A_878 : i32 to index
        %parallel_loop3A_880 = tpu.vector_load %arg5[%parallel_loop3A_879] {strides = array<i32>} : memref<78352xf32, #tpu.memory_space<vmem>>, vector<16xf32>,
        %parallel_loop3A_881 = vector.shape_cast %parallel_loop3A_880 : vector<16xf32> to vector<16xf32>
        %parallel_loop3A_882 = arith.addf %parallel_loop3A_881, %broadcast_in_dim3A_247 : vector<16xf32>
        %parallel_loop3A_883 = arith.index_cast %parallel_loop3A_878 : i32 to index
        %parallel_loop3A_884 = tpu.vector_load %arg5[%parallel_loop3A_883] {strides = array<i32>} : memref<78352xf32, #tpu.memory_space<vmem>>, vector<16xf32>,
        %parallel_loop3A_885 = vector.shape_cast %parallel_loop3A_884 : vector<16xf32> to vector<16xf32>
        %parallel_loop3A_886 = vector.shape_cast %parallel_loop3A_882 : vector<16xf32> to vector<16xf32>
        tpu.vector_store %arg5[%parallel_loop3A_883], %parallel_loop3A_886 {strides = array<i32>} : memref<78352xf32, #tpu.memory_space<vmem>>, vector<16xf32>,
        %parallel_loop3A_887 = arith.constant 640 : i32
        %parallel_loop3A_888 = arith.addi %parallel_loop3A_394, %parallel_loop3A_887 : i32
        %parallel_loop3A_889 = arith.constant 16 : i32
        %parallel_loop3A_890 = arith.addi %parallel_loop3A_888, %parallel_loop3A_889 : i32
        %parallel_loop3A_891 = arith.index_cast %parallel_loop3A_890 : i32 to index
        %parallel_loop3A_892 = tpu.vector_load %arg5[%parallel_loop3A_891] {strides = array<i32>} : memref<78352xf32, #tpu.memory_space<vmem>>, vector<16xf32>,
        %parallel_loop3A_893 = vector.shape_cast %parallel_loop3A_892 : vector<16xf32> to vector<16xf32>
        %parallel_loop3A_894 = arith.addf %parallel_loop3A_893, %broadcast_in_dim3A_247 : vector<16xf32>
        %parallel_loop3A_895 = arith.index_cast %parallel_loop3A_890 : i32 to index
        %parallel_loop3A_896 = tpu.vector_load %arg5[%parallel_loop3A_895] {strides = array<i32>} : memref<78352xf32, #tpu.memory_space<vmem>>, vector<16xf32>,
        %parallel_loop3A_897 = vector.shape_cast %parallel_loop3A_896 : vector<16xf32> to vector<16xf32>
        %parallel_loop3A_898 = vector.shape_cast %parallel_loop3A_894 : vector<16xf32> to vector<16xf32>
        tpu.vector_store %arg5[%parallel_loop3A_895], %parallel_loop3A_898 {strides = array<i32>} : memref<78352xf32, #tpu.memory_space<vmem>>, vector<16xf32>,
        %parallel_loop3A_899 = arith.constant 640 : i32
        %parallel_loop3A_900 = arith.addi %parallel_loop3A_394, %parallel_loop3A_899 : i32
        %parallel_loop3A_901 = arith.constant 32 : i32
        %parallel_loop3A_902 = arith.addi %parallel_loop3A_900, %parallel_loop3A_901 : i32
        %parallel_loop3A_903 = arith.index_cast %parallel_loop3A_902 : i32 to index
        %parallel_loop3A_904 = tpu.vector_load %arg5[%parallel_loop3A_903] {strides = array<i32>} : memref<78352xf32, #tpu.memory_space<vmem>>, vector<16xf32>,
        %parallel_loop3A_905 = vector.shape_cast %parallel_loop3A_904 : vector<16xf32> to vector<16xf32>
        %parallel_loop3A_906 = arith.addf %parallel_loop3A_905, %broadcast_in_dim3A_247 : vector<16xf32>
        %parallel_loop3A_907 = arith.index_cast %parallel_loop3A_902 : i32 to index
        %parallel_loop3A_908 = tpu.vector_load %arg5[%parallel_loop3A_907] {strides = array<i32>} : memref<78352xf32, #tpu.memory_space<vmem>>, vector<16xf32>,
        %parallel_loop3A_909 = vector.shape_cast %parallel_loop3A_908 : vector<16xf32> to vector<16xf32>
        %parallel_loop3A_910 = vector.shape_cast %parallel_loop3A_906 : vector<16xf32> to vector<16xf32>
        tpu.vector_store %arg5[%parallel_loop3A_907], %parallel_loop3A_910 {strides = array<i32>} : memref<78352xf32, #tpu.memory_space<vmem>>, vector<16xf32>,
        %parallel_loop3A_911 = arith.constant 640 : i32
        %parallel_loop3A_912 = arith.addi %parallel_loop3A_394, %parallel_loop3A_911 : i32
        %parallel_loop3A_913 = arith.constant 48 : i32
        %parallel_loop3A_914 = arith.addi %parallel_loop3A_912, %parallel_loop3A_913 : i32
        %parallel_loop3A_915 = arith.index_cast %parallel_loop3A_914 : i32 to index
        %parallel_loop3A_916 = tpu.vector_load %arg5[%parallel_loop3A_915] {strides = array<i32>} : memref<78352xf32, #tpu.memory_space<vmem>>, vector<16xf32>,
        %parallel_loop3A_917 = vector.shape_cast %parallel_loop3A_916 : vector<16xf32> to vector<16xf32>
        %parallel_loop3A_918 = arith.addf %parallel_loop3A_917, %broadcast_in_dim3A_247 : vector<16xf32>
        %parallel_loop3A_919 = arith.index_cast %parallel_loop3A_914 : i32 to index
        %parallel_loop3A_920 = tpu.vector_load %arg5[%parallel_loop3A_919] {strides = array<i32>} : memref<78352xf32, #tpu.memory_space<vmem>>, vector<16xf32>,
        %parallel_loop3A_921 = vector.shape_cast %parallel_loop3A_920 : vector<16xf32> to vector<16xf32>
        %parallel_loop3A_922 = vector.shape_cast %parallel_loop3A_918 : vector<16xf32> to vector<16xf32>
        tpu.vector_store %arg5[%parallel_loop3A_919], %parallel_loop3A_922 {strides = array<i32>} : memref<78352xf32, #tpu.memory_space<vmem>>, vector<16xf32>,
        %parallel_loop3A_923 = arith.constant 640 : i32
        %parallel_loop3A_924 = arith.addi %parallel_loop3A_394, %parallel_loop3A_923 : i32
        %parallel_loop3A_925 = arith.constant 64 : i32
        %parallel_loop3A_926 = arith.addi %parallel_loop3A_924, %parallel_loop3A_925 : i32
        %parallel_loop3A_927 = arith.index_cast %parallel_loop3A_926 : i32 to index
        %parallel_loop3A_928 = tpu.vector_load %arg5[%parallel_loop3A_927] {strides = array<i32>} : memref<78352xf32, #tpu.memory_space<vmem>>, vector<16xf32>,
        %parallel_loop3A_929 = vector.shape_cast %parallel_loop3A_928 : vector<16xf32> to vector<16xf32>
        %parallel_loop3A_930 = arith.addf %parallel_loop3A_929, %broadcast_in_dim3A_247 : vector<16xf32>
        %parallel_loop3A_931 = arith.index_cast %parallel_loop3A_926 : i32 to index
        %parallel_loop3A_932 = tpu.vector_load %arg5[%parallel_loop3A_931] {strides = array<i32>} : memref<78352xf32, #tpu.memory_space<vmem>>, vector<16xf32>,
        %parallel_loop3A_933 = vector.shape_cast %parallel_loop3A_932 : vector<16xf32> to vector<16xf32>
        %parallel_loop3A_934 = vector.shape_cast %parallel_loop3A_930 : vector<16xf32> to vector<16xf32>
        tpu.vector_store %arg5[%parallel_loop3A_931], %parallel_loop3A_934 {strides = array<i32>} : memref<78352xf32, #tpu.memory_space<vmem>>, vector<16xf32>,
        %parallel_loop3A_935 = arith.constant 640 : i32
        %parallel_loop3A_936 = arith.addi %parallel_loop3A_394, %parallel_loop3A_935 : i32
        %parallel_loop3A_937 = arith.constant 80 : i32
        %parallel_loop3A_938 = arith.addi %parallel_loop3A_936, %parallel_loop3A_937 : i32
        %parallel_loop3A_939 = arith.index_cast %parallel_loop3A_938 : i32 to index
        %parallel_loop3A_940 = tpu.vector_load %arg5[%parallel_loop3A_939] {strides = array<i32>} : memref<78352xf32, #tpu.memory_space<vmem>>, vector<16xf32>,
        %parallel_loop3A_941 = vector.shape_cast %parallel_loop3A_940 : vector<16xf32> to vector<16xf32>
        %parallel_loop3A_942 = arith.addf %parallel_loop3A_941, %broadcast_in_dim3A_247 : vector<16xf32>
        %parallel_loop3A_943 = arith.index_cast %parallel_loop3A_938 : i32 to index
        %parallel_loop3A_944 = tpu.vector_load %arg5[%parallel_loop3A_943] {strides = array<i32>} : memref<78352xf32, #tpu.memory_space<vmem>>, vector<16xf32>,
        %parallel_loop3A_945 = vector.shape_cast %parallel_loop3A_944 : vector<16xf32> to vector<16xf32>
        %parallel_loop3A_946 = vector.shape_cast %parallel_loop3A_942 : vector<16xf32> to vector<16xf32>
        tpu.vector_store %arg5[%parallel_loop3A_943], %parallel_loop3A_946 {strides = array<i32>} : memref<78352xf32, #tpu.memory_space<vmem>>, vector<16xf32>,
        %parallel_loop3A_947 = arith.constant 640 : i32
        %parallel_loop3A_948 = arith.addi %parallel_loop3A_394, %parallel_loop3A_947 : i32
        %parallel_loop3A_949 = arith.constant 96 : i32
        %parallel_loop3A_950 = arith.addi %parallel_loop3A_948, %parallel_loop3A_949 : i32
        %parallel_loop3A_951 = arith.index_cast %parallel_loop3A_950 : i32 to index
        %parallel_loop3A_952 = tpu.vector_load %arg5[%parallel_loop3A_951] {strides = array<i32>} : memref<78352xf32, #tpu.memory_space<vmem>>, vector<16xf32>,
        %parallel_loop3A_953 = vector.shape_cast %parallel_loop3A_952 : vector<16xf32> to vector<16xf32>
        %parallel_loop3A_954 = arith.addf %parallel_loop3A_953, %broadcast_in_dim3A_247 : vector<16xf32>
        %parallel_loop3A_955 = arith.index_cast %parallel_loop3A_950 : i32 to index
        %parallel_loop3A_956 = tpu.vector_load %arg5[%parallel_loop3A_955] {strides = array<i32>} : memref<78352xf32, #tpu.memory_space<vmem>>, vector<16xf32>,
        %parallel_loop3A_957 = vector.shape_cast %parallel_loop3A_956 : vector<16xf32> to vector<16xf32>
        %parallel_loop3A_958 = vector.shape_cast %parallel_loop3A_954 : vector<16xf32> to vector<16xf32>
        tpu.vector_store %arg5[%parallel_loop3A_955], %parallel_loop3A_958 {strides = array<i32>} : memref<78352xf32, #tpu.memory_space<vmem>>, vector<16xf32>,
        %parallel_loop3A_959 = arith.constant 640 : i32
        %parallel_loop3A_960 = arith.addi %parallel_loop3A_394, %parallel_loop3A_959 : i32
        %parallel_loop3A_961 = arith.constant 112 : i32
        %parallel_loop3A_962 = arith.addi %parallel_loop3A_960, %parallel_loop3A_961 : i32
        %parallel_loop3A_963 = arith.index_cast %parallel_loop3A_962 : i32 to index
        %parallel_loop3A_964 = tpu.vector_load %arg5[%parallel_loop3A_963] {strides = array<i32>} : memref<78352xf32, #tpu.memory_space<vmem>>, vector<16xf32>,
        %parallel_loop3A_965 = vector.shape_cast %parallel_loop3A_964 : vector<16xf32> to vector<16xf32>
        %parallel_loop3A_966 = arith.addf %parallel_loop3A_965, %broadcast_in_dim3A_247 : vector<16xf32>
        %parallel_loop3A_967 = arith.index_cast %parallel_loop3A_962 : i32 to index
        %parallel_loop3A_968 = tpu.vector_load %arg5[%parallel_loop3A_967] {strides = array<i32>} : memref<78352xf32, #tpu.memory_space<vmem>>, vector<16xf32>,
        %parallel_loop3A_969 = vector.shape_cast %parallel_loop3A_968 : vector<16xf32> to vector<16xf32>
        %parallel_loop3A_970 = vector.shape_cast %parallel_loop3A_966 : vector<16xf32> to vector<16xf32>
        tpu.vector_store %arg5[%parallel_loop3A_967], %parallel_loop3A_970 {strides = array<i32>} : memref<78352xf32, #tpu.memory_space<vmem>>, vector<16xf32>,
        %parallel_loop3A_971 = arith.constant 768 : i32
        %parallel_loop3A_972 = arith.addi %parallel_loop3A_394, %parallel_loop3A_971 : i32
        %parallel_loop3A_973 = arith.constant 0 : i32
        %parallel_loop3A_974 = arith.addi %parallel_loop3A_972, %parallel_loop3A_973 : i32
        %parallel_loop3A_975 = arith.index_cast %parallel_loop3A_974 : i32 to index
        %parallel_loop3A_976 = tpu.vector_load %arg5[%parallel_loop3A_975] {strides = array<i32>} : memref<78352xf32, #tpu.memory_space<vmem>>, vector<16xf32>,
        %parallel_loop3A_977 = vector.shape_cast %parallel_loop3A_976 : vector<16xf32> to vector<16xf32>
        %parallel_loop3A_978 = arith.addf %parallel_loop3A_977, %broadcast_in_dim3A_250 : vector<16xf32>
        %parallel_loop3A_979 = arith.index_cast %parallel_loop3A_974 : i32 to index
        %parallel_loop3A_980 = tpu.vector_load %arg5[%parallel_loop3A_979] {strides = array<i32>} : memref<78352xf32, #tpu.memory_space<vmem>>, vector<16xf32>,
        %parallel_loop3A_981 = vector.shape_cast %parallel_loop3A_980 : vector<16xf32> to vector<16xf32>
        %parallel_loop3A_982 = vector.shape_cast %parallel_loop3A_978 : vector<16xf32> to vector<16xf32>
        tpu.vector_store %arg5[%parallel_loop3A_979], %parallel_loop3A_982 {strides = array<i32>} : memref<78352xf32, #tpu.memory_space<vmem>>, vector<16xf32>,
        %parallel_loop3A_983 = arith.constant 768 : i32
        %parallel_loop3A_984 = arith.addi %parallel_loop3A_394, %parallel_loop3A_983 : i32
        %parallel_loop3A_985 = arith.constant 16 : i32
        %parallel_loop3A_986 = arith.addi %parallel_loop3A_984, %parallel_loop3A_985 : i32
        %parallel_loop3A_987 = arith.index_cast %parallel_loop3A_986 : i32 to index
        %parallel_loop3A_988 = tpu.vector_load %arg5[%parallel_loop3A_987] {strides = array<i32>} : memref<78352xf32, #tpu.memory_space<vmem>>, vector<16xf32>,
        %parallel_loop3A_989 = vector.shape_cast %parallel_loop3A_988 : vector<16xf32> to vector<16xf32>
        %parallel_loop3A_990 = arith.addf %parallel_loop3A_989, %broadcast_in_dim3A_250 : vector<16xf32>
        %parallel_loop3A_991 = arith.index_cast %parallel_loop3A_986 : i32 to index
        %parallel_loop3A_992 = tpu.vector_load %arg5[%parallel_loop3A_991] {strides = array<i32>} : memref<78352xf32, #tpu.memory_space<vmem>>, vector<16xf32>,
        %parallel_loop3A_993 = vector.shape_cast %parallel_loop3A_992 : vector<16xf32> to vector<16xf32>
        %parallel_loop3A_994 = vector.shape_cast %parallel_loop3A_990 : vector<16xf32> to vector<16xf32>
        tpu.vector_store %arg5[%parallel_loop3A_991], %parallel_loop3A_994 {strides = array<i32>} : memref<78352xf32, #tpu.memory_space<vmem>>, vector<16xf32>,
        %parallel_loop3A_995 = arith.constant 768 : i32
        %parallel_loop3A_996 = arith.addi %parallel_loop3A_394, %parallel_loop3A_995 : i32
        %parallel_loop3A_997 = arith.constant 32 : i32
        %parallel_loop3A_998 = arith.addi %parallel_loop3A_996, %parallel_loop3A_997 : i32
        %parallel_loop3A_999 = arith.index_cast %parallel_loop3A_998 : i32 to index
        %parallel_loop3A_1000 = tpu.vector_load %arg5[%parallel_loop3A_999] {strides = array<i32>} : memref<78352xf32, #tpu.memory_space<vmem>>, vector<16xf32>,
        %parallel_loop3A_1001 = vector.shape_cast %parallel_loop3A_1000 : vector<16xf32> to vector<16xf32>
        %parallel_loop3A_1002 = arith.addf %parallel_loop3A_1001, %broadcast_in_dim3A_250 : vector<16xf32>
        %parallel_loop3A_1003 = arith.index_cast %parallel_loop3A_998 : i32 to index
        %parallel_loop3A_1004 = tpu.vector_load %arg5[%parallel_loop3A_1003] {strides = array<i32>} : memref<78352xf32, #tpu.memory_space<vmem>>, vector<16xf32>,
        %parallel_loop3A_1005 = vector.shape_cast %parallel_loop3A_1004 : vector<16xf32> to vector<16xf32>
        %parallel_loop3A_1006 = vector.shape_cast %parallel_loop3A_1002 : vector<16xf32> to vector<16xf32>
        tpu.vector_store %arg5[%parallel_loop3A_1003], %parallel_loop3A_1006 {strides = array<i32>} : memref<78352xf32, #tpu.memory_space<vmem>>, vector<16xf32>,
        %parallel_loop3A_1007 = arith.constant 768 : i32
        %parallel_loop3A_1008 = arith.addi %parallel_loop3A_394, %parallel_loop3A_1007 : i32
        %parallel_loop3A_1009 = arith.constant 48 : i32
        %parallel_loop3A_1010 = arith.addi %parallel_loop3A_1008, %parallel_loop3A_1009 : i32
        %parallel_loop3A_1011 = arith.index_cast %parallel_loop3A_1010 : i32 to index
        %parallel_loop3A_1012 = tpu.vector_load %arg5[%parallel_loop3A_1011] {strides = array<i32>} : memref<78352xf32, #tpu.memory_space<vmem>>, vector<16xf32>,
        %parallel_loop3A_1013 = vector.shape_cast %parallel_loop3A_1012 : vector<16xf32> to vector<16xf32>
        %parallel_loop3A_1014 = arith.addf %parallel_loop3A_1013, %broadcast_in_dim3A_250 : vector<16xf32>
        %parallel_loop3A_1015 = arith.index_cast %parallel_loop3A_1010 : i32 to index
        %parallel_loop3A_1016 = tpu.vector_load %arg5[%parallel_loop3A_1015] {strides = array<i32>} : memref<78352xf32, #tpu.memory_space<vmem>>, vector<16xf32>,
        %parallel_loop3A_1017 = vector.shape_cast %parallel_loop3A_1016 : vector<16xf32> to vector<16xf32>
        %parallel_loop3A_1018 = vector.shape_cast %parallel_loop3A_1014 : vector<16xf32> to vector<16xf32>
        tpu.vector_store %arg5[%parallel_loop3A_1015], %parallel_loop3A_1018 {strides = array<i32>} : memref<78352xf32, #tpu.memory_space<vmem>>, vector<16xf32>,
        %parallel_loop3A_1019 = arith.constant 768 : i32
        %parallel_loop3A_1020 = arith.addi %parallel_loop3A_394, %parallel_loop3A_1019 : i32
        %parallel_loop3A_1021 = arith.constant 64 : i32
        %parallel_loop3A_1022 = arith.addi %parallel_loop3A_1020, %parallel_loop3A_1021 : i32
        %parallel_loop3A_1023 = arith.index_cast %parallel_loop3A_1022 : i32 to index
        %parallel_loop3A_1024 = tpu.vector_load %arg5[%parallel_loop3A_1023] {strides = array<i32>} : memref<78352xf32, #tpu.memory_space<vmem>>, vector<16xf32>,
        %parallel_loop3A_1025 = vector.shape_cast %parallel_loop3A_1024 : vector<16xf32> to vector<16xf32>
        %parallel_loop3A_1026 = arith.addf %parallel_loop3A_1025, %broadcast_in_dim3A_250 : vector<16xf32>
        %parallel_loop3A_1027 = arith.index_cast %parallel_loop3A_1022 : i32 to index
        %parallel_loop3A_1028 = tpu.vector_load %arg5[%parallel_loop3A_1027] {strides = array<i32>} : memref<78352xf32, #tpu.memory_space<vmem>>, vector<16xf32>,
        %parallel_loop3A_1029 = vector.shape_cast %parallel_loop3A_1028 : vector<16xf32> to vector<16xf32>
        %parallel_loop3A_1030 = vector.shape_cast %parallel_loop3A_1026 : vector<16xf32> to vector<16xf32>
        tpu.vector_store %arg5[%parallel_loop3A_1027], %parallel_loop3A_1030 {strides = array<i32>} : memref<78352xf32, #tpu.memory_space<vmem>>, vector<16xf32>,
        %parallel_loop3A_1031 = arith.constant 768 : i32
        %parallel_loop3A_1032 = arith.addi %parallel_loop3A_394, %parallel_loop3A_1031 : i32
        %parallel_loop3A_1033 = arith.constant 80 : i32
        %parallel_loop3A_1034 = arith.addi %parallel_loop3A_1032, %parallel_loop3A_1033 : i32
        %parallel_loop3A_1035 = arith.index_cast %parallel_loop3A_1034 : i32 to index
        %parallel_loop3A_1036 = tpu.vector_load %arg5[%parallel_loop3A_1035] {strides = array<i32>} : memref<78352xf32, #tpu.memory_space<vmem>>, vector<16xf32>,
        %parallel_loop3A_1037 = vector.shape_cast %parallel_loop3A_1036 : vector<16xf32> to vector<16xf32>
        %parallel_loop3A_1038 = arith.addf %parallel_loop3A_1037, %broadcast_in_dim3A_250 : vector<16xf32>
        %parallel_loop3A_1039 = arith.index_cast %parallel_loop3A_1034 : i32 to index
        %parallel_loop3A_1040 = tpu.vector_load %arg5[%parallel_loop3A_1039] {strides = array<i32>} : memref<78352xf32, #tpu.memory_space<vmem>>, vector<16xf32>,
        %parallel_loop3A_1041 = vector.shape_cast %parallel_loop3A_1040 : vector<16xf32> to vector<16xf32>
        %parallel_loop3A_1042 = vector.shape_cast %parallel_loop3A_1038 : vector<16xf32> to vector<16xf32>
        tpu.vector_store %arg5[%parallel_loop3A_1039], %parallel_loop3A_1042 {strides = array<i32>} : memref<78352xf32, #tpu.memory_space<vmem>>, vector<16xf32>,
        %parallel_loop3A_1043 = arith.constant 768 : i32
        %parallel_loop3A_1044 = arith.addi %parallel_loop3A_394, %parallel_loop3A_1043 : i32
        %parallel_loop3A_1045 = arith.constant 96 : i32
        %parallel_loop3A_1046 = arith.addi %parallel_loop3A_1044, %parallel_loop3A_1045 : i32
        %parallel_loop3A_1047 = arith.index_cast %parallel_loop3A_1046 : i32 to index
        %parallel_loop3A_1048 = tpu.vector_load %arg5[%parallel_loop3A_1047] {strides = array<i32>} : memref<78352xf32, #tpu.memory_space<vmem>>, vector<16xf32>,
        %parallel_loop3A_1049 = vector.shape_cast %parallel_loop3A_1048 : vector<16xf32> to vector<16xf32>
        %parallel_loop3A_1050 = arith.addf %parallel_loop3A_1049, %broadcast_in_dim3A_250 : vector<16xf32>
        %parallel_loop3A_1051 = arith.index_cast %parallel_loop3A_1046 : i32 to index
        %parallel_loop3A_1052 = tpu.vector_load %arg5[%parallel_loop3A_1051] {strides = array<i32>} : memref<78352xf32, #tpu.memory_space<vmem>>, vector<16xf32>,
        %parallel_loop3A_1053 = vector.shape_cast %parallel_loop3A_1052 : vector<16xf32> to vector<16xf32>
        %parallel_loop3A_1054 = vector.shape_cast %parallel_loop3A_1050 : vector<16xf32> to vector<16xf32>
        tpu.vector_store %arg5[%parallel_loop3A_1051], %parallel_loop3A_1054 {strides = array<i32>} : memref<78352xf32, #tpu.memory_space<vmem>>, vector<16xf32>,
        %parallel_loop3A_1055 = arith.constant 768 : i32
        %parallel_loop3A_1056 = arith.addi %parallel_loop3A_394, %parallel_loop3A_1055 : i32
        %parallel_loop3A_1057 = arith.constant 112 : i32
        %parallel_loop3A_1058 = arith.addi %parallel_loop3A_1056, %parallel_loop3A_1057 : i32
        %parallel_loop3A_1059 = arith.index_cast %parallel_loop3A_1058 : i32 to index
        %parallel_loop3A_1060 = tpu.vector_load %arg5[%parallel_loop3A_1059] {strides = array<i32>} : memref<78352xf32, #tpu.memory_space<vmem>>, vector<16xf32>,
        %parallel_loop3A_1061 = vector.shape_cast %parallel_loop3A_1060 : vector<16xf32> to vector<16xf32>
        %parallel_loop3A_1062 = arith.addf %parallel_loop3A_1061, %broadcast_in_dim3A_250 : vector<16xf32>
        %parallel_loop3A_1063 = arith.index_cast %parallel_loop3A_1058 : i32 to index
        %parallel_loop3A_1064 = tpu.vector_load %arg5[%parallel_loop3A_1063] {strides = array<i32>} : memref<78352xf32, #tpu.memory_space<vmem>>, vector<16xf32>,
        %parallel_loop3A_1065 = vector.shape_cast %parallel_loop3A_1064 : vector<16xf32> to vector<16xf32>
        %parallel_loop3A_1066 = vector.shape_cast %parallel_loop3A_1062 : vector<16xf32> to vector<16xf32>
        tpu.vector_store %arg5[%parallel_loop3A_1063], %parallel_loop3A_1066 {strides = array<i32>} : memref<78352xf32, #tpu.memory_space<vmem>>, vector<16xf32>,
        %parallel_loop3A_1067 = arith.constant 896 : i32
        %parallel_loop3A_1068 = arith.addi %parallel_loop3A_394, %parallel_loop3A_1067 : i32
        %parallel_loop3A_1069 = arith.constant 0 : i32
        %parallel_loop3A_1070 = arith.addi %parallel_loop3A_1068, %parallel_loop3A_1069 : i32
        %parallel_loop3A_1071 = arith.index_cast %parallel_loop3A_1070 : i32 to index
        %parallel_loop3A_1072 = tpu.vector_load %arg5[%parallel_loop3A_1071] {strides = array<i32>} : memref<78352xf32, #tpu.memory_space<vmem>>, vector<16xf32>,
        %parallel_loop3A_1073 = vector.shape_cast %parallel_loop3A_1072 : vector<16xf32> to vector<16xf32>
        %parallel_loop3A_1074 = arith.addf %parallel_loop3A_1073, %broadcast_in_dim3A_253 : vector<16xf32>
        %parallel_loop3A_1075 = arith.index_cast %parallel_loop3A_1070 : i32 to index
        %parallel_loop3A_1076 = tpu.vector_load %arg5[%parallel_loop3A_1075] {strides = array<i32>} : memref<78352xf32, #tpu.memory_space<vmem>>, vector<16xf32>,
        %parallel_loop3A_1077 = vector.shape_cast %parallel_loop3A_1076 : vector<16xf32> to vector<16xf32>
        %parallel_loop3A_1078 = vector.shape_cast %parallel_loop3A_1074 : vector<16xf32> to vector<16xf32>
        tpu.vector_store %arg5[%parallel_loop3A_1075], %parallel_loop3A_1078 {strides = array<i32>} : memref<78352xf32, #tpu.memory_space<vmem>>, vector<16xf32>,
        %parallel_loop3A_1079 = arith.constant 896 : i32
        %parallel_loop3A_1080 = arith.addi %parallel_loop3A_394, %parallel_loop3A_1079 : i32
        %parallel_loop3A_1081 = arith.constant 16 : i32
        %parallel_loop3A_1082 = arith.addi %parallel_loop3A_1080, %parallel_loop3A_1081 : i32
        %parallel_loop3A_1083 = arith.index_cast %parallel_loop3A_1082 : i32 to index
        %parallel_loop3A_1084 = tpu.vector_load %arg5[%parallel_loop3A_1083] {strides = array<i32>} : memref<78352xf32, #tpu.memory_space<vmem>>, vector<16xf32>,
        %parallel_loop3A_1085 = vector.shape_cast %parallel_loop3A_1084 : vector<16xf32> to vector<16xf32>
        %parallel_loop3A_1086 = arith.addf %parallel_loop3A_1085, %broadcast_in_dim3A_253 : vector<16xf32>
        %parallel_loop3A_1087 = arith.index_cast %parallel_loop3A_1082 : i32 to index
        %parallel_loop3A_1088 = tpu.vector_load %arg5[%parallel_loop3A_1087] {strides = array<i32>} : memref<78352xf32, #tpu.memory_space<vmem>>, vector<16xf32>,
        %parallel_loop3A_1089 = vector.shape_cast %parallel_loop3A_1088 : vector<16xf32> to vector<16xf32>
        %parallel_loop3A_1090 = vector.shape_cast %parallel_loop3A_1086 : vector<16xf32> to vector<16xf32>
        tpu.vector_store %arg5[%parallel_loop3A_1087], %parallel_loop3A_1090 {strides = array<i32>} : memref<78352xf32, #tpu.memory_space<vmem>>, vector<16xf32>,
        %parallel_loop3A_1091 = arith.constant 896 : i32
        %parallel_loop3A_1092 = arith.addi %parallel_loop3A_394, %parallel_loop3A_1091 : i32
        %parallel_loop3A_1093 = arith.constant 32 : i32
        %parallel_loop3A_1094 = arith.addi %parallel_loop3A_1092, %parallel_loop3A_1093 : i32
        %parallel_loop3A_1095 = arith.index_cast %parallel_loop3A_1094 : i32 to index
        %parallel_loop3A_1096 = tpu.vector_load %arg5[%parallel_loop3A_1095] {strides = array<i32>} : memref<78352xf32, #tpu.memory_space<vmem>>, vector<16xf32>,
        %parallel_loop3A_1097 = vector.shape_cast %parallel_loop3A_1096 : vector<16xf32> to vector<16xf32>
        %parallel_loop3A_1098 = arith.addf %parallel_loop3A_1097, %broadcast_in_dim3A_253 : vector<16xf32>
        %parallel_loop3A_1099 = arith.index_cast %parallel_loop3A_1094 : i32 to index
        %parallel_loop3A_1100 = tpu.vector_load %arg5[%parallel_loop3A_1099] {strides = array<i32>} : memref<78352xf32, #tpu.memory_space<vmem>>, vector<16xf32>,
        %parallel_loop3A_1101 = vector.shape_cast %parallel_loop3A_1100 : vector<16xf32> to vector<16xf32>
        %parallel_loop3A_1102 = vector.shape_cast %parallel_loop3A_1098 : vector<16xf32> to vector<16xf32>
        tpu.vector_store %arg5[%parallel_loop3A_1099], %parallel_loop3A_1102 {strides = array<i32>} : memref<78352xf32, #tpu.memory_space<vmem>>, vector<16xf32>,
        %parallel_loop3A_1103 = arith.constant 896 : i32
        %parallel_loop3A_1104 = arith.addi %parallel_loop3A_394, %parallel_loop3A_1103 : i32
        %parallel_loop3A_1105 = arith.constant 48 : i32
        %parallel_loop3A_1106 = arith.addi %parallel_loop3A_1104, %parallel_loop3A_1105 : i32
        %parallel_loop3A_1107 = arith.index_cast %parallel_loop3A_1106 : i32 to index
        %parallel_loop3A_1108 = tpu.vector_load %arg5[%parallel_loop3A_1107] {strides = array<i32>} : memref<78352xf32, #tpu.memory_space<vmem>>, vector<16xf32>,
        %parallel_loop3A_1109 = vector.shape_cast %parallel_loop3A_1108 : vector<16xf32> to vector<16xf32>
        %parallel_loop3A_1110 = arith.addf %parallel_loop3A_1109, %broadcast_in_dim3A_253 : vector<16xf32>
        %parallel_loop3A_1111 = arith.index_cast %parallel_loop3A_1106 : i32 to index
        %parallel_loop3A_1112 = tpu.vector_load %arg5[%parallel_loop3A_1111] {strides = array<i32>} : memref<78352xf32, #tpu.memory_space<vmem>>, vector<16xf32>,
        %parallel_loop3A_1113 = vector.shape_cast %parallel_loop3A_1112 : vector<16xf32> to vector<16xf32>
        %parallel_loop3A_1114 = vector.shape_cast %parallel_loop3A_1110 : vector<16xf32> to vector<16xf32>
        tpu.vector_store %arg5[%parallel_loop3A_1111], %parallel_loop3A_1114 {strides = array<i32>} : memref<78352xf32, #tpu.memory_space<vmem>>, vector<16xf32>,
        %parallel_loop3A_1115 = arith.constant 896 : i32
        %parallel_loop3A_1116 = arith.addi %parallel_loop3A_394, %parallel_loop3A_1115 : i32
        %parallel_loop3A_1117 = arith.constant 64 : i32
        %parallel_loop3A_1118 = arith.addi %parallel_loop3A_1116, %parallel_loop3A_1117 : i32
        %parallel_loop3A_1119 = arith.index_cast %parallel_loop3A_1118 : i32 to index
        %parallel_loop3A_1120 = tpu.vector_load %arg5[%parallel_loop3A_1119] {strides = array<i32>} : memref<78352xf32, #tpu.memory_space<vmem>>, vector<16xf32>,
        %parallel_loop3A_1121 = vector.shape_cast %parallel_loop3A_1120 : vector<16xf32> to vector<16xf32>
        %parallel_loop3A_1122 = arith.addf %parallel_loop3A_1121, %broadcast_in_dim3A_253 : vector<16xf32>
        %parallel_loop3A_1123 = arith.index_cast %parallel_loop3A_1118 : i32 to index
        %parallel_loop3A_1124 = tpu.vector_load %arg5[%parallel_loop3A_1123] {strides = array<i32>} : memref<78352xf32, #tpu.memory_space<vmem>>, vector<16xf32>,
        %parallel_loop3A_1125 = vector.shape_cast %parallel_loop3A_1124 : vector<16xf32> to vector<16xf32>
        %parallel_loop3A_1126 = vector.shape_cast %parallel_loop3A_1122 : vector<16xf32> to vector<16xf32>
        tpu.vector_store %arg5[%parallel_loop3A_1123], %parallel_loop3A_1126 {strides = array<i32>} : memref<78352xf32, #tpu.memory_space<vmem>>, vector<16xf32>,
        %parallel_loop3A_1127 = arith.constant 896 : i32
        %parallel_loop3A_1128 = arith.addi %parallel_loop3A_394, %parallel_loop3A_1127 : i32
        %parallel_loop3A_1129 = arith.constant 80 : i32
        %parallel_loop3A_1130 = arith.addi %parallel_loop3A_1128, %parallel_loop3A_1129 : i32
        %parallel_loop3A_1131 = arith.index_cast %parallel_loop3A_1130 : i32 to index
        %parallel_loop3A_1132 = tpu.vector_load %arg5[%parallel_loop3A_1131] {strides = array<i32>} : memref<78352xf32, #tpu.memory_space<vmem>>, vector<16xf32>,
        %parallel_loop3A_1133 = vector.shape_cast %parallel_loop3A_1132 : vector<16xf32> to vector<16xf32>
        %parallel_loop3A_1134 = arith.addf %parallel_loop3A_1133, %broadcast_in_dim3A_253 : vector<16xf32>
        %parallel_loop3A_1135 = arith.index_cast %parallel_loop3A_1130 : i32 to index
        %parallel_loop3A_1136 = tpu.vector_load %arg5[%parallel_loop3A_1135] {strides = array<i32>} : memref<78352xf32, #tpu.memory_space<vmem>>, vector<16xf32>,
        %parallel_loop3A_1137 = vector.shape_cast %parallel_loop3A_1136 : vector<16xf32> to vector<16xf32>
        %parallel_loop3A_1138 = vector.shape_cast %parallel_loop3A_1134 : vector<16xf32> to vector<16xf32>
        tpu.vector_store %arg5[%parallel_loop3A_1135], %parallel_loop3A_1138 {strides = array<i32>} : memref<78352xf32, #tpu.memory_space<vmem>>, vector<16xf32>,
        %parallel_loop3A_1139 = arith.constant 896 : i32
        %parallel_loop3A_1140 = arith.addi %parallel_loop3A_394, %parallel_loop3A_1139 : i32
        %parallel_loop3A_1141 = arith.constant 96 : i32
        %parallel_loop3A_1142 = arith.addi %parallel_loop3A_1140, %parallel_loop3A_1141 : i32
        %parallel_loop3A_1143 = arith.index_cast %parallel_loop3A_1142 : i32 to index
        %parallel_loop3A_1144 = tpu.vector_load %arg5[%parallel_loop3A_1143] {strides = array<i32>} : memref<78352xf32, #tpu.memory_space<vmem>>, vector<16xf32>,
        %parallel_loop3A_1145 = vector.shape_cast %parallel_loop3A_1144 : vector<16xf32> to vector<16xf32>
        %parallel_loop3A_1146 = arith.addf %parallel_loop3A_1145, %broadcast_in_dim3A_253 : vector<16xf32>
        %parallel_loop3A_1147 = arith.index_cast %parallel_loop3A_1142 : i32 to index
        %parallel_loop3A_1148 = tpu.vector_load %arg5[%parallel_loop3A_1147] {strides = array<i32>} : memref<78352xf32, #tpu.memory_space<vmem>>, vector<16xf32>,
        %parallel_loop3A_1149 = vector.shape_cast %parallel_loop3A_1148 : vector<16xf32> to vector<16xf32>
        %parallel_loop3A_1150 = vector.shape_cast %parallel_loop3A_1146 : vector<16xf32> to vector<16xf32>
        tpu.vector_store %arg5[%parallel_loop3A_1147], %parallel_loop3A_1150 {strides = array<i32>} : memref<78352xf32, #tpu.memory_space<vmem>>, vector<16xf32>,
        %parallel_loop3A_1151 = arith.constant 896 : i32
        %parallel_loop3A_1152 = arith.addi %parallel_loop3A_394, %parallel_loop3A_1151 : i32
        %parallel_loop3A_1153 = arith.constant 112 : i32
        %parallel_loop3A_1154 = arith.addi %parallel_loop3A_1152, %parallel_loop3A_1153 : i32
        %parallel_loop3A_1155 = arith.index_cast %parallel_loop3A_1154 : i32 to index
        %parallel_loop3A_1156 = tpu.vector_load %arg5[%parallel_loop3A_1155] {strides = array<i32>} : memref<78352xf32, #tpu.memory_space<vmem>>, vector<16xf32>,
        %parallel_loop3A_1157 = vector.shape_cast %parallel_loop3A_1156 : vector<16xf32> to vector<16xf32>
        %parallel_loop3A_1158 = arith.addf %parallel_loop3A_1157, %broadcast_in_dim3A_253 : vector<16xf32>
        %parallel_loop3A_1159 = arith.index_cast %parallel_loop3A_1154 : i32 to index
        %parallel_loop3A_1160 = tpu.vector_load %arg5[%parallel_loop3A_1159] {strides = array<i32>} : memref<78352xf32, #tpu.memory_space<vmem>>, vector<16xf32>,
        %parallel_loop3A_1161 = vector.shape_cast %parallel_loop3A_1160 : vector<16xf32> to vector<16xf32>
        %parallel_loop3A_1162 = vector.shape_cast %parallel_loop3A_1158 : vector<16xf32> to vector<16xf32>
        tpu.vector_store %arg5[%parallel_loop3A_1159], %parallel_loop3A_1162 {strides = array<i32>} : memref<78352xf32, #tpu.memory_space<vmem>>, vector<16xf32>,
      } {sc.loop_unroll_factor = 2 : i64, sc.parallel_access}
      %mul3A_257 = arith.constant 32768 : i32
      %mul3A_258 = arith.muli %add3A_190, %mul3A_257 : i32
      %dma_start3A_259 = arith.constant 0 : i32
      %dma_start3A_260 = tpu.memref_slice %arg5[%dma_start3A_259] : memref<78352xf32, #tpu.memory_space<vmem>> -> memref<32768xf32, #tpu.memory_space<vmem>>
      %dma_start3A_261 = tpu.memref_slice %arg4[%mul3A_258] : memref<52428800xf32, #tpu.memory_space<hbm>> -> memref<32768xf32, #tpu.memory_space<hbm>>
      %dma_start3A_262 = tpu.memref_slice %arg4[%mul3A_258] : memref<52428800xf32, #tpu.memory_space<hbm>> -> memref<32768xf32, #tpu.memory_space<hbm>>
      %dma_start3A_263 = arith.constant 0 : i32
      %dma_start3A_264 = tpu.memref_slice %arg5[%dma_start3A_263] : memref<78352xf32, #tpu.memory_space<vmem>> -> memref<32768xf32, #tpu.memory_space<vmem>>
      tpu.enqueue_dma source(%dma_start3A_264 : memref<32768xf32, #tpu.memory_space<vmem>>) target(%dma_start3A_262 : memref<32768xf32, #tpu.memory_space<hbm>>) target_semaphore(%arg8 : memref<!tpu.dma_semaphore, #tpu.memory_space<semaphore_mem>>)
      %mul3A_265 = arith.constant 2 : i32
      %mul3A_266 = arith.muli %scan3A_185, %mul3A_265 : i32
      %add3A_267 = arith.addi %mul3A_2, %mul3A_266 : i32
      %add3A_268 = arith.constant 1 : i32
      %add3A_269 = arith.addi %add3A_267, %add3A_268 : i32
      %dma_wait3A_270 = arith.constant 32768 : i32
      %dma_wait3A_271 = tpu.memref_slice %arg5[%dma_wait3A_270] : memref<78352xf32, #tpu.memory_space<vmem>> -> memref<32768xf32, #tpu.memory_space<vmem>>
      %dma_wait3A_272 = arith.constant 0 : i32
      %dma_wait3A_273 = tpu.memref_slice %arg2[%dma_wait3A_272] : memref<52428800xf32, #tpu.memory_space<hbm>> -> memref<32768xf32, #tpu.memory_space<hbm>>
      %dma_wait3A_274 = arith.constant 32768 : i32
      %dma_wait3A_275 = tpu.memref_slice %arg5[%dma_wait3A_274] : memref<78352xf32, #tpu.memory_space<vmem>> -> memref<32768xf32, #tpu.memory_space<vmem>>
      %dma_wait3A_276 = arith.constant 0 : i32
      %dma_wait3A_277 = tpu.memref_slice %arg2[%dma_wait3A_276] : memref<52428800xf32, #tpu.memory_space<hbm>> -> memref<32768xf32, #tpu.memory_space<hbm>>
      tpu.wait_dma2 semaphore(%arg7 : memref<!tpu.dma_semaphore, #tpu.memory_space<semaphore_mem>>) src(%dma_wait3A_277 : memref<32768xf32, #tpu.memory_space<hbm>>) dst(%dma_wait3A_275 : memref<32768xf32, #tpu.memory_space<vmem>>)
      %jit3A_278 = arith.constant 1 : i32
      %div3A_279 = arith.divsi %add3A_269, %jit3A_278 : i32
      %sign3A_280 = arith.constant 0 : i32
      %sign3A_281 = arith.cmpi sgt, %add3A_269, %sign3A_280 : i32
      %sign3A_282 = arith.extui %sign3A_281 : i1 to i32
      %sign3A_283 = arith.constant 0 : i32
      %sign3A_284 = arith.cmpi slt, %add3A_269, %sign3A_283 : i32
      %sign3A_285 = arith.extui %sign3A_284 : i1 to i32
      %sign3A_286 = arith.subi %sign3A_282, %sign3A_285 : i32
      %sign3A_287 = arith.constant 0 : i32
      %sign3A_288 = arith.cmpi sgt, %jit3A_278, %sign3A_287 : i32
      %sign3A_289 = arith.extui %sign3A_288 : i1 to i32
      %sign3A_290 = arith.constant 0 : i32
      %sign3A_291 = arith.cmpi slt, %jit3A_278, %sign3A_290 : i32
      %sign3A_292 = arith.extui %sign3A_291 : i1 to i32
      %sign3A_293 = arith.subi %sign3A_289, %sign3A_292 : i32
      %ne3A_294 = arith.cmpi ne, %sign3A_286, %sign3A_293 : i32
      %rem3A_295 = arith.remsi %add3A_269, %jit3A_278 : i32
      %ne3A_296 = arith.constant 0 : i32
      %ne3A_297 = arith.cmpi ne, %rem3A_295, %ne3A_296 : i32
      %and3A_298 = arith.andi %ne3A_294, %ne3A_297 : i1
      %sub3A_299 = arith.constant 1 : i32
      %sub3A_300 = arith.subi %div3A_279, %sub3A_299 : i32
      %select_n3A_301 = arith.select %and3A_298, %sub3A_300, %div3A_279 : i32
      %mul3A_302 = arith.constant 8 : i32
      %mul3A_303 = arith.muli %select_n3A_301, %mul3A_302 : i32
      %add3A_304 = arith.constant 65536 : i32
      %add3A_305 = arith.addi %add3A_304, %mul3A_303 : i32
      %get3A_306 = arith.index_cast %add3A_305 : i32 to index
      %get3A_307 = tpu.vector_load %arg5[%get3A_306] {strides = array<i32>} : memref<78352xf32, #tpu.memory_space<vmem>>, vector<16xf32>,
      %get3A_308 = vector.shape_cast %get3A_307 : vector<16xf32> to vector<16xf32>
      %slice3A_309 = vector.extract_strided_slice %get3A_308 {offsets = [0], sizes = [1], strides = [1]} : vector<16xf32> to vector<1xf32>
      %squeeze3A_310 = vector.extract %slice3A_309[0] : f32 from vector<1xf32>
      %broadcast_in_dim3A_311 = vector.broadcast %squeeze3A_310 : f32 to vector<16xf32>
      %slice3A_312 = vector.extract_strided_slice %get3A_308 {offsets = [1], sizes = [1], strides = [1]} : vector<16xf32> to vector<1xf32>
      %squeeze3A_313 = vector.extract %slice3A_312[0] : f32 from vector<1xf32>
      %broadcast_in_dim3A_314 = vector.broadcast %squeeze3A_313 : f32 to vector<16xf32>
      %slice3A_315 = vector.extract_strided_slice %get3A_308 {offsets = [2], sizes = [1], strides = [1]} : vector<16xf32> to vector<1xf32>
      %squeeze3A_316 = vector.extract %slice3A_315[0] : f32 from vector<1xf32>
      %broadcast_in_dim3A_317 = vector.broadcast %squeeze3A_316 : f32 to vector<16xf32>
      %slice3A_318 = vector.extract_strided_slice %get3A_308 {offsets = [3], sizes = [1], strides = [1]} : vector<16xf32> to vector<1xf32>
      %squeeze3A_319 = vector.extract %slice3A_318[0] : f32 from vector<1xf32>
      %broadcast_in_dim3A_320 = vector.broadcast %squeeze3A_319 : f32 to vector<16xf32>
      %slice3A_321 = vector.extract_strided_slice %get3A_308 {offsets = [4], sizes = [1], strides = [1]} : vector<16xf32> to vector<1xf32>
      %squeeze3A_322 = vector.extract %slice3A_321[0] : f32 from vector<1xf32>
      %broadcast_in_dim3A_323 = vector.broadcast %squeeze3A_322 : f32 to vector<16xf32>
      %slice3A_324 = vector.extract_strided_slice %get3A_308 {offsets = [5], sizes = [1], strides = [1]} : vector<16xf32> to vector<1xf32>
      %squeeze3A_325 = vector.extract %slice3A_324[0] : f32 from vector<1xf32>
      %broadcast_in_dim3A_326 = vector.broadcast %squeeze3A_325 : f32 to vector<16xf32>
      %slice3A_327 = vector.extract_strided_slice %get3A_308 {offsets = [6], sizes = [1], strides = [1]} : vector<16xf32> to vector<1xf32>
      %squeeze3A_328 = vector.extract %slice3A_327[0] : f32 from vector<1xf32>
      %broadcast_in_dim3A_329 = vector.broadcast %squeeze3A_328 : f32 to vector<16xf32>
      %slice3A_330 = vector.extract_strided_slice %get3A_308 {offsets = [7], sizes = [1], strides = [1]} : vector<16xf32> to vector<1xf32>
      %squeeze3A_331 = vector.extract %slice3A_330[0] : f32 from vector<1xf32>
      %broadcast_in_dim3A_332 = vector.broadcast %squeeze3A_331 : f32 to vector<16xf32>
      %parallel_loop3A_333 = arith.constant 0 : i32
      %parallel_loop3A_334 = arith.constant 32 : i32
      %parallel_loop3A_335 = arith.constant 1 : i32
      scf.for %parallel_loop3A_390 = %parallel_loop3A_333 to %parallel_loop3A_334 step %parallel_loop3A_335  : i32 {
        %parallel_loop3A_391 = arith.constant 1024 : i32
        %parallel_loop3A_392 = arith.muli %parallel_loop3A_390, %parallel_loop3A_391 : i32
        %parallel_loop3A_393 = arith.constant 32768 : i32
        %parallel_loop3A_394 = arith.addi %parallel_loop3A_393, %parallel_loop3A_392 : i32
        %parallel_loop3A_395 = arith.constant 0 : i32
        %parallel_loop3A_396 = arith.addi %parallel_loop3A_394, %parallel_loop3A_395 : i32
        %parallel_loop3A_397 = arith.constant 0 : i32
        %parallel_loop3A_398 = arith.addi %parallel_loop3A_396, %parallel_loop3A_397 : i32
        %parallel_loop3A_399 = arith.index_cast %parallel_loop3A_398 : i32 to index
        %parallel_loop3A_400 = tpu.vector_load %arg5[%parallel_loop3A_399] {strides = array<i32>} : memref<78352xf32, #tpu.memory_space<vmem>>, vector<16xf32>,
        %parallel_loop3A_401 = vector.shape_cast %parallel_loop3A_400 : vector<16xf32> to vector<16xf32>
        %parallel_loop3A_402 = arith.addf %parallel_loop3A_401, %broadcast_in_dim3A_311 : vector<16xf32>
        %parallel_loop3A_403 = arith.index_cast %parallel_loop3A_398 : i32 to index
        %parallel_loop3A_404 = tpu.vector_load %arg5[%parallel_loop3A_403] {strides = array<i32>} : memref<78352xf32, #tpu.memory_space<vmem>>, vector<16xf32>,
        %parallel_loop3A_405 = vector.shape_cast %parallel_loop3A_404 : vector<16xf32> to vector<16xf32>
        %parallel_loop3A_406 = vector.shape_cast %parallel_loop3A_402 : vector<16xf32> to vector<16xf32>
        tpu.vector_store %arg5[%parallel_loop3A_403], %parallel_loop3A_406 {strides = array<i32>} : memref<78352xf32, #tpu.memory_space<vmem>>, vector<16xf32>,
        %parallel_loop3A_407 = arith.constant 0 : i32
        %parallel_loop3A_408 = arith.addi %parallel_loop3A_394, %parallel_loop3A_407 : i32
        %parallel_loop3A_409 = arith.constant 16 : i32
        %parallel_loop3A_410 = arith.addi %parallel_loop3A_408, %parallel_loop3A_409 : i32
        %parallel_loop3A_411 = arith.index_cast %parallel_loop3A_410 : i32 to index
        %parallel_loop3A_412 = tpu.vector_load %arg5[%parallel_loop3A_411] {strides = array<i32>} : memref<78352xf32, #tpu.memory_space<vmem>>, vector<16xf32>,
        %parallel_loop3A_413 = vector.shape_cast %parallel_loop3A_412 : vector<16xf32> to vector<16xf32>
        %parallel_loop3A_414 = arith.addf %parallel_loop3A_413, %broadcast_in_dim3A_311 : vector<16xf32>
        %parallel_loop3A_415 = arith.index_cast %parallel_loop3A_410 : i32 to index
        %parallel_loop3A_416 = tpu.vector_load %arg5[%parallel_loop3A_415] {strides = array<i32>} : memref<78352xf32, #tpu.memory_space<vmem>>, vector<16xf32>,
        %parallel_loop3A_417 = vector.shape_cast %parallel_loop3A_416 : vector<16xf32> to vector<16xf32>
        %parallel_loop3A_418 = vector.shape_cast %parallel_loop3A_414 : vector<16xf32> to vector<16xf32>
        tpu.vector_store %arg5[%parallel_loop3A_415], %parallel_loop3A_418 {strides = array<i32>} : memref<78352xf32, #tpu.memory_space<vmem>>, vector<16xf32>,
        %parallel_loop3A_419 = arith.constant 0 : i32
        %parallel_loop3A_420 = arith.addi %parallel_loop3A_394, %parallel_loop3A_419 : i32
        %parallel_loop3A_421 = arith.constant 32 : i32
        %parallel_loop3A_422 = arith.addi %parallel_loop3A_420, %parallel_loop3A_421 : i32
        %parallel_loop3A_423 = arith.index_cast %parallel_loop3A_422 : i32 to index
        %parallel_loop3A_424 = tpu.vector_load %arg5[%parallel_loop3A_423] {strides = array<i32>} : memref<78352xf32, #tpu.memory_space<vmem>>, vector<16xf32>,
        %parallel_loop3A_425 = vector.shape_cast %parallel_loop3A_424 : vector<16xf32> to vector<16xf32>
        %parallel_loop3A_426 = arith.addf %parallel_loop3A_425, %broadcast_in_dim3A_311 : vector<16xf32>
        %parallel_loop3A_427 = arith.index_cast %parallel_loop3A_422 : i32 to index
        %parallel_loop3A_428 = tpu.vector_load %arg5[%parallel_loop3A_427] {strides = array<i32>} : memref<78352xf32, #tpu.memory_space<vmem>>, vector<16xf32>,
        %parallel_loop3A_429 = vector.shape_cast %parallel_loop3A_428 : vector<16xf32> to vector<16xf32>
        %parallel_loop3A_430 = vector.shape_cast %parallel_loop3A_426 : vector<16xf32> to vector<16xf32>
        tpu.vector_store %arg5[%parallel_loop3A_427], %parallel_loop3A_430 {strides = array<i32>} : memref<78352xf32, #tpu.memory_space<vmem>>, vector<16xf32>,
        %parallel_loop3A_431 = arith.constant 0 : i32
        %parallel_loop3A_432 = arith.addi %parallel_loop3A_394, %parallel_loop3A_431 : i32
        %parallel_loop3A_433 = arith.constant 48 : i32
        %parallel_loop3A_434 = arith.addi %parallel_loop3A_432, %parallel_loop3A_433 : i32
        %parallel_loop3A_435 = arith.index_cast %parallel_loop3A_434 : i32 to index
        %parallel_loop3A_436 = tpu.vector_load %arg5[%parallel_loop3A_435] {strides = array<i32>} : memref<78352xf32, #tpu.memory_space<vmem>>, vector<16xf32>,
        %parallel_loop3A_437 = vector.shape_cast %parallel_loop3A_436 : vector<16xf32> to vector<16xf32>
        %parallel_loop3A_438 = arith.addf %parallel_loop3A_437, %broadcast_in_dim3A_311 : vector<16xf32>
        %parallel_loop3A_439 = arith.index_cast %parallel_loop3A_434 : i32 to index
        %parallel_loop3A_440 = tpu.vector_load %arg5[%parallel_loop3A_439] {strides = array<i32>} : memref<78352xf32, #tpu.memory_space<vmem>>, vector<16xf32>,
        %parallel_loop3A_441 = vector.shape_cast %parallel_loop3A_440 : vector<16xf32> to vector<16xf32>
        %parallel_loop3A_442 = vector.shape_cast %parallel_loop3A_438 : vector<16xf32> to vector<16xf32>
        tpu.vector_store %arg5[%parallel_loop3A_439], %parallel_loop3A_442 {strides = array<i32>} : memref<78352xf32, #tpu.memory_space<vmem>>, vector<16xf32>,
        %parallel_loop3A_443 = arith.constant 0 : i32
        %parallel_loop3A_444 = arith.addi %parallel_loop3A_394, %parallel_loop3A_443 : i32
        %parallel_loop3A_445 = arith.constant 64 : i32
        %parallel_loop3A_446 = arith.addi %parallel_loop3A_444, %parallel_loop3A_445 : i32
        %parallel_loop3A_447 = arith.index_cast %parallel_loop3A_446 : i32 to index
        %parallel_loop3A_448 = tpu.vector_load %arg5[%parallel_loop3A_447] {strides = array<i32>} : memref<78352xf32, #tpu.memory_space<vmem>>, vector<16xf32>,
        %parallel_loop3A_449 = vector.shape_cast %parallel_loop3A_448 : vector<16xf32> to vector<16xf32>
        %parallel_loop3A_450 = arith.addf %parallel_loop3A_449, %broadcast_in_dim3A_311 : vector<16xf32>
        %parallel_loop3A_451 = arith.index_cast %parallel_loop3A_446 : i32 to index
        %parallel_loop3A_452 = tpu.vector_load %arg5[%parallel_loop3A_451] {strides = array<i32>} : memref<78352xf32, #tpu.memory_space<vmem>>, vector<16xf32>,
        %parallel_loop3A_453 = vector.shape_cast %parallel_loop3A_452 : vector<16xf32> to vector<16xf32>
        %parallel_loop3A_454 = vector.shape_cast %parallel_loop3A_450 : vector<16xf32> to vector<16xf32>
        tpu.vector_store %arg5[%parallel_loop3A_451], %parallel_loop3A_454 {strides = array<i32>} : memref<78352xf32, #tpu.memory_space<vmem>>, vector<16xf32>,
        %parallel_loop3A_455 = arith.constant 0 : i32
        %parallel_loop3A_456 = arith.addi %parallel_loop3A_394, %parallel_loop3A_455 : i32
        %parallel_loop3A_457 = arith.constant 80 : i32
        %parallel_loop3A_458 = arith.addi %parallel_loop3A_456, %parallel_loop3A_457 : i32
        %parallel_loop3A_459 = arith.index_cast %parallel_loop3A_458 : i32 to index
        %parallel_loop3A_460 = tpu.vector_load %arg5[%parallel_loop3A_459] {strides = array<i32>} : memref<78352xf32, #tpu.memory_space<vmem>>, vector<16xf32>,
        %parallel_loop3A_461 = vector.shape_cast %parallel_loop3A_460 : vector<16xf32> to vector<16xf32>
        %parallel_loop3A_462 = arith.addf %parallel_loop3A_461, %broadcast_in_dim3A_311 : vector<16xf32>
        %parallel_loop3A_463 = arith.index_cast %parallel_loop3A_458 : i32 to index
        %parallel_loop3A_464 = tpu.vector_load %arg5[%parallel_loop3A_463] {strides = array<i32>} : memref<78352xf32, #tpu.memory_space<vmem>>, vector<16xf32>,
        %parallel_loop3A_465 = vector.shape_cast %parallel_loop3A_464 : vector<16xf32> to vector<16xf32>
        %parallel_loop3A_466 = vector.shape_cast %parallel_loop3A_462 : vector<16xf32> to vector<16xf32>
        tpu.vector_store %arg5[%parallel_loop3A_463], %parallel_loop3A_466 {strides = array<i32>} : memref<78352xf32, #tpu.memory_space<vmem>>, vector<16xf32>,
        %parallel_loop3A_467 = arith.constant 0 : i32
        %parallel_loop3A_468 = arith.addi %parallel_loop3A_394, %parallel_loop3A_467 : i32
        %parallel_loop3A_469 = arith.constant 96 : i32
        %parallel_loop3A_470 = arith.addi %parallel_loop3A_468, %parallel_loop3A_469 : i32
        %parallel_loop3A_471 = arith.index_cast %parallel_loop3A_470 : i32 to index
        %parallel_loop3A_472 = tpu.vector_load %arg5[%parallel_loop3A_471] {strides = array<i32>} : memref<78352xf32, #tpu.memory_space<vmem>>, vector<16xf32>,
        %parallel_loop3A_473 = vector.shape_cast %parallel_loop3A_472 : vector<16xf32> to vector<16xf32>
        %parallel_loop3A_474 = arith.addf %parallel_loop3A_473, %broadcast_in_dim3A_311 : vector<16xf32>
        %parallel_loop3A_475 = arith.index_cast %parallel_loop3A_470 : i32 to index
        %parallel_loop3A_476 = tpu.vector_load %arg5[%parallel_loop3A_475] {strides = array<i32>} : memref<78352xf32, #tpu.memory_space<vmem>>, vector<16xf32>,
        %parallel_loop3A_477 = vector.shape_cast %parallel_loop3A_476 : vector<16xf32> to vector<16xf32>
        %parallel_loop3A_478 = vector.shape_cast %parallel_loop3A_474 : vector<16xf32> to vector<16xf32>
        tpu.vector_store %arg5[%parallel_loop3A_475], %parallel_loop3A_478 {strides = array<i32>} : memref<78352xf32, #tpu.memory_space<vmem>>, vector<16xf32>,
        %parallel_loop3A_479 = arith.constant 0 : i32
        %parallel_loop3A_480 = arith.addi %parallel_loop3A_394, %parallel_loop3A_479 : i32
        %parallel_loop3A_481 = arith.constant 112 : i32
        %parallel_loop3A_482 = arith.addi %parallel_loop3A_480, %parallel_loop3A_481 : i32
        %parallel_loop3A_483 = arith.index_cast %parallel_loop3A_482 : i32 to index
        %parallel_loop3A_484 = tpu.vector_load %arg5[%parallel_loop3A_483] {strides = array<i32>} : memref<78352xf32, #tpu.memory_space<vmem>>, vector<16xf32>,
        %parallel_loop3A_485 = vector.shape_cast %parallel_loop3A_484 : vector<16xf32> to vector<16xf32>
        %parallel_loop3A_486 = arith.addf %parallel_loop3A_485, %broadcast_in_dim3A_311 : vector<16xf32>
        %parallel_loop3A_487 = arith.index_cast %parallel_loop3A_482 : i32 to index
        %parallel_loop3A_488 = tpu.vector_load %arg5[%parallel_loop3A_487] {strides = array<i32>} : memref<78352xf32, #tpu.memory_space<vmem>>, vector<16xf32>,
        %parallel_loop3A_489 = vector.shape_cast %parallel_loop3A_488 : vector<16xf32> to vector<16xf32>
        %parallel_loop3A_490 = vector.shape_cast %parallel_loop3A_486 : vector<16xf32> to vector<16xf32>
        tpu.vector_store %arg5[%parallel_loop3A_487], %parallel_loop3A_490 {strides = array<i32>} : memref<78352xf32, #tpu.memory_space<vmem>>, vector<16xf32>,
        %parallel_loop3A_491 = arith.constant 128 : i32
        %parallel_loop3A_492 = arith.addi %parallel_loop3A_394, %parallel_loop3A_491 : i32
        %parallel_loop3A_493 = arith.constant 0 : i32
        %parallel_loop3A_494 = arith.addi %parallel_loop3A_492, %parallel_loop3A_493 : i32
        %parallel_loop3A_495 = arith.index_cast %parallel_loop3A_494 : i32 to index
        %parallel_loop3A_496 = tpu.vector_load %arg5[%parallel_loop3A_495] {strides = array<i32>} : memref<78352xf32, #tpu.memory_space<vmem>>, vector<16xf32>,
        %parallel_loop3A_497 = vector.shape_cast %parallel_loop3A_496 : vector<16xf32> to vector<16xf32>
        %parallel_loop3A_498 = arith.addf %parallel_loop3A_497, %broadcast_in_dim3A_314 : vector<16xf32>
        %parallel_loop3A_499 = arith.index_cast %parallel_loop3A_494 : i32 to index
        %parallel_loop3A_500 = tpu.vector_load %arg5[%parallel_loop3A_499] {strides = array<i32>} : memref<78352xf32, #tpu.memory_space<vmem>>, vector<16xf32>,
        %parallel_loop3A_501 = vector.shape_cast %parallel_loop3A_500 : vector<16xf32> to vector<16xf32>
        %parallel_loop3A_502 = vector.shape_cast %parallel_loop3A_498 : vector<16xf32> to vector<16xf32>
        tpu.vector_store %arg5[%parallel_loop3A_499], %parallel_loop3A_502 {strides = array<i32>} : memref<78352xf32, #tpu.memory_space<vmem>>, vector<16xf32>,
        %parallel_loop3A_503 = arith.constant 128 : i32
        %parallel_loop3A_504 = arith.addi %parallel_loop3A_394, %parallel_loop3A_503 : i32
        %parallel_loop3A_505 = arith.constant 16 : i32
        %parallel_loop3A_506 = arith.addi %parallel_loop3A_504, %parallel_loop3A_505 : i32
        %parallel_loop3A_507 = arith.index_cast %parallel_loop3A_506 : i32 to index
        %parallel_loop3A_508 = tpu.vector_load %arg5[%parallel_loop3A_507] {strides = array<i32>} : memref<78352xf32, #tpu.memory_space<vmem>>, vector<16xf32>,
        %parallel_loop3A_509 = vector.shape_cast %parallel_loop3A_508 : vector<16xf32> to vector<16xf32>
        %parallel_loop3A_510 = arith.addf %parallel_loop3A_509, %broadcast_in_dim3A_314 : vector<16xf32>
        %parallel_loop3A_511 = arith.index_cast %parallel_loop3A_506 : i32 to index
        %parallel_loop3A_512 = tpu.vector_load %arg5[%parallel_loop3A_511] {strides = array<i32>} : memref<78352xf32, #tpu.memory_space<vmem>>, vector<16xf32>,
        %parallel_loop3A_513 = vector.shape_cast %parallel_loop3A_512 : vector<16xf32> to vector<16xf32>
        %parallel_loop3A_514 = vector.shape_cast %parallel_loop3A_510 : vector<16xf32> to vector<16xf32>
        tpu.vector_store %arg5[%parallel_loop3A_511], %parallel_loop3A_514 {strides = array<i32>} : memref<78352xf32, #tpu.memory_space<vmem>>, vector<16xf32>,
        %parallel_loop3A_515 = arith.constant 128 : i32
        %parallel_loop3A_516 = arith.addi %parallel_loop3A_394, %parallel_loop3A_515 : i32
        %parallel_loop3A_517 = arith.constant 32 : i32
        %parallel_loop3A_518 = arith.addi %parallel_loop3A_516, %parallel_loop3A_517 : i32
        %parallel_loop3A_519 = arith.index_cast %parallel_loop3A_518 : i32 to index
        %parallel_loop3A_520 = tpu.vector_load %arg5[%parallel_loop3A_519] {strides = array<i32>} : memref<78352xf32, #tpu.memory_space<vmem>>, vector<16xf32>,
        %parallel_loop3A_521 = vector.shape_cast %parallel_loop3A_520 : vector<16xf32> to vector<16xf32>
        %parallel_loop3A_522 = arith.addf %parallel_loop3A_521, %broadcast_in_dim3A_314 : vector<16xf32>
        %parallel_loop3A_523 = arith.index_cast %parallel_loop3A_518 : i32 to index
        %parallel_loop3A_524 = tpu.vector_load %arg5[%parallel_loop3A_523] {strides = array<i32>} : memref<78352xf32, #tpu.memory_space<vmem>>, vector<16xf32>,
        %parallel_loop3A_525 = vector.shape_cast %parallel_loop3A_524 : vector<16xf32> to vector<16xf32>
        %parallel_loop3A_526 = vector.shape_cast %parallel_loop3A_522 : vector<16xf32> to vector<16xf32>
        tpu.vector_store %arg5[%parallel_loop3A_523], %parallel_loop3A_526 {strides = array<i32>} : memref<78352xf32, #tpu.memory_space<vmem>>, vector<16xf32>,
        %parallel_loop3A_527 = arith.constant 128 : i32
        %parallel_loop3A_528 = arith.addi %parallel_loop3A_394, %parallel_loop3A_527 : i32
        %parallel_loop3A_529 = arith.constant 48 : i32
        %parallel_loop3A_530 = arith.addi %parallel_loop3A_528, %parallel_loop3A_529 : i32
        %parallel_loop3A_531 = arith.index_cast %parallel_loop3A_530 : i32 to index
        %parallel_loop3A_532 = tpu.vector_load %arg5[%parallel_loop3A_531] {strides = array<i32>} : memref<78352xf32, #tpu.memory_space<vmem>>, vector<16xf32>,
        %parallel_loop3A_533 = vector.shape_cast %parallel_loop3A_532 : vector<16xf32> to vector<16xf32>
        %parallel_loop3A_534 = arith.addf %parallel_loop3A_533, %broadcast_in_dim3A_314 : vector<16xf32>
        %parallel_loop3A_535 = arith.index_cast %parallel_loop3A_530 : i32 to index
        %parallel_loop3A_536 = tpu.vector_load %arg5[%parallel_loop3A_535] {strides = array<i32>} : memref<78352xf32, #tpu.memory_space<vmem>>, vector<16xf32>,
        %parallel_loop3A_537 = vector.shape_cast %parallel_loop3A_536 : vector<16xf32> to vector<16xf32>
        %parallel_loop3A_538 = vector.shape_cast %parallel_loop3A_534 : vector<16xf32> to vector<16xf32>
        tpu.vector_store %arg5[%parallel_loop3A_535], %parallel_loop3A_538 {strides = array<i32>} : memref<78352xf32, #tpu.memory_space<vmem>>, vector<16xf32>,
        %parallel_loop3A_539 = arith.constant 128 : i32
        %parallel_loop3A_540 = arith.addi %parallel_loop3A_394, %parallel_loop3A_539 : i32
        %parallel_loop3A_541 = arith.constant 64 : i32
        %parallel_loop3A_542 = arith.addi %parallel_loop3A_540, %parallel_loop3A_541 : i32
        %parallel_loop3A_543 = arith.index_cast %parallel_loop3A_542 : i32 to index
        %parallel_loop3A_544 = tpu.vector_load %arg5[%parallel_loop3A_543] {strides = array<i32>} : memref<78352xf32, #tpu.memory_space<vmem>>, vector<16xf32>,
        %parallel_loop3A_545 = vector.shape_cast %parallel_loop3A_544 : vector<16xf32> to vector<16xf32>
        %parallel_loop3A_546 = arith.addf %parallel_loop3A_545, %broadcast_in_dim3A_314 : vector<16xf32>
        %parallel_loop3A_547 = arith.index_cast %parallel_loop3A_542 : i32 to index
        %parallel_loop3A_548 = tpu.vector_load %arg5[%parallel_loop3A_547] {strides = array<i32>} : memref<78352xf32, #tpu.memory_space<vmem>>, vector<16xf32>,
        %parallel_loop3A_549 = vector.shape_cast %parallel_loop3A_548 : vector<16xf32> to vector<16xf32>
        %parallel_loop3A_550 = vector.shape_cast %parallel_loop3A_546 : vector<16xf32> to vector<16xf32>
        tpu.vector_store %arg5[%parallel_loop3A_547], %parallel_loop3A_550 {strides = array<i32>} : memref<78352xf32, #tpu.memory_space<vmem>>, vector<16xf32>,
        %parallel_loop3A_551 = arith.constant 128 : i32
        %parallel_loop3A_552 = arith.addi %parallel_loop3A_394, %parallel_loop3A_551 : i32
        %parallel_loop3A_553 = arith.constant 80 : i32
        %parallel_loop3A_554 = arith.addi %parallel_loop3A_552, %parallel_loop3A_553 : i32
        %parallel_loop3A_555 = arith.index_cast %parallel_loop3A_554 : i32 to index
        %parallel_loop3A_556 = tpu.vector_load %arg5[%parallel_loop3A_555] {strides = array<i32>} : memref<78352xf32, #tpu.memory_space<vmem>>, vector<16xf32>,
        %parallel_loop3A_557 = vector.shape_cast %parallel_loop3A_556 : vector<16xf32> to vector<16xf32>
        %parallel_loop3A_558 = arith.addf %parallel_loop3A_557, %broadcast_in_dim3A_314 : vector<16xf32>
        %parallel_loop3A_559 = arith.index_cast %parallel_loop3A_554 : i32 to index
        %parallel_loop3A_560 = tpu.vector_load %arg5[%parallel_loop3A_559] {strides = array<i32>} : memref<78352xf32, #tpu.memory_space<vmem>>, vector<16xf32>,
        %parallel_loop3A_561 = vector.shape_cast %parallel_loop3A_560 : vector<16xf32> to vector<16xf32>
        %parallel_loop3A_562 = vector.shape_cast %parallel_loop3A_558 : vector<16xf32> to vector<16xf32>
        tpu.vector_store %arg5[%parallel_loop3A_559], %parallel_loop3A_562 {strides = array<i32>} : memref<78352xf32, #tpu.memory_space<vmem>>, vector<16xf32>,
        %parallel_loop3A_563 = arith.constant 128 : i32
        %parallel_loop3A_564 = arith.addi %parallel_loop3A_394, %parallel_loop3A_563 : i32
        %parallel_loop3A_565 = arith.constant 96 : i32
        %parallel_loop3A_566 = arith.addi %parallel_loop3A_564, %parallel_loop3A_565 : i32
        %parallel_loop3A_567 = arith.index_cast %parallel_loop3A_566 : i32 to index
        %parallel_loop3A_568 = tpu.vector_load %arg5[%parallel_loop3A_567] {strides = array<i32>} : memref<78352xf32, #tpu.memory_space<vmem>>, vector<16xf32>,
        %parallel_loop3A_569 = vector.shape_cast %parallel_loop3A_568 : vector<16xf32> to vector<16xf32>
        %parallel_loop3A_570 = arith.addf %parallel_loop3A_569, %broadcast_in_dim3A_314 : vector<16xf32>
        %parallel_loop3A_571 = arith.index_cast %parallel_loop3A_566 : i32 to index
        %parallel_loop3A_572 = tpu.vector_load %arg5[%parallel_loop3A_571] {strides = array<i32>} : memref<78352xf32, #tpu.memory_space<vmem>>, vector<16xf32>,
        %parallel_loop3A_573 = vector.shape_cast %parallel_loop3A_572 : vector<16xf32> to vector<16xf32>
        %parallel_loop3A_574 = vector.shape_cast %parallel_loop3A_570 : vector<16xf32> to vector<16xf32>
        tpu.vector_store %arg5[%parallel_loop3A_571], %parallel_loop3A_574 {strides = array<i32>} : memref<78352xf32, #tpu.memory_space<vmem>>, vector<16xf32>,
        %parallel_loop3A_575 = arith.constant 128 : i32
        %parallel_loop3A_576 = arith.addi %parallel_loop3A_394, %parallel_loop3A_575 : i32
        %parallel_loop3A_577 = arith.constant 112 : i32
        %parallel_loop3A_578 = arith.addi %parallel_loop3A_576, %parallel_loop3A_577 : i32
        %parallel_loop3A_579 = arith.index_cast %parallel_loop3A_578 : i32 to index
        %parallel_loop3A_580 = tpu.vector_load %arg5[%parallel_loop3A_579] {strides = array<i32>} : memref<78352xf32, #tpu.memory_space<vmem>>, vector<16xf32>,
        %parallel_loop3A_581 = vector.shape_cast %parallel_loop3A_580 : vector<16xf32> to vector<16xf32>
        %parallel_loop3A_582 = arith.addf %parallel_loop3A_581, %broadcast_in_dim3A_314 : vector<16xf32>
        %parallel_loop3A_583 = arith.index_cast %parallel_loop3A_578 : i32 to index
        %parallel_loop3A_584 = tpu.vector_load %arg5[%parallel_loop3A_583] {strides = array<i32>} : memref<78352xf32, #tpu.memory_space<vmem>>, vector<16xf32>,
        %parallel_loop3A_585 = vector.shape_cast %parallel_loop3A_584 : vector<16xf32> to vector<16xf32>
        %parallel_loop3A_586 = vector.shape_cast %parallel_loop3A_582 : vector<16xf32> to vector<16xf32>
        tpu.vector_store %arg5[%parallel_loop3A_583], %parallel_loop3A_586 {strides = array<i32>} : memref<78352xf32, #tpu.memory_space<vmem>>, vector<16xf32>,
        %parallel_loop3A_587 = arith.constant 256 : i32
        %parallel_loop3A_588 = arith.addi %parallel_loop3A_394, %parallel_loop3A_587 : i32
        %parallel_loop3A_589 = arith.constant 0 : i32
        %parallel_loop3A_590 = arith.addi %parallel_loop3A_588, %parallel_loop3A_589 : i32
        %parallel_loop3A_591 = arith.index_cast %parallel_loop3A_590 : i32 to index
        %parallel_loop3A_592 = tpu.vector_load %arg5[%parallel_loop3A_591] {strides = array<i32>} : memref<78352xf32, #tpu.memory_space<vmem>>, vector<16xf32>,
        %parallel_loop3A_593 = vector.shape_cast %parallel_loop3A_592 : vector<16xf32> to vector<16xf32>
        %parallel_loop3A_594 = arith.addf %parallel_loop3A_593, %broadcast_in_dim3A_317 : vector<16xf32>
        %parallel_loop3A_595 = arith.index_cast %parallel_loop3A_590 : i32 to index
        %parallel_loop3A_596 = tpu.vector_load %arg5[%parallel_loop3A_595] {strides = array<i32>} : memref<78352xf32, #tpu.memory_space<vmem>>, vector<16xf32>,
        %parallel_loop3A_597 = vector.shape_cast %parallel_loop3A_596 : vector<16xf32> to vector<16xf32>
        %parallel_loop3A_598 = vector.shape_cast %parallel_loop3A_594 : vector<16xf32> to vector<16xf32>
        tpu.vector_store %arg5[%parallel_loop3A_595], %parallel_loop3A_598 {strides = array<i32>} : memref<78352xf32, #tpu.memory_space<vmem>>, vector<16xf32>,
        %parallel_loop3A_599 = arith.constant 256 : i32
        %parallel_loop3A_600 = arith.addi %parallel_loop3A_394, %parallel_loop3A_599 : i32
        %parallel_loop3A_601 = arith.constant 16 : i32
        %parallel_loop3A_602 = arith.addi %parallel_loop3A_600, %parallel_loop3A_601 : i32
        %parallel_loop3A_603 = arith.index_cast %parallel_loop3A_602 : i32 to index
        %parallel_loop3A_604 = tpu.vector_load %arg5[%parallel_loop3A_603] {strides = array<i32>} : memref<78352xf32, #tpu.memory_space<vmem>>, vector<16xf32>,
        %parallel_loop3A_605 = vector.shape_cast %parallel_loop3A_604 : vector<16xf32> to vector<16xf32>
        %parallel_loop3A_606 = arith.addf %parallel_loop3A_605, %broadcast_in_dim3A_317 : vector<16xf32>
        %parallel_loop3A_607 = arith.index_cast %parallel_loop3A_602 : i32 to index
        %parallel_loop3A_608 = tpu.vector_load %arg5[%parallel_loop3A_607] {strides = array<i32>} : memref<78352xf32, #tpu.memory_space<vmem>>, vector<16xf32>,
        %parallel_loop3A_609 = vector.shape_cast %parallel_loop3A_608 : vector<16xf32> to vector<16xf32>
        %parallel_loop3A_610 = vector.shape_cast %parallel_loop3A_606 : vector<16xf32> to vector<16xf32>
        tpu.vector_store %arg5[%parallel_loop3A_607], %parallel_loop3A_610 {strides = array<i32>} : memref<78352xf32, #tpu.memory_space<vmem>>, vector<16xf32>,
        %parallel_loop3A_611 = arith.constant 256 : i32
        %parallel_loop3A_612 = arith.addi %parallel_loop3A_394, %parallel_loop3A_611 : i32
        %parallel_loop3A_613 = arith.constant 32 : i32
        %parallel_loop3A_614 = arith.addi %parallel_loop3A_612, %parallel_loop3A_613 : i32
        %parallel_loop3A_615 = arith.index_cast %parallel_loop3A_614 : i32 to index
        %parallel_loop3A_616 = tpu.vector_load %arg5[%parallel_loop3A_615] {strides = array<i32>} : memref<78352xf32, #tpu.memory_space<vmem>>, vector<16xf32>,
        %parallel_loop3A_617 = vector.shape_cast %parallel_loop3A_616 : vector<16xf32> to vector<16xf32>
        %parallel_loop3A_618 = arith.addf %parallel_loop3A_617, %broadcast_in_dim3A_317 : vector<16xf32>
        %parallel_loop3A_619 = arith.index_cast %parallel_loop3A_614 : i32 to index
        %parallel_loop3A_620 = tpu.vector_load %arg5[%parallel_loop3A_619] {strides = array<i32>} : memref<78352xf32, #tpu.memory_space<vmem>>, vector<16xf32>,
        %parallel_loop3A_621 = vector.shape_cast %parallel_loop3A_620 : vector<16xf32> to vector<16xf32>
        %parallel_loop3A_622 = vector.shape_cast %parallel_loop3A_618 : vector<16xf32> to vector<16xf32>
        tpu.vector_store %arg5[%parallel_loop3A_619], %parallel_loop3A_622 {strides = array<i32>} : memref<78352xf32, #tpu.memory_space<vmem>>, vector<16xf32>,
        %parallel_loop3A_623 = arith.constant 256 : i32
        %parallel_loop3A_624 = arith.addi %parallel_loop3A_394, %parallel_loop3A_623 : i32
        %parallel_loop3A_625 = arith.constant 48 : i32
        %parallel_loop3A_626 = arith.addi %parallel_loop3A_624, %parallel_loop3A_625 : i32
        %parallel_loop3A_627 = arith.index_cast %parallel_loop3A_626 : i32 to index
        %parallel_loop3A_628 = tpu.vector_load %arg5[%parallel_loop3A_627] {strides = array<i32>} : memref<78352xf32, #tpu.memory_space<vmem>>, vector<16xf32>,
        %parallel_loop3A_629 = vector.shape_cast %parallel_loop3A_628 : vector<16xf32> to vector<16xf32>
        %parallel_loop3A_630 = arith.addf %parallel_loop3A_629, %broadcast_in_dim3A_317 : vector<16xf32>
        %parallel_loop3A_631 = arith.index_cast %parallel_loop3A_626 : i32 to index
        %parallel_loop3A_632 = tpu.vector_load %arg5[%parallel_loop3A_631] {strides = array<i32>} : memref<78352xf32, #tpu.memory_space<vmem>>, vector<16xf32>,
        %parallel_loop3A_633 = vector.shape_cast %parallel_loop3A_632 : vector<16xf32> to vector<16xf32>
        %parallel_loop3A_634 = vector.shape_cast %parallel_loop3A_630 : vector<16xf32> to vector<16xf32>
        tpu.vector_store %arg5[%parallel_loop3A_631], %parallel_loop3A_634 {strides = array<i32>} : memref<78352xf32, #tpu.memory_space<vmem>>, vector<16xf32>,
        %parallel_loop3A_635 = arith.constant 256 : i32
        %parallel_loop3A_636 = arith.addi %parallel_loop3A_394, %parallel_loop3A_635 : i32
        %parallel_loop3A_637 = arith.constant 64 : i32
        %parallel_loop3A_638 = arith.addi %parallel_loop3A_636, %parallel_loop3A_637 : i32
        %parallel_loop3A_639 = arith.index_cast %parallel_loop3A_638 : i32 to index
        %parallel_loop3A_640 = tpu.vector_load %arg5[%parallel_loop3A_639] {strides = array<i32>} : memref<78352xf32, #tpu.memory_space<vmem>>, vector<16xf32>,
        %parallel_loop3A_641 = vector.shape_cast %parallel_loop3A_640 : vector<16xf32> to vector<16xf32>
        %parallel_loop3A_642 = arith.addf %parallel_loop3A_641, %broadcast_in_dim3A_317 : vector<16xf32>
        %parallel_loop3A_643 = arith.index_cast %parallel_loop3A_638 : i32 to index
        %parallel_loop3A_644 = tpu.vector_load %arg5[%parallel_loop3A_643] {strides = array<i32>} : memref<78352xf32, #tpu.memory_space<vmem>>, vector<16xf32>,
        %parallel_loop3A_645 = vector.shape_cast %parallel_loop3A_644 : vector<16xf32> to vector<16xf32>
        %parallel_loop3A_646 = vector.shape_cast %parallel_loop3A_642 : vector<16xf32> to vector<16xf32>
        tpu.vector_store %arg5[%parallel_loop3A_643], %parallel_loop3A_646 {strides = array<i32>} : memref<78352xf32, #tpu.memory_space<vmem>>, vector<16xf32>,
        %parallel_loop3A_647 = arith.constant 256 : i32
        %parallel_loop3A_648 = arith.addi %parallel_loop3A_394, %parallel_loop3A_647 : i32
        %parallel_loop3A_649 = arith.constant 80 : i32
        %parallel_loop3A_650 = arith.addi %parallel_loop3A_648, %parallel_loop3A_649 : i32
        %parallel_loop3A_651 = arith.index_cast %parallel_loop3A_650 : i32 to index
        %parallel_loop3A_652 = tpu.vector_load %arg5[%parallel_loop3A_651] {strides = array<i32>} : memref<78352xf32, #tpu.memory_space<vmem>>, vector<16xf32>,
        %parallel_loop3A_653 = vector.shape_cast %parallel_loop3A_652 : vector<16xf32> to vector<16xf32>
        %parallel_loop3A_654 = arith.addf %parallel_loop3A_653, %broadcast_in_dim3A_317 : vector<16xf32>
        %parallel_loop3A_655 = arith.index_cast %parallel_loop3A_650 : i32 to index
        %parallel_loop3A_656 = tpu.vector_load %arg5[%parallel_loop3A_655] {strides = array<i32>} : memref<78352xf32, #tpu.memory_space<vmem>>, vector<16xf32>,
        %parallel_loop3A_657 = vector.shape_cast %parallel_loop3A_656 : vector<16xf32> to vector<16xf32>
        %parallel_loop3A_658 = vector.shape_cast %parallel_loop3A_654 : vector<16xf32> to vector<16xf32>
        tpu.vector_store %arg5[%parallel_loop3A_655], %parallel_loop3A_658 {strides = array<i32>} : memref<78352xf32, #tpu.memory_space<vmem>>, vector<16xf32>,
        %parallel_loop3A_659 = arith.constant 256 : i32
        %parallel_loop3A_660 = arith.addi %parallel_loop3A_394, %parallel_loop3A_659 : i32
        %parallel_loop3A_661 = arith.constant 96 : i32
        %parallel_loop3A_662 = arith.addi %parallel_loop3A_660, %parallel_loop3A_661 : i32
        %parallel_loop3A_663 = arith.index_cast %parallel_loop3A_662 : i32 to index
        %parallel_loop3A_664 = tpu.vector_load %arg5[%parallel_loop3A_663] {strides = array<i32>} : memref<78352xf32, #tpu.memory_space<vmem>>, vector<16xf32>,
        %parallel_loop3A_665 = vector.shape_cast %parallel_loop3A_664 : vector<16xf32> to vector<16xf32>
        %parallel_loop3A_666 = arith.addf %parallel_loop3A_665, %broadcast_in_dim3A_317 : vector<16xf32>
        %parallel_loop3A_667 = arith.index_cast %parallel_loop3A_662 : i32 to index
        %parallel_loop3A_668 = tpu.vector_load %arg5[%parallel_loop3A_667] {strides = array<i32>} : memref<78352xf32, #tpu.memory_space<vmem>>, vector<16xf32>,
        %parallel_loop3A_669 = vector.shape_cast %parallel_loop3A_668 : vector<16xf32> to vector<16xf32>
        %parallel_loop3A_670 = vector.shape_cast %parallel_loop3A_666 : vector<16xf32> to vector<16xf32>
        tpu.vector_store %arg5[%parallel_loop3A_667], %parallel_loop3A_670 {strides = array<i32>} : memref<78352xf32, #tpu.memory_space<vmem>>, vector<16xf32>,
        %parallel_loop3A_671 = arith.constant 256 : i32
        %parallel_loop3A_672 = arith.addi %parallel_loop3A_394, %parallel_loop3A_671 : i32
        %parallel_loop3A_673 = arith.constant 112 : i32
        %parallel_loop3A_674 = arith.addi %parallel_loop3A_672, %parallel_loop3A_673 : i32
        %parallel_loop3A_675 = arith.index_cast %parallel_loop3A_674 : i32 to index
        %parallel_loop3A_676 = tpu.vector_load %arg5[%parallel_loop3A_675] {strides = array<i32>} : memref<78352xf32, #tpu.memory_space<vmem>>, vector<16xf32>,
        %parallel_loop3A_677 = vector.shape_cast %parallel_loop3A_676 : vector<16xf32> to vector<16xf32>
        %parallel_loop3A_678 = arith.addf %parallel_loop3A_677, %broadcast_in_dim3A_317 : vector<16xf32>
        %parallel_loop3A_679 = arith.index_cast %parallel_loop3A_674 : i32 to index
        %parallel_loop3A_680 = tpu.vector_load %arg5[%parallel_loop3A_679] {strides = array<i32>} : memref<78352xf32, #tpu.memory_space<vmem>>, vector<16xf32>,
        %parallel_loop3A_681 = vector.shape_cast %parallel_loop3A_680 : vector<16xf32> to vector<16xf32>
        %parallel_loop3A_682 = vector.shape_cast %parallel_loop3A_678 : vector<16xf32> to vector<16xf32>
        tpu.vector_store %arg5[%parallel_loop3A_679], %parallel_loop3A_682 {strides = array<i32>} : memref<78352xf32, #tpu.memory_space<vmem>>, vector<16xf32>,
        %parallel_loop3A_683 = arith.constant 384 : i32
        %parallel_loop3A_684 = arith.addi %parallel_loop3A_394, %parallel_loop3A_683 : i32
        %parallel_loop3A_685 = arith.constant 0 : i32
        %parallel_loop3A_686 = arith.addi %parallel_loop3A_684, %parallel_loop3A_685 : i32
        %parallel_loop3A_687 = arith.index_cast %parallel_loop3A_686 : i32 to index
        %parallel_loop3A_688 = tpu.vector_load %arg5[%parallel_loop3A_687] {strides = array<i32>} : memref<78352xf32, #tpu.memory_space<vmem>>, vector<16xf32>,
        %parallel_loop3A_689 = vector.shape_cast %parallel_loop3A_688 : vector<16xf32> to vector<16xf32>
        %parallel_loop3A_690 = arith.addf %parallel_loop3A_689, %broadcast_in_dim3A_320 : vector<16xf32>
        %parallel_loop3A_691 = arith.index_cast %parallel_loop3A_686 : i32 to index
        %parallel_loop3A_692 = tpu.vector_load %arg5[%parallel_loop3A_691] {strides = array<i32>} : memref<78352xf32, #tpu.memory_space<vmem>>, vector<16xf32>,
        %parallel_loop3A_693 = vector.shape_cast %parallel_loop3A_692 : vector<16xf32> to vector<16xf32>
        %parallel_loop3A_694 = vector.shape_cast %parallel_loop3A_690 : vector<16xf32> to vector<16xf32>
        tpu.vector_store %arg5[%parallel_loop3A_691], %parallel_loop3A_694 {strides = array<i32>} : memref<78352xf32, #tpu.memory_space<vmem>>, vector<16xf32>,
        %parallel_loop3A_695 = arith.constant 384 : i32
        %parallel_loop3A_696 = arith.addi %parallel_loop3A_394, %parallel_loop3A_695 : i32
        %parallel_loop3A_697 = arith.constant 16 : i32
        %parallel_loop3A_698 = arith.addi %parallel_loop3A_696, %parallel_loop3A_697 : i32
        %parallel_loop3A_699 = arith.index_cast %parallel_loop3A_698 : i32 to index
        %parallel_loop3A_700 = tpu.vector_load %arg5[%parallel_loop3A_699] {strides = array<i32>} : memref<78352xf32, #tpu.memory_space<vmem>>, vector<16xf32>,
        %parallel_loop3A_701 = vector.shape_cast %parallel_loop3A_700 : vector<16xf32> to vector<16xf32>
        %parallel_loop3A_702 = arith.addf %parallel_loop3A_701, %broadcast_in_dim3A_320 : vector<16xf32>
        %parallel_loop3A_703 = arith.index_cast %parallel_loop3A_698 : i32 to index
        %parallel_loop3A_704 = tpu.vector_load %arg5[%parallel_loop3A_703] {strides = array<i32>} : memref<78352xf32, #tpu.memory_space<vmem>>, vector<16xf32>,
        %parallel_loop3A_705 = vector.shape_cast %parallel_loop3A_704 : vector<16xf32> to vector<16xf32>
        %parallel_loop3A_706 = vector.shape_cast %parallel_loop3A_702 : vector<16xf32> to vector<16xf32>
        tpu.vector_store %arg5[%parallel_loop3A_703], %parallel_loop3A_706 {strides = array<i32>} : memref<78352xf32, #tpu.memory_space<vmem>>, vector<16xf32>,
        %parallel_loop3A_707 = arith.constant 384 : i32
        %parallel_loop3A_708 = arith.addi %parallel_loop3A_394, %parallel_loop3A_707 : i32
        %parallel_loop3A_709 = arith.constant 32 : i32
        %parallel_loop3A_710 = arith.addi %parallel_loop3A_708, %parallel_loop3A_709 : i32
        %parallel_loop3A_711 = arith.index_cast %parallel_loop3A_710 : i32 to index
        %parallel_loop3A_712 = tpu.vector_load %arg5[%parallel_loop3A_711] {strides = array<i32>} : memref<78352xf32, #tpu.memory_space<vmem>>, vector<16xf32>,
        %parallel_loop3A_713 = vector.shape_cast %parallel_loop3A_712 : vector<16xf32> to vector<16xf32>
        %parallel_loop3A_714 = arith.addf %parallel_loop3A_713, %broadcast_in_dim3A_320 : vector<16xf32>
        %parallel_loop3A_715 = arith.index_cast %parallel_loop3A_710 : i32 to index
        %parallel_loop3A_716 = tpu.vector_load %arg5[%parallel_loop3A_715] {strides = array<i32>} : memref<78352xf32, #tpu.memory_space<vmem>>, vector<16xf32>,
        %parallel_loop3A_717 = vector.shape_cast %parallel_loop3A_716 : vector<16xf32> to vector<16xf32>
        %parallel_loop3A_718 = vector.shape_cast %parallel_loop3A_714 : vector<16xf32> to vector<16xf32>
        tpu.vector_store %arg5[%parallel_loop3A_715], %parallel_loop3A_718 {strides = array<i32>} : memref<78352xf32, #tpu.memory_space<vmem>>, vector<16xf32>,
        %parallel_loop3A_719 = arith.constant 384 : i32
        %parallel_loop3A_720 = arith.addi %parallel_loop3A_394, %parallel_loop3A_719 : i32
        %parallel_loop3A_721 = arith.constant 48 : i32
        %parallel_loop3A_722 = arith.addi %parallel_loop3A_720, %parallel_loop3A_721 : i32
        %parallel_loop3A_723 = arith.index_cast %parallel_loop3A_722 : i32 to index
        %parallel_loop3A_724 = tpu.vector_load %arg5[%parallel_loop3A_723] {strides = array<i32>} : memref<78352xf32, #tpu.memory_space<vmem>>, vector<16xf32>,
        %parallel_loop3A_725 = vector.shape_cast %parallel_loop3A_724 : vector<16xf32> to vector<16xf32>
        %parallel_loop3A_726 = arith.addf %parallel_loop3A_725, %broadcast_in_dim3A_320 : vector<16xf32>
        %parallel_loop3A_727 = arith.index_cast %parallel_loop3A_722 : i32 to index
        %parallel_loop3A_728 = tpu.vector_load %arg5[%parallel_loop3A_727] {strides = array<i32>} : memref<78352xf32, #tpu.memory_space<vmem>>, vector<16xf32>,
        %parallel_loop3A_729 = vector.shape_cast %parallel_loop3A_728 : vector<16xf32> to vector<16xf32>
        %parallel_loop3A_730 = vector.shape_cast %parallel_loop3A_726 : vector<16xf32> to vector<16xf32>
        tpu.vector_store %arg5[%parallel_loop3A_727], %parallel_loop3A_730 {strides = array<i32>} : memref<78352xf32, #tpu.memory_space<vmem>>, vector<16xf32>,
        %parallel_loop3A_731 = arith.constant 384 : i32
        %parallel_loop3A_732 = arith.addi %parallel_loop3A_394, %parallel_loop3A_731 : i32
        %parallel_loop3A_733 = arith.constant 64 : i32
        %parallel_loop3A_734 = arith.addi %parallel_loop3A_732, %parallel_loop3A_733 : i32
        %parallel_loop3A_735 = arith.index_cast %parallel_loop3A_734 : i32 to index
        %parallel_loop3A_736 = tpu.vector_load %arg5[%parallel_loop3A_735] {strides = array<i32>} : memref<78352xf32, #tpu.memory_space<vmem>>, vector<16xf32>,
        %parallel_loop3A_737 = vector.shape_cast %parallel_loop3A_736 : vector<16xf32> to vector<16xf32>
        %parallel_loop3A_738 = arith.addf %parallel_loop3A_737, %broadcast_in_dim3A_320 : vector<16xf32>
        %parallel_loop3A_739 = arith.index_cast %parallel_loop3A_734 : i32 to index
        %parallel_loop3A_740 = tpu.vector_load %arg5[%parallel_loop3A_739] {strides = array<i32>} : memref<78352xf32, #tpu.memory_space<vmem>>, vector<16xf32>,
        %parallel_loop3A_741 = vector.shape_cast %parallel_loop3A_740 : vector<16xf32> to vector<16xf32>
        %parallel_loop3A_742 = vector.shape_cast %parallel_loop3A_738 : vector<16xf32> to vector<16xf32>
        tpu.vector_store %arg5[%parallel_loop3A_739], %parallel_loop3A_742 {strides = array<i32>} : memref<78352xf32, #tpu.memory_space<vmem>>, vector<16xf32>,
        %parallel_loop3A_743 = arith.constant 384 : i32
        %parallel_loop3A_744 = arith.addi %parallel_loop3A_394, %parallel_loop3A_743 : i32
        %parallel_loop3A_745 = arith.constant 80 : i32
        %parallel_loop3A_746 = arith.addi %parallel_loop3A_744, %parallel_loop3A_745 : i32
        %parallel_loop3A_747 = arith.index_cast %parallel_loop3A_746 : i32 to index
        %parallel_loop3A_748 = tpu.vector_load %arg5[%parallel_loop3A_747] {strides = array<i32>} : memref<78352xf32, #tpu.memory_space<vmem>>, vector<16xf32>,
        %parallel_loop3A_749 = vector.shape_cast %parallel_loop3A_748 : vector<16xf32> to vector<16xf32>
        %parallel_loop3A_750 = arith.addf %parallel_loop3A_749, %broadcast_in_dim3A_320 : vector<16xf32>
        %parallel_loop3A_751 = arith.index_cast %parallel_loop3A_746 : i32 to index
        %parallel_loop3A_752 = tpu.vector_load %arg5[%parallel_loop3A_751] {strides = array<i32>} : memref<78352xf32, #tpu.memory_space<vmem>>, vector<16xf32>,
        %parallel_loop3A_753 = vector.shape_cast %parallel_loop3A_752 : vector<16xf32> to vector<16xf32>
        %parallel_loop3A_754 = vector.shape_cast %parallel_loop3A_750 : vector<16xf32> to vector<16xf32>
        tpu.vector_store %arg5[%parallel_loop3A_751], %parallel_loop3A_754 {strides = array<i32>} : memref<78352xf32, #tpu.memory_space<vmem>>, vector<16xf32>,
        %parallel_loop3A_755 = arith.constant 384 : i32
        %parallel_loop3A_756 = arith.addi %parallel_loop3A_394, %parallel_loop3A_755 : i32
        %parallel_loop3A_757 = arith.constant 96 : i32
        %parallel_loop3A_758 = arith.addi %parallel_loop3A_756, %parallel_loop3A_757 : i32
        %parallel_loop3A_759 = arith.index_cast %parallel_loop3A_758 : i32 to index
        %parallel_loop3A_760 = tpu.vector_load %arg5[%parallel_loop3A_759] {strides = array<i32>} : memref<78352xf32, #tpu.memory_space<vmem>>, vector<16xf32>,
        %parallel_loop3A_761 = vector.shape_cast %parallel_loop3A_760 : vector<16xf32> to vector<16xf32>
        %parallel_loop3A_762 = arith.addf %parallel_loop3A_761, %broadcast_in_dim3A_320 : vector<16xf32>
        %parallel_loop3A_763 = arith.index_cast %parallel_loop3A_758 : i32 to index
        %parallel_loop3A_764 = tpu.vector_load %arg5[%parallel_loop3A_763] {strides = array<i32>} : memref<78352xf32, #tpu.memory_space<vmem>>, vector<16xf32>,
        %parallel_loop3A_765 = vector.shape_cast %parallel_loop3A_764 : vector<16xf32> to vector<16xf32>
        %parallel_loop3A_766 = vector.shape_cast %parallel_loop3A_762 : vector<16xf32> to vector<16xf32>
        tpu.vector_store %arg5[%parallel_loop3A_763], %parallel_loop3A_766 {strides = array<i32>} : memref<78352xf32, #tpu.memory_space<vmem>>, vector<16xf32>,
        %parallel_loop3A_767 = arith.constant 384 : i32
        %parallel_loop3A_768 = arith.addi %parallel_loop3A_394, %parallel_loop3A_767 : i32
        %parallel_loop3A_769 = arith.constant 112 : i32
        %parallel_loop3A_770 = arith.addi %parallel_loop3A_768, %parallel_loop3A_769 : i32
        %parallel_loop3A_771 = arith.index_cast %parallel_loop3A_770 : i32 to index
        %parallel_loop3A_772 = tpu.vector_load %arg5[%parallel_loop3A_771] {strides = array<i32>} : memref<78352xf32, #tpu.memory_space<vmem>>, vector<16xf32>,
        %parallel_loop3A_773 = vector.shape_cast %parallel_loop3A_772 : vector<16xf32> to vector<16xf32>
        %parallel_loop3A_774 = arith.addf %parallel_loop3A_773, %broadcast_in_dim3A_320 : vector<16xf32>
        %parallel_loop3A_775 = arith.index_cast %parallel_loop3A_770 : i32 to index
        %parallel_loop3A_776 = tpu.vector_load %arg5[%parallel_loop3A_775] {strides = array<i32>} : memref<78352xf32, #tpu.memory_space<vmem>>, vector<16xf32>,
        %parallel_loop3A_777 = vector.shape_cast %parallel_loop3A_776 : vector<16xf32> to vector<16xf32>
        %parallel_loop3A_778 = vector.shape_cast %parallel_loop3A_774 : vector<16xf32> to vector<16xf32>
        tpu.vector_store %arg5[%parallel_loop3A_775], %parallel_loop3A_778 {strides = array<i32>} : memref<78352xf32, #tpu.memory_space<vmem>>, vector<16xf32>,
        %parallel_loop3A_779 = arith.constant 512 : i32
        %parallel_loop3A_780 = arith.addi %parallel_loop3A_394, %parallel_loop3A_779 : i32
        %parallel_loop3A_781 = arith.constant 0 : i32
        %parallel_loop3A_782 = arith.addi %parallel_loop3A_780, %parallel_loop3A_781 : i32
        %parallel_loop3A_783 = arith.index_cast %parallel_loop3A_782 : i32 to index
        %parallel_loop3A_784 = tpu.vector_load %arg5[%parallel_loop3A_783] {strides = array<i32>} : memref<78352xf32, #tpu.memory_space<vmem>>, vector<16xf32>,
        %parallel_loop3A_785 = vector.shape_cast %parallel_loop3A_784 : vector<16xf32> to vector<16xf32>
        %parallel_loop3A_786 = arith.addf %parallel_loop3A_785, %broadcast_in_dim3A_323 : vector<16xf32>
        %parallel_loop3A_787 = arith.index_cast %parallel_loop3A_782 : i32 to index
        %parallel_loop3A_788 = tpu.vector_load %arg5[%parallel_loop3A_787] {strides = array<i32>} : memref<78352xf32, #tpu.memory_space<vmem>>, vector<16xf32>,
        %parallel_loop3A_789 = vector.shape_cast %parallel_loop3A_788 : vector<16xf32> to vector<16xf32>
        %parallel_loop3A_790 = vector.shape_cast %parallel_loop3A_786 : vector<16xf32> to vector<16xf32>
        tpu.vector_store %arg5[%parallel_loop3A_787], %parallel_loop3A_790 {strides = array<i32>} : memref<78352xf32, #tpu.memory_space<vmem>>, vector<16xf32>,
        %parallel_loop3A_791 = arith.constant 512 : i32
        %parallel_loop3A_792 = arith.addi %parallel_loop3A_394, %parallel_loop3A_791 : i32
        %parallel_loop3A_793 = arith.constant 16 : i32
        %parallel_loop3A_794 = arith.addi %parallel_loop3A_792, %parallel_loop3A_793 : i32
        %parallel_loop3A_795 = arith.index_cast %parallel_loop3A_794 : i32 to index
        %parallel_loop3A_796 = tpu.vector_load %arg5[%parallel_loop3A_795] {strides = array<i32>} : memref<78352xf32, #tpu.memory_space<vmem>>, vector<16xf32>,
        %parallel_loop3A_797 = vector.shape_cast %parallel_loop3A_796 : vector<16xf32> to vector<16xf32>
        %parallel_loop3A_798 = arith.addf %parallel_loop3A_797, %broadcast_in_dim3A_323 : vector<16xf32>
        %parallel_loop3A_799 = arith.index_cast %parallel_loop3A_794 : i32 to index
        %parallel_loop3A_800 = tpu.vector_load %arg5[%parallel_loop3A_799] {strides = array<i32>} : memref<78352xf32, #tpu.memory_space<vmem>>, vector<16xf32>,
        %parallel_loop3A_801 = vector.shape_cast %parallel_loop3A_800 : vector<16xf32> to vector<16xf32>
        %parallel_loop3A_802 = vector.shape_cast %parallel_loop3A_798 : vector<16xf32> to vector<16xf32>
        tpu.vector_store %arg5[%parallel_loop3A_799], %parallel_loop3A_802 {strides = array<i32>} : memref<78352xf32, #tpu.memory_space<vmem>>, vector<16xf32>,
        %parallel_loop3A_803 = arith.constant 512 : i32
        %parallel_loop3A_804 = arith.addi %parallel_loop3A_394, %parallel_loop3A_803 : i32
        %parallel_loop3A_805 = arith.constant 32 : i32
        %parallel_loop3A_806 = arith.addi %parallel_loop3A_804, %parallel_loop3A_805 : i32
        %parallel_loop3A_807 = arith.index_cast %parallel_loop3A_806 : i32 to index
        %parallel_loop3A_808 = tpu.vector_load %arg5[%parallel_loop3A_807] {strides = array<i32>} : memref<78352xf32, #tpu.memory_space<vmem>>, vector<16xf32>,
        %parallel_loop3A_809 = vector.shape_cast %parallel_loop3A_808 : vector<16xf32> to vector<16xf32>
        %parallel_loop3A_810 = arith.addf %parallel_loop3A_809, %broadcast_in_dim3A_323 : vector<16xf32>
        %parallel_loop3A_811 = arith.index_cast %parallel_loop3A_806 : i32 to index
        %parallel_loop3A_812 = tpu.vector_load %arg5[%parallel_loop3A_811] {strides = array<i32>} : memref<78352xf32, #tpu.memory_space<vmem>>, vector<16xf32>,
        %parallel_loop3A_813 = vector.shape_cast %parallel_loop3A_812 : vector<16xf32> to vector<16xf32>
        %parallel_loop3A_814 = vector.shape_cast %parallel_loop3A_810 : vector<16xf32> to vector<16xf32>
        tpu.vector_store %arg5[%parallel_loop3A_811], %parallel_loop3A_814 {strides = array<i32>} : memref<78352xf32, #tpu.memory_space<vmem>>, vector<16xf32>,
        %parallel_loop3A_815 = arith.constant 512 : i32
        %parallel_loop3A_816 = arith.addi %parallel_loop3A_394, %parallel_loop3A_815 : i32
        %parallel_loop3A_817 = arith.constant 48 : i32
        %parallel_loop3A_818 = arith.addi %parallel_loop3A_816, %parallel_loop3A_817 : i32
        %parallel_loop3A_819 = arith.index_cast %parallel_loop3A_818 : i32 to index
        %parallel_loop3A_820 = tpu.vector_load %arg5[%parallel_loop3A_819] {strides = array<i32>} : memref<78352xf32, #tpu.memory_space<vmem>>, vector<16xf32>,
        %parallel_loop3A_821 = vector.shape_cast %parallel_loop3A_820 : vector<16xf32> to vector<16xf32>
        %parallel_loop3A_822 = arith.addf %parallel_loop3A_821, %broadcast_in_dim3A_323 : vector<16xf32>
        %parallel_loop3A_823 = arith.index_cast %parallel_loop3A_818 : i32 to index
        %parallel_loop3A_824 = tpu.vector_load %arg5[%parallel_loop3A_823] {strides = array<i32>} : memref<78352xf32, #tpu.memory_space<vmem>>, vector<16xf32>,
        %parallel_loop3A_825 = vector.shape_cast %parallel_loop3A_824 : vector<16xf32> to vector<16xf32>
        %parallel_loop3A_826 = vector.shape_cast %parallel_loop3A_822 : vector<16xf32> to vector<16xf32>
        tpu.vector_store %arg5[%parallel_loop3A_823], %parallel_loop3A_826 {strides = array<i32>} : memref<78352xf32, #tpu.memory_space<vmem>>, vector<16xf32>,
        %parallel_loop3A_827 = arith.constant 512 : i32
        %parallel_loop3A_828 = arith.addi %parallel_loop3A_394, %parallel_loop3A_827 : i32
        %parallel_loop3A_829 = arith.constant 64 : i32
        %parallel_loop3A_830 = arith.addi %parallel_loop3A_828, %parallel_loop3A_829 : i32
        %parallel_loop3A_831 = arith.index_cast %parallel_loop3A_830 : i32 to index
        %parallel_loop3A_832 = tpu.vector_load %arg5[%parallel_loop3A_831] {strides = array<i32>} : memref<78352xf32, #tpu.memory_space<vmem>>, vector<16xf32>,
        %parallel_loop3A_833 = vector.shape_cast %parallel_loop3A_832 : vector<16xf32> to vector<16xf32>
        %parallel_loop3A_834 = arith.addf %parallel_loop3A_833, %broadcast_in_dim3A_323 : vector<16xf32>
        %parallel_loop3A_835 = arith.index_cast %parallel_loop3A_830 : i32 to index
        %parallel_loop3A_836 = tpu.vector_load %arg5[%parallel_loop3A_835] {strides = array<i32>} : memref<78352xf32, #tpu.memory_space<vmem>>, vector<16xf32>,
        %parallel_loop3A_837 = vector.shape_cast %parallel_loop3A_836 : vector<16xf32> to vector<16xf32>
        %parallel_loop3A_838 = vector.shape_cast %parallel_loop3A_834 : vector<16xf32> to vector<16xf32>
        tpu.vector_store %arg5[%parallel_loop3A_835], %parallel_loop3A_838 {strides = array<i32>} : memref<78352xf32, #tpu.memory_space<vmem>>, vector<16xf32>,
        %parallel_loop3A_839 = arith.constant 512 : i32
        %parallel_loop3A_840 = arith.addi %parallel_loop3A_394, %parallel_loop3A_839 : i32
        %parallel_loop3A_841 = arith.constant 80 : i32
        %parallel_loop3A_842 = arith.addi %parallel_loop3A_840, %parallel_loop3A_841 : i32
        %parallel_loop3A_843 = arith.index_cast %parallel_loop3A_842 : i32 to index
        %parallel_loop3A_844 = tpu.vector_load %arg5[%parallel_loop3A_843] {strides = array<i32>} : memref<78352xf32, #tpu.memory_space<vmem>>, vector<16xf32>,
        %parallel_loop3A_845 = vector.shape_cast %parallel_loop3A_844 : vector<16xf32> to vector<16xf32>
        %parallel_loop3A_846 = arith.addf %parallel_loop3A_845, %broadcast_in_dim3A_323 : vector<16xf32>
        %parallel_loop3A_847 = arith.index_cast %parallel_loop3A_842 : i32 to index
        %parallel_loop3A_848 = tpu.vector_load %arg5[%parallel_loop3A_847] {strides = array<i32>} : memref<78352xf32, #tpu.memory_space<vmem>>, vector<16xf32>,
        %parallel_loop3A_849 = vector.shape_cast %parallel_loop3A_848 : vector<16xf32> to vector<16xf32>
        %parallel_loop3A_850 = vector.shape_cast %parallel_loop3A_846 : vector<16xf32> to vector<16xf32>
        tpu.vector_store %arg5[%parallel_loop3A_847], %parallel_loop3A_850 {strides = array<i32>} : memref<78352xf32, #tpu.memory_space<vmem>>, vector<16xf32>,
        %parallel_loop3A_851 = arith.constant 512 : i32
        %parallel_loop3A_852 = arith.addi %parallel_loop3A_394, %parallel_loop3A_851 : i32
        %parallel_loop3A_853 = arith.constant 96 : i32
        %parallel_loop3A_854 = arith.addi %parallel_loop3A_852, %parallel_loop3A_853 : i32
        %parallel_loop3A_855 = arith.index_cast %parallel_loop3A_854 : i32 to index
        %parallel_loop3A_856 = tpu.vector_load %arg5[%parallel_loop3A_855] {strides = array<i32>} : memref<78352xf32, #tpu.memory_space<vmem>>, vector<16xf32>,
        %parallel_loop3A_857 = vector.shape_cast %parallel_loop3A_856 : vector<16xf32> to vector<16xf32>
        %parallel_loop3A_858 = arith.addf %parallel_loop3A_857, %broadcast_in_dim3A_323 : vector<16xf32>
        %parallel_loop3A_859 = arith.index_cast %parallel_loop3A_854 : i32 to index
        %parallel_loop3A_860 = tpu.vector_load %arg5[%parallel_loop3A_859] {strides = array<i32>} : memref<78352xf32, #tpu.memory_space<vmem>>, vector<16xf32>,
        %parallel_loop3A_861 = vector.shape_cast %parallel_loop3A_860 : vector<16xf32> to vector<16xf32>
        %parallel_loop3A_862 = vector.shape_cast %parallel_loop3A_858 : vector<16xf32> to vector<16xf32>
        tpu.vector_store %arg5[%parallel_loop3A_859], %parallel_loop3A_862 {strides = array<i32>} : memref<78352xf32, #tpu.memory_space<vmem>>, vector<16xf32>,
        %parallel_loop3A_863 = arith.constant 512 : i32
        %parallel_loop3A_864 = arith.addi %parallel_loop3A_394, %parallel_loop3A_863 : i32
        %parallel_loop3A_865 = arith.constant 112 : i32
        %parallel_loop3A_866 = arith.addi %parallel_loop3A_864, %parallel_loop3A_865 : i32
        %parallel_loop3A_867 = arith.index_cast %parallel_loop3A_866 : i32 to index
        %parallel_loop3A_868 = tpu.vector_load %arg5[%parallel_loop3A_867] {strides = array<i32>} : memref<78352xf32, #tpu.memory_space<vmem>>, vector<16xf32>,
        %parallel_loop3A_869 = vector.shape_cast %parallel_loop3A_868 : vector<16xf32> to vector<16xf32>
        %parallel_loop3A_870 = arith.addf %parallel_loop3A_869, %broadcast_in_dim3A_323 : vector<16xf32>
        %parallel_loop3A_871 = arith.index_cast %parallel_loop3A_866 : i32 to index
        %parallel_loop3A_872 = tpu.vector_load %arg5[%parallel_loop3A_871] {strides = array<i32>} : memref<78352xf32, #tpu.memory_space<vmem>>, vector<16xf32>,
        %parallel_loop3A_873 = vector.shape_cast %parallel_loop3A_872 : vector<16xf32> to vector<16xf32>
        %parallel_loop3A_874 = vector.shape_cast %parallel_loop3A_870 : vector<16xf32> to vector<16xf32>
        tpu.vector_store %arg5[%parallel_loop3A_871], %parallel_loop3A_874 {strides = array<i32>} : memref<78352xf32, #tpu.memory_space<vmem>>, vector<16xf32>,
        %parallel_loop3A_875 = arith.constant 640 : i32
        %parallel_loop3A_876 = arith.addi %parallel_loop3A_394, %parallel_loop3A_875 : i32
        %parallel_loop3A_877 = arith.constant 0 : i32
        %parallel_loop3A_878 = arith.addi %parallel_loop3A_876, %parallel_loop3A_877 : i32
        %parallel_loop3A_879 = arith.index_cast %parallel_loop3A_878 : i32 to index
        %parallel_loop3A_880 = tpu.vector_load %arg5[%parallel_loop3A_879] {strides = array<i32>} : memref<78352xf32, #tpu.memory_space<vmem>>, vector<16xf32>,
        %parallel_loop3A_881 = vector.shape_cast %parallel_loop3A_880 : vector<16xf32> to vector<16xf32>
        %parallel_loop3A_882 = arith.addf %parallel_loop3A_881, %broadcast_in_dim3A_326 : vector<16xf32>
        %parallel_loop3A_883 = arith.index_cast %parallel_loop3A_878 : i32 to index
        %parallel_loop3A_884 = tpu.vector_load %arg5[%parallel_loop3A_883] {strides = array<i32>} : memref<78352xf32, #tpu.memory_space<vmem>>, vector<16xf32>,
        %parallel_loop3A_885 = vector.shape_cast %parallel_loop3A_884 : vector<16xf32> to vector<16xf32>
        %parallel_loop3A_886 = vector.shape_cast %parallel_loop3A_882 : vector<16xf32> to vector<16xf32>
        tpu.vector_store %arg5[%parallel_loop3A_883], %parallel_loop3A_886 {strides = array<i32>} : memref<78352xf32, #tpu.memory_space<vmem>>, vector<16xf32>,
        %parallel_loop3A_887 = arith.constant 640 : i32
        %parallel_loop3A_888 = arith.addi %parallel_loop3A_394, %parallel_loop3A_887 : i32
        %parallel_loop3A_889 = arith.constant 16 : i32
        %parallel_loop3A_890 = arith.addi %parallel_loop3A_888, %parallel_loop3A_889 : i32
        %parallel_loop3A_891 = arith.index_cast %parallel_loop3A_890 : i32 to index
        %parallel_loop3A_892 = tpu.vector_load %arg5[%parallel_loop3A_891] {strides = array<i32>} : memref<78352xf32, #tpu.memory_space<vmem>>, vector<16xf32>,
        %parallel_loop3A_893 = vector.shape_cast %parallel_loop3A_892 : vector<16xf32> to vector<16xf32>
        %parallel_loop3A_894 = arith.addf %parallel_loop3A_893, %broadcast_in_dim3A_326 : vector<16xf32>
        %parallel_loop3A_895 = arith.index_cast %parallel_loop3A_890 : i32 to index
        %parallel_loop3A_896 = tpu.vector_load %arg5[%parallel_loop3A_895] {strides = array<i32>} : memref<78352xf32, #tpu.memory_space<vmem>>, vector<16xf32>,
        %parallel_loop3A_897 = vector.shape_cast %parallel_loop3A_896 : vector<16xf32> to vector<16xf32>
        %parallel_loop3A_898 = vector.shape_cast %parallel_loop3A_894 : vector<16xf32> to vector<16xf32>
        tpu.vector_store %arg5[%parallel_loop3A_895], %parallel_loop3A_898 {strides = array<i32>} : memref<78352xf32, #tpu.memory_space<vmem>>, vector<16xf32>,
        %parallel_loop3A_899 = arith.constant 640 : i32
        %parallel_loop3A_900 = arith.addi %parallel_loop3A_394, %parallel_loop3A_899 : i32
        %parallel_loop3A_901 = arith.constant 32 : i32
        %parallel_loop3A_902 = arith.addi %parallel_loop3A_900, %parallel_loop3A_901 : i32
        %parallel_loop3A_903 = arith.index_cast %parallel_loop3A_902 : i32 to index
        %parallel_loop3A_904 = tpu.vector_load %arg5[%parallel_loop3A_903] {strides = array<i32>} : memref<78352xf32, #tpu.memory_space<vmem>>, vector<16xf32>,
        %parallel_loop3A_905 = vector.shape_cast %parallel_loop3A_904 : vector<16xf32> to vector<16xf32>
        %parallel_loop3A_906 = arith.addf %parallel_loop3A_905, %broadcast_in_dim3A_326 : vector<16xf32>
        %parallel_loop3A_907 = arith.index_cast %parallel_loop3A_902 : i32 to index
        %parallel_loop3A_908 = tpu.vector_load %arg5[%parallel_loop3A_907] {strides = array<i32>} : memref<78352xf32, #tpu.memory_space<vmem>>, vector<16xf32>,
        %parallel_loop3A_909 = vector.shape_cast %parallel_loop3A_908 : vector<16xf32> to vector<16xf32>
        %parallel_loop3A_910 = vector.shape_cast %parallel_loop3A_906 : vector<16xf32> to vector<16xf32>
        tpu.vector_store %arg5[%parallel_loop3A_907], %parallel_loop3A_910 {strides = array<i32>} : memref<78352xf32, #tpu.memory_space<vmem>>, vector<16xf32>,
        %parallel_loop3A_911 = arith.constant 640 : i32
        %parallel_loop3A_912 = arith.addi %parallel_loop3A_394, %parallel_loop3A_911 : i32
        %parallel_loop3A_913 = arith.constant 48 : i32
        %parallel_loop3A_914 = arith.addi %parallel_loop3A_912, %parallel_loop3A_913 : i32
        %parallel_loop3A_915 = arith.index_cast %parallel_loop3A_914 : i32 to index
        %parallel_loop3A_916 = tpu.vector_load %arg5[%parallel_loop3A_915] {strides = array<i32>} : memref<78352xf32, #tpu.memory_space<vmem>>, vector<16xf32>,
        %parallel_loop3A_917 = vector.shape_cast %parallel_loop3A_916 : vector<16xf32> to vector<16xf32>
        %parallel_loop3A_918 = arith.addf %parallel_loop3A_917, %broadcast_in_dim3A_326 : vector<16xf32>
        %parallel_loop3A_919 = arith.index_cast %parallel_loop3A_914 : i32 to index
        %parallel_loop3A_920 = tpu.vector_load %arg5[%parallel_loop3A_919] {strides = array<i32>} : memref<78352xf32, #tpu.memory_space<vmem>>, vector<16xf32>,
        %parallel_loop3A_921 = vector.shape_cast %parallel_loop3A_920 : vector<16xf32> to vector<16xf32>
        %parallel_loop3A_922 = vector.shape_cast %parallel_loop3A_918 : vector<16xf32> to vector<16xf32>
        tpu.vector_store %arg5[%parallel_loop3A_919], %parallel_loop3A_922 {strides = array<i32>} : memref<78352xf32, #tpu.memory_space<vmem>>, vector<16xf32>,
        %parallel_loop3A_923 = arith.constant 640 : i32
        %parallel_loop3A_924 = arith.addi %parallel_loop3A_394, %parallel_loop3A_923 : i32
        %parallel_loop3A_925 = arith.constant 64 : i32
        %parallel_loop3A_926 = arith.addi %parallel_loop3A_924, %parallel_loop3A_925 : i32
        %parallel_loop3A_927 = arith.index_cast %parallel_loop3A_926 : i32 to index
        %parallel_loop3A_928 = tpu.vector_load %arg5[%parallel_loop3A_927] {strides = array<i32>} : memref<78352xf32, #tpu.memory_space<vmem>>, vector<16xf32>,
        %parallel_loop3A_929 = vector.shape_cast %parallel_loop3A_928 : vector<16xf32> to vector<16xf32>
        %parallel_loop3A_930 = arith.addf %parallel_loop3A_929, %broadcast_in_dim3A_326 : vector<16xf32>
        %parallel_loop3A_931 = arith.index_cast %parallel_loop3A_926 : i32 to index
        %parallel_loop3A_932 = tpu.vector_load %arg5[%parallel_loop3A_931] {strides = array<i32>} : memref<78352xf32, #tpu.memory_space<vmem>>, vector<16xf32>,
        %parallel_loop3A_933 = vector.shape_cast %parallel_loop3A_932 : vector<16xf32> to vector<16xf32>
        %parallel_loop3A_934 = vector.shape_cast %parallel_loop3A_930 : vector<16xf32> to vector<16xf32>
        tpu.vector_store %arg5[%parallel_loop3A_931], %parallel_loop3A_934 {strides = array<i32>} : memref<78352xf32, #tpu.memory_space<vmem>>, vector<16xf32>,
        %parallel_loop3A_935 = arith.constant 640 : i32
        %parallel_loop3A_936 = arith.addi %parallel_loop3A_394, %parallel_loop3A_935 : i32
        %parallel_loop3A_937 = arith.constant 80 : i32
        %parallel_loop3A_938 = arith.addi %parallel_loop3A_936, %parallel_loop3A_937 : i32
        %parallel_loop3A_939 = arith.index_cast %parallel_loop3A_938 : i32 to index
        %parallel_loop3A_940 = tpu.vector_load %arg5[%parallel_loop3A_939] {strides = array<i32>} : memref<78352xf32, #tpu.memory_space<vmem>>, vector<16xf32>,
        %parallel_loop3A_941 = vector.shape_cast %parallel_loop3A_940 : vector<16xf32> to vector<16xf32>
        %parallel_loop3A_942 = arith.addf %parallel_loop3A_941, %broadcast_in_dim3A_326 : vector<16xf32>
        %parallel_loop3A_943 = arith.index_cast %parallel_loop3A_938 : i32 to index
        %parallel_loop3A_944 = tpu.vector_load %arg5[%parallel_loop3A_943] {strides = array<i32>} : memref<78352xf32, #tpu.memory_space<vmem>>, vector<16xf32>,
        %parallel_loop3A_945 = vector.shape_cast %parallel_loop3A_944 : vector<16xf32> to vector<16xf32>
        %parallel_loop3A_946 = vector.shape_cast %parallel_loop3A_942 : vector<16xf32> to vector<16xf32>
        tpu.vector_store %arg5[%parallel_loop3A_943], %parallel_loop3A_946 {strides = array<i32>} : memref<78352xf32, #tpu.memory_space<vmem>>, vector<16xf32>,
        %parallel_loop3A_947 = arith.constant 640 : i32
        %parallel_loop3A_948 = arith.addi %parallel_loop3A_394, %parallel_loop3A_947 : i32
        %parallel_loop3A_949 = arith.constant 96 : i32
        %parallel_loop3A_950 = arith.addi %parallel_loop3A_948, %parallel_loop3A_949 : i32
        %parallel_loop3A_951 = arith.index_cast %parallel_loop3A_950 : i32 to index
        %parallel_loop3A_952 = tpu.vector_load %arg5[%parallel_loop3A_951] {strides = array<i32>} : memref<78352xf32, #tpu.memory_space<vmem>>, vector<16xf32>,
        %parallel_loop3A_953 = vector.shape_cast %parallel_loop3A_952 : vector<16xf32> to vector<16xf32>
        %parallel_loop3A_954 = arith.addf %parallel_loop3A_953, %broadcast_in_dim3A_326 : vector<16xf32>
        %parallel_loop3A_955 = arith.index_cast %parallel_loop3A_950 : i32 to index
        %parallel_loop3A_956 = tpu.vector_load %arg5[%parallel_loop3A_955] {strides = array<i32>} : memref<78352xf32, #tpu.memory_space<vmem>>, vector<16xf32>,
        %parallel_loop3A_957 = vector.shape_cast %parallel_loop3A_956 : vector<16xf32> to vector<16xf32>
        %parallel_loop3A_958 = vector.shape_cast %parallel_loop3A_954 : vector<16xf32> to vector<16xf32>
        tpu.vector_store %arg5[%parallel_loop3A_955], %parallel_loop3A_958 {strides = array<i32>} : memref<78352xf32, #tpu.memory_space<vmem>>, vector<16xf32>,
        %parallel_loop3A_959 = arith.constant 640 : i32
        %parallel_loop3A_960 = arith.addi %parallel_loop3A_394, %parallel_loop3A_959 : i32
        %parallel_loop3A_961 = arith.constant 112 : i32
        %parallel_loop3A_962 = arith.addi %parallel_loop3A_960, %parallel_loop3A_961 : i32
        %parallel_loop3A_963 = arith.index_cast %parallel_loop3A_962 : i32 to index
        %parallel_loop3A_964 = tpu.vector_load %arg5[%parallel_loop3A_963] {strides = array<i32>} : memref<78352xf32, #tpu.memory_space<vmem>>, vector<16xf32>,
        %parallel_loop3A_965 = vector.shape_cast %parallel_loop3A_964 : vector<16xf32> to vector<16xf32>
        %parallel_loop3A_966 = arith.addf %parallel_loop3A_965, %broadcast_in_dim3A_326 : vector<16xf32>
        %parallel_loop3A_967 = arith.index_cast %parallel_loop3A_962 : i32 to index
        %parallel_loop3A_968 = tpu.vector_load %arg5[%parallel_loop3A_967] {strides = array<i32>} : memref<78352xf32, #tpu.memory_space<vmem>>, vector<16xf32>,
        %parallel_loop3A_969 = vector.shape_cast %parallel_loop3A_968 : vector<16xf32> to vector<16xf32>
        %parallel_loop3A_970 = vector.shape_cast %parallel_loop3A_966 : vector<16xf32> to vector<16xf32>
        tpu.vector_store %arg5[%parallel_loop3A_967], %parallel_loop3A_970 {strides = array<i32>} : memref<78352xf32, #tpu.memory_space<vmem>>, vector<16xf32>,
        %parallel_loop3A_971 = arith.constant 768 : i32
        %parallel_loop3A_972 = arith.addi %parallel_loop3A_394, %parallel_loop3A_971 : i32
        %parallel_loop3A_973 = arith.constant 0 : i32
        %parallel_loop3A_974 = arith.addi %parallel_loop3A_972, %parallel_loop3A_973 : i32
        %parallel_loop3A_975 = arith.index_cast %parallel_loop3A_974 : i32 to index
        %parallel_loop3A_976 = tpu.vector_load %arg5[%parallel_loop3A_975] {strides = array<i32>} : memref<78352xf32, #tpu.memory_space<vmem>>, vector<16xf32>,
        %parallel_loop3A_977 = vector.shape_cast %parallel_loop3A_976 : vector<16xf32> to vector<16xf32>
        %parallel_loop3A_978 = arith.addf %parallel_loop3A_977, %broadcast_in_dim3A_329 : vector<16xf32>
        %parallel_loop3A_979 = arith.index_cast %parallel_loop3A_974 : i32 to index
        %parallel_loop3A_980 = tpu.vector_load %arg5[%parallel_loop3A_979] {strides = array<i32>} : memref<78352xf32, #tpu.memory_space<vmem>>, vector<16xf32>,
        %parallel_loop3A_981 = vector.shape_cast %parallel_loop3A_980 : vector<16xf32> to vector<16xf32>
        %parallel_loop3A_982 = vector.shape_cast %parallel_loop3A_978 : vector<16xf32> to vector<16xf32>
        tpu.vector_store %arg5[%parallel_loop3A_979], %parallel_loop3A_982 {strides = array<i32>} : memref<78352xf32, #tpu.memory_space<vmem>>, vector<16xf32>,
        %parallel_loop3A_983 = arith.constant 768 : i32
        %parallel_loop3A_984 = arith.addi %parallel_loop3A_394, %parallel_loop3A_983 : i32
        %parallel_loop3A_985 = arith.constant 16 : i32
        %parallel_loop3A_986 = arith.addi %parallel_loop3A_984, %parallel_loop3A_985 : i32
        %parallel_loop3A_987 = arith.index_cast %parallel_loop3A_986 : i32 to index
        %parallel_loop3A_988 = tpu.vector_load %arg5[%parallel_loop3A_987] {strides = array<i32>} : memref<78352xf32, #tpu.memory_space<vmem>>, vector<16xf32>,
        %parallel_loop3A_989 = vector.shape_cast %parallel_loop3A_988 : vector<16xf32> to vector<16xf32>
        %parallel_loop3A_990 = arith.addf %parallel_loop3A_989, %broadcast_in_dim3A_329 : vector<16xf32>
        %parallel_loop3A_991 = arith.index_cast %parallel_loop3A_986 : i32 to index
        %parallel_loop3A_992 = tpu.vector_load %arg5[%parallel_loop3A_991] {strides = array<i32>} : memref<78352xf32, #tpu.memory_space<vmem>>, vector<16xf32>,
        %parallel_loop3A_993 = vector.shape_cast %parallel_loop3A_992 : vector<16xf32> to vector<16xf32>
        %parallel_loop3A_994 = vector.shape_cast %parallel_loop3A_990 : vector<16xf32> to vector<16xf32>
        tpu.vector_store %arg5[%parallel_loop3A_991], %parallel_loop3A_994 {strides = array<i32>} : memref<78352xf32, #tpu.memory_space<vmem>>, vector<16xf32>,
        %parallel_loop3A_995 = arith.constant 768 : i32
        %parallel_loop3A_996 = arith.addi %parallel_loop3A_394, %parallel_loop3A_995 : i32
        %parallel_loop3A_997 = arith.constant 32 : i32
        %parallel_loop3A_998 = arith.addi %parallel_loop3A_996, %parallel_loop3A_997 : i32
        %parallel_loop3A_999 = arith.index_cast %parallel_loop3A_998 : i32 to index
        %parallel_loop3A_1000 = tpu.vector_load %arg5[%parallel_loop3A_999] {strides = array<i32>} : memref<78352xf32, #tpu.memory_space<vmem>>, vector<16xf32>,
        %parallel_loop3A_1001 = vector.shape_cast %parallel_loop3A_1000 : vector<16xf32> to vector<16xf32>
        %parallel_loop3A_1002 = arith.addf %parallel_loop3A_1001, %broadcast_in_dim3A_329 : vector<16xf32>
        %parallel_loop3A_1003 = arith.index_cast %parallel_loop3A_998 : i32 to index
        %parallel_loop3A_1004 = tpu.vector_load %arg5[%parallel_loop3A_1003] {strides = array<i32>} : memref<78352xf32, #tpu.memory_space<vmem>>, vector<16xf32>,
        %parallel_loop3A_1005 = vector.shape_cast %parallel_loop3A_1004 : vector<16xf32> to vector<16xf32>
        %parallel_loop3A_1006 = vector.shape_cast %parallel_loop3A_1002 : vector<16xf32> to vector<16xf32>
        tpu.vector_store %arg5[%parallel_loop3A_1003], %parallel_loop3A_1006 {strides = array<i32>} : memref<78352xf32, #tpu.memory_space<vmem>>, vector<16xf32>,
        %parallel_loop3A_1007 = arith.constant 768 : i32
        %parallel_loop3A_1008 = arith.addi %parallel_loop3A_394, %parallel_loop3A_1007 : i32
        %parallel_loop3A_1009 = arith.constant 48 : i32
        %parallel_loop3A_1010 = arith.addi %parallel_loop3A_1008, %parallel_loop3A_1009 : i32
        %parallel_loop3A_1011 = arith.index_cast %parallel_loop3A_1010 : i32 to index
        %parallel_loop3A_1012 = tpu.vector_load %arg5[%parallel_loop3A_1011] {strides = array<i32>} : memref<78352xf32, #tpu.memory_space<vmem>>, vector<16xf32>,
        %parallel_loop3A_1013 = vector.shape_cast %parallel_loop3A_1012 : vector<16xf32> to vector<16xf32>
        %parallel_loop3A_1014 = arith.addf %parallel_loop3A_1013, %broadcast_in_dim3A_329 : vector<16xf32>
        %parallel_loop3A_1015 = arith.index_cast %parallel_loop3A_1010 : i32 to index
        %parallel_loop3A_1016 = tpu.vector_load %arg5[%parallel_loop3A_1015] {strides = array<i32>} : memref<78352xf32, #tpu.memory_space<vmem>>, vector<16xf32>,
        %parallel_loop3A_1017 = vector.shape_cast %parallel_loop3A_1016 : vector<16xf32> to vector<16xf32>
        %parallel_loop3A_1018 = vector.shape_cast %parallel_loop3A_1014 : vector<16xf32> to vector<16xf32>
        tpu.vector_store %arg5[%parallel_loop3A_1015], %parallel_loop3A_1018 {strides = array<i32>} : memref<78352xf32, #tpu.memory_space<vmem>>, vector<16xf32>,
        %parallel_loop3A_1019 = arith.constant 768 : i32
        %parallel_loop3A_1020 = arith.addi %parallel_loop3A_394, %parallel_loop3A_1019 : i32
        %parallel_loop3A_1021 = arith.constant 64 : i32
        %parallel_loop3A_1022 = arith.addi %parallel_loop3A_1020, %parallel_loop3A_1021 : i32
        %parallel_loop3A_1023 = arith.index_cast %parallel_loop3A_1022 : i32 to index
        %parallel_loop3A_1024 = tpu.vector_load %arg5[%parallel_loop3A_1023] {strides = array<i32>} : memref<78352xf32, #tpu.memory_space<vmem>>, vector<16xf32>,
        %parallel_loop3A_1025 = vector.shape_cast %parallel_loop3A_1024 : vector<16xf32> to vector<16xf32>
        %parallel_loop3A_1026 = arith.addf %parallel_loop3A_1025, %broadcast_in_dim3A_329 : vector<16xf32>
        %parallel_loop3A_1027 = arith.index_cast %parallel_loop3A_1022 : i32 to index
        %parallel_loop3A_1028 = tpu.vector_load %arg5[%parallel_loop3A_1027] {strides = array<i32>} : memref<78352xf32, #tpu.memory_space<vmem>>, vector<16xf32>,
        %parallel_loop3A_1029 = vector.shape_cast %parallel_loop3A_1028 : vector<16xf32> to vector<16xf32>
        %parallel_loop3A_1030 = vector.shape_cast %parallel_loop3A_1026 : vector<16xf32> to vector<16xf32>
        tpu.vector_store %arg5[%parallel_loop3A_1027], %parallel_loop3A_1030 {strides = array<i32>} : memref<78352xf32, #tpu.memory_space<vmem>>, vector<16xf32>,
        %parallel_loop3A_1031 = arith.constant 768 : i32
        %parallel_loop3A_1032 = arith.addi %parallel_loop3A_394, %parallel_loop3A_1031 : i32
        %parallel_loop3A_1033 = arith.constant 80 : i32
        %parallel_loop3A_1034 = arith.addi %parallel_loop3A_1032, %parallel_loop3A_1033 : i32
        %parallel_loop3A_1035 = arith.index_cast %parallel_loop3A_1034 : i32 to index
        %parallel_loop3A_1036 = tpu.vector_load %arg5[%parallel_loop3A_1035] {strides = array<i32>} : memref<78352xf32, #tpu.memory_space<vmem>>, vector<16xf32>,
        %parallel_loop3A_1037 = vector.shape_cast %parallel_loop3A_1036 : vector<16xf32> to vector<16xf32>
        %parallel_loop3A_1038 = arith.addf %parallel_loop3A_1037, %broadcast_in_dim3A_329 : vector<16xf32>
        %parallel_loop3A_1039 = arith.index_cast %parallel_loop3A_1034 : i32 to index
        %parallel_loop3A_1040 = tpu.vector_load %arg5[%parallel_loop3A_1039] {strides = array<i32>} : memref<78352xf32, #tpu.memory_space<vmem>>, vector<16xf32>,
        %parallel_loop3A_1041 = vector.shape_cast %parallel_loop3A_1040 : vector<16xf32> to vector<16xf32>
        %parallel_loop3A_1042 = vector.shape_cast %parallel_loop3A_1038 : vector<16xf32> to vector<16xf32>
        tpu.vector_store %arg5[%parallel_loop3A_1039], %parallel_loop3A_1042 {strides = array<i32>} : memref<78352xf32, #tpu.memory_space<vmem>>, vector<16xf32>,
        %parallel_loop3A_1043 = arith.constant 768 : i32
        %parallel_loop3A_1044 = arith.addi %parallel_loop3A_394, %parallel_loop3A_1043 : i32
        %parallel_loop3A_1045 = arith.constant 96 : i32
        %parallel_loop3A_1046 = arith.addi %parallel_loop3A_1044, %parallel_loop3A_1045 : i32
        %parallel_loop3A_1047 = arith.index_cast %parallel_loop3A_1046 : i32 to index
        %parallel_loop3A_1048 = tpu.vector_load %arg5[%parallel_loop3A_1047] {strides = array<i32>} : memref<78352xf32, #tpu.memory_space<vmem>>, vector<16xf32>,
        %parallel_loop3A_1049 = vector.shape_cast %parallel_loop3A_1048 : vector<16xf32> to vector<16xf32>
        %parallel_loop3A_1050 = arith.addf %parallel_loop3A_1049, %broadcast_in_dim3A_329 : vector<16xf32>
        %parallel_loop3A_1051 = arith.index_cast %parallel_loop3A_1046 : i32 to index
        %parallel_loop3A_1052 = tpu.vector_load %arg5[%parallel_loop3A_1051] {strides = array<i32>} : memref<78352xf32, #tpu.memory_space<vmem>>, vector<16xf32>,
        %parallel_loop3A_1053 = vector.shape_cast %parallel_loop3A_1052 : vector<16xf32> to vector<16xf32>
        %parallel_loop3A_1054 = vector.shape_cast %parallel_loop3A_1050 : vector<16xf32> to vector<16xf32>
        tpu.vector_store %arg5[%parallel_loop3A_1051], %parallel_loop3A_1054 {strides = array<i32>} : memref<78352xf32, #tpu.memory_space<vmem>>, vector<16xf32>,
        %parallel_loop3A_1055 = arith.constant 768 : i32
        %parallel_loop3A_1056 = arith.addi %parallel_loop3A_394, %parallel_loop3A_1055 : i32
        %parallel_loop3A_1057 = arith.constant 112 : i32
        %parallel_loop3A_1058 = arith.addi %parallel_loop3A_1056, %parallel_loop3A_1057 : i32
        %parallel_loop3A_1059 = arith.index_cast %parallel_loop3A_1058 : i32 to index
        %parallel_loop3A_1060 = tpu.vector_load %arg5[%parallel_loop3A_1059] {strides = array<i32>} : memref<78352xf32, #tpu.memory_space<vmem>>, vector<16xf32>,
        %parallel_loop3A_1061 = vector.shape_cast %parallel_loop3A_1060 : vector<16xf32> to vector<16xf32>
        %parallel_loop3A_1062 = arith.addf %parallel_loop3A_1061, %broadcast_in_dim3A_329 : vector<16xf32>
        %parallel_loop3A_1063 = arith.index_cast %parallel_loop3A_1058 : i32 to index
        %parallel_loop3A_1064 = tpu.vector_load %arg5[%parallel_loop3A_1063] {strides = array<i32>} : memref<78352xf32, #tpu.memory_space<vmem>>, vector<16xf32>,
        %parallel_loop3A_1065 = vector.shape_cast %parallel_loop3A_1064 : vector<16xf32> to vector<16xf32>
        %parallel_loop3A_1066 = vector.shape_cast %parallel_loop3A_1062 : vector<16xf32> to vector<16xf32>
        tpu.vector_store %arg5[%parallel_loop3A_1063], %parallel_loop3A_1066 {strides = array<i32>} : memref<78352xf32, #tpu.memory_space<vmem>>, vector<16xf32>,
        %parallel_loop3A_1067 = arith.constant 896 : i32
        %parallel_loop3A_1068 = arith.addi %parallel_loop3A_394, %parallel_loop3A_1067 : i32
        %parallel_loop3A_1069 = arith.constant 0 : i32
        %parallel_loop3A_1070 = arith.addi %parallel_loop3A_1068, %parallel_loop3A_1069 : i32
        %parallel_loop3A_1071 = arith.index_cast %parallel_loop3A_1070 : i32 to index
        %parallel_loop3A_1072 = tpu.vector_load %arg5[%parallel_loop3A_1071] {strides = array<i32>} : memref<78352xf32, #tpu.memory_space<vmem>>, vector<16xf32>,
        %parallel_loop3A_1073 = vector.shape_cast %parallel_loop3A_1072 : vector<16xf32> to vector<16xf32>
        %parallel_loop3A_1074 = arith.addf %parallel_loop3A_1073, %broadcast_in_dim3A_332 : vector<16xf32>
        %parallel_loop3A_1075 = arith.index_cast %parallel_loop3A_1070 : i32 to index
        %parallel_loop3A_1076 = tpu.vector_load %arg5[%parallel_loop3A_1075] {strides = array<i32>} : memref<78352xf32, #tpu.memory_space<vmem>>, vector<16xf32>,
        %parallel_loop3A_1077 = vector.shape_cast %parallel_loop3A_1076 : vector<16xf32> to vector<16xf32>
        %parallel_loop3A_1078 = vector.shape_cast %parallel_loop3A_1074 : vector<16xf32> to vector<16xf32>
        tpu.vector_store %arg5[%parallel_loop3A_1075], %parallel_loop3A_1078 {strides = array<i32>} : memref<78352xf32, #tpu.memory_space<vmem>>, vector<16xf32>,
        %parallel_loop3A_1079 = arith.constant 896 : i32
        %parallel_loop3A_1080 = arith.addi %parallel_loop3A_394, %parallel_loop3A_1079 : i32
        %parallel_loop3A_1081 = arith.constant 16 : i32
        %parallel_loop3A_1082 = arith.addi %parallel_loop3A_1080, %parallel_loop3A_1081 : i32
        %parallel_loop3A_1083 = arith.index_cast %parallel_loop3A_1082 : i32 to index
        %parallel_loop3A_1084 = tpu.vector_load %arg5[%parallel_loop3A_1083] {strides = array<i32>} : memref<78352xf32, #tpu.memory_space<vmem>>, vector<16xf32>,
        %parallel_loop3A_1085 = vector.shape_cast %parallel_loop3A_1084 : vector<16xf32> to vector<16xf32>
        %parallel_loop3A_1086 = arith.addf %parallel_loop3A_1085, %broadcast_in_dim3A_332 : vector<16xf32>
        %parallel_loop3A_1087 = arith.index_cast %parallel_loop3A_1082 : i32 to index
        %parallel_loop3A_1088 = tpu.vector_load %arg5[%parallel_loop3A_1087] {strides = array<i32>} : memref<78352xf32, #tpu.memory_space<vmem>>, vector<16xf32>,
        %parallel_loop3A_1089 = vector.shape_cast %parallel_loop3A_1088 : vector<16xf32> to vector<16xf32>
        %parallel_loop3A_1090 = vector.shape_cast %parallel_loop3A_1086 : vector<16xf32> to vector<16xf32>
        tpu.vector_store %arg5[%parallel_loop3A_1087], %parallel_loop3A_1090 {strides = array<i32>} : memref<78352xf32, #tpu.memory_space<vmem>>, vector<16xf32>,
        %parallel_loop3A_1091 = arith.constant 896 : i32
        %parallel_loop3A_1092 = arith.addi %parallel_loop3A_394, %parallel_loop3A_1091 : i32
        %parallel_loop3A_1093 = arith.constant 32 : i32
        %parallel_loop3A_1094 = arith.addi %parallel_loop3A_1092, %parallel_loop3A_1093 : i32
        %parallel_loop3A_1095 = arith.index_cast %parallel_loop3A_1094 : i32 to index
        %parallel_loop3A_1096 = tpu.vector_load %arg5[%parallel_loop3A_1095] {strides = array<i32>} : memref<78352xf32, #tpu.memory_space<vmem>>, vector<16xf32>,
        %parallel_loop3A_1097 = vector.shape_cast %parallel_loop3A_1096 : vector<16xf32> to vector<16xf32>
        %parallel_loop3A_1098 = arith.addf %parallel_loop3A_1097, %broadcast_in_dim3A_332 : vector<16xf32>
        %parallel_loop3A_1099 = arith.index_cast %parallel_loop3A_1094 : i32 to index
        %parallel_loop3A_1100 = tpu.vector_load %arg5[%parallel_loop3A_1099] {strides = array<i32>} : memref<78352xf32, #tpu.memory_space<vmem>>, vector<16xf32>,
        %parallel_loop3A_1101 = vector.shape_cast %parallel_loop3A_1100 : vector<16xf32> to vector<16xf32>
        %parallel_loop3A_1102 = vector.shape_cast %parallel_loop3A_1098 : vector<16xf32> to vector<16xf32>
        tpu.vector_store %arg5[%parallel_loop3A_1099], %parallel_loop3A_1102 {strides = array<i32>} : memref<78352xf32, #tpu.memory_space<vmem>>, vector<16xf32>,
        %parallel_loop3A_1103 = arith.constant 896 : i32
        %parallel_loop3A_1104 = arith.addi %parallel_loop3A_394, %parallel_loop3A_1103 : i32
        %parallel_loop3A_1105 = arith.constant 48 : i32
        %parallel_loop3A_1106 = arith.addi %parallel_loop3A_1104, %parallel_loop3A_1105 : i32
        %parallel_loop3A_1107 = arith.index_cast %parallel_loop3A_1106 : i32 to index
        %parallel_loop3A_1108 = tpu.vector_load %arg5[%parallel_loop3A_1107] {strides = array<i32>} : memref<78352xf32, #tpu.memory_space<vmem>>, vector<16xf32>,
        %parallel_loop3A_1109 = vector.shape_cast %parallel_loop3A_1108 : vector<16xf32> to vector<16xf32>
        %parallel_loop3A_1110 = arith.addf %parallel_loop3A_1109, %broadcast_in_dim3A_332 : vector<16xf32>
        %parallel_loop3A_1111 = arith.index_cast %parallel_loop3A_1106 : i32 to index
        %parallel_loop3A_1112 = tpu.vector_load %arg5[%parallel_loop3A_1111] {strides = array<i32>} : memref<78352xf32, #tpu.memory_space<vmem>>, vector<16xf32>,
        %parallel_loop3A_1113 = vector.shape_cast %parallel_loop3A_1112 : vector<16xf32> to vector<16xf32>
        %parallel_loop3A_1114 = vector.shape_cast %parallel_loop3A_1110 : vector<16xf32> to vector<16xf32>
        tpu.vector_store %arg5[%parallel_loop3A_1111], %parallel_loop3A_1114 {strides = array<i32>} : memref<78352xf32, #tpu.memory_space<vmem>>, vector<16xf32>,
        %parallel_loop3A_1115 = arith.constant 896 : i32
        %parallel_loop3A_1116 = arith.addi %parallel_loop3A_394, %parallel_loop3A_1115 : i32
        %parallel_loop3A_1117 = arith.constant 64 : i32
        %parallel_loop3A_1118 = arith.addi %parallel_loop3A_1116, %parallel_loop3A_1117 : i32
        %parallel_loop3A_1119 = arith.index_cast %parallel_loop3A_1118 : i32 to index
        %parallel_loop3A_1120 = tpu.vector_load %arg5[%parallel_loop3A_1119] {strides = array<i32>} : memref<78352xf32, #tpu.memory_space<vmem>>, vector<16xf32>,
        %parallel_loop3A_1121 = vector.shape_cast %parallel_loop3A_1120 : vector<16xf32> to vector<16xf32>
        %parallel_loop3A_1122 = arith.addf %parallel_loop3A_1121, %broadcast_in_dim3A_332 : vector<16xf32>
        %parallel_loop3A_1123 = arith.index_cast %parallel_loop3A_1118 : i32 to index
        %parallel_loop3A_1124 = tpu.vector_load %arg5[%parallel_loop3A_1123] {strides = array<i32>} : memref<78352xf32, #tpu.memory_space<vmem>>, vector<16xf32>,
        %parallel_loop3A_1125 = vector.shape_cast %parallel_loop3A_1124 : vector<16xf32> to vector<16xf32>
        %parallel_loop3A_1126 = vector.shape_cast %parallel_loop3A_1122 : vector<16xf32> to vector<16xf32>
        tpu.vector_store %arg5[%parallel_loop3A_1123], %parallel_loop3A_1126 {strides = array<i32>} : memref<78352xf32, #tpu.memory_space<vmem>>, vector<16xf32>,
        %parallel_loop3A_1127 = arith.constant 896 : i32
        %parallel_loop3A_1128 = arith.addi %parallel_loop3A_394, %parallel_loop3A_1127 : i32
        %parallel_loop3A_1129 = arith.constant 80 : i32
        %parallel_loop3A_1130 = arith.addi %parallel_loop3A_1128, %parallel_loop3A_1129 : i32
        %parallel_loop3A_1131 = arith.index_cast %parallel_loop3A_1130 : i32 to index
        %parallel_loop3A_1132 = tpu.vector_load %arg5[%parallel_loop3A_1131] {strides = array<i32>} : memref<78352xf32, #tpu.memory_space<vmem>>, vector<16xf32>,
        %parallel_loop3A_1133 = vector.shape_cast %parallel_loop3A_1132 : vector<16xf32> to vector<16xf32>
        %parallel_loop3A_1134 = arith.addf %parallel_loop3A_1133, %broadcast_in_dim3A_332 : vector<16xf32>
        %parallel_loop3A_1135 = arith.index_cast %parallel_loop3A_1130 : i32 to index
        %parallel_loop3A_1136 = tpu.vector_load %arg5[%parallel_loop3A_1135] {strides = array<i32>} : memref<78352xf32, #tpu.memory_space<vmem>>, vector<16xf32>,
        %parallel_loop3A_1137 = vector.shape_cast %parallel_loop3A_1136 : vector<16xf32> to vector<16xf32>
        %parallel_loop3A_1138 = vector.shape_cast %parallel_loop3A_1134 : vector<16xf32> to vector<16xf32>
        tpu.vector_store %arg5[%parallel_loop3A_1135], %parallel_loop3A_1138 {strides = array<i32>} : memref<78352xf32, #tpu.memory_space<vmem>>, vector<16xf32>,
        %parallel_loop3A_1139 = arith.constant 896 : i32
        %parallel_loop3A_1140 = arith.addi %parallel_loop3A_394, %parallel_loop3A_1139 : i32
        %parallel_loop3A_1141 = arith.constant 96 : i32
        %parallel_loop3A_1142 = arith.addi %parallel_loop3A_1140, %parallel_loop3A_1141 : i32
        %parallel_loop3A_1143 = arith.index_cast %parallel_loop3A_1142 : i32 to index
        %parallel_loop3A_1144 = tpu.vector_load %arg5[%parallel_loop3A_1143] {strides = array<i32>} : memref<78352xf32, #tpu.memory_space<vmem>>, vector<16xf32>,
        %parallel_loop3A_1145 = vector.shape_cast %parallel_loop3A_1144 : vector<16xf32> to vector<16xf32>
        %parallel_loop3A_1146 = arith.addf %parallel_loop3A_1145, %broadcast_in_dim3A_332 : vector<16xf32>
        %parallel_loop3A_1147 = arith.index_cast %parallel_loop3A_1142 : i32 to index
        %parallel_loop3A_1148 = tpu.vector_load %arg5[%parallel_loop3A_1147] {strides = array<i32>} : memref<78352xf32, #tpu.memory_space<vmem>>, vector<16xf32>,
        %parallel_loop3A_1149 = vector.shape_cast %parallel_loop3A_1148 : vector<16xf32> to vector<16xf32>
        %parallel_loop3A_1150 = vector.shape_cast %parallel_loop3A_1146 : vector<16xf32> to vector<16xf32>
        tpu.vector_store %arg5[%parallel_loop3A_1147], %parallel_loop3A_1150 {strides = array<i32>} : memref<78352xf32, #tpu.memory_space<vmem>>, vector<16xf32>,
        %parallel_loop3A_1151 = arith.constant 896 : i32
        %parallel_loop3A_1152 = arith.addi %parallel_loop3A_394, %parallel_loop3A_1151 : i32
        %parallel_loop3A_1153 = arith.constant 112 : i32
        %parallel_loop3A_1154 = arith.addi %parallel_loop3A_1152, %parallel_loop3A_1153 : i32
        %parallel_loop3A_1155 = arith.index_cast %parallel_loop3A_1154 : i32 to index
        %parallel_loop3A_1156 = tpu.vector_load %arg5[%parallel_loop3A_1155] {strides = array<i32>} : memref<78352xf32, #tpu.memory_space<vmem>>, vector<16xf32>,
        %parallel_loop3A_1157 = vector.shape_cast %parallel_loop3A_1156 : vector<16xf32> to vector<16xf32>
        %parallel_loop3A_1158 = arith.addf %parallel_loop3A_1157, %broadcast_in_dim3A_332 : vector<16xf32>
        %parallel_loop3A_1159 = arith.index_cast %parallel_loop3A_1154 : i32 to index
        %parallel_loop3A_1160 = tpu.vector_load %arg5[%parallel_loop3A_1159] {strides = array<i32>} : memref<78352xf32, #tpu.memory_space<vmem>>, vector<16xf32>,
        %parallel_loop3A_1161 = vector.shape_cast %parallel_loop3A_1160 : vector<16xf32> to vector<16xf32>
        %parallel_loop3A_1162 = vector.shape_cast %parallel_loop3A_1158 : vector<16xf32> to vector<16xf32>
        tpu.vector_store %arg5[%parallel_loop3A_1159], %parallel_loop3A_1162 {strides = array<i32>} : memref<78352xf32, #tpu.memory_space<vmem>>, vector<16xf32>,
      } {sc.loop_unroll_factor = 2 : i64, sc.parallel_access}
      %mul3A_336 = arith.constant 32768 : i32
      %mul3A_337 = arith.muli %add3A_269, %mul3A_336 : i32
      %dma_start3A_338 = arith.constant 32768 : i32
      %dma_start3A_339 = tpu.memref_slice %arg5[%dma_start3A_338] : memref<78352xf32, #tpu.memory_space<vmem>> -> memref<32768xf32, #tpu.memory_space<vmem>>
      %dma_start3A_340 = tpu.memref_slice %arg4[%mul3A_337] : memref<52428800xf32, #tpu.memory_space<hbm>> -> memref<32768xf32, #tpu.memory_space<hbm>>
      %dma_start3A_341 = tpu.memref_slice %arg4[%mul3A_337] : memref<52428800xf32, #tpu.memory_space<hbm>> -> memref<32768xf32, #tpu.memory_space<hbm>>
      %dma_start3A_342 = arith.constant 32768 : i32
      %dma_start3A_343 = tpu.memref_slice %arg5[%dma_start3A_342] : memref<78352xf32, #tpu.memory_space<vmem>> -> memref<32768xf32, #tpu.memory_space<vmem>>
      tpu.enqueue_dma source(%dma_start3A_343 : memref<32768xf32, #tpu.memory_space<vmem>>) target(%dma_start3A_341 : memref<32768xf32, #tpu.memory_space<hbm>>) target_semaphore(%arg9 : memref<!tpu.dma_semaphore, #tpu.memory_space<semaphore_mem>>)
      %dma_wait3A_344 = arith.constant 0 : i32
      %dma_wait3A_345 = tpu.memref_slice %arg5[%dma_wait3A_344] : memref<78352xf32, #tpu.memory_space<vmem>> -> memref<32768xf32, #tpu.memory_space<vmem>>
      %dma_wait3A_346 = arith.constant 0 : i32
      %dma_wait3A_347 = tpu.memref_slice %arg4[%dma_wait3A_346] : memref<52428800xf32, #tpu.memory_space<hbm>> -> memref<32768xf32, #tpu.memory_space<hbm>>
      %dma_wait3A_348 = arith.constant 0 : i32
      %dma_wait3A_349 = tpu.memref_slice %arg4[%dma_wait3A_348] : memref<52428800xf32, #tpu.memory_space<hbm>> -> memref<32768xf32, #tpu.memory_space<hbm>>
      %dma_wait3A_350 = arith.constant 0 : i32
      %dma_wait3A_351 = tpu.memref_slice %arg5[%dma_wait3A_350] : memref<78352xf32, #tpu.memory_space<vmem>> -> memref<32768xf32, #tpu.memory_space<vmem>>
      tpu.wait_dma2 semaphore(%arg8 : memref<!tpu.dma_semaphore, #tpu.memory_space<semaphore_mem>>) src(%dma_wait3A_351 : memref<32768xf32, #tpu.memory_space<vmem>>) dst(%dma_wait3A_349 : memref<32768xf32, #tpu.memory_space<hbm>>)
      %add3A_352 = arith.constant 1 : i32
      %add3A_353 = arith.addi %scan3A_185, %add3A_352 : i32
      %mul3A_354 = arith.constant 2 : i32
      %mul3A_355 = arith.muli %add3A_353, %mul3A_354 : i32
      %add3A_356 = arith.addi %mul3A_2, %mul3A_355 : i32
      %add3A_357 = arith.constant 0 : i32
      %add3A_358 = arith.addi %add3A_356, %add3A_357 : i32
      %mul3A_359 = arith.constant 32768 : i32
      %mul3A_360 = arith.muli %add3A_358, %mul3A_359 : i32
      %dma_start3A_361 = arith.constant 0 : i32
      %dma_start3A_362 = tpu.memref_slice %arg5[%dma_start3A_361] : memref<78352xf32, #tpu.memory_space<vmem>> -> memref<32768xf32, #tpu.memory_space<vmem>>
      %dma_start3A_363 = tpu.memref_slice %arg2[%mul3A_360] : memref<52428800xf32, #tpu.memory_space<hbm>> -> memref<32768xf32, #tpu.memory_space<hbm>>
      %dma_start3A_364 = arith.constant 0 : i32
      %dma_start3A_365 = tpu.memref_slice %arg5[%dma_start3A_364] : memref<78352xf32, #tpu.memory_space<vmem>> -> memref<32768xf32, #tpu.memory_space<vmem>>
      %dma_start3A_366 = tpu.memref_slice %arg2[%mul3A_360] : memref<52428800xf32, #tpu.memory_space<hbm>> -> memref<32768xf32, #tpu.memory_space<hbm>>
      tpu.enqueue_dma source(%dma_start3A_366 : memref<32768xf32, #tpu.memory_space<hbm>>) target(%dma_start3A_365 : memref<32768xf32, #tpu.memory_space<vmem>>) target_semaphore(%arg6 : memref<!tpu.dma_semaphore, #tpu.memory_space<semaphore_mem>>)
      %dma_wait3A_367 = arith.constant 32768 : i32
      %dma_wait3A_368 = tpu.memref_slice %arg5[%dma_wait3A_367] : memref<78352xf32, #tpu.memory_space<vmem>> -> memref<32768xf32, #tpu.memory_space<vmem>>
      %dma_wait3A_369 = arith.constant 0 : i32
      %dma_wait3A_370 = tpu.memref_slice %arg4[%dma_wait3A_369] : memref<52428800xf32, #tpu.memory_space<hbm>> -> memref<32768xf32, #tpu.memory_space<hbm>>
      %dma_wait3A_371 = arith.constant 0 : i32
      %dma_wait3A_372 = tpu.memref_slice %arg4[%dma_wait3A_371] : memref<52428800xf32, #tpu.memory_space<hbm>> -> memref<32768xf32, #tpu.memory_space<hbm>>
      %dma_wait3A_373 = arith.constant 32768 : i32
      %dma_wait3A_374 = tpu.memref_slice %arg5[%dma_wait3A_373] : memref<78352xf32, #tpu.memory_space<vmem>> -> memref<32768xf32, #tpu.memory_space<vmem>>
      tpu.wait_dma2 semaphore(%arg9 : memref<!tpu.dma_semaphore, #tpu.memory_space<semaphore_mem>>) src(%dma_wait3A_374 : memref<32768xf32, #tpu.memory_space<vmem>>) dst(%dma_wait3A_372 : memref<32768xf32, #tpu.memory_space<hbm>>)
      %add3A_375 = arith.constant 1 : i32
      %add3A_376 = arith.addi %scan3A_185, %add3A_375 : i32
      %mul3A_377 = arith.constant 2 : i32
      %mul3A_378 = arith.muli %add3A_376, %mul3A_377 : i32
      %add3A_379 = arith.addi %mul3A_2, %mul3A_378 : i32
      %add3A_380 = arith.constant 1 : i32
      %add3A_381 = arith.addi %add3A_379, %add3A_380 : i32
      %mul3A_382 = arith.constant 32768 : i32
      %mul3A_383 = arith.muli %add3A_381, %mul3A_382 : i32
      %dma_start3A_384 = arith.constant 32768 : i32
      %dma_start3A_385 = tpu.memref_slice %arg5[%dma_start3A_384] : memref<78352xf32, #tpu.memory_space<vmem>> -> memref<32768xf32, #tpu.memory_space<vmem>>
      %dma_start3A_386 = tpu.memref_slice %arg2[%mul3A_383] : memref<52428800xf32, #tpu.memory_space<hbm>> -> memref<32768xf32, #tpu.memory_space<hbm>>
      %dma_start3A_387 = arith.constant 32768 : i32
      %dma_start3A_388 = tpu.memref_slice %arg5[%dma_start3A_387] : memref<78352xf32, #tpu.memory_space<vmem>> -> memref<32768xf32, #tpu.memory_space<vmem>>
      %dma_start3A_389 = tpu.memref_slice %arg2[%mul3A_383] : memref<52428800xf32, #tpu.memory_space<hbm>> -> memref<32768xf32, #tpu.memory_space<hbm>>
      tpu.enqueue_dma source(%dma_start3A_389 : memref<32768xf32, #tpu.memory_space<hbm>>) target(%dma_start3A_388 : memref<32768xf32, #tpu.memory_space<vmem>>) target_semaphore(%arg7 : memref<!tpu.dma_semaphore, #tpu.memory_space<semaphore_mem>>)
    }
    %scan3A_26 = arith.constant 24 : i32
    %add3A_27 = arith.constant 48 : i32
    %add3A_28 = arith.addi %mul3A_2, %add3A_27 : i32
    %add3A_29 = arith.constant 0 : i32
    %add3A_30 = arith.addi %add3A_28, %add3A_29 : i32
    %dma_wait3A = arith.constant 0 : i32
    %dma_wait3A_31 = tpu.memref_slice %arg5[%dma_wait3A] : memref<78352xf32, #tpu.memory_space<vmem>> -> memref<32768xf32, #tpu.memory_space<vmem>>
    %dma_wait3A_32 = arith.constant 0 : i32
    %dma_wait3A_33 = tpu.memref_slice %arg2[%dma_wait3A_32] : memref<52428800xf32, #tpu.memory_space<hbm>> -> memref<32768xf32, #tpu.memory_space<hbm>>
    %dma_wait3A_34 = arith.constant 0 : i32
    %dma_wait3A_35 = tpu.memref_slice %arg5[%dma_wait3A_34] : memref<78352xf32, #tpu.memory_space<vmem>> -> memref<32768xf32, #tpu.memory_space<vmem>>
    %dma_wait3A_36 = arith.constant 0 : i32
    %dma_wait3A_37 = tpu.memref_slice %arg2[%dma_wait3A_36] : memref<52428800xf32, #tpu.memory_space<hbm>> -> memref<32768xf32, #tpu.memory_space<hbm>>
    tpu.wait_dma2 semaphore(%arg6 : memref<!tpu.dma_semaphore, #tpu.memory_space<semaphore_mem>>) src(%dma_wait3A_37 : memref<32768xf32, #tpu.memory_space<hbm>>) dst(%dma_wait3A_35 : memref<32768xf32, #tpu.memory_space<vmem>>)
    %jit3A = arith.constant 1 : i32
    %div3A = arith.divsi %add3A_30, %jit3A : i32
    %sign3A = arith.constant 0 : i32
    %sign3A_38 = arith.cmpi sgt, %add3A_30, %sign3A : i32
    %sign3A_39 = arith.extui %sign3A_38 : i1 to i32
    %sign3A_40 = arith.constant 0 : i32
    %sign3A_41 = arith.cmpi slt, %add3A_30, %sign3A_40 : i32
    %sign3A_42 = arith.extui %sign3A_41 : i1 to i32
    %sign3A_43 = arith.subi %sign3A_39, %sign3A_42 : i32
    %sign3A_44 = arith.constant 0 : i32
    %sign3A_45 = arith.cmpi sgt, %jit3A, %sign3A_44 : i32
    %sign3A_46 = arith.extui %sign3A_45 : i1 to i32
    %sign3A_47 = arith.constant 0 : i32
    %sign3A_48 = arith.cmpi slt, %jit3A, %sign3A_47 : i32
    %sign3A_49 = arith.extui %sign3A_48 : i1 to i32
    %sign3A_50 = arith.subi %sign3A_46, %sign3A_49 : i32
    %ne3A = arith.cmpi ne, %sign3A_43, %sign3A_50 : i32
    %rem3A = arith.remsi %add3A_30, %jit3A : i32
    %ne3A_51 = arith.constant 0 : i32
    %ne3A_52 = arith.cmpi ne, %rem3A, %ne3A_51 : i32
    %and3A = arith.andi %ne3A, %ne3A_52 : i1
    %sub3A = arith.constant 1 : i32
    %sub3A_53 = arith.subi %div3A, %sub3A : i32
    %select_n3A = arith.select %and3A, %sub3A_53, %div3A : i32
    %mul3A_54 = arith.constant 8 : i32
    %mul3A_55 = arith.muli %select_n3A, %mul3A_54 : i32
    %add3A_56 = arith.constant 65536 : i32
    %add3A_57 = arith.addi %add3A_56, %mul3A_55 : i32
    %get3A = arith.index_cast %add3A_57 : i32 to index
    %get3A_58 = tpu.vector_load %arg5[%get3A] {strides = array<i32>} : memref<78352xf32, #tpu.memory_space<vmem>>, vector<16xf32>,
    %get3A_59 = vector.shape_cast %get3A_58 : vector<16xf32> to vector<16xf32>
    %slice3A = vector.extract_strided_slice %get3A_59 {offsets = [0], sizes = [1], strides = [1]} : vector<16xf32> to vector<1xf32>
    %squeeze3A = vector.extract %slice3A[0] : f32 from vector<1xf32>
    %broadcast_in_dim3A = vector.broadcast %squeeze3A : f32 to vector<16xf32>
    %slice3A_60 = vector.extract_strided_slice %get3A_59 {offsets = [1], sizes = [1], strides = [1]} : vector<16xf32> to vector<1xf32>
    %squeeze3A_61 = vector.extract %slice3A_60[0] : f32 from vector<1xf32>
    %broadcast_in_dim3A_62 = vector.broadcast %squeeze3A_61 : f32 to vector<16xf32>
    %slice3A_63 = vector.extract_strided_slice %get3A_59 {offsets = [2], sizes = [1], strides = [1]} : vector<16xf32> to vector<1xf32>
    %squeeze3A_64 = vector.extract %slice3A_63[0] : f32 from vector<1xf32>
    %broadcast_in_dim3A_65 = vector.broadcast %squeeze3A_64 : f32 to vector<16xf32>
    %slice3A_66 = vector.extract_strided_slice %get3A_59 {offsets = [3], sizes = [1], strides = [1]} : vector<16xf32> to vector<1xf32>
    %squeeze3A_67 = vector.extract %slice3A_66[0] : f32 from vector<1xf32>
    %broadcast_in_dim3A_68 = vector.broadcast %squeeze3A_67 : f32 to vector<16xf32>
    %slice3A_69 = vector.extract_strided_slice %get3A_59 {offsets = [4], sizes = [1], strides = [1]} : vector<16xf32> to vector<1xf32>
    %squeeze3A_70 = vector.extract %slice3A_69[0] : f32 from vector<1xf32>
    %broadcast_in_dim3A_71 = vector.broadcast %squeeze3A_70 : f32 to vector<16xf32>
    %slice3A_72 = vector.extract_strided_slice %get3A_59 {offsets = [5], sizes = [1], strides = [1]} : vector<16xf32> to vector<1xf32>
    %squeeze3A_73 = vector.extract %slice3A_72[0] : f32 from vector<1xf32>
    %broadcast_in_dim3A_74 = vector.broadcast %squeeze3A_73 : f32 to vector<16xf32>
    %slice3A_75 = vector.extract_strided_slice %get3A_59 {offsets = [6], sizes = [1], strides = [1]} : vector<16xf32> to vector<1xf32>
    %squeeze3A_76 = vector.extract %slice3A_75[0] : f32 from vector<1xf32>
    %broadcast_in_dim3A_77 = vector.broadcast %squeeze3A_76 : f32 to vector<16xf32>
    %slice3A_78 = vector.extract_strided_slice %get3A_59 {offsets = [7], sizes = [1], strides = [1]} : vector<16xf32> to vector<1xf32>
    %squeeze3A_79 = vector.extract %slice3A_78[0] : f32 from vector<1xf32>
    %broadcast_in_dim3A_80 = vector.broadcast %squeeze3A_79 : f32 to vector<16xf32>
    %parallel_loop3A = arith.constant 0 : i32
    %parallel_loop3A_81 = arith.constant 32 : i32
    %parallel_loop3A_82 = arith.constant 1 : i32
    scf.for %parallel_loop3A_185 = %parallel_loop3A to %parallel_loop3A_81 step %parallel_loop3A_82  : i32 {
      %parallel_loop3A_186 = arith.constant 1024 : i32
      %parallel_loop3A_187 = arith.muli %parallel_loop3A_185, %parallel_loop3A_186 : i32
      %parallel_loop3A_188 = arith.constant 0 : i32
      %parallel_loop3A_189 = arith.addi %parallel_loop3A_188, %parallel_loop3A_187 : i32
      %parallel_loop3A_190 = arith.constant 0 : i32
      %parallel_loop3A_191 = arith.addi %parallel_loop3A_189, %parallel_loop3A_190 : i32
      %parallel_loop3A_192 = arith.constant 0 : i32
      %parallel_loop3A_193 = arith.addi %parallel_loop3A_191, %parallel_loop3A_192 : i32
      %parallel_loop3A_194 = arith.index_cast %parallel_loop3A_193 : i32 to index
      %parallel_loop3A_195 = tpu.vector_load %arg5[%parallel_loop3A_194] {strides = array<i32>} : memref<78352xf32, #tpu.memory_space<vmem>>, vector<16xf32>,
      %parallel_loop3A_196 = vector.shape_cast %parallel_loop3A_195 : vector<16xf32> to vector<16xf32>
      %parallel_loop3A_197 = arith.addf %parallel_loop3A_196, %broadcast_in_dim3A : vector<16xf32>
      %parallel_loop3A_198 = arith.index_cast %parallel_loop3A_193 : i32 to index
      %parallel_loop3A_199 = tpu.vector_load %arg5[%parallel_loop3A_198] {strides = array<i32>} : memref<78352xf32, #tpu.memory_space<vmem>>, vector<16xf32>,
      %parallel_loop3A_200 = vector.shape_cast %parallel_loop3A_199 : vector<16xf32> to vector<16xf32>
      %parallel_loop3A_201 = vector.shape_cast %parallel_loop3A_197 : vector<16xf32> to vector<16xf32>
      tpu.vector_store %arg5[%parallel_loop3A_198], %parallel_loop3A_201 {strides = array<i32>} : memref<78352xf32, #tpu.memory_space<vmem>>, vector<16xf32>,
      %parallel_loop3A_202 = arith.constant 0 : i32
      %parallel_loop3A_203 = arith.addi %parallel_loop3A_189, %parallel_loop3A_202 : i32
      %parallel_loop3A_204 = arith.constant 16 : i32
      %parallel_loop3A_205 = arith.addi %parallel_loop3A_203, %parallel_loop3A_204 : i32
      %parallel_loop3A_206 = arith.index_cast %parallel_loop3A_205 : i32 to index
      %parallel_loop3A_207 = tpu.vector_load %arg5[%parallel_loop3A_206] {strides = array<i32>} : memref<78352xf32, #tpu.memory_space<vmem>>, vector<16xf32>,
      %parallel_loop3A_208 = vector.shape_cast %parallel_loop3A_207 : vector<16xf32> to vector<16xf32>
      %parallel_loop3A_209 = arith.addf %parallel_loop3A_208, %broadcast_in_dim3A : vector<16xf32>
      %parallel_loop3A_210 = arith.index_cast %parallel_loop3A_205 : i32 to index
      %parallel_loop3A_211 = tpu.vector_load %arg5[%parallel_loop3A_210] {strides = array<i32>} : memref<78352xf32, #tpu.memory_space<vmem>>, vector<16xf32>,
      %parallel_loop3A_212 = vector.shape_cast %parallel_loop3A_211 : vector<16xf32> to vector<16xf32>
      %parallel_loop3A_213 = vector.shape_cast %parallel_loop3A_209 : vector<16xf32> to vector<16xf32>
      tpu.vector_store %arg5[%parallel_loop3A_210], %parallel_loop3A_213 {strides = array<i32>} : memref<78352xf32, #tpu.memory_space<vmem>>, vector<16xf32>,
      %parallel_loop3A_214 = arith.constant 0 : i32
      %parallel_loop3A_215 = arith.addi %parallel_loop3A_189, %parallel_loop3A_214 : i32
      %parallel_loop3A_216 = arith.constant 32 : i32
      %parallel_loop3A_217 = arith.addi %parallel_loop3A_215, %parallel_loop3A_216 : i32
      %parallel_loop3A_218 = arith.index_cast %parallel_loop3A_217 : i32 to index
      %parallel_loop3A_219 = tpu.vector_load %arg5[%parallel_loop3A_218] {strides = array<i32>} : memref<78352xf32, #tpu.memory_space<vmem>>, vector<16xf32>,
      %parallel_loop3A_220 = vector.shape_cast %parallel_loop3A_219 : vector<16xf32> to vector<16xf32>
      %parallel_loop3A_221 = arith.addf %parallel_loop3A_220, %broadcast_in_dim3A : vector<16xf32>
      %parallel_loop3A_222 = arith.index_cast %parallel_loop3A_217 : i32 to index
      %parallel_loop3A_223 = tpu.vector_load %arg5[%parallel_loop3A_222] {strides = array<i32>} : memref<78352xf32, #tpu.memory_space<vmem>>, vector<16xf32>,
      %parallel_loop3A_224 = vector.shape_cast %parallel_loop3A_223 : vector<16xf32> to vector<16xf32>
      %parallel_loop3A_225 = vector.shape_cast %parallel_loop3A_221 : vector<16xf32> to vector<16xf32>
      tpu.vector_store %arg5[%parallel_loop3A_222], %parallel_loop3A_225 {strides = array<i32>} : memref<78352xf32, #tpu.memory_space<vmem>>, vector<16xf32>,
      %parallel_loop3A_226 = arith.constant 0 : i32
      %parallel_loop3A_227 = arith.addi %parallel_loop3A_189, %parallel_loop3A_226 : i32
      %parallel_loop3A_228 = arith.constant 48 : i32
      %parallel_loop3A_229 = arith.addi %parallel_loop3A_227, %parallel_loop3A_228 : i32
      %parallel_loop3A_230 = arith.index_cast %parallel_loop3A_229 : i32 to index
      %parallel_loop3A_231 = tpu.vector_load %arg5[%parallel_loop3A_230] {strides = array<i32>} : memref<78352xf32, #tpu.memory_space<vmem>>, vector<16xf32>,
      %parallel_loop3A_232 = vector.shape_cast %parallel_loop3A_231 : vector<16xf32> to vector<16xf32>
      %parallel_loop3A_233 = arith.addf %parallel_loop3A_232, %broadcast_in_dim3A : vector<16xf32>
      %parallel_loop3A_234 = arith.index_cast %parallel_loop3A_229 : i32 to index
      %parallel_loop3A_235 = tpu.vector_load %arg5[%parallel_loop3A_234] {strides = array<i32>} : memref<78352xf32, #tpu.memory_space<vmem>>, vector<16xf32>,
      %parallel_loop3A_236 = vector.shape_cast %parallel_loop3A_235 : vector<16xf32> to vector<16xf32>
      %parallel_loop3A_237 = vector.shape_cast %parallel_loop3A_233 : vector<16xf32> to vector<16xf32>
      tpu.vector_store %arg5[%parallel_loop3A_234], %parallel_loop3A_237 {strides = array<i32>} : memref<78352xf32, #tpu.memory_space<vmem>>, vector<16xf32>,
      %parallel_loop3A_238 = arith.constant 0 : i32
      %parallel_loop3A_239 = arith.addi %parallel_loop3A_189, %parallel_loop3A_238 : i32
      %parallel_loop3A_240 = arith.constant 64 : i32
      %parallel_loop3A_241 = arith.addi %parallel_loop3A_239, %parallel_loop3A_240 : i32
      %parallel_loop3A_242 = arith.index_cast %parallel_loop3A_241 : i32 to index
      %parallel_loop3A_243 = tpu.vector_load %arg5[%parallel_loop3A_242] {strides = array<i32>} : memref<78352xf32, #tpu.memory_space<vmem>>, vector<16xf32>,
      %parallel_loop3A_244 = vector.shape_cast %parallel_loop3A_243 : vector<16xf32> to vector<16xf32>
      %parallel_loop3A_245 = arith.addf %parallel_loop3A_244, %broadcast_in_dim3A : vector<16xf32>
      %parallel_loop3A_246 = arith.index_cast %parallel_loop3A_241 : i32 to index
      %parallel_loop3A_247 = tpu.vector_load %arg5[%parallel_loop3A_246] {strides = array<i32>} : memref<78352xf32, #tpu.memory_space<vmem>>, vector<16xf32>,
      %parallel_loop3A_248 = vector.shape_cast %parallel_loop3A_247 : vector<16xf32> to vector<16xf32>
      %parallel_loop3A_249 = vector.shape_cast %parallel_loop3A_245 : vector<16xf32> to vector<16xf32>
      tpu.vector_store %arg5[%parallel_loop3A_246], %parallel_loop3A_249 {strides = array<i32>} : memref<78352xf32, #tpu.memory_space<vmem>>, vector<16xf32>,
      %parallel_loop3A_250 = arith.constant 0 : i32
      %parallel_loop3A_251 = arith.addi %parallel_loop3A_189, %parallel_loop3A_250 : i32
      %parallel_loop3A_252 = arith.constant 80 : i32
      %parallel_loop3A_253 = arith.addi %parallel_loop3A_251, %parallel_loop3A_252 : i32
      %parallel_loop3A_254 = arith.index_cast %parallel_loop3A_253 : i32 to index
      %parallel_loop3A_255 = tpu.vector_load %arg5[%parallel_loop3A_254] {strides = array<i32>} : memref<78352xf32, #tpu.memory_space<vmem>>, vector<16xf32>,
      %parallel_loop3A_256 = vector.shape_cast %parallel_loop3A_255 : vector<16xf32> to vector<16xf32>
      %parallel_loop3A_257 = arith.addf %parallel_loop3A_256, %broadcast_in_dim3A : vector<16xf32>
      %parallel_loop3A_258 = arith.index_cast %parallel_loop3A_253 : i32 to index
      %parallel_loop3A_259 = tpu.vector_load %arg5[%parallel_loop3A_258] {strides = array<i32>} : memref<78352xf32, #tpu.memory_space<vmem>>, vector<16xf32>,
      %parallel_loop3A_260 = vector.shape_cast %parallel_loop3A_259 : vector<16xf32> to vector<16xf32>
      %parallel_loop3A_261 = vector.shape_cast %parallel_loop3A_257 : vector<16xf32> to vector<16xf32>
      tpu.vector_store %arg5[%parallel_loop3A_258], %parallel_loop3A_261 {strides = array<i32>} : memref<78352xf32, #tpu.memory_space<vmem>>, vector<16xf32>,
      %parallel_loop3A_262 = arith.constant 0 : i32
      %parallel_loop3A_263 = arith.addi %parallel_loop3A_189, %parallel_loop3A_262 : i32
      %parallel_loop3A_264 = arith.constant 96 : i32
      %parallel_loop3A_265 = arith.addi %parallel_loop3A_263, %parallel_loop3A_264 : i32
      %parallel_loop3A_266 = arith.index_cast %parallel_loop3A_265 : i32 to index
      %parallel_loop3A_267 = tpu.vector_load %arg5[%parallel_loop3A_266] {strides = array<i32>} : memref<78352xf32, #tpu.memory_space<vmem>>, vector<16xf32>,
      %parallel_loop3A_268 = vector.shape_cast %parallel_loop3A_267 : vector<16xf32> to vector<16xf32>
      %parallel_loop3A_269 = arith.addf %parallel_loop3A_268, %broadcast_in_dim3A : vector<16xf32>
      %parallel_loop3A_270 = arith.index_cast %parallel_loop3A_265 : i32 to index
      %parallel_loop3A_271 = tpu.vector_load %arg5[%parallel_loop3A_270] {strides = array<i32>} : memref<78352xf32, #tpu.memory_space<vmem>>, vector<16xf32>,
      %parallel_loop3A_272 = vector.shape_cast %parallel_loop3A_271 : vector<16xf32> to vector<16xf32>
      %parallel_loop3A_273 = vector.shape_cast %parallel_loop3A_269 : vector<16xf32> to vector<16xf32>
      tpu.vector_store %arg5[%parallel_loop3A_270], %parallel_loop3A_273 {strides = array<i32>} : memref<78352xf32, #tpu.memory_space<vmem>>, vector<16xf32>,
      %parallel_loop3A_274 = arith.constant 0 : i32
      %parallel_loop3A_275 = arith.addi %parallel_loop3A_189, %parallel_loop3A_274 : i32
      %parallel_loop3A_276 = arith.constant 112 : i32
      %parallel_loop3A_277 = arith.addi %parallel_loop3A_275, %parallel_loop3A_276 : i32
      %parallel_loop3A_278 = arith.index_cast %parallel_loop3A_277 : i32 to index
      %parallel_loop3A_279 = tpu.vector_load %arg5[%parallel_loop3A_278] {strides = array<i32>} : memref<78352xf32, #tpu.memory_space<vmem>>, vector<16xf32>,
      %parallel_loop3A_280 = vector.shape_cast %parallel_loop3A_279 : vector<16xf32> to vector<16xf32>
      %parallel_loop3A_281 = arith.addf %parallel_loop3A_280, %broadcast_in_dim3A : vector<16xf32>
      %parallel_loop3A_282 = arith.index_cast %parallel_loop3A_277 : i32 to index
      %parallel_loop3A_283 = tpu.vector_load %arg5[%parallel_loop3A_282] {strides = array<i32>} : memref<78352xf32, #tpu.memory_space<vmem>>, vector<16xf32>,
      %parallel_loop3A_284 = vector.shape_cast %parallel_loop3A_283 : vector<16xf32> to vector<16xf32>
      %parallel_loop3A_285 = vector.shape_cast %parallel_loop3A_281 : vector<16xf32> to vector<16xf32>
      tpu.vector_store %arg5[%parallel_loop3A_282], %parallel_loop3A_285 {strides = array<i32>} : memref<78352xf32, #tpu.memory_space<vmem>>, vector<16xf32>,
      %parallel_loop3A_286 = arith.constant 128 : i32
      %parallel_loop3A_287 = arith.addi %parallel_loop3A_189, %parallel_loop3A_286 : i32
      %parallel_loop3A_288 = arith.constant 0 : i32
      %parallel_loop3A_289 = arith.addi %parallel_loop3A_287, %parallel_loop3A_288 : i32
      %parallel_loop3A_290 = arith.index_cast %parallel_loop3A_289 : i32 to index
      %parallel_loop3A_291 = tpu.vector_load %arg5[%parallel_loop3A_290] {strides = array<i32>} : memref<78352xf32, #tpu.memory_space<vmem>>, vector<16xf32>,
      %parallel_loop3A_292 = vector.shape_cast %parallel_loop3A_291 : vector<16xf32> to vector<16xf32>
      %parallel_loop3A_293 = arith.addf %parallel_loop3A_292, %broadcast_in_dim3A_62 : vector<16xf32>
      %parallel_loop3A_294 = arith.index_cast %parallel_loop3A_289 : i32 to index
      %parallel_loop3A_295 = tpu.vector_load %arg5[%parallel_loop3A_294] {strides = array<i32>} : memref<78352xf32, #tpu.memory_space<vmem>>, vector<16xf32>,
      %parallel_loop3A_296 = vector.shape_cast %parallel_loop3A_295 : vector<16xf32> to vector<16xf32>
      %parallel_loop3A_297 = vector.shape_cast %parallel_loop3A_293 : vector<16xf32> to vector<16xf32>
      tpu.vector_store %arg5[%parallel_loop3A_294], %parallel_loop3A_297 {strides = array<i32>} : memref<78352xf32, #tpu.memory_space<vmem>>, vector<16xf32>,
      %parallel_loop3A_298 = arith.constant 128 : i32
      %parallel_loop3A_299 = arith.addi %parallel_loop3A_189, %parallel_loop3A_298 : i32
      %parallel_loop3A_300 = arith.constant 16 : i32
      %parallel_loop3A_301 = arith.addi %parallel_loop3A_299, %parallel_loop3A_300 : i32
      %parallel_loop3A_302 = arith.index_cast %parallel_loop3A_301 : i32 to index
      %parallel_loop3A_303 = tpu.vector_load %arg5[%parallel_loop3A_302] {strides = array<i32>} : memref<78352xf32, #tpu.memory_space<vmem>>, vector<16xf32>,
      %parallel_loop3A_304 = vector.shape_cast %parallel_loop3A_303 : vector<16xf32> to vector<16xf32>
      %parallel_loop3A_305 = arith.addf %parallel_loop3A_304, %broadcast_in_dim3A_62 : vector<16xf32>
      %parallel_loop3A_306 = arith.index_cast %parallel_loop3A_301 : i32 to index
      %parallel_loop3A_307 = tpu.vector_load %arg5[%parallel_loop3A_306] {strides = array<i32>} : memref<78352xf32, #tpu.memory_space<vmem>>, vector<16xf32>,
      %parallel_loop3A_308 = vector.shape_cast %parallel_loop3A_307 : vector<16xf32> to vector<16xf32>
      %parallel_loop3A_309 = vector.shape_cast %parallel_loop3A_305 : vector<16xf32> to vector<16xf32>
      tpu.vector_store %arg5[%parallel_loop3A_306], %parallel_loop3A_309 {strides = array<i32>} : memref<78352xf32, #tpu.memory_space<vmem>>, vector<16xf32>,
      %parallel_loop3A_310 = arith.constant 128 : i32
      %parallel_loop3A_311 = arith.addi %parallel_loop3A_189, %parallel_loop3A_310 : i32
      %parallel_loop3A_312 = arith.constant 32 : i32
      %parallel_loop3A_313 = arith.addi %parallel_loop3A_311, %parallel_loop3A_312 : i32
      %parallel_loop3A_314 = arith.index_cast %parallel_loop3A_313 : i32 to index
      %parallel_loop3A_315 = tpu.vector_load %arg5[%parallel_loop3A_314] {strides = array<i32>} : memref<78352xf32, #tpu.memory_space<vmem>>, vector<16xf32>,
      %parallel_loop3A_316 = vector.shape_cast %parallel_loop3A_315 : vector<16xf32> to vector<16xf32>
      %parallel_loop3A_317 = arith.addf %parallel_loop3A_316, %broadcast_in_dim3A_62 : vector<16xf32>
      %parallel_loop3A_318 = arith.index_cast %parallel_loop3A_313 : i32 to index
      %parallel_loop3A_319 = tpu.vector_load %arg5[%parallel_loop3A_318] {strides = array<i32>} : memref<78352xf32, #tpu.memory_space<vmem>>, vector<16xf32>,
      %parallel_loop3A_320 = vector.shape_cast %parallel_loop3A_319 : vector<16xf32> to vector<16xf32>
      %parallel_loop3A_321 = vector.shape_cast %parallel_loop3A_317 : vector<16xf32> to vector<16xf32>
      tpu.vector_store %arg5[%parallel_loop3A_318], %parallel_loop3A_321 {strides = array<i32>} : memref<78352xf32, #tpu.memory_space<vmem>>, vector<16xf32>,
      %parallel_loop3A_322 = arith.constant 128 : i32
      %parallel_loop3A_323 = arith.addi %parallel_loop3A_189, %parallel_loop3A_322 : i32
      %parallel_loop3A_324 = arith.constant 48 : i32
      %parallel_loop3A_325 = arith.addi %parallel_loop3A_323, %parallel_loop3A_324 : i32
      %parallel_loop3A_326 = arith.index_cast %parallel_loop3A_325 : i32 to index
      %parallel_loop3A_327 = tpu.vector_load %arg5[%parallel_loop3A_326] {strides = array<i32>} : memref<78352xf32, #tpu.memory_space<vmem>>, vector<16xf32>,
      %parallel_loop3A_328 = vector.shape_cast %parallel_loop3A_327 : vector<16xf32> to vector<16xf32>
      %parallel_loop3A_329 = arith.addf %parallel_loop3A_328, %broadcast_in_dim3A_62 : vector<16xf32>
      %parallel_loop3A_330 = arith.index_cast %parallel_loop3A_325 : i32 to index
      %parallel_loop3A_331 = tpu.vector_load %arg5[%parallel_loop3A_330] {strides = array<i32>} : memref<78352xf32, #tpu.memory_space<vmem>>, vector<16xf32>,
      %parallel_loop3A_332 = vector.shape_cast %parallel_loop3A_331 : vector<16xf32> to vector<16xf32>
      %parallel_loop3A_333 = vector.shape_cast %parallel_loop3A_329 : vector<16xf32> to vector<16xf32>
      tpu.vector_store %arg5[%parallel_loop3A_330], %parallel_loop3A_333 {strides = array<i32>} : memref<78352xf32, #tpu.memory_space<vmem>>, vector<16xf32>,
      %parallel_loop3A_334 = arith.constant 128 : i32
      %parallel_loop3A_335 = arith.addi %parallel_loop3A_189, %parallel_loop3A_334 : i32
      %parallel_loop3A_336 = arith.constant 64 : i32
      %parallel_loop3A_337 = arith.addi %parallel_loop3A_335, %parallel_loop3A_336 : i32
      %parallel_loop3A_338 = arith.index_cast %parallel_loop3A_337 : i32 to index
      %parallel_loop3A_339 = tpu.vector_load %arg5[%parallel_loop3A_338] {strides = array<i32>} : memref<78352xf32, #tpu.memory_space<vmem>>, vector<16xf32>,
      %parallel_loop3A_340 = vector.shape_cast %parallel_loop3A_339 : vector<16xf32> to vector<16xf32>
      %parallel_loop3A_341 = arith.addf %parallel_loop3A_340, %broadcast_in_dim3A_62 : vector<16xf32>
      %parallel_loop3A_342 = arith.index_cast %parallel_loop3A_337 : i32 to index
      %parallel_loop3A_343 = tpu.vector_load %arg5[%parallel_loop3A_342] {strides = array<i32>} : memref<78352xf32, #tpu.memory_space<vmem>>, vector<16xf32>,
      %parallel_loop3A_344 = vector.shape_cast %parallel_loop3A_343 : vector<16xf32> to vector<16xf32>
      %parallel_loop3A_345 = vector.shape_cast %parallel_loop3A_341 : vector<16xf32> to vector<16xf32>
      tpu.vector_store %arg5[%parallel_loop3A_342], %parallel_loop3A_345 {strides = array<i32>} : memref<78352xf32, #tpu.memory_space<vmem>>, vector<16xf32>,
      %parallel_loop3A_346 = arith.constant 128 : i32
      %parallel_loop3A_347 = arith.addi %parallel_loop3A_189, %parallel_loop3A_346 : i32
      %parallel_loop3A_348 = arith.constant 80 : i32
      %parallel_loop3A_349 = arith.addi %parallel_loop3A_347, %parallel_loop3A_348 : i32
      %parallel_loop3A_350 = arith.index_cast %parallel_loop3A_349 : i32 to index
      %parallel_loop3A_351 = tpu.vector_load %arg5[%parallel_loop3A_350] {strides = array<i32>} : memref<78352xf32, #tpu.memory_space<vmem>>, vector<16xf32>,
      %parallel_loop3A_352 = vector.shape_cast %parallel_loop3A_351 : vector<16xf32> to vector<16xf32>
      %parallel_loop3A_353 = arith.addf %parallel_loop3A_352, %broadcast_in_dim3A_62 : vector<16xf32>
      %parallel_loop3A_354 = arith.index_cast %parallel_loop3A_349 : i32 to index
      %parallel_loop3A_355 = tpu.vector_load %arg5[%parallel_loop3A_354] {strides = array<i32>} : memref<78352xf32, #tpu.memory_space<vmem>>, vector<16xf32>,
      %parallel_loop3A_356 = vector.shape_cast %parallel_loop3A_355 : vector<16xf32> to vector<16xf32>
      %parallel_loop3A_357 = vector.shape_cast %parallel_loop3A_353 : vector<16xf32> to vector<16xf32>
      tpu.vector_store %arg5[%parallel_loop3A_354], %parallel_loop3A_357 {strides = array<i32>} : memref<78352xf32, #tpu.memory_space<vmem>>, vector<16xf32>,
      %parallel_loop3A_358 = arith.constant 128 : i32
      %parallel_loop3A_359 = arith.addi %parallel_loop3A_189, %parallel_loop3A_358 : i32
      %parallel_loop3A_360 = arith.constant 96 : i32
      %parallel_loop3A_361 = arith.addi %parallel_loop3A_359, %parallel_loop3A_360 : i32
      %parallel_loop3A_362 = arith.index_cast %parallel_loop3A_361 : i32 to index
      %parallel_loop3A_363 = tpu.vector_load %arg5[%parallel_loop3A_362] {strides = array<i32>} : memref<78352xf32, #tpu.memory_space<vmem>>, vector<16xf32>,
      %parallel_loop3A_364 = vector.shape_cast %parallel_loop3A_363 : vector<16xf32> to vector<16xf32>
      %parallel_loop3A_365 = arith.addf %parallel_loop3A_364, %broadcast_in_dim3A_62 : vector<16xf32>
      %parallel_loop3A_366 = arith.index_cast %parallel_loop3A_361 : i32 to index
      %parallel_loop3A_367 = tpu.vector_load %arg5[%parallel_loop3A_366] {strides = array<i32>} : memref<78352xf32, #tpu.memory_space<vmem>>, vector<16xf32>,
      %parallel_loop3A_368 = vector.shape_cast %parallel_loop3A_367 : vector<16xf32> to vector<16xf32>
      %parallel_loop3A_369 = vector.shape_cast %parallel_loop3A_365 : vector<16xf32> to vector<16xf32>
      tpu.vector_store %arg5[%parallel_loop3A_366], %parallel_loop3A_369 {strides = array<i32>} : memref<78352xf32, #tpu.memory_space<vmem>>, vector<16xf32>,
      %parallel_loop3A_370 = arith.constant 128 : i32
      %parallel_loop3A_371 = arith.addi %parallel_loop3A_189, %parallel_loop3A_370 : i32
      %parallel_loop3A_372 = arith.constant 112 : i32
      %parallel_loop3A_373 = arith.addi %parallel_loop3A_371, %parallel_loop3A_372 : i32
      %parallel_loop3A_374 = arith.index_cast %parallel_loop3A_373 : i32 to index
      %parallel_loop3A_375 = tpu.vector_load %arg5[%parallel_loop3A_374] {strides = array<i32>} : memref<78352xf32, #tpu.memory_space<vmem>>, vector<16xf32>,
      %parallel_loop3A_376 = vector.shape_cast %parallel_loop3A_375 : vector<16xf32> to vector<16xf32>
      %parallel_loop3A_377 = arith.addf %parallel_loop3A_376, %broadcast_in_dim3A_62 : vector<16xf32>
      %parallel_loop3A_378 = arith.index_cast %parallel_loop3A_373 : i32 to index
      %parallel_loop3A_379 = tpu.vector_load %arg5[%parallel_loop3A_378] {strides = array<i32>} : memref<78352xf32, #tpu.memory_space<vmem>>, vector<16xf32>,
      %parallel_loop3A_380 = vector.shape_cast %parallel_loop3A_379 : vector<16xf32> to vector<16xf32>
      %parallel_loop3A_381 = vector.shape_cast %parallel_loop3A_377 : vector<16xf32> to vector<16xf32>
      tpu.vector_store %arg5[%parallel_loop3A_378], %parallel_loop3A_381 {strides = array<i32>} : memref<78352xf32, #tpu.memory_space<vmem>>, vector<16xf32>,
      %parallel_loop3A_382 = arith.constant 256 : i32
      %parallel_loop3A_383 = arith.addi %parallel_loop3A_189, %parallel_loop3A_382 : i32
      %parallel_loop3A_384 = arith.constant 0 : i32
      %parallel_loop3A_385 = arith.addi %parallel_loop3A_383, %parallel_loop3A_384 : i32
      %parallel_loop3A_386 = arith.index_cast %parallel_loop3A_385 : i32 to index
      %parallel_loop3A_387 = tpu.vector_load %arg5[%parallel_loop3A_386] {strides = array<i32>} : memref<78352xf32, #tpu.memory_space<vmem>>, vector<16xf32>,
      %parallel_loop3A_388 = vector.shape_cast %parallel_loop3A_387 : vector<16xf32> to vector<16xf32>
      %parallel_loop3A_389 = arith.addf %parallel_loop3A_388, %broadcast_in_dim3A_65 : vector<16xf32>
      %parallel_loop3A_390 = arith.index_cast %parallel_loop3A_385 : i32 to index
      %parallel_loop3A_391 = tpu.vector_load %arg5[%parallel_loop3A_390] {strides = array<i32>} : memref<78352xf32, #tpu.memory_space<vmem>>, vector<16xf32>,
      %parallel_loop3A_392 = vector.shape_cast %parallel_loop3A_391 : vector<16xf32> to vector<16xf32>
      %parallel_loop3A_393 = vector.shape_cast %parallel_loop3A_389 : vector<16xf32> to vector<16xf32>
      tpu.vector_store %arg5[%parallel_loop3A_390], %parallel_loop3A_393 {strides = array<i32>} : memref<78352xf32, #tpu.memory_space<vmem>>, vector<16xf32>,
      %parallel_loop3A_394 = arith.constant 256 : i32
      %parallel_loop3A_395 = arith.addi %parallel_loop3A_189, %parallel_loop3A_394 : i32
      %parallel_loop3A_396 = arith.constant 16 : i32
      %parallel_loop3A_397 = arith.addi %parallel_loop3A_395, %parallel_loop3A_396 : i32
      %parallel_loop3A_398 = arith.index_cast %parallel_loop3A_397 : i32 to index
      %parallel_loop3A_399 = tpu.vector_load %arg5[%parallel_loop3A_398] {strides = array<i32>} : memref<78352xf32, #tpu.memory_space<vmem>>, vector<16xf32>,
      %parallel_loop3A_400 = vector.shape_cast %parallel_loop3A_399 : vector<16xf32> to vector<16xf32>
      %parallel_loop3A_401 = arith.addf %parallel_loop3A_400, %broadcast_in_dim3A_65 : vector<16xf32>
      %parallel_loop3A_402 = arith.index_cast %parallel_loop3A_397 : i32 to index
      %parallel_loop3A_403 = tpu.vector_load %arg5[%parallel_loop3A_402] {strides = array<i32>} : memref<78352xf32, #tpu.memory_space<vmem>>, vector<16xf32>,
      %parallel_loop3A_404 = vector.shape_cast %parallel_loop3A_403 : vector<16xf32> to vector<16xf32>
      %parallel_loop3A_405 = vector.shape_cast %parallel_loop3A_401 : vector<16xf32> to vector<16xf32>
      tpu.vector_store %arg5[%parallel_loop3A_402], %parallel_loop3A_405 {strides = array<i32>} : memref<78352xf32, #tpu.memory_space<vmem>>, vector<16xf32>,
      %parallel_loop3A_406 = arith.constant 256 : i32
      %parallel_loop3A_407 = arith.addi %parallel_loop3A_189, %parallel_loop3A_406 : i32
      %parallel_loop3A_408 = arith.constant 32 : i32
      %parallel_loop3A_409 = arith.addi %parallel_loop3A_407, %parallel_loop3A_408 : i32
      %parallel_loop3A_410 = arith.index_cast %parallel_loop3A_409 : i32 to index
      %parallel_loop3A_411 = tpu.vector_load %arg5[%parallel_loop3A_410] {strides = array<i32>} : memref<78352xf32, #tpu.memory_space<vmem>>, vector<16xf32>,
      %parallel_loop3A_412 = vector.shape_cast %parallel_loop3A_411 : vector<16xf32> to vector<16xf32>
      %parallel_loop3A_413 = arith.addf %parallel_loop3A_412, %broadcast_in_dim3A_65 : vector<16xf32>
      %parallel_loop3A_414 = arith.index_cast %parallel_loop3A_409 : i32 to index
      %parallel_loop3A_415 = tpu.vector_load %arg5[%parallel_loop3A_414] {strides = array<i32>} : memref<78352xf32, #tpu.memory_space<vmem>>, vector<16xf32>,
      %parallel_loop3A_416 = vector.shape_cast %parallel_loop3A_415 : vector<16xf32> to vector<16xf32>
      %parallel_loop3A_417 = vector.shape_cast %parallel_loop3A_413 : vector<16xf32> to vector<16xf32>
      tpu.vector_store %arg5[%parallel_loop3A_414], %parallel_loop3A_417 {strides = array<i32>} : memref<78352xf32, #tpu.memory_space<vmem>>, vector<16xf32>,
      %parallel_loop3A_418 = arith.constant 256 : i32
      %parallel_loop3A_419 = arith.addi %parallel_loop3A_189, %parallel_loop3A_418 : i32
      %parallel_loop3A_420 = arith.constant 48 : i32
      %parallel_loop3A_421 = arith.addi %parallel_loop3A_419, %parallel_loop3A_420 : i32
      %parallel_loop3A_422 = arith.index_cast %parallel_loop3A_421 : i32 to index
      %parallel_loop3A_423 = tpu.vector_load %arg5[%parallel_loop3A_422] {strides = array<i32>} : memref<78352xf32, #tpu.memory_space<vmem>>, vector<16xf32>,
      %parallel_loop3A_424 = vector.shape_cast %parallel_loop3A_423 : vector<16xf32> to vector<16xf32>
      %parallel_loop3A_425 = arith.addf %parallel_loop3A_424, %broadcast_in_dim3A_65 : vector<16xf32>
      %parallel_loop3A_426 = arith.index_cast %parallel_loop3A_421 : i32 to index
      %parallel_loop3A_427 = tpu.vector_load %arg5[%parallel_loop3A_426] {strides = array<i32>} : memref<78352xf32, #tpu.memory_space<vmem>>, vector<16xf32>,
      %parallel_loop3A_428 = vector.shape_cast %parallel_loop3A_427 : vector<16xf32> to vector<16xf32>
      %parallel_loop3A_429 = vector.shape_cast %parallel_loop3A_425 : vector<16xf32> to vector<16xf32>
      tpu.vector_store %arg5[%parallel_loop3A_426], %parallel_loop3A_429 {strides = array<i32>} : memref<78352xf32, #tpu.memory_space<vmem>>, vector<16xf32>,
      %parallel_loop3A_430 = arith.constant 256 : i32
      %parallel_loop3A_431 = arith.addi %parallel_loop3A_189, %parallel_loop3A_430 : i32
      %parallel_loop3A_432 = arith.constant 64 : i32
      %parallel_loop3A_433 = arith.addi %parallel_loop3A_431, %parallel_loop3A_432 : i32
      %parallel_loop3A_434 = arith.index_cast %parallel_loop3A_433 : i32 to index
      %parallel_loop3A_435 = tpu.vector_load %arg5[%parallel_loop3A_434] {strides = array<i32>} : memref<78352xf32, #tpu.memory_space<vmem>>, vector<16xf32>,
      %parallel_loop3A_436 = vector.shape_cast %parallel_loop3A_435 : vector<16xf32> to vector<16xf32>
      %parallel_loop3A_437 = arith.addf %parallel_loop3A_436, %broadcast_in_dim3A_65 : vector<16xf32>
      %parallel_loop3A_438 = arith.index_cast %parallel_loop3A_433 : i32 to index
      %parallel_loop3A_439 = tpu.vector_load %arg5[%parallel_loop3A_438] {strides = array<i32>} : memref<78352xf32, #tpu.memory_space<vmem>>, vector<16xf32>,
      %parallel_loop3A_440 = vector.shape_cast %parallel_loop3A_439 : vector<16xf32> to vector<16xf32>
      %parallel_loop3A_441 = vector.shape_cast %parallel_loop3A_437 : vector<16xf32> to vector<16xf32>
      tpu.vector_store %arg5[%parallel_loop3A_438], %parallel_loop3A_441 {strides = array<i32>} : memref<78352xf32, #tpu.memory_space<vmem>>, vector<16xf32>,
      %parallel_loop3A_442 = arith.constant 256 : i32
      %parallel_loop3A_443 = arith.addi %parallel_loop3A_189, %parallel_loop3A_442 : i32
      %parallel_loop3A_444 = arith.constant 80 : i32
      %parallel_loop3A_445 = arith.addi %parallel_loop3A_443, %parallel_loop3A_444 : i32
      %parallel_loop3A_446 = arith.index_cast %parallel_loop3A_445 : i32 to index
      %parallel_loop3A_447 = tpu.vector_load %arg5[%parallel_loop3A_446] {strides = array<i32>} : memref<78352xf32, #tpu.memory_space<vmem>>, vector<16xf32>,
      %parallel_loop3A_448 = vector.shape_cast %parallel_loop3A_447 : vector<16xf32> to vector<16xf32>
      %parallel_loop3A_449 = arith.addf %parallel_loop3A_448, %broadcast_in_dim3A_65 : vector<16xf32>
      %parallel_loop3A_450 = arith.index_cast %parallel_loop3A_445 : i32 to index
      %parallel_loop3A_451 = tpu.vector_load %arg5[%parallel_loop3A_450] {strides = array<i32>} : memref<78352xf32, #tpu.memory_space<vmem>>, vector<16xf32>,
      %parallel_loop3A_452 = vector.shape_cast %parallel_loop3A_451 : vector<16xf32> to vector<16xf32>
      %parallel_loop3A_453 = vector.shape_cast %parallel_loop3A_449 : vector<16xf32> to vector<16xf32>
      tpu.vector_store %arg5[%parallel_loop3A_450], %parallel_loop3A_453 {strides = array<i32>} : memref<78352xf32, #tpu.memory_space<vmem>>, vector<16xf32>,
      %parallel_loop3A_454 = arith.constant 256 : i32
      %parallel_loop3A_455 = arith.addi %parallel_loop3A_189, %parallel_loop3A_454 : i32
      %parallel_loop3A_456 = arith.constant 96 : i32
      %parallel_loop3A_457 = arith.addi %parallel_loop3A_455, %parallel_loop3A_456 : i32
      %parallel_loop3A_458 = arith.index_cast %parallel_loop3A_457 : i32 to index
      %parallel_loop3A_459 = tpu.vector_load %arg5[%parallel_loop3A_458] {strides = array<i32>} : memref<78352xf32, #tpu.memory_space<vmem>>, vector<16xf32>,
      %parallel_loop3A_460 = vector.shape_cast %parallel_loop3A_459 : vector<16xf32> to vector<16xf32>
      %parallel_loop3A_461 = arith.addf %parallel_loop3A_460, %broadcast_in_dim3A_65 : vector<16xf32>
      %parallel_loop3A_462 = arith.index_cast %parallel_loop3A_457 : i32 to index
      %parallel_loop3A_463 = tpu.vector_load %arg5[%parallel_loop3A_462] {strides = array<i32>} : memref<78352xf32, #tpu.memory_space<vmem>>, vector<16xf32>,
      %parallel_loop3A_464 = vector.shape_cast %parallel_loop3A_463 : vector<16xf32> to vector<16xf32>
      %parallel_loop3A_465 = vector.shape_cast %parallel_loop3A_461 : vector<16xf32> to vector<16xf32>
      tpu.vector_store %arg5[%parallel_loop3A_462], %parallel_loop3A_465 {strides = array<i32>} : memref<78352xf32, #tpu.memory_space<vmem>>, vector<16xf32>,
      %parallel_loop3A_466 = arith.constant 256 : i32
      %parallel_loop3A_467 = arith.addi %parallel_loop3A_189, %parallel_loop3A_466 : i32
      %parallel_loop3A_468 = arith.constant 112 : i32
      %parallel_loop3A_469 = arith.addi %parallel_loop3A_467, %parallel_loop3A_468 : i32
      %parallel_loop3A_470 = arith.index_cast %parallel_loop3A_469 : i32 to index
      %parallel_loop3A_471 = tpu.vector_load %arg5[%parallel_loop3A_470] {strides = array<i32>} : memref<78352xf32, #tpu.memory_space<vmem>>, vector<16xf32>,
      %parallel_loop3A_472 = vector.shape_cast %parallel_loop3A_471 : vector<16xf32> to vector<16xf32>
      %parallel_loop3A_473 = arith.addf %parallel_loop3A_472, %broadcast_in_dim3A_65 : vector<16xf32>
      %parallel_loop3A_474 = arith.index_cast %parallel_loop3A_469 : i32 to index
      %parallel_loop3A_475 = tpu.vector_load %arg5[%parallel_loop3A_474] {strides = array<i32>} : memref<78352xf32, #tpu.memory_space<vmem>>, vector<16xf32>,
      %parallel_loop3A_476 = vector.shape_cast %parallel_loop3A_475 : vector<16xf32> to vector<16xf32>
      %parallel_loop3A_477 = vector.shape_cast %parallel_loop3A_473 : vector<16xf32> to vector<16xf32>
      tpu.vector_store %arg5[%parallel_loop3A_474], %parallel_loop3A_477 {strides = array<i32>} : memref<78352xf32, #tpu.memory_space<vmem>>, vector<16xf32>,
      %parallel_loop3A_478 = arith.constant 384 : i32
      %parallel_loop3A_479 = arith.addi %parallel_loop3A_189, %parallel_loop3A_478 : i32
      %parallel_loop3A_480 = arith.constant 0 : i32
      %parallel_loop3A_481 = arith.addi %parallel_loop3A_479, %parallel_loop3A_480 : i32
      %parallel_loop3A_482 = arith.index_cast %parallel_loop3A_481 : i32 to index
      %parallel_loop3A_483 = tpu.vector_load %arg5[%parallel_loop3A_482] {strides = array<i32>} : memref<78352xf32, #tpu.memory_space<vmem>>, vector<16xf32>,
      %parallel_loop3A_484 = vector.shape_cast %parallel_loop3A_483 : vector<16xf32> to vector<16xf32>
      %parallel_loop3A_485 = arith.addf %parallel_loop3A_484, %broadcast_in_dim3A_68 : vector<16xf32>
      %parallel_loop3A_486 = arith.index_cast %parallel_loop3A_481 : i32 to index
      %parallel_loop3A_487 = tpu.vector_load %arg5[%parallel_loop3A_486] {strides = array<i32>} : memref<78352xf32, #tpu.memory_space<vmem>>, vector<16xf32>,
      %parallel_loop3A_488 = vector.shape_cast %parallel_loop3A_487 : vector<16xf32> to vector<16xf32>
      %parallel_loop3A_489 = vector.shape_cast %parallel_loop3A_485 : vector<16xf32> to vector<16xf32>
      tpu.vector_store %arg5[%parallel_loop3A_486], %parallel_loop3A_489 {strides = array<i32>} : memref<78352xf32, #tpu.memory_space<vmem>>, vector<16xf32>,
      %parallel_loop3A_490 = arith.constant 384 : i32
      %parallel_loop3A_491 = arith.addi %parallel_loop3A_189, %parallel_loop3A_490 : i32
      %parallel_loop3A_492 = arith.constant 16 : i32
      %parallel_loop3A_493 = arith.addi %parallel_loop3A_491, %parallel_loop3A_492 : i32
      %parallel_loop3A_494 = arith.index_cast %parallel_loop3A_493 : i32 to index
      %parallel_loop3A_495 = tpu.vector_load %arg5[%parallel_loop3A_494] {strides = array<i32>} : memref<78352xf32, #tpu.memory_space<vmem>>, vector<16xf32>,
      %parallel_loop3A_496 = vector.shape_cast %parallel_loop3A_495 : vector<16xf32> to vector<16xf32>
      %parallel_loop3A_497 = arith.addf %parallel_loop3A_496, %broadcast_in_dim3A_68 : vector<16xf32>
      %parallel_loop3A_498 = arith.index_cast %parallel_loop3A_493 : i32 to index
      %parallel_loop3A_499 = tpu.vector_load %arg5[%parallel_loop3A_498] {strides = array<i32>} : memref<78352xf32, #tpu.memory_space<vmem>>, vector<16xf32>,
      %parallel_loop3A_500 = vector.shape_cast %parallel_loop3A_499 : vector<16xf32> to vector<16xf32>
      %parallel_loop3A_501 = vector.shape_cast %parallel_loop3A_497 : vector<16xf32> to vector<16xf32>
      tpu.vector_store %arg5[%parallel_loop3A_498], %parallel_loop3A_501 {strides = array<i32>} : memref<78352xf32, #tpu.memory_space<vmem>>, vector<16xf32>,
      %parallel_loop3A_502 = arith.constant 384 : i32
      %parallel_loop3A_503 = arith.addi %parallel_loop3A_189, %parallel_loop3A_502 : i32
      %parallel_loop3A_504 = arith.constant 32 : i32
      %parallel_loop3A_505 = arith.addi %parallel_loop3A_503, %parallel_loop3A_504 : i32
      %parallel_loop3A_506 = arith.index_cast %parallel_loop3A_505 : i32 to index
      %parallel_loop3A_507 = tpu.vector_load %arg5[%parallel_loop3A_506] {strides = array<i32>} : memref<78352xf32, #tpu.memory_space<vmem>>, vector<16xf32>,
      %parallel_loop3A_508 = vector.shape_cast %parallel_loop3A_507 : vector<16xf32> to vector<16xf32>
      %parallel_loop3A_509 = arith.addf %parallel_loop3A_508, %broadcast_in_dim3A_68 : vector<16xf32>
      %parallel_loop3A_510 = arith.index_cast %parallel_loop3A_505 : i32 to index
      %parallel_loop3A_511 = tpu.vector_load %arg5[%parallel_loop3A_510] {strides = array<i32>} : memref<78352xf32, #tpu.memory_space<vmem>>, vector<16xf32>,
      %parallel_loop3A_512 = vector.shape_cast %parallel_loop3A_511 : vector<16xf32> to vector<16xf32>
      %parallel_loop3A_513 = vector.shape_cast %parallel_loop3A_509 : vector<16xf32> to vector<16xf32>
      tpu.vector_store %arg5[%parallel_loop3A_510], %parallel_loop3A_513 {strides = array<i32>} : memref<78352xf32, #tpu.memory_space<vmem>>, vector<16xf32>,
      %parallel_loop3A_514 = arith.constant 384 : i32
      %parallel_loop3A_515 = arith.addi %parallel_loop3A_189, %parallel_loop3A_514 : i32
      %parallel_loop3A_516 = arith.constant 48 : i32
      %parallel_loop3A_517 = arith.addi %parallel_loop3A_515, %parallel_loop3A_516 : i32
      %parallel_loop3A_518 = arith.index_cast %parallel_loop3A_517 : i32 to index
      %parallel_loop3A_519 = tpu.vector_load %arg5[%parallel_loop3A_518] {strides = array<i32>} : memref<78352xf32, #tpu.memory_space<vmem>>, vector<16xf32>,
      %parallel_loop3A_520 = vector.shape_cast %parallel_loop3A_519 : vector<16xf32> to vector<16xf32>
      %parallel_loop3A_521 = arith.addf %parallel_loop3A_520, %broadcast_in_dim3A_68 : vector<16xf32>
      %parallel_loop3A_522 = arith.index_cast %parallel_loop3A_517 : i32 to index
      %parallel_loop3A_523 = tpu.vector_load %arg5[%parallel_loop3A_522] {strides = array<i32>} : memref<78352xf32, #tpu.memory_space<vmem>>, vector<16xf32>,
      %parallel_loop3A_524 = vector.shape_cast %parallel_loop3A_523 : vector<16xf32> to vector<16xf32>
      %parallel_loop3A_525 = vector.shape_cast %parallel_loop3A_521 : vector<16xf32> to vector<16xf32>
      tpu.vector_store %arg5[%parallel_loop3A_522], %parallel_loop3A_525 {strides = array<i32>} : memref<78352xf32, #tpu.memory_space<vmem>>, vector<16xf32>,
      %parallel_loop3A_526 = arith.constant 384 : i32
      %parallel_loop3A_527 = arith.addi %parallel_loop3A_189, %parallel_loop3A_526 : i32
      %parallel_loop3A_528 = arith.constant 64 : i32
      %parallel_loop3A_529 = arith.addi %parallel_loop3A_527, %parallel_loop3A_528 : i32
      %parallel_loop3A_530 = arith.index_cast %parallel_loop3A_529 : i32 to index
      %parallel_loop3A_531 = tpu.vector_load %arg5[%parallel_loop3A_530] {strides = array<i32>} : memref<78352xf32, #tpu.memory_space<vmem>>, vector<16xf32>,
      %parallel_loop3A_532 = vector.shape_cast %parallel_loop3A_531 : vector<16xf32> to vector<16xf32>
      %parallel_loop3A_533 = arith.addf %parallel_loop3A_532, %broadcast_in_dim3A_68 : vector<16xf32>
      %parallel_loop3A_534 = arith.index_cast %parallel_loop3A_529 : i32 to index
      %parallel_loop3A_535 = tpu.vector_load %arg5[%parallel_loop3A_534] {strides = array<i32>} : memref<78352xf32, #tpu.memory_space<vmem>>, vector<16xf32>,
      %parallel_loop3A_536 = vector.shape_cast %parallel_loop3A_535 : vector<16xf32> to vector<16xf32>
      %parallel_loop3A_537 = vector.shape_cast %parallel_loop3A_533 : vector<16xf32> to vector<16xf32>
      tpu.vector_store %arg5[%parallel_loop3A_534], %parallel_loop3A_537 {strides = array<i32>} : memref<78352xf32, #tpu.memory_space<vmem>>, vector<16xf32>,
      %parallel_loop3A_538 = arith.constant 384 : i32
      %parallel_loop3A_539 = arith.addi %parallel_loop3A_189, %parallel_loop3A_538 : i32
      %parallel_loop3A_540 = arith.constant 80 : i32
      %parallel_loop3A_541 = arith.addi %parallel_loop3A_539, %parallel_loop3A_540 : i32
      %parallel_loop3A_542 = arith.index_cast %parallel_loop3A_541 : i32 to index
      %parallel_loop3A_543 = tpu.vector_load %arg5[%parallel_loop3A_542] {strides = array<i32>} : memref<78352xf32, #tpu.memory_space<vmem>>, vector<16xf32>,
      %parallel_loop3A_544 = vector.shape_cast %parallel_loop3A_543 : vector<16xf32> to vector<16xf32>
      %parallel_loop3A_545 = arith.addf %parallel_loop3A_544, %broadcast_in_dim3A_68 : vector<16xf32>
      %parallel_loop3A_546 = arith.index_cast %parallel_loop3A_541 : i32 to index
      %parallel_loop3A_547 = tpu.vector_load %arg5[%parallel_loop3A_546] {strides = array<i32>} : memref<78352xf32, #tpu.memory_space<vmem>>, vector<16xf32>,
      %parallel_loop3A_548 = vector.shape_cast %parallel_loop3A_547 : vector<16xf32> to vector<16xf32>
      %parallel_loop3A_549 = vector.shape_cast %parallel_loop3A_545 : vector<16xf32> to vector<16xf32>
      tpu.vector_store %arg5[%parallel_loop3A_546], %parallel_loop3A_549 {strides = array<i32>} : memref<78352xf32, #tpu.memory_space<vmem>>, vector<16xf32>,
      %parallel_loop3A_550 = arith.constant 384 : i32
      %parallel_loop3A_551 = arith.addi %parallel_loop3A_189, %parallel_loop3A_550 : i32
      %parallel_loop3A_552 = arith.constant 96 : i32
      %parallel_loop3A_553 = arith.addi %parallel_loop3A_551, %parallel_loop3A_552 : i32
      %parallel_loop3A_554 = arith.index_cast %parallel_loop3A_553 : i32 to index
      %parallel_loop3A_555 = tpu.vector_load %arg5[%parallel_loop3A_554] {strides = array<i32>} : memref<78352xf32, #tpu.memory_space<vmem>>, vector<16xf32>,
      %parallel_loop3A_556 = vector.shape_cast %parallel_loop3A_555 : vector<16xf32> to vector<16xf32>
      %parallel_loop3A_557 = arith.addf %parallel_loop3A_556, %broadcast_in_dim3A_68 : vector<16xf32>
      %parallel_loop3A_558 = arith.index_cast %parallel_loop3A_553 : i32 to index
      %parallel_loop3A_559 = tpu.vector_load %arg5[%parallel_loop3A_558] {strides = array<i32>} : memref<78352xf32, #tpu.memory_space<vmem>>, vector<16xf32>,
      %parallel_loop3A_560 = vector.shape_cast %parallel_loop3A_559 : vector<16xf32> to vector<16xf32>
      %parallel_loop3A_561 = vector.shape_cast %parallel_loop3A_557 : vector<16xf32> to vector<16xf32>
      tpu.vector_store %arg5[%parallel_loop3A_558], %parallel_loop3A_561 {strides = array<i32>} : memref<78352xf32, #tpu.memory_space<vmem>>, vector<16xf32>,
      %parallel_loop3A_562 = arith.constant 384 : i32
      %parallel_loop3A_563 = arith.addi %parallel_loop3A_189, %parallel_loop3A_562 : i32
      %parallel_loop3A_564 = arith.constant 112 : i32
      %parallel_loop3A_565 = arith.addi %parallel_loop3A_563, %parallel_loop3A_564 : i32
      %parallel_loop3A_566 = arith.index_cast %parallel_loop3A_565 : i32 to index
      %parallel_loop3A_567 = tpu.vector_load %arg5[%parallel_loop3A_566] {strides = array<i32>} : memref<78352xf32, #tpu.memory_space<vmem>>, vector<16xf32>,
      %parallel_loop3A_568 = vector.shape_cast %parallel_loop3A_567 : vector<16xf32> to vector<16xf32>
      %parallel_loop3A_569 = arith.addf %parallel_loop3A_568, %broadcast_in_dim3A_68 : vector<16xf32>
      %parallel_loop3A_570 = arith.index_cast %parallel_loop3A_565 : i32 to index
      %parallel_loop3A_571 = tpu.vector_load %arg5[%parallel_loop3A_570] {strides = array<i32>} : memref<78352xf32, #tpu.memory_space<vmem>>, vector<16xf32>,
      %parallel_loop3A_572 = vector.shape_cast %parallel_loop3A_571 : vector<16xf32> to vector<16xf32>
      %parallel_loop3A_573 = vector.shape_cast %parallel_loop3A_569 : vector<16xf32> to vector<16xf32>
      tpu.vector_store %arg5[%parallel_loop3A_570], %parallel_loop3A_573 {strides = array<i32>} : memref<78352xf32, #tpu.memory_space<vmem>>, vector<16xf32>,
      %parallel_loop3A_574 = arith.constant 512 : i32
      %parallel_loop3A_575 = arith.addi %parallel_loop3A_189, %parallel_loop3A_574 : i32
      %parallel_loop3A_576 = arith.constant 0 : i32
      %parallel_loop3A_577 = arith.addi %parallel_loop3A_575, %parallel_loop3A_576 : i32
      %parallel_loop3A_578 = arith.index_cast %parallel_loop3A_577 : i32 to index
      %parallel_loop3A_579 = tpu.vector_load %arg5[%parallel_loop3A_578] {strides = array<i32>} : memref<78352xf32, #tpu.memory_space<vmem>>, vector<16xf32>,
      %parallel_loop3A_580 = vector.shape_cast %parallel_loop3A_579 : vector<16xf32> to vector<16xf32>
      %parallel_loop3A_581 = arith.addf %parallel_loop3A_580, %broadcast_in_dim3A_71 : vector<16xf32>
      %parallel_loop3A_582 = arith.index_cast %parallel_loop3A_577 : i32 to index
      %parallel_loop3A_583 = tpu.vector_load %arg5[%parallel_loop3A_582] {strides = array<i32>} : memref<78352xf32, #tpu.memory_space<vmem>>, vector<16xf32>,
      %parallel_loop3A_584 = vector.shape_cast %parallel_loop3A_583 : vector<16xf32> to vector<16xf32>
      %parallel_loop3A_585 = vector.shape_cast %parallel_loop3A_581 : vector<16xf32> to vector<16xf32>
      tpu.vector_store %arg5[%parallel_loop3A_582], %parallel_loop3A_585 {strides = array<i32>} : memref<78352xf32, #tpu.memory_space<vmem>>, vector<16xf32>,
      %parallel_loop3A_586 = arith.constant 512 : i32
      %parallel_loop3A_587 = arith.addi %parallel_loop3A_189, %parallel_loop3A_586 : i32
      %parallel_loop3A_588 = arith.constant 16 : i32
      %parallel_loop3A_589 = arith.addi %parallel_loop3A_587, %parallel_loop3A_588 : i32
      %parallel_loop3A_590 = arith.index_cast %parallel_loop3A_589 : i32 to index
      %parallel_loop3A_591 = tpu.vector_load %arg5[%parallel_loop3A_590] {strides = array<i32>} : memref<78352xf32, #tpu.memory_space<vmem>>, vector<16xf32>,
      %parallel_loop3A_592 = vector.shape_cast %parallel_loop3A_591 : vector<16xf32> to vector<16xf32>
      %parallel_loop3A_593 = arith.addf %parallel_loop3A_592, %broadcast_in_dim3A_71 : vector<16xf32>
      %parallel_loop3A_594 = arith.index_cast %parallel_loop3A_589 : i32 to index
      %parallel_loop3A_595 = tpu.vector_load %arg5[%parallel_loop3A_594] {strides = array<i32>} : memref<78352xf32, #tpu.memory_space<vmem>>, vector<16xf32>,
      %parallel_loop3A_596 = vector.shape_cast %parallel_loop3A_595 : vector<16xf32> to vector<16xf32>
      %parallel_loop3A_597 = vector.shape_cast %parallel_loop3A_593 : vector<16xf32> to vector<16xf32>
      tpu.vector_store %arg5[%parallel_loop3A_594], %parallel_loop3A_597 {strides = array<i32>} : memref<78352xf32, #tpu.memory_space<vmem>>, vector<16xf32>,
      %parallel_loop3A_598 = arith.constant 512 : i32
      %parallel_loop3A_599 = arith.addi %parallel_loop3A_189, %parallel_loop3A_598 : i32
      %parallel_loop3A_600 = arith.constant 32 : i32
      %parallel_loop3A_601 = arith.addi %parallel_loop3A_599, %parallel_loop3A_600 : i32
      %parallel_loop3A_602 = arith.index_cast %parallel_loop3A_601 : i32 to index
      %parallel_loop3A_603 = tpu.vector_load %arg5[%parallel_loop3A_602] {strides = array<i32>} : memref<78352xf32, #tpu.memory_space<vmem>>, vector<16xf32>,
      %parallel_loop3A_604 = vector.shape_cast %parallel_loop3A_603 : vector<16xf32> to vector<16xf32>
      %parallel_loop3A_605 = arith.addf %parallel_loop3A_604, %broadcast_in_dim3A_71 : vector<16xf32>
      %parallel_loop3A_606 = arith.index_cast %parallel_loop3A_601 : i32 to index
      %parallel_loop3A_607 = tpu.vector_load %arg5[%parallel_loop3A_606] {strides = array<i32>} : memref<78352xf32, #tpu.memory_space<vmem>>, vector<16xf32>,
      %parallel_loop3A_608 = vector.shape_cast %parallel_loop3A_607 : vector<16xf32> to vector<16xf32>
      %parallel_loop3A_609 = vector.shape_cast %parallel_loop3A_605 : vector<16xf32> to vector<16xf32>
      tpu.vector_store %arg5[%parallel_loop3A_606], %parallel_loop3A_609 {strides = array<i32>} : memref<78352xf32, #tpu.memory_space<vmem>>, vector<16xf32>,
      %parallel_loop3A_610 = arith.constant 512 : i32
      %parallel_loop3A_611 = arith.addi %parallel_loop3A_189, %parallel_loop3A_610 : i32
      %parallel_loop3A_612 = arith.constant 48 : i32
      %parallel_loop3A_613 = arith.addi %parallel_loop3A_611, %parallel_loop3A_612 : i32
      %parallel_loop3A_614 = arith.index_cast %parallel_loop3A_613 : i32 to index
      %parallel_loop3A_615 = tpu.vector_load %arg5[%parallel_loop3A_614] {strides = array<i32>} : memref<78352xf32, #tpu.memory_space<vmem>>, vector<16xf32>,
      %parallel_loop3A_616 = vector.shape_cast %parallel_loop3A_615 : vector<16xf32> to vector<16xf32>
      %parallel_loop3A_617 = arith.addf %parallel_loop3A_616, %broadcast_in_dim3A_71 : vector<16xf32>
      %parallel_loop3A_618 = arith.index_cast %parallel_loop3A_613 : i32 to index
      %parallel_loop3A_619 = tpu.vector_load %arg5[%parallel_loop3A_618] {strides = array<i32>} : memref<78352xf32, #tpu.memory_space<vmem>>, vector<16xf32>,
      %parallel_loop3A_620 = vector.shape_cast %parallel_loop3A_619 : vector<16xf32> to vector<16xf32>
      %parallel_loop3A_621 = vector.shape_cast %parallel_loop3A_617 : vector<16xf32> to vector<16xf32>
      tpu.vector_store %arg5[%parallel_loop3A_618], %parallel_loop3A_621 {strides = array<i32>} : memref<78352xf32, #tpu.memory_space<vmem>>, vector<16xf32>,
      %parallel_loop3A_622 = arith.constant 512 : i32
      %parallel_loop3A_623 = arith.addi %parallel_loop3A_189, %parallel_loop3A_622 : i32
      %parallel_loop3A_624 = arith.constant 64 : i32
      %parallel_loop3A_625 = arith.addi %parallel_loop3A_623, %parallel_loop3A_624 : i32
      %parallel_loop3A_626 = arith.index_cast %parallel_loop3A_625 : i32 to index
      %parallel_loop3A_627 = tpu.vector_load %arg5[%parallel_loop3A_626] {strides = array<i32>} : memref<78352xf32, #tpu.memory_space<vmem>>, vector<16xf32>,
      %parallel_loop3A_628 = vector.shape_cast %parallel_loop3A_627 : vector<16xf32> to vector<16xf32>
      %parallel_loop3A_629 = arith.addf %parallel_loop3A_628, %broadcast_in_dim3A_71 : vector<16xf32>
      %parallel_loop3A_630 = arith.index_cast %parallel_loop3A_625 : i32 to index
      %parallel_loop3A_631 = tpu.vector_load %arg5[%parallel_loop3A_630] {strides = array<i32>} : memref<78352xf32, #tpu.memory_space<vmem>>, vector<16xf32>,
      %parallel_loop3A_632 = vector.shape_cast %parallel_loop3A_631 : vector<16xf32> to vector<16xf32>
      %parallel_loop3A_633 = vector.shape_cast %parallel_loop3A_629 : vector<16xf32> to vector<16xf32>
      tpu.vector_store %arg5[%parallel_loop3A_630], %parallel_loop3A_633 {strides = array<i32>} : memref<78352xf32, #tpu.memory_space<vmem>>, vector<16xf32>,
      %parallel_loop3A_634 = arith.constant 512 : i32
      %parallel_loop3A_635 = arith.addi %parallel_loop3A_189, %parallel_loop3A_634 : i32
      %parallel_loop3A_636 = arith.constant 80 : i32
      %parallel_loop3A_637 = arith.addi %parallel_loop3A_635, %parallel_loop3A_636 : i32
      %parallel_loop3A_638 = arith.index_cast %parallel_loop3A_637 : i32 to index
      %parallel_loop3A_639 = tpu.vector_load %arg5[%parallel_loop3A_638] {strides = array<i32>} : memref<78352xf32, #tpu.memory_space<vmem>>, vector<16xf32>,
      %parallel_loop3A_640 = vector.shape_cast %parallel_loop3A_639 : vector<16xf32> to vector<16xf32>
      %parallel_loop3A_641 = arith.addf %parallel_loop3A_640, %broadcast_in_dim3A_71 : vector<16xf32>
      %parallel_loop3A_642 = arith.index_cast %parallel_loop3A_637 : i32 to index
      %parallel_loop3A_643 = tpu.vector_load %arg5[%parallel_loop3A_642] {strides = array<i32>} : memref<78352xf32, #tpu.memory_space<vmem>>, vector<16xf32>,
      %parallel_loop3A_644 = vector.shape_cast %parallel_loop3A_643 : vector<16xf32> to vector<16xf32>
      %parallel_loop3A_645 = vector.shape_cast %parallel_loop3A_641 : vector<16xf32> to vector<16xf32>
      tpu.vector_store %arg5[%parallel_loop3A_642], %parallel_loop3A_645 {strides = array<i32>} : memref<78352xf32, #tpu.memory_space<vmem>>, vector<16xf32>,
      %parallel_loop3A_646 = arith.constant 512 : i32
      %parallel_loop3A_647 = arith.addi %parallel_loop3A_189, %parallel_loop3A_646 : i32
      %parallel_loop3A_648 = arith.constant 96 : i32
      %parallel_loop3A_649 = arith.addi %parallel_loop3A_647, %parallel_loop3A_648 : i32
      %parallel_loop3A_650 = arith.index_cast %parallel_loop3A_649 : i32 to index
      %parallel_loop3A_651 = tpu.vector_load %arg5[%parallel_loop3A_650] {strides = array<i32>} : memref<78352xf32, #tpu.memory_space<vmem>>, vector<16xf32>,
      %parallel_loop3A_652 = vector.shape_cast %parallel_loop3A_651 : vector<16xf32> to vector<16xf32>
      %parallel_loop3A_653 = arith.addf %parallel_loop3A_652, %broadcast_in_dim3A_71 : vector<16xf32>
      %parallel_loop3A_654 = arith.index_cast %parallel_loop3A_649 : i32 to index
      %parallel_loop3A_655 = tpu.vector_load %arg5[%parallel_loop3A_654] {strides = array<i32>} : memref<78352xf32, #tpu.memory_space<vmem>>, vector<16xf32>,
      %parallel_loop3A_656 = vector.shape_cast %parallel_loop3A_655 : vector<16xf32> to vector<16xf32>
      %parallel_loop3A_657 = vector.shape_cast %parallel_loop3A_653 : vector<16xf32> to vector<16xf32>
      tpu.vector_store %arg5[%parallel_loop3A_654], %parallel_loop3A_657 {strides = array<i32>} : memref<78352xf32, #tpu.memory_space<vmem>>, vector<16xf32>,
      %parallel_loop3A_658 = arith.constant 512 : i32
      %parallel_loop3A_659 = arith.addi %parallel_loop3A_189, %parallel_loop3A_658 : i32
      %parallel_loop3A_660 = arith.constant 112 : i32
      %parallel_loop3A_661 = arith.addi %parallel_loop3A_659, %parallel_loop3A_660 : i32
      %parallel_loop3A_662 = arith.index_cast %parallel_loop3A_661 : i32 to index
      %parallel_loop3A_663 = tpu.vector_load %arg5[%parallel_loop3A_662] {strides = array<i32>} : memref<78352xf32, #tpu.memory_space<vmem>>, vector<16xf32>,
      %parallel_loop3A_664 = vector.shape_cast %parallel_loop3A_663 : vector<16xf32> to vector<16xf32>
      %parallel_loop3A_665 = arith.addf %parallel_loop3A_664, %broadcast_in_dim3A_71 : vector<16xf32>
      %parallel_loop3A_666 = arith.index_cast %parallel_loop3A_661 : i32 to index
      %parallel_loop3A_667 = tpu.vector_load %arg5[%parallel_loop3A_666] {strides = array<i32>} : memref<78352xf32, #tpu.memory_space<vmem>>, vector<16xf32>,
      %parallel_loop3A_668 = vector.shape_cast %parallel_loop3A_667 : vector<16xf32> to vector<16xf32>
      %parallel_loop3A_669 = vector.shape_cast %parallel_loop3A_665 : vector<16xf32> to vector<16xf32>
      tpu.vector_store %arg5[%parallel_loop3A_666], %parallel_loop3A_669 {strides = array<i32>} : memref<78352xf32, #tpu.memory_space<vmem>>, vector<16xf32>,
      %parallel_loop3A_670 = arith.constant 640 : i32
      %parallel_loop3A_671 = arith.addi %parallel_loop3A_189, %parallel_loop3A_670 : i32
      %parallel_loop3A_672 = arith.constant 0 : i32
      %parallel_loop3A_673 = arith.addi %parallel_loop3A_671, %parallel_loop3A_672 : i32
      %parallel_loop3A_674 = arith.index_cast %parallel_loop3A_673 : i32 to index
      %parallel_loop3A_675 = tpu.vector_load %arg5[%parallel_loop3A_674] {strides = array<i32>} : memref<78352xf32, #tpu.memory_space<vmem>>, vector<16xf32>,
      %parallel_loop3A_676 = vector.shape_cast %parallel_loop3A_675 : vector<16xf32> to vector<16xf32>
      %parallel_loop3A_677 = arith.addf %parallel_loop3A_676, %broadcast_in_dim3A_74 : vector<16xf32>
      %parallel_loop3A_678 = arith.index_cast %parallel_loop3A_673 : i32 to index
      %parallel_loop3A_679 = tpu.vector_load %arg5[%parallel_loop3A_678] {strides = array<i32>} : memref<78352xf32, #tpu.memory_space<vmem>>, vector<16xf32>,
      %parallel_loop3A_680 = vector.shape_cast %parallel_loop3A_679 : vector<16xf32> to vector<16xf32>
      %parallel_loop3A_681 = vector.shape_cast %parallel_loop3A_677 : vector<16xf32> to vector<16xf32>
      tpu.vector_store %arg5[%parallel_loop3A_678], %parallel_loop3A_681 {strides = array<i32>} : memref<78352xf32, #tpu.memory_space<vmem>>, vector<16xf32>,
      %parallel_loop3A_682 = arith.constant 640 : i32
      %parallel_loop3A_683 = arith.addi %parallel_loop3A_189, %parallel_loop3A_682 : i32
      %parallel_loop3A_684 = arith.constant 16 : i32
      %parallel_loop3A_685 = arith.addi %parallel_loop3A_683, %parallel_loop3A_684 : i32
      %parallel_loop3A_686 = arith.index_cast %parallel_loop3A_685 : i32 to index
      %parallel_loop3A_687 = tpu.vector_load %arg5[%parallel_loop3A_686] {strides = array<i32>} : memref<78352xf32, #tpu.memory_space<vmem>>, vector<16xf32>,
      %parallel_loop3A_688 = vector.shape_cast %parallel_loop3A_687 : vector<16xf32> to vector<16xf32>
      %parallel_loop3A_689 = arith.addf %parallel_loop3A_688, %broadcast_in_dim3A_74 : vector<16xf32>
      %parallel_loop3A_690 = arith.index_cast %parallel_loop3A_685 : i32 to index
      %parallel_loop3A_691 = tpu.vector_load %arg5[%parallel_loop3A_690] {strides = array<i32>} : memref<78352xf32, #tpu.memory_space<vmem>>, vector<16xf32>,
      %parallel_loop3A_692 = vector.shape_cast %parallel_loop3A_691 : vector<16xf32> to vector<16xf32>
      %parallel_loop3A_693 = vector.shape_cast %parallel_loop3A_689 : vector<16xf32> to vector<16xf32>
      tpu.vector_store %arg5[%parallel_loop3A_690], %parallel_loop3A_693 {strides = array<i32>} : memref<78352xf32, #tpu.memory_space<vmem>>, vector<16xf32>,
      %parallel_loop3A_694 = arith.constant 640 : i32
      %parallel_loop3A_695 = arith.addi %parallel_loop3A_189, %parallel_loop3A_694 : i32
      %parallel_loop3A_696 = arith.constant 32 : i32
      %parallel_loop3A_697 = arith.addi %parallel_loop3A_695, %parallel_loop3A_696 : i32
      %parallel_loop3A_698 = arith.index_cast %parallel_loop3A_697 : i32 to index
      %parallel_loop3A_699 = tpu.vector_load %arg5[%parallel_loop3A_698] {strides = array<i32>} : memref<78352xf32, #tpu.memory_space<vmem>>, vector<16xf32>,
      %parallel_loop3A_700 = vector.shape_cast %parallel_loop3A_699 : vector<16xf32> to vector<16xf32>
      %parallel_loop3A_701 = arith.addf %parallel_loop3A_700, %broadcast_in_dim3A_74 : vector<16xf32>
      %parallel_loop3A_702 = arith.index_cast %parallel_loop3A_697 : i32 to index
      %parallel_loop3A_703 = tpu.vector_load %arg5[%parallel_loop3A_702] {strides = array<i32>} : memref<78352xf32, #tpu.memory_space<vmem>>, vector<16xf32>,
      %parallel_loop3A_704 = vector.shape_cast %parallel_loop3A_703 : vector<16xf32> to vector<16xf32>
      %parallel_loop3A_705 = vector.shape_cast %parallel_loop3A_701 : vector<16xf32> to vector<16xf32>
      tpu.vector_store %arg5[%parallel_loop3A_702], %parallel_loop3A_705 {strides = array<i32>} : memref<78352xf32, #tpu.memory_space<vmem>>, vector<16xf32>,
      %parallel_loop3A_706 = arith.constant 640 : i32
      %parallel_loop3A_707 = arith.addi %parallel_loop3A_189, %parallel_loop3A_706 : i32
      %parallel_loop3A_708 = arith.constant 48 : i32
      %parallel_loop3A_709 = arith.addi %parallel_loop3A_707, %parallel_loop3A_708 : i32
      %parallel_loop3A_710 = arith.index_cast %parallel_loop3A_709 : i32 to index
      %parallel_loop3A_711 = tpu.vector_load %arg5[%parallel_loop3A_710] {strides = array<i32>} : memref<78352xf32, #tpu.memory_space<vmem>>, vector<16xf32>,
      %parallel_loop3A_712 = vector.shape_cast %parallel_loop3A_711 : vector<16xf32> to vector<16xf32>
      %parallel_loop3A_713 = arith.addf %parallel_loop3A_712, %broadcast_in_dim3A_74 : vector<16xf32>
      %parallel_loop3A_714 = arith.index_cast %parallel_loop3A_709 : i32 to index
      %parallel_loop3A_715 = tpu.vector_load %arg5[%parallel_loop3A_714] {strides = array<i32>} : memref<78352xf32, #tpu.memory_space<vmem>>, vector<16xf32>,
      %parallel_loop3A_716 = vector.shape_cast %parallel_loop3A_715 : vector<16xf32> to vector<16xf32>
      %parallel_loop3A_717 = vector.shape_cast %parallel_loop3A_713 : vector<16xf32> to vector<16xf32>
      tpu.vector_store %arg5[%parallel_loop3A_714], %parallel_loop3A_717 {strides = array<i32>} : memref<78352xf32, #tpu.memory_space<vmem>>, vector<16xf32>,
      %parallel_loop3A_718 = arith.constant 640 : i32
      %parallel_loop3A_719 = arith.addi %parallel_loop3A_189, %parallel_loop3A_718 : i32
      %parallel_loop3A_720 = arith.constant 64 : i32
      %parallel_loop3A_721 = arith.addi %parallel_loop3A_719, %parallel_loop3A_720 : i32
      %parallel_loop3A_722 = arith.index_cast %parallel_loop3A_721 : i32 to index
      %parallel_loop3A_723 = tpu.vector_load %arg5[%parallel_loop3A_722] {strides = array<i32>} : memref<78352xf32, #tpu.memory_space<vmem>>, vector<16xf32>,
      %parallel_loop3A_724 = vector.shape_cast %parallel_loop3A_723 : vector<16xf32> to vector<16xf32>
      %parallel_loop3A_725 = arith.addf %parallel_loop3A_724, %broadcast_in_dim3A_74 : vector<16xf32>
      %parallel_loop3A_726 = arith.index_cast %parallel_loop3A_721 : i32 to index
      %parallel_loop3A_727 = tpu.vector_load %arg5[%parallel_loop3A_726] {strides = array<i32>} : memref<78352xf32, #tpu.memory_space<vmem>>, vector<16xf32>,
      %parallel_loop3A_728 = vector.shape_cast %parallel_loop3A_727 : vector<16xf32> to vector<16xf32>
      %parallel_loop3A_729 = vector.shape_cast %parallel_loop3A_725 : vector<16xf32> to vector<16xf32>
      tpu.vector_store %arg5[%parallel_loop3A_726], %parallel_loop3A_729 {strides = array<i32>} : memref<78352xf32, #tpu.memory_space<vmem>>, vector<16xf32>,
      %parallel_loop3A_730 = arith.constant 640 : i32
      %parallel_loop3A_731 = arith.addi %parallel_loop3A_189, %parallel_loop3A_730 : i32
      %parallel_loop3A_732 = arith.constant 80 : i32
      %parallel_loop3A_733 = arith.addi %parallel_loop3A_731, %parallel_loop3A_732 : i32
      %parallel_loop3A_734 = arith.index_cast %parallel_loop3A_733 : i32 to index
      %parallel_loop3A_735 = tpu.vector_load %arg5[%parallel_loop3A_734] {strides = array<i32>} : memref<78352xf32, #tpu.memory_space<vmem>>, vector<16xf32>,
      %parallel_loop3A_736 = vector.shape_cast %parallel_loop3A_735 : vector<16xf32> to vector<16xf32>
      %parallel_loop3A_737 = arith.addf %parallel_loop3A_736, %broadcast_in_dim3A_74 : vector<16xf32>
      %parallel_loop3A_738 = arith.index_cast %parallel_loop3A_733 : i32 to index
      %parallel_loop3A_739 = tpu.vector_load %arg5[%parallel_loop3A_738] {strides = array<i32>} : memref<78352xf32, #tpu.memory_space<vmem>>, vector<16xf32>,
      %parallel_loop3A_740 = vector.shape_cast %parallel_loop3A_739 : vector<16xf32> to vector<16xf32>
      %parallel_loop3A_741 = vector.shape_cast %parallel_loop3A_737 : vector<16xf32> to vector<16xf32>
      tpu.vector_store %arg5[%parallel_loop3A_738], %parallel_loop3A_741 {strides = array<i32>} : memref<78352xf32, #tpu.memory_space<vmem>>, vector<16xf32>,
      %parallel_loop3A_742 = arith.constant 640 : i32
      %parallel_loop3A_743 = arith.addi %parallel_loop3A_189, %parallel_loop3A_742 : i32
      %parallel_loop3A_744 = arith.constant 96 : i32
      %parallel_loop3A_745 = arith.addi %parallel_loop3A_743, %parallel_loop3A_744 : i32
      %parallel_loop3A_746 = arith.index_cast %parallel_loop3A_745 : i32 to index
      %parallel_loop3A_747 = tpu.vector_load %arg5[%parallel_loop3A_746] {strides = array<i32>} : memref<78352xf32, #tpu.memory_space<vmem>>, vector<16xf32>,
      %parallel_loop3A_748 = vector.shape_cast %parallel_loop3A_747 : vector<16xf32> to vector<16xf32>
      %parallel_loop3A_749 = arith.addf %parallel_loop3A_748, %broadcast_in_dim3A_74 : vector<16xf32>
      %parallel_loop3A_750 = arith.index_cast %parallel_loop3A_745 : i32 to index
      %parallel_loop3A_751 = tpu.vector_load %arg5[%parallel_loop3A_750] {strides = array<i32>} : memref<78352xf32, #tpu.memory_space<vmem>>, vector<16xf32>,
      %parallel_loop3A_752 = vector.shape_cast %parallel_loop3A_751 : vector<16xf32> to vector<16xf32>
      %parallel_loop3A_753 = vector.shape_cast %parallel_loop3A_749 : vector<16xf32> to vector<16xf32>
      tpu.vector_store %arg5[%parallel_loop3A_750], %parallel_loop3A_753 {strides = array<i32>} : memref<78352xf32, #tpu.memory_space<vmem>>, vector<16xf32>,
      %parallel_loop3A_754 = arith.constant 640 : i32
      %parallel_loop3A_755 = arith.addi %parallel_loop3A_189, %parallel_loop3A_754 : i32
      %parallel_loop3A_756 = arith.constant 112 : i32
      %parallel_loop3A_757 = arith.addi %parallel_loop3A_755, %parallel_loop3A_756 : i32
      %parallel_loop3A_758 = arith.index_cast %parallel_loop3A_757 : i32 to index
      %parallel_loop3A_759 = tpu.vector_load %arg5[%parallel_loop3A_758] {strides = array<i32>} : memref<78352xf32, #tpu.memory_space<vmem>>, vector<16xf32>,
      %parallel_loop3A_760 = vector.shape_cast %parallel_loop3A_759 : vector<16xf32> to vector<16xf32>
      %parallel_loop3A_761 = arith.addf %parallel_loop3A_760, %broadcast_in_dim3A_74 : vector<16xf32>
      %parallel_loop3A_762 = arith.index_cast %parallel_loop3A_757 : i32 to index
      %parallel_loop3A_763 = tpu.vector_load %arg5[%parallel_loop3A_762] {strides = array<i32>} : memref<78352xf32, #tpu.memory_space<vmem>>, vector<16xf32>,
      %parallel_loop3A_764 = vector.shape_cast %parallel_loop3A_763 : vector<16xf32> to vector<16xf32>
      %parallel_loop3A_765 = vector.shape_cast %parallel_loop3A_761 : vector<16xf32> to vector<16xf32>
      tpu.vector_store %arg5[%parallel_loop3A_762], %parallel_loop3A_765 {strides = array<i32>} : memref<78352xf32, #tpu.memory_space<vmem>>, vector<16xf32>,
      %parallel_loop3A_766 = arith.constant 768 : i32
      %parallel_loop3A_767 = arith.addi %parallel_loop3A_189, %parallel_loop3A_766 : i32
      %parallel_loop3A_768 = arith.constant 0 : i32
      %parallel_loop3A_769 = arith.addi %parallel_loop3A_767, %parallel_loop3A_768 : i32
      %parallel_loop3A_770 = arith.index_cast %parallel_loop3A_769 : i32 to index
      %parallel_loop3A_771 = tpu.vector_load %arg5[%parallel_loop3A_770] {strides = array<i32>} : memref<78352xf32, #tpu.memory_space<vmem>>, vector<16xf32>,
      %parallel_loop3A_772 = vector.shape_cast %parallel_loop3A_771 : vector<16xf32> to vector<16xf32>
      %parallel_loop3A_773 = arith.addf %parallel_loop3A_772, %broadcast_in_dim3A_77 : vector<16xf32>
      %parallel_loop3A_774 = arith.index_cast %parallel_loop3A_769 : i32 to index
      %parallel_loop3A_775 = tpu.vector_load %arg5[%parallel_loop3A_774] {strides = array<i32>} : memref<78352xf32, #tpu.memory_space<vmem>>, vector<16xf32>,
      %parallel_loop3A_776 = vector.shape_cast %parallel_loop3A_775 : vector<16xf32> to vector<16xf32>
      %parallel_loop3A_777 = vector.shape_cast %parallel_loop3A_773 : vector<16xf32> to vector<16xf32>
      tpu.vector_store %arg5[%parallel_loop3A_774], %parallel_loop3A_777 {strides = array<i32>} : memref<78352xf32, #tpu.memory_space<vmem>>, vector<16xf32>,
      %parallel_loop3A_778 = arith.constant 768 : i32
      %parallel_loop3A_779 = arith.addi %parallel_loop3A_189, %parallel_loop3A_778 : i32
      %parallel_loop3A_780 = arith.constant 16 : i32
      %parallel_loop3A_781 = arith.addi %parallel_loop3A_779, %parallel_loop3A_780 : i32
      %parallel_loop3A_782 = arith.index_cast %parallel_loop3A_781 : i32 to index
      %parallel_loop3A_783 = tpu.vector_load %arg5[%parallel_loop3A_782] {strides = array<i32>} : memref<78352xf32, #tpu.memory_space<vmem>>, vector<16xf32>,
      %parallel_loop3A_784 = vector.shape_cast %parallel_loop3A_783 : vector<16xf32> to vector<16xf32>
      %parallel_loop3A_785 = arith.addf %parallel_loop3A_784, %broadcast_in_dim3A_77 : vector<16xf32>
      %parallel_loop3A_786 = arith.index_cast %parallel_loop3A_781 : i32 to index
      %parallel_loop3A_787 = tpu.vector_load %arg5[%parallel_loop3A_786] {strides = array<i32>} : memref<78352xf32, #tpu.memory_space<vmem>>, vector<16xf32>,
      %parallel_loop3A_788 = vector.shape_cast %parallel_loop3A_787 : vector<16xf32> to vector<16xf32>
      %parallel_loop3A_789 = vector.shape_cast %parallel_loop3A_785 : vector<16xf32> to vector<16xf32>
      tpu.vector_store %arg5[%parallel_loop3A_786], %parallel_loop3A_789 {strides = array<i32>} : memref<78352xf32, #tpu.memory_space<vmem>>, vector<16xf32>,
      %parallel_loop3A_790 = arith.constant 768 : i32
      %parallel_loop3A_791 = arith.addi %parallel_loop3A_189, %parallel_loop3A_790 : i32
      %parallel_loop3A_792 = arith.constant 32 : i32
      %parallel_loop3A_793 = arith.addi %parallel_loop3A_791, %parallel_loop3A_792 : i32
      %parallel_loop3A_794 = arith.index_cast %parallel_loop3A_793 : i32 to index
      %parallel_loop3A_795 = tpu.vector_load %arg5[%parallel_loop3A_794] {strides = array<i32>} : memref<78352xf32, #tpu.memory_space<vmem>>, vector<16xf32>,
      %parallel_loop3A_796 = vector.shape_cast %parallel_loop3A_795 : vector<16xf32> to vector<16xf32>
      %parallel_loop3A_797 = arith.addf %parallel_loop3A_796, %broadcast_in_dim3A_77 : vector<16xf32>
      %parallel_loop3A_798 = arith.index_cast %parallel_loop3A_793 : i32 to index
      %parallel_loop3A_799 = tpu.vector_load %arg5[%parallel_loop3A_798] {strides = array<i32>} : memref<78352xf32, #tpu.memory_space<vmem>>, vector<16xf32>,
      %parallel_loop3A_800 = vector.shape_cast %parallel_loop3A_799 : vector<16xf32> to vector<16xf32>
      %parallel_loop3A_801 = vector.shape_cast %parallel_loop3A_797 : vector<16xf32> to vector<16xf32>
      tpu.vector_store %arg5[%parallel_loop3A_798], %parallel_loop3A_801 {strides = array<i32>} : memref<78352xf32, #tpu.memory_space<vmem>>, vector<16xf32>,
      %parallel_loop3A_802 = arith.constant 768 : i32
      %parallel_loop3A_803 = arith.addi %parallel_loop3A_189, %parallel_loop3A_802 : i32
      %parallel_loop3A_804 = arith.constant 48 : i32
      %parallel_loop3A_805 = arith.addi %parallel_loop3A_803, %parallel_loop3A_804 : i32
      %parallel_loop3A_806 = arith.index_cast %parallel_loop3A_805 : i32 to index
      %parallel_loop3A_807 = tpu.vector_load %arg5[%parallel_loop3A_806] {strides = array<i32>} : memref<78352xf32, #tpu.memory_space<vmem>>, vector<16xf32>,
      %parallel_loop3A_808 = vector.shape_cast %parallel_loop3A_807 : vector<16xf32> to vector<16xf32>
      %parallel_loop3A_809 = arith.addf %parallel_loop3A_808, %broadcast_in_dim3A_77 : vector<16xf32>
      %parallel_loop3A_810 = arith.index_cast %parallel_loop3A_805 : i32 to index
      %parallel_loop3A_811 = tpu.vector_load %arg5[%parallel_loop3A_810] {strides = array<i32>} : memref<78352xf32, #tpu.memory_space<vmem>>, vector<16xf32>,
      %parallel_loop3A_812 = vector.shape_cast %parallel_loop3A_811 : vector<16xf32> to vector<16xf32>
      %parallel_loop3A_813 = vector.shape_cast %parallel_loop3A_809 : vector<16xf32> to vector<16xf32>
      tpu.vector_store %arg5[%parallel_loop3A_810], %parallel_loop3A_813 {strides = array<i32>} : memref<78352xf32, #tpu.memory_space<vmem>>, vector<16xf32>,
      %parallel_loop3A_814 = arith.constant 768 : i32
      %parallel_loop3A_815 = arith.addi %parallel_loop3A_189, %parallel_loop3A_814 : i32
      %parallel_loop3A_816 = arith.constant 64 : i32
      %parallel_loop3A_817 = arith.addi %parallel_loop3A_815, %parallel_loop3A_816 : i32
      %parallel_loop3A_818 = arith.index_cast %parallel_loop3A_817 : i32 to index
      %parallel_loop3A_819 = tpu.vector_load %arg5[%parallel_loop3A_818] {strides = array<i32>} : memref<78352xf32, #tpu.memory_space<vmem>>, vector<16xf32>,
      %parallel_loop3A_820 = vector.shape_cast %parallel_loop3A_819 : vector<16xf32> to vector<16xf32>
      %parallel_loop3A_821 = arith.addf %parallel_loop3A_820, %broadcast_in_dim3A_77 : vector<16xf32>
      %parallel_loop3A_822 = arith.index_cast %parallel_loop3A_817 : i32 to index
      %parallel_loop3A_823 = tpu.vector_load %arg5[%parallel_loop3A_822] {strides = array<i32>} : memref<78352xf32, #tpu.memory_space<vmem>>, vector<16xf32>,
      %parallel_loop3A_824 = vector.shape_cast %parallel_loop3A_823 : vector<16xf32> to vector<16xf32>
      %parallel_loop3A_825 = vector.shape_cast %parallel_loop3A_821 : vector<16xf32> to vector<16xf32>
      tpu.vector_store %arg5[%parallel_loop3A_822], %parallel_loop3A_825 {strides = array<i32>} : memref<78352xf32, #tpu.memory_space<vmem>>, vector<16xf32>,
      %parallel_loop3A_826 = arith.constant 768 : i32
      %parallel_loop3A_827 = arith.addi %parallel_loop3A_189, %parallel_loop3A_826 : i32
      %parallel_loop3A_828 = arith.constant 80 : i32
      %parallel_loop3A_829 = arith.addi %parallel_loop3A_827, %parallel_loop3A_828 : i32
      %parallel_loop3A_830 = arith.index_cast %parallel_loop3A_829 : i32 to index
      %parallel_loop3A_831 = tpu.vector_load %arg5[%parallel_loop3A_830] {strides = array<i32>} : memref<78352xf32, #tpu.memory_space<vmem>>, vector<16xf32>,
      %parallel_loop3A_832 = vector.shape_cast %parallel_loop3A_831 : vector<16xf32> to vector<16xf32>
      %parallel_loop3A_833 = arith.addf %parallel_loop3A_832, %broadcast_in_dim3A_77 : vector<16xf32>
      %parallel_loop3A_834 = arith.index_cast %parallel_loop3A_829 : i32 to index
      %parallel_loop3A_835 = tpu.vector_load %arg5[%parallel_loop3A_834] {strides = array<i32>} : memref<78352xf32, #tpu.memory_space<vmem>>, vector<16xf32>,
      %parallel_loop3A_836 = vector.shape_cast %parallel_loop3A_835 : vector<16xf32> to vector<16xf32>
      %parallel_loop3A_837 = vector.shape_cast %parallel_loop3A_833 : vector<16xf32> to vector<16xf32>
      tpu.vector_store %arg5[%parallel_loop3A_834], %parallel_loop3A_837 {strides = array<i32>} : memref<78352xf32, #tpu.memory_space<vmem>>, vector<16xf32>,
      %parallel_loop3A_838 = arith.constant 768 : i32
      %parallel_loop3A_839 = arith.addi %parallel_loop3A_189, %parallel_loop3A_838 : i32
      %parallel_loop3A_840 = arith.constant 96 : i32
      %parallel_loop3A_841 = arith.addi %parallel_loop3A_839, %parallel_loop3A_840 : i32
      %parallel_loop3A_842 = arith.index_cast %parallel_loop3A_841 : i32 to index
      %parallel_loop3A_843 = tpu.vector_load %arg5[%parallel_loop3A_842] {strides = array<i32>} : memref<78352xf32, #tpu.memory_space<vmem>>, vector<16xf32>,
      %parallel_loop3A_844 = vector.shape_cast %parallel_loop3A_843 : vector<16xf32> to vector<16xf32>
      %parallel_loop3A_845 = arith.addf %parallel_loop3A_844, %broadcast_in_dim3A_77 : vector<16xf32>
      %parallel_loop3A_846 = arith.index_cast %parallel_loop3A_841 : i32 to index
      %parallel_loop3A_847 = tpu.vector_load %arg5[%parallel_loop3A_846] {strides = array<i32>} : memref<78352xf32, #tpu.memory_space<vmem>>, vector<16xf32>,
      %parallel_loop3A_848 = vector.shape_cast %parallel_loop3A_847 : vector<16xf32> to vector<16xf32>
      %parallel_loop3A_849 = vector.shape_cast %parallel_loop3A_845 : vector<16xf32> to vector<16xf32>
      tpu.vector_store %arg5[%parallel_loop3A_846], %parallel_loop3A_849 {strides = array<i32>} : memref<78352xf32, #tpu.memory_space<vmem>>, vector<16xf32>,
      %parallel_loop3A_850 = arith.constant 768 : i32
      %parallel_loop3A_851 = arith.addi %parallel_loop3A_189, %parallel_loop3A_850 : i32
      %parallel_loop3A_852 = arith.constant 112 : i32
      %parallel_loop3A_853 = arith.addi %parallel_loop3A_851, %parallel_loop3A_852 : i32
      %parallel_loop3A_854 = arith.index_cast %parallel_loop3A_853 : i32 to index
      %parallel_loop3A_855 = tpu.vector_load %arg5[%parallel_loop3A_854] {strides = array<i32>} : memref<78352xf32, #tpu.memory_space<vmem>>, vector<16xf32>,
      %parallel_loop3A_856 = vector.shape_cast %parallel_loop3A_855 : vector<16xf32> to vector<16xf32>
      %parallel_loop3A_857 = arith.addf %parallel_loop3A_856, %broadcast_in_dim3A_77 : vector<16xf32>
      %parallel_loop3A_858 = arith.index_cast %parallel_loop3A_853 : i32 to index
      %parallel_loop3A_859 = tpu.vector_load %arg5[%parallel_loop3A_858] {strides = array<i32>} : memref<78352xf32, #tpu.memory_space<vmem>>, vector<16xf32>,
      %parallel_loop3A_860 = vector.shape_cast %parallel_loop3A_859 : vector<16xf32> to vector<16xf32>
      %parallel_loop3A_861 = vector.shape_cast %parallel_loop3A_857 : vector<16xf32> to vector<16xf32>
      tpu.vector_store %arg5[%parallel_loop3A_858], %parallel_loop3A_861 {strides = array<i32>} : memref<78352xf32, #tpu.memory_space<vmem>>, vector<16xf32>,
      %parallel_loop3A_862 = arith.constant 896 : i32
      %parallel_loop3A_863 = arith.addi %parallel_loop3A_189, %parallel_loop3A_862 : i32
      %parallel_loop3A_864 = arith.constant 0 : i32
      %parallel_loop3A_865 = arith.addi %parallel_loop3A_863, %parallel_loop3A_864 : i32
      %parallel_loop3A_866 = arith.index_cast %parallel_loop3A_865 : i32 to index
      %parallel_loop3A_867 = tpu.vector_load %arg5[%parallel_loop3A_866] {strides = array<i32>} : memref<78352xf32, #tpu.memory_space<vmem>>, vector<16xf32>,
      %parallel_loop3A_868 = vector.shape_cast %parallel_loop3A_867 : vector<16xf32> to vector<16xf32>
      %parallel_loop3A_869 = arith.addf %parallel_loop3A_868, %broadcast_in_dim3A_80 : vector<16xf32>
      %parallel_loop3A_870 = arith.index_cast %parallel_loop3A_865 : i32 to index
      %parallel_loop3A_871 = tpu.vector_load %arg5[%parallel_loop3A_870] {strides = array<i32>} : memref<78352xf32, #tpu.memory_space<vmem>>, vector<16xf32>,
      %parallel_loop3A_872 = vector.shape_cast %parallel_loop3A_871 : vector<16xf32> to vector<16xf32>
      %parallel_loop3A_873 = vector.shape_cast %parallel_loop3A_869 : vector<16xf32> to vector<16xf32>
      tpu.vector_store %arg5[%parallel_loop3A_870], %parallel_loop3A_873 {strides = array<i32>} : memref<78352xf32, #tpu.memory_space<vmem>>, vector<16xf32>,
      %parallel_loop3A_874 = arith.constant 896 : i32
      %parallel_loop3A_875 = arith.addi %parallel_loop3A_189, %parallel_loop3A_874 : i32
      %parallel_loop3A_876 = arith.constant 16 : i32
      %parallel_loop3A_877 = arith.addi %parallel_loop3A_875, %parallel_loop3A_876 : i32
      %parallel_loop3A_878 = arith.index_cast %parallel_loop3A_877 : i32 to index
      %parallel_loop3A_879 = tpu.vector_load %arg5[%parallel_loop3A_878] {strides = array<i32>} : memref<78352xf32, #tpu.memory_space<vmem>>, vector<16xf32>,
      %parallel_loop3A_880 = vector.shape_cast %parallel_loop3A_879 : vector<16xf32> to vector<16xf32>
      %parallel_loop3A_881 = arith.addf %parallel_loop3A_880, %broadcast_in_dim3A_80 : vector<16xf32>
      %parallel_loop3A_882 = arith.index_cast %parallel_loop3A_877 : i32 to index
      %parallel_loop3A_883 = tpu.vector_load %arg5[%parallel_loop3A_882] {strides = array<i32>} : memref<78352xf32, #tpu.memory_space<vmem>>, vector<16xf32>,
      %parallel_loop3A_884 = vector.shape_cast %parallel_loop3A_883 : vector<16xf32> to vector<16xf32>
      %parallel_loop3A_885 = vector.shape_cast %parallel_loop3A_881 : vector<16xf32> to vector<16xf32>
      tpu.vector_store %arg5[%parallel_loop3A_882], %parallel_loop3A_885 {strides = array<i32>} : memref<78352xf32, #tpu.memory_space<vmem>>, vector<16xf32>,
      %parallel_loop3A_886 = arith.constant 896 : i32
      %parallel_loop3A_887 = arith.addi %parallel_loop3A_189, %parallel_loop3A_886 : i32
      %parallel_loop3A_888 = arith.constant 32 : i32
      %parallel_loop3A_889 = arith.addi %parallel_loop3A_887, %parallel_loop3A_888 : i32
      %parallel_loop3A_890 = arith.index_cast %parallel_loop3A_889 : i32 to index
      %parallel_loop3A_891 = tpu.vector_load %arg5[%parallel_loop3A_890] {strides = array<i32>} : memref<78352xf32, #tpu.memory_space<vmem>>, vector<16xf32>,
      %parallel_loop3A_892 = vector.shape_cast %parallel_loop3A_891 : vector<16xf32> to vector<16xf32>
      %parallel_loop3A_893 = arith.addf %parallel_loop3A_892, %broadcast_in_dim3A_80 : vector<16xf32>
      %parallel_loop3A_894 = arith.index_cast %parallel_loop3A_889 : i32 to index
      %parallel_loop3A_895 = tpu.vector_load %arg5[%parallel_loop3A_894] {strides = array<i32>} : memref<78352xf32, #tpu.memory_space<vmem>>, vector<16xf32>,
      %parallel_loop3A_896 = vector.shape_cast %parallel_loop3A_895 : vector<16xf32> to vector<16xf32>
      %parallel_loop3A_897 = vector.shape_cast %parallel_loop3A_893 : vector<16xf32> to vector<16xf32>
      tpu.vector_store %arg5[%parallel_loop3A_894], %parallel_loop3A_897 {strides = array<i32>} : memref<78352xf32, #tpu.memory_space<vmem>>, vector<16xf32>,
      %parallel_loop3A_898 = arith.constant 896 : i32
      %parallel_loop3A_899 = arith.addi %parallel_loop3A_189, %parallel_loop3A_898 : i32
      %parallel_loop3A_900 = arith.constant 48 : i32
      %parallel_loop3A_901 = arith.addi %parallel_loop3A_899, %parallel_loop3A_900 : i32
      %parallel_loop3A_902 = arith.index_cast %parallel_loop3A_901 : i32 to index
      %parallel_loop3A_903 = tpu.vector_load %arg5[%parallel_loop3A_902] {strides = array<i32>} : memref<78352xf32, #tpu.memory_space<vmem>>, vector<16xf32>,
      %parallel_loop3A_904 = vector.shape_cast %parallel_loop3A_903 : vector<16xf32> to vector<16xf32>
      %parallel_loop3A_905 = arith.addf %parallel_loop3A_904, %broadcast_in_dim3A_80 : vector<16xf32>
      %parallel_loop3A_906 = arith.index_cast %parallel_loop3A_901 : i32 to index
      %parallel_loop3A_907 = tpu.vector_load %arg5[%parallel_loop3A_906] {strides = array<i32>} : memref<78352xf32, #tpu.memory_space<vmem>>, vector<16xf32>,
      %parallel_loop3A_908 = vector.shape_cast %parallel_loop3A_907 : vector<16xf32> to vector<16xf32>
      %parallel_loop3A_909 = vector.shape_cast %parallel_loop3A_905 : vector<16xf32> to vector<16xf32>
      tpu.vector_store %arg5[%parallel_loop3A_906], %parallel_loop3A_909 {strides = array<i32>} : memref<78352xf32, #tpu.memory_space<vmem>>, vector<16xf32>,
      %parallel_loop3A_910 = arith.constant 896 : i32
      %parallel_loop3A_911 = arith.addi %parallel_loop3A_189, %parallel_loop3A_910 : i32
      %parallel_loop3A_912 = arith.constant 64 : i32
      %parallel_loop3A_913 = arith.addi %parallel_loop3A_911, %parallel_loop3A_912 : i32
      %parallel_loop3A_914 = arith.index_cast %parallel_loop3A_913 : i32 to index
      %parallel_loop3A_915 = tpu.vector_load %arg5[%parallel_loop3A_914] {strides = array<i32>} : memref<78352xf32, #tpu.memory_space<vmem>>, vector<16xf32>,
      %parallel_loop3A_916 = vector.shape_cast %parallel_loop3A_915 : vector<16xf32> to vector<16xf32>
      %parallel_loop3A_917 = arith.addf %parallel_loop3A_916, %broadcast_in_dim3A_80 : vector<16xf32>
      %parallel_loop3A_918 = arith.index_cast %parallel_loop3A_913 : i32 to index
      %parallel_loop3A_919 = tpu.vector_load %arg5[%parallel_loop3A_918] {strides = array<i32>} : memref<78352xf32, #tpu.memory_space<vmem>>, vector<16xf32>,
      %parallel_loop3A_920 = vector.shape_cast %parallel_loop3A_919 : vector<16xf32> to vector<16xf32>
      %parallel_loop3A_921 = vector.shape_cast %parallel_loop3A_917 : vector<16xf32> to vector<16xf32>
      tpu.vector_store %arg5[%parallel_loop3A_918], %parallel_loop3A_921 {strides = array<i32>} : memref<78352xf32, #tpu.memory_space<vmem>>, vector<16xf32>,
      %parallel_loop3A_922 = arith.constant 896 : i32
      %parallel_loop3A_923 = arith.addi %parallel_loop3A_189, %parallel_loop3A_922 : i32
      %parallel_loop3A_924 = arith.constant 80 : i32
      %parallel_loop3A_925 = arith.addi %parallel_loop3A_923, %parallel_loop3A_924 : i32
      %parallel_loop3A_926 = arith.index_cast %parallel_loop3A_925 : i32 to index
      %parallel_loop3A_927 = tpu.vector_load %arg5[%parallel_loop3A_926] {strides = array<i32>} : memref<78352xf32, #tpu.memory_space<vmem>>, vector<16xf32>,
      %parallel_loop3A_928 = vector.shape_cast %parallel_loop3A_927 : vector<16xf32> to vector<16xf32>
      %parallel_loop3A_929 = arith.addf %parallel_loop3A_928, %broadcast_in_dim3A_80 : vector<16xf32>
      %parallel_loop3A_930 = arith.index_cast %parallel_loop3A_925 : i32 to index
      %parallel_loop3A_931 = tpu.vector_load %arg5[%parallel_loop3A_930] {strides = array<i32>} : memref<78352xf32, #tpu.memory_space<vmem>>, vector<16xf32>,
      %parallel_loop3A_932 = vector.shape_cast %parallel_loop3A_931 : vector<16xf32> to vector<16xf32>
      %parallel_loop3A_933 = vector.shape_cast %parallel_loop3A_929 : vector<16xf32> to vector<16xf32>
      tpu.vector_store %arg5[%parallel_loop3A_930], %parallel_loop3A_933 {strides = array<i32>} : memref<78352xf32, #tpu.memory_space<vmem>>, vector<16xf32>,
      %parallel_loop3A_934 = arith.constant 896 : i32
      %parallel_loop3A_935 = arith.addi %parallel_loop3A_189, %parallel_loop3A_934 : i32
      %parallel_loop3A_936 = arith.constant 96 : i32
      %parallel_loop3A_937 = arith.addi %parallel_loop3A_935, %parallel_loop3A_936 : i32
      %parallel_loop3A_938 = arith.index_cast %parallel_loop3A_937 : i32 to index
      %parallel_loop3A_939 = tpu.vector_load %arg5[%parallel_loop3A_938] {strides = array<i32>} : memref<78352xf32, #tpu.memory_space<vmem>>, vector<16xf32>,
      %parallel_loop3A_940 = vector.shape_cast %parallel_loop3A_939 : vector<16xf32> to vector<16xf32>
      %parallel_loop3A_941 = arith.addf %parallel_loop3A_940, %broadcast_in_dim3A_80 : vector<16xf32>
      %parallel_loop3A_942 = arith.index_cast %parallel_loop3A_937 : i32 to index
      %parallel_loop3A_943 = tpu.vector_load %arg5[%parallel_loop3A_942] {strides = array<i32>} : memref<78352xf32, #tpu.memory_space<vmem>>, vector<16xf32>,
      %parallel_loop3A_944 = vector.shape_cast %parallel_loop3A_943 : vector<16xf32> to vector<16xf32>
      %parallel_loop3A_945 = vector.shape_cast %parallel_loop3A_941 : vector<16xf32> to vector<16xf32>
      tpu.vector_store %arg5[%parallel_loop3A_942], %parallel_loop3A_945 {strides = array<i32>} : memref<78352xf32, #tpu.memory_space<vmem>>, vector<16xf32>,
      %parallel_loop3A_946 = arith.constant 896 : i32
      %parallel_loop3A_947 = arith.addi %parallel_loop3A_189, %parallel_loop3A_946 : i32
      %parallel_loop3A_948 = arith.constant 112 : i32
      %parallel_loop3A_949 = arith.addi %parallel_loop3A_947, %parallel_loop3A_948 : i32
      %parallel_loop3A_950 = arith.index_cast %parallel_loop3A_949 : i32 to index
      %parallel_loop3A_951 = tpu.vector_load %arg5[%parallel_loop3A_950] {strides = array<i32>} : memref<78352xf32, #tpu.memory_space<vmem>>, vector<16xf32>,
      %parallel_loop3A_952 = vector.shape_cast %parallel_loop3A_951 : vector<16xf32> to vector<16xf32>
      %parallel_loop3A_953 = arith.addf %parallel_loop3A_952, %broadcast_in_dim3A_80 : vector<16xf32>
      %parallel_loop3A_954 = arith.index_cast %parallel_loop3A_949 : i32 to index
      %parallel_loop3A_955 = tpu.vector_load %arg5[%parallel_loop3A_954] {strides = array<i32>} : memref<78352xf32, #tpu.memory_space<vmem>>, vector<16xf32>,
      %parallel_loop3A_956 = vector.shape_cast %parallel_loop3A_955 : vector<16xf32> to vector<16xf32>
      %parallel_loop3A_957 = vector.shape_cast %parallel_loop3A_953 : vector<16xf32> to vector<16xf32>
      tpu.vector_store %arg5[%parallel_loop3A_954], %parallel_loop3A_957 {strides = array<i32>} : memref<78352xf32, #tpu.memory_space<vmem>>, vector<16xf32>,
    } {sc.loop_unroll_factor = 2 : i64, sc.parallel_access}
    %mul3A_83 = arith.constant 32768 : i32
    %mul3A_84 = arith.muli %add3A_30, %mul3A_83 : i32
    %dma_start3A_85 = arith.constant 0 : i32
    %dma_start3A_86 = tpu.memref_slice %arg5[%dma_start3A_85] : memref<78352xf32, #tpu.memory_space<vmem>> -> memref<32768xf32, #tpu.memory_space<vmem>>
    %dma_start3A_87 = tpu.memref_slice %arg4[%mul3A_84] : memref<52428800xf32, #tpu.memory_space<hbm>> -> memref<32768xf32, #tpu.memory_space<hbm>>
    %dma_start3A_88 = tpu.memref_slice %arg4[%mul3A_84] : memref<52428800xf32, #tpu.memory_space<hbm>> -> memref<32768xf32, #tpu.memory_space<hbm>>
    %dma_start3A_89 = arith.constant 0 : i32
    %dma_start3A_90 = tpu.memref_slice %arg5[%dma_start3A_89] : memref<78352xf32, #tpu.memory_space<vmem>> -> memref<32768xf32, #tpu.memory_space<vmem>>
    tpu.enqueue_dma source(%dma_start3A_90 : memref<32768xf32, #tpu.memory_space<vmem>>) target(%dma_start3A_88 : memref<32768xf32, #tpu.memory_space<hbm>>) target_semaphore(%arg8 : memref<!tpu.dma_semaphore, #tpu.memory_space<semaphore_mem>>)
    %add3A_91 = arith.constant 48 : i32
    %add3A_92 = arith.addi %mul3A_2, %add3A_91 : i32
    %add3A_93 = arith.constant 1 : i32
    %add3A_94 = arith.addi %add3A_92, %add3A_93 : i32
    %dma_wait3A_95 = arith.constant 32768 : i32
    %dma_wait3A_96 = tpu.memref_slice %arg5[%dma_wait3A_95] : memref<78352xf32, #tpu.memory_space<vmem>> -> memref<32768xf32, #tpu.memory_space<vmem>>
    %dma_wait3A_97 = arith.constant 0 : i32
    %dma_wait3A_98 = tpu.memref_slice %arg2[%dma_wait3A_97] : memref<52428800xf32, #tpu.memory_space<hbm>> -> memref<32768xf32, #tpu.memory_space<hbm>>
    %dma_wait3A_99 = arith.constant 32768 : i32
    %dma_wait3A_100 = tpu.memref_slice %arg5[%dma_wait3A_99] : memref<78352xf32, #tpu.memory_space<vmem>> -> memref<32768xf32, #tpu.memory_space<vmem>>
    %dma_wait3A_101 = arith.constant 0 : i32
    %dma_wait3A_102 = tpu.memref_slice %arg2[%dma_wait3A_101] : memref<52428800xf32, #tpu.memory_space<hbm>> -> memref<32768xf32, #tpu.memory_space<hbm>>
    tpu.wait_dma2 semaphore(%arg7 : memref<!tpu.dma_semaphore, #tpu.memory_space<semaphore_mem>>) src(%dma_wait3A_102 : memref<32768xf32, #tpu.memory_space<hbm>>) dst(%dma_wait3A_100 : memref<32768xf32, #tpu.memory_space<vmem>>)
    %jit3A_103 = arith.constant 1 : i32
    %div3A_104 = arith.divsi %add3A_94, %jit3A_103 : i32
    %sign3A_105 = arith.constant 0 : i32
    %sign3A_106 = arith.cmpi sgt, %add3A_94, %sign3A_105 : i32
    %sign3A_107 = arith.extui %sign3A_106 : i1 to i32
    %sign3A_108 = arith.constant 0 : i32
    %sign3A_109 = arith.cmpi slt, %add3A_94, %sign3A_108 : i32
    %sign3A_110 = arith.extui %sign3A_109 : i1 to i32
    %sign3A_111 = arith.subi %sign3A_107, %sign3A_110 : i32
    %sign3A_112 = arith.constant 0 : i32
    %sign3A_113 = arith.cmpi sgt, %jit3A_103, %sign3A_112 : i32
    %sign3A_114 = arith.extui %sign3A_113 : i1 to i32
    %sign3A_115 = arith.constant 0 : i32
    %sign3A_116 = arith.cmpi slt, %jit3A_103, %sign3A_115 : i32
    %sign3A_117 = arith.extui %sign3A_116 : i1 to i32
    %sign3A_118 = arith.subi %sign3A_114, %sign3A_117 : i32
    %ne3A_119 = arith.cmpi ne, %sign3A_111, %sign3A_118 : i32
    %rem3A_120 = arith.remsi %add3A_94, %jit3A_103 : i32
    %ne3A_121 = arith.constant 0 : i32
    %ne3A_122 = arith.cmpi ne, %rem3A_120, %ne3A_121 : i32
    %and3A_123 = arith.andi %ne3A_119, %ne3A_122 : i1
    %sub3A_124 = arith.constant 1 : i32
    %sub3A_125 = arith.subi %div3A_104, %sub3A_124 : i32
    %select_n3A_126 = arith.select %and3A_123, %sub3A_125, %div3A_104 : i32
    %mul3A_127 = arith.constant 8 : i32
    %mul3A_128 = arith.muli %select_n3A_126, %mul3A_127 : i32
    %add3A_129 = arith.constant 65536 : i32
    %add3A_130 = arith.addi %add3A_129, %mul3A_128 : i32
    %get3A_131 = arith.index_cast %add3A_130 : i32 to index
    %get3A_132 = tpu.vector_load %arg5[%get3A_131] {strides = array<i32>} : memref<78352xf32, #tpu.memory_space<vmem>>, vector<16xf32>,
    %get3A_133 = vector.shape_cast %get3A_132 : vector<16xf32> to vector<16xf32>
    %slice3A_134 = vector.extract_strided_slice %get3A_133 {offsets = [0], sizes = [1], strides = [1]} : vector<16xf32> to vector<1xf32>
    %squeeze3A_135 = vector.extract %slice3A_134[0] : f32 from vector<1xf32>
    %broadcast_in_dim3A_136 = vector.broadcast %squeeze3A_135 : f32 to vector<16xf32>
    %slice3A_137 = vector.extract_strided_slice %get3A_133 {offsets = [1], sizes = [1], strides = [1]} : vector<16xf32> to vector<1xf32>
    %squeeze3A_138 = vector.extract %slice3A_137[0] : f32 from vector<1xf32>
    %broadcast_in_dim3A_139 = vector.broadcast %squeeze3A_138 : f32 to vector<16xf32>
    %slice3A_140 = vector.extract_strided_slice %get3A_133 {offsets = [2], sizes = [1], strides = [1]} : vector<16xf32> to vector<1xf32>
    %squeeze3A_141 = vector.extract %slice3A_140[0] : f32 from vector<1xf32>
    %broadcast_in_dim3A_142 = vector.broadcast %squeeze3A_141 : f32 to vector<16xf32>
    %slice3A_143 = vector.extract_strided_slice %get3A_133 {offsets = [3], sizes = [1], strides = [1]} : vector<16xf32> to vector<1xf32>
    %squeeze3A_144 = vector.extract %slice3A_143[0] : f32 from vector<1xf32>
    %broadcast_in_dim3A_145 = vector.broadcast %squeeze3A_144 : f32 to vector<16xf32>
    %slice3A_146 = vector.extract_strided_slice %get3A_133 {offsets = [4], sizes = [1], strides = [1]} : vector<16xf32> to vector<1xf32>
    %squeeze3A_147 = vector.extract %slice3A_146[0] : f32 from vector<1xf32>
    %broadcast_in_dim3A_148 = vector.broadcast %squeeze3A_147 : f32 to vector<16xf32>
    %slice3A_149 = vector.extract_strided_slice %get3A_133 {offsets = [5], sizes = [1], strides = [1]} : vector<16xf32> to vector<1xf32>
    %squeeze3A_150 = vector.extract %slice3A_149[0] : f32 from vector<1xf32>
    %broadcast_in_dim3A_151 = vector.broadcast %squeeze3A_150 : f32 to vector<16xf32>
    %slice3A_152 = vector.extract_strided_slice %get3A_133 {offsets = [6], sizes = [1], strides = [1]} : vector<16xf32> to vector<1xf32>
    %squeeze3A_153 = vector.extract %slice3A_152[0] : f32 from vector<1xf32>
    %broadcast_in_dim3A_154 = vector.broadcast %squeeze3A_153 : f32 to vector<16xf32>
    %slice3A_155 = vector.extract_strided_slice %get3A_133 {offsets = [7], sizes = [1], strides = [1]} : vector<16xf32> to vector<1xf32>
    %squeeze3A_156 = vector.extract %slice3A_155[0] : f32 from vector<1xf32>
    %broadcast_in_dim3A_157 = vector.broadcast %squeeze3A_156 : f32 to vector<16xf32>
    %parallel_loop3A_158 = arith.constant 0 : i32
    %parallel_loop3A_159 = arith.constant 32 : i32
    %parallel_loop3A_160 = arith.constant 1 : i32
    scf.for %parallel_loop3A_185 = %parallel_loop3A_158 to %parallel_loop3A_159 step %parallel_loop3A_160  : i32 {
      %parallel_loop3A_186 = arith.constant 1024 : i32
      %parallel_loop3A_187 = arith.muli %parallel_loop3A_185, %parallel_loop3A_186 : i32
      %parallel_loop3A_188 = arith.constant 32768 : i32
      %parallel_loop3A_189 = arith.addi %parallel_loop3A_188, %parallel_loop3A_187 : i32
      %parallel_loop3A_190 = arith.constant 0 : i32
      %parallel_loop3A_191 = arith.addi %parallel_loop3A_189, %parallel_loop3A_190 : i32
      %parallel_loop3A_192 = arith.constant 0 : i32
      %parallel_loop3A_193 = arith.addi %parallel_loop3A_191, %parallel_loop3A_192 : i32
      %parallel_loop3A_194 = arith.index_cast %parallel_loop3A_193 : i32 to index
      %parallel_loop3A_195 = tpu.vector_load %arg5[%parallel_loop3A_194] {strides = array<i32>} : memref<78352xf32, #tpu.memory_space<vmem>>, vector<16xf32>,
      %parallel_loop3A_196 = vector.shape_cast %parallel_loop3A_195 : vector<16xf32> to vector<16xf32>
      %parallel_loop3A_197 = arith.addf %parallel_loop3A_196, %broadcast_in_dim3A_136 : vector<16xf32>
      %parallel_loop3A_198 = arith.index_cast %parallel_loop3A_193 : i32 to index
      %parallel_loop3A_199 = tpu.vector_load %arg5[%parallel_loop3A_198] {strides = array<i32>} : memref<78352xf32, #tpu.memory_space<vmem>>, vector<16xf32>,
      %parallel_loop3A_200 = vector.shape_cast %parallel_loop3A_199 : vector<16xf32> to vector<16xf32>
      %parallel_loop3A_201 = vector.shape_cast %parallel_loop3A_197 : vector<16xf32> to vector<16xf32>
      tpu.vector_store %arg5[%parallel_loop3A_198], %parallel_loop3A_201 {strides = array<i32>} : memref<78352xf32, #tpu.memory_space<vmem>>, vector<16xf32>,
      %parallel_loop3A_202 = arith.constant 0 : i32
      %parallel_loop3A_203 = arith.addi %parallel_loop3A_189, %parallel_loop3A_202 : i32
      %parallel_loop3A_204 = arith.constant 16 : i32
      %parallel_loop3A_205 = arith.addi %parallel_loop3A_203, %parallel_loop3A_204 : i32
      %parallel_loop3A_206 = arith.index_cast %parallel_loop3A_205 : i32 to index
      %parallel_loop3A_207 = tpu.vector_load %arg5[%parallel_loop3A_206] {strides = array<i32>} : memref<78352xf32, #tpu.memory_space<vmem>>, vector<16xf32>,
      %parallel_loop3A_208 = vector.shape_cast %parallel_loop3A_207 : vector<16xf32> to vector<16xf32>
      %parallel_loop3A_209 = arith.addf %parallel_loop3A_208, %broadcast_in_dim3A_136 : vector<16xf32>
      %parallel_loop3A_210 = arith.index_cast %parallel_loop3A_205 : i32 to index
      %parallel_loop3A_211 = tpu.vector_load %arg5[%parallel_loop3A_210] {strides = array<i32>} : memref<78352xf32, #tpu.memory_space<vmem>>, vector<16xf32>,
      %parallel_loop3A_212 = vector.shape_cast %parallel_loop3A_211 : vector<16xf32> to vector<16xf32>
      %parallel_loop3A_213 = vector.shape_cast %parallel_loop3A_209 : vector<16xf32> to vector<16xf32>
      tpu.vector_store %arg5[%parallel_loop3A_210], %parallel_loop3A_213 {strides = array<i32>} : memref<78352xf32, #tpu.memory_space<vmem>>, vector<16xf32>,
      %parallel_loop3A_214 = arith.constant 0 : i32
      %parallel_loop3A_215 = arith.addi %parallel_loop3A_189, %parallel_loop3A_214 : i32
      %parallel_loop3A_216 = arith.constant 32 : i32
      %parallel_loop3A_217 = arith.addi %parallel_loop3A_215, %parallel_loop3A_216 : i32
      %parallel_loop3A_218 = arith.index_cast %parallel_loop3A_217 : i32 to index
      %parallel_loop3A_219 = tpu.vector_load %arg5[%parallel_loop3A_218] {strides = array<i32>} : memref<78352xf32, #tpu.memory_space<vmem>>, vector<16xf32>,
      %parallel_loop3A_220 = vector.shape_cast %parallel_loop3A_219 : vector<16xf32> to vector<16xf32>
      %parallel_loop3A_221 = arith.addf %parallel_loop3A_220, %broadcast_in_dim3A_136 : vector<16xf32>
      %parallel_loop3A_222 = arith.index_cast %parallel_loop3A_217 : i32 to index
      %parallel_loop3A_223 = tpu.vector_load %arg5[%parallel_loop3A_222] {strides = array<i32>} : memref<78352xf32, #tpu.memory_space<vmem>>, vector<16xf32>,
      %parallel_loop3A_224 = vector.shape_cast %parallel_loop3A_223 : vector<16xf32> to vector<16xf32>
      %parallel_loop3A_225 = vector.shape_cast %parallel_loop3A_221 : vector<16xf32> to vector<16xf32>
      tpu.vector_store %arg5[%parallel_loop3A_222], %parallel_loop3A_225 {strides = array<i32>} : memref<78352xf32, #tpu.memory_space<vmem>>, vector<16xf32>,
      %parallel_loop3A_226 = arith.constant 0 : i32
      %parallel_loop3A_227 = arith.addi %parallel_loop3A_189, %parallel_loop3A_226 : i32
      %parallel_loop3A_228 = arith.constant 48 : i32
      %parallel_loop3A_229 = arith.addi %parallel_loop3A_227, %parallel_loop3A_228 : i32
      %parallel_loop3A_230 = arith.index_cast %parallel_loop3A_229 : i32 to index
      %parallel_loop3A_231 = tpu.vector_load %arg5[%parallel_loop3A_230] {strides = array<i32>} : memref<78352xf32, #tpu.memory_space<vmem>>, vector<16xf32>,
      %parallel_loop3A_232 = vector.shape_cast %parallel_loop3A_231 : vector<16xf32> to vector<16xf32>
      %parallel_loop3A_233 = arith.addf %parallel_loop3A_232, %broadcast_in_dim3A_136 : vector<16xf32>
      %parallel_loop3A_234 = arith.index_cast %parallel_loop3A_229 : i32 to index
      %parallel_loop3A_235 = tpu.vector_load %arg5[%parallel_loop3A_234] {strides = array<i32>} : memref<78352xf32, #tpu.memory_space<vmem>>, vector<16xf32>,
      %parallel_loop3A_236 = vector.shape_cast %parallel_loop3A_235 : vector<16xf32> to vector<16xf32>
      %parallel_loop3A_237 = vector.shape_cast %parallel_loop3A_233 : vector<16xf32> to vector<16xf32>
      tpu.vector_store %arg5[%parallel_loop3A_234], %parallel_loop3A_237 {strides = array<i32>} : memref<78352xf32, #tpu.memory_space<vmem>>, vector<16xf32>,
      %parallel_loop3A_238 = arith.constant 0 : i32
      %parallel_loop3A_239 = arith.addi %parallel_loop3A_189, %parallel_loop3A_238 : i32
      %parallel_loop3A_240 = arith.constant 64 : i32
      %parallel_loop3A_241 = arith.addi %parallel_loop3A_239, %parallel_loop3A_240 : i32
      %parallel_loop3A_242 = arith.index_cast %parallel_loop3A_241 : i32 to index
      %parallel_loop3A_243 = tpu.vector_load %arg5[%parallel_loop3A_242] {strides = array<i32>} : memref<78352xf32, #tpu.memory_space<vmem>>, vector<16xf32>,
      %parallel_loop3A_244 = vector.shape_cast %parallel_loop3A_243 : vector<16xf32> to vector<16xf32>
      %parallel_loop3A_245 = arith.addf %parallel_loop3A_244, %broadcast_in_dim3A_136 : vector<16xf32>
      %parallel_loop3A_246 = arith.index_cast %parallel_loop3A_241 : i32 to index
      %parallel_loop3A_247 = tpu.vector_load %arg5[%parallel_loop3A_246] {strides = array<i32>} : memref<78352xf32, #tpu.memory_space<vmem>>, vector<16xf32>,
      %parallel_loop3A_248 = vector.shape_cast %parallel_loop3A_247 : vector<16xf32> to vector<16xf32>
      %parallel_loop3A_249 = vector.shape_cast %parallel_loop3A_245 : vector<16xf32> to vector<16xf32>
      tpu.vector_store %arg5[%parallel_loop3A_246], %parallel_loop3A_249 {strides = array<i32>} : memref<78352xf32, #tpu.memory_space<vmem>>, vector<16xf32>,
      %parallel_loop3A_250 = arith.constant 0 : i32
      %parallel_loop3A_251 = arith.addi %parallel_loop3A_189, %parallel_loop3A_250 : i32
      %parallel_loop3A_252 = arith.constant 80 : i32
      %parallel_loop3A_253 = arith.addi %parallel_loop3A_251, %parallel_loop3A_252 : i32
      %parallel_loop3A_254 = arith.index_cast %parallel_loop3A_253 : i32 to index
      %parallel_loop3A_255 = tpu.vector_load %arg5[%parallel_loop3A_254] {strides = array<i32>} : memref<78352xf32, #tpu.memory_space<vmem>>, vector<16xf32>,
      %parallel_loop3A_256 = vector.shape_cast %parallel_loop3A_255 : vector<16xf32> to vector<16xf32>
      %parallel_loop3A_257 = arith.addf %parallel_loop3A_256, %broadcast_in_dim3A_136 : vector<16xf32>
      %parallel_loop3A_258 = arith.index_cast %parallel_loop3A_253 : i32 to index
      %parallel_loop3A_259 = tpu.vector_load %arg5[%parallel_loop3A_258] {strides = array<i32>} : memref<78352xf32, #tpu.memory_space<vmem>>, vector<16xf32>,
      %parallel_loop3A_260 = vector.shape_cast %parallel_loop3A_259 : vector<16xf32> to vector<16xf32>
      %parallel_loop3A_261 = vector.shape_cast %parallel_loop3A_257 : vector<16xf32> to vector<16xf32>
      tpu.vector_store %arg5[%parallel_loop3A_258], %parallel_loop3A_261 {strides = array<i32>} : memref<78352xf32, #tpu.memory_space<vmem>>, vector<16xf32>,
      %parallel_loop3A_262 = arith.constant 0 : i32
      %parallel_loop3A_263 = arith.addi %parallel_loop3A_189, %parallel_loop3A_262 : i32
      %parallel_loop3A_264 = arith.constant 96 : i32
      %parallel_loop3A_265 = arith.addi %parallel_loop3A_263, %parallel_loop3A_264 : i32
      %parallel_loop3A_266 = arith.index_cast %parallel_loop3A_265 : i32 to index
      %parallel_loop3A_267 = tpu.vector_load %arg5[%parallel_loop3A_266] {strides = array<i32>} : memref<78352xf32, #tpu.memory_space<vmem>>, vector<16xf32>,
      %parallel_loop3A_268 = vector.shape_cast %parallel_loop3A_267 : vector<16xf32> to vector<16xf32>
      %parallel_loop3A_269 = arith.addf %parallel_loop3A_268, %broadcast_in_dim3A_136 : vector<16xf32>
      %parallel_loop3A_270 = arith.index_cast %parallel_loop3A_265 : i32 to index
      %parallel_loop3A_271 = tpu.vector_load %arg5[%parallel_loop3A_270] {strides = array<i32>} : memref<78352xf32, #tpu.memory_space<vmem>>, vector<16xf32>,
      %parallel_loop3A_272 = vector.shape_cast %parallel_loop3A_271 : vector<16xf32> to vector<16xf32>
      %parallel_loop3A_273 = vector.shape_cast %parallel_loop3A_269 : vector<16xf32> to vector<16xf32>
      tpu.vector_store %arg5[%parallel_loop3A_270], %parallel_loop3A_273 {strides = array<i32>} : memref<78352xf32, #tpu.memory_space<vmem>>, vector<16xf32>,
      %parallel_loop3A_274 = arith.constant 0 : i32
      %parallel_loop3A_275 = arith.addi %parallel_loop3A_189, %parallel_loop3A_274 : i32
      %parallel_loop3A_276 = arith.constant 112 : i32
      %parallel_loop3A_277 = arith.addi %parallel_loop3A_275, %parallel_loop3A_276 : i32
      %parallel_loop3A_278 = arith.index_cast %parallel_loop3A_277 : i32 to index
      %parallel_loop3A_279 = tpu.vector_load %arg5[%parallel_loop3A_278] {strides = array<i32>} : memref<78352xf32, #tpu.memory_space<vmem>>, vector<16xf32>,
      %parallel_loop3A_280 = vector.shape_cast %parallel_loop3A_279 : vector<16xf32> to vector<16xf32>
      %parallel_loop3A_281 = arith.addf %parallel_loop3A_280, %broadcast_in_dim3A_136 : vector<16xf32>
      %parallel_loop3A_282 = arith.index_cast %parallel_loop3A_277 : i32 to index
      %parallel_loop3A_283 = tpu.vector_load %arg5[%parallel_loop3A_282] {strides = array<i32>} : memref<78352xf32, #tpu.memory_space<vmem>>, vector<16xf32>,
      %parallel_loop3A_284 = vector.shape_cast %parallel_loop3A_283 : vector<16xf32> to vector<16xf32>
      %parallel_loop3A_285 = vector.shape_cast %parallel_loop3A_281 : vector<16xf32> to vector<16xf32>
      tpu.vector_store %arg5[%parallel_loop3A_282], %parallel_loop3A_285 {strides = array<i32>} : memref<78352xf32, #tpu.memory_space<vmem>>, vector<16xf32>,
      %parallel_loop3A_286 = arith.constant 128 : i32
      %parallel_loop3A_287 = arith.addi %parallel_loop3A_189, %parallel_loop3A_286 : i32
      %parallel_loop3A_288 = arith.constant 0 : i32
      %parallel_loop3A_289 = arith.addi %parallel_loop3A_287, %parallel_loop3A_288 : i32
      %parallel_loop3A_290 = arith.index_cast %parallel_loop3A_289 : i32 to index
      %parallel_loop3A_291 = tpu.vector_load %arg5[%parallel_loop3A_290] {strides = array<i32>} : memref<78352xf32, #tpu.memory_space<vmem>>, vector<16xf32>,
      %parallel_loop3A_292 = vector.shape_cast %parallel_loop3A_291 : vector<16xf32> to vector<16xf32>
      %parallel_loop3A_293 = arith.addf %parallel_loop3A_292, %broadcast_in_dim3A_139 : vector<16xf32>
      %parallel_loop3A_294 = arith.index_cast %parallel_loop3A_289 : i32 to index
      %parallel_loop3A_295 = tpu.vector_load %arg5[%parallel_loop3A_294] {strides = array<i32>} : memref<78352xf32, #tpu.memory_space<vmem>>, vector<16xf32>,
      %parallel_loop3A_296 = vector.shape_cast %parallel_loop3A_295 : vector<16xf32> to vector<16xf32>
      %parallel_loop3A_297 = vector.shape_cast %parallel_loop3A_293 : vector<16xf32> to vector<16xf32>
      tpu.vector_store %arg5[%parallel_loop3A_294], %parallel_loop3A_297 {strides = array<i32>} : memref<78352xf32, #tpu.memory_space<vmem>>, vector<16xf32>,
      %parallel_loop3A_298 = arith.constant 128 : i32
      %parallel_loop3A_299 = arith.addi %parallel_loop3A_189, %parallel_loop3A_298 : i32
      %parallel_loop3A_300 = arith.constant 16 : i32
      %parallel_loop3A_301 = arith.addi %parallel_loop3A_299, %parallel_loop3A_300 : i32
      %parallel_loop3A_302 = arith.index_cast %parallel_loop3A_301 : i32 to index
      %parallel_loop3A_303 = tpu.vector_load %arg5[%parallel_loop3A_302] {strides = array<i32>} : memref<78352xf32, #tpu.memory_space<vmem>>, vector<16xf32>,
      %parallel_loop3A_304 = vector.shape_cast %parallel_loop3A_303 : vector<16xf32> to vector<16xf32>
      %parallel_loop3A_305 = arith.addf %parallel_loop3A_304, %broadcast_in_dim3A_139 : vector<16xf32>
      %parallel_loop3A_306 = arith.index_cast %parallel_loop3A_301 : i32 to index
      %parallel_loop3A_307 = tpu.vector_load %arg5[%parallel_loop3A_306] {strides = array<i32>} : memref<78352xf32, #tpu.memory_space<vmem>>, vector<16xf32>,
      %parallel_loop3A_308 = vector.shape_cast %parallel_loop3A_307 : vector<16xf32> to vector<16xf32>
      %parallel_loop3A_309 = vector.shape_cast %parallel_loop3A_305 : vector<16xf32> to vector<16xf32>
      tpu.vector_store %arg5[%parallel_loop3A_306], %parallel_loop3A_309 {strides = array<i32>} : memref<78352xf32, #tpu.memory_space<vmem>>, vector<16xf32>,
      %parallel_loop3A_310 = arith.constant 128 : i32
      %parallel_loop3A_311 = arith.addi %parallel_loop3A_189, %parallel_loop3A_310 : i32
      %parallel_loop3A_312 = arith.constant 32 : i32
      %parallel_loop3A_313 = arith.addi %parallel_loop3A_311, %parallel_loop3A_312 : i32
      %parallel_loop3A_314 = arith.index_cast %parallel_loop3A_313 : i32 to index
      %parallel_loop3A_315 = tpu.vector_load %arg5[%parallel_loop3A_314] {strides = array<i32>} : memref<78352xf32, #tpu.memory_space<vmem>>, vector<16xf32>,
      %parallel_loop3A_316 = vector.shape_cast %parallel_loop3A_315 : vector<16xf32> to vector<16xf32>
      %parallel_loop3A_317 = arith.addf %parallel_loop3A_316, %broadcast_in_dim3A_139 : vector<16xf32>
      %parallel_loop3A_318 = arith.index_cast %parallel_loop3A_313 : i32 to index
      %parallel_loop3A_319 = tpu.vector_load %arg5[%parallel_loop3A_318] {strides = array<i32>} : memref<78352xf32, #tpu.memory_space<vmem>>, vector<16xf32>,
      %parallel_loop3A_320 = vector.shape_cast %parallel_loop3A_319 : vector<16xf32> to vector<16xf32>
      %parallel_loop3A_321 = vector.shape_cast %parallel_loop3A_317 : vector<16xf32> to vector<16xf32>
      tpu.vector_store %arg5[%parallel_loop3A_318], %parallel_loop3A_321 {strides = array<i32>} : memref<78352xf32, #tpu.memory_space<vmem>>, vector<16xf32>,
      %parallel_loop3A_322 = arith.constant 128 : i32
      %parallel_loop3A_323 = arith.addi %parallel_loop3A_189, %parallel_loop3A_322 : i32
      %parallel_loop3A_324 = arith.constant 48 : i32
      %parallel_loop3A_325 = arith.addi %parallel_loop3A_323, %parallel_loop3A_324 : i32
      %parallel_loop3A_326 = arith.index_cast %parallel_loop3A_325 : i32 to index
      %parallel_loop3A_327 = tpu.vector_load %arg5[%parallel_loop3A_326] {strides = array<i32>} : memref<78352xf32, #tpu.memory_space<vmem>>, vector<16xf32>,
      %parallel_loop3A_328 = vector.shape_cast %parallel_loop3A_327 : vector<16xf32> to vector<16xf32>
      %parallel_loop3A_329 = arith.addf %parallel_loop3A_328, %broadcast_in_dim3A_139 : vector<16xf32>
      %parallel_loop3A_330 = arith.index_cast %parallel_loop3A_325 : i32 to index
      %parallel_loop3A_331 = tpu.vector_load %arg5[%parallel_loop3A_330] {strides = array<i32>} : memref<78352xf32, #tpu.memory_space<vmem>>, vector<16xf32>,
      %parallel_loop3A_332 = vector.shape_cast %parallel_loop3A_331 : vector<16xf32> to vector<16xf32>
      %parallel_loop3A_333 = vector.shape_cast %parallel_loop3A_329 : vector<16xf32> to vector<16xf32>
      tpu.vector_store %arg5[%parallel_loop3A_330], %parallel_loop3A_333 {strides = array<i32>} : memref<78352xf32, #tpu.memory_space<vmem>>, vector<16xf32>,
      %parallel_loop3A_334 = arith.constant 128 : i32
      %parallel_loop3A_335 = arith.addi %parallel_loop3A_189, %parallel_loop3A_334 : i32
      %parallel_loop3A_336 = arith.constant 64 : i32
      %parallel_loop3A_337 = arith.addi %parallel_loop3A_335, %parallel_loop3A_336 : i32
      %parallel_loop3A_338 = arith.index_cast %parallel_loop3A_337 : i32 to index
      %parallel_loop3A_339 = tpu.vector_load %arg5[%parallel_loop3A_338] {strides = array<i32>} : memref<78352xf32, #tpu.memory_space<vmem>>, vector<16xf32>,
      %parallel_loop3A_340 = vector.shape_cast %parallel_loop3A_339 : vector<16xf32> to vector<16xf32>
      %parallel_loop3A_341 = arith.addf %parallel_loop3A_340, %broadcast_in_dim3A_139 : vector<16xf32>
      %parallel_loop3A_342 = arith.index_cast %parallel_loop3A_337 : i32 to index
      %parallel_loop3A_343 = tpu.vector_load %arg5[%parallel_loop3A_342] {strides = array<i32>} : memref<78352xf32, #tpu.memory_space<vmem>>, vector<16xf32>,
      %parallel_loop3A_344 = vector.shape_cast %parallel_loop3A_343 : vector<16xf32> to vector<16xf32>
      %parallel_loop3A_345 = vector.shape_cast %parallel_loop3A_341 : vector<16xf32> to vector<16xf32>
      tpu.vector_store %arg5[%parallel_loop3A_342], %parallel_loop3A_345 {strides = array<i32>} : memref<78352xf32, #tpu.memory_space<vmem>>, vector<16xf32>,
      %parallel_loop3A_346 = arith.constant 128 : i32
      %parallel_loop3A_347 = arith.addi %parallel_loop3A_189, %parallel_loop3A_346 : i32
      %parallel_loop3A_348 = arith.constant 80 : i32
      %parallel_loop3A_349 = arith.addi %parallel_loop3A_347, %parallel_loop3A_348 : i32
      %parallel_loop3A_350 = arith.index_cast %parallel_loop3A_349 : i32 to index
      %parallel_loop3A_351 = tpu.vector_load %arg5[%parallel_loop3A_350] {strides = array<i32>} : memref<78352xf32, #tpu.memory_space<vmem>>, vector<16xf32>,
      %parallel_loop3A_352 = vector.shape_cast %parallel_loop3A_351 : vector<16xf32> to vector<16xf32>
      %parallel_loop3A_353 = arith.addf %parallel_loop3A_352, %broadcast_in_dim3A_139 : vector<16xf32>
      %parallel_loop3A_354 = arith.index_cast %parallel_loop3A_349 : i32 to index
      %parallel_loop3A_355 = tpu.vector_load %arg5[%parallel_loop3A_354] {strides = array<i32>} : memref<78352xf32, #tpu.memory_space<vmem>>, vector<16xf32>,
      %parallel_loop3A_356 = vector.shape_cast %parallel_loop3A_355 : vector<16xf32> to vector<16xf32>
      %parallel_loop3A_357 = vector.shape_cast %parallel_loop3A_353 : vector<16xf32> to vector<16xf32>
      tpu.vector_store %arg5[%parallel_loop3A_354], %parallel_loop3A_357 {strides = array<i32>} : memref<78352xf32, #tpu.memory_space<vmem>>, vector<16xf32>,
      %parallel_loop3A_358 = arith.constant 128 : i32
      %parallel_loop3A_359 = arith.addi %parallel_loop3A_189, %parallel_loop3A_358 : i32
      %parallel_loop3A_360 = arith.constant 96 : i32
      %parallel_loop3A_361 = arith.addi %parallel_loop3A_359, %parallel_loop3A_360 : i32
      %parallel_loop3A_362 = arith.index_cast %parallel_loop3A_361 : i32 to index
      %parallel_loop3A_363 = tpu.vector_load %arg5[%parallel_loop3A_362] {strides = array<i32>} : memref<78352xf32, #tpu.memory_space<vmem>>, vector<16xf32>,
      %parallel_loop3A_364 = vector.shape_cast %parallel_loop3A_363 : vector<16xf32> to vector<16xf32>
      %parallel_loop3A_365 = arith.addf %parallel_loop3A_364, %broadcast_in_dim3A_139 : vector<16xf32>
      %parallel_loop3A_366 = arith.index_cast %parallel_loop3A_361 : i32 to index
      %parallel_loop3A_367 = tpu.vector_load %arg5[%parallel_loop3A_366] {strides = array<i32>} : memref<78352xf32, #tpu.memory_space<vmem>>, vector<16xf32>,
      %parallel_loop3A_368 = vector.shape_cast %parallel_loop3A_367 : vector<16xf32> to vector<16xf32>
      %parallel_loop3A_369 = vector.shape_cast %parallel_loop3A_365 : vector<16xf32> to vector<16xf32>
      tpu.vector_store %arg5[%parallel_loop3A_366], %parallel_loop3A_369 {strides = array<i32>} : memref<78352xf32, #tpu.memory_space<vmem>>, vector<16xf32>,
      %parallel_loop3A_370 = arith.constant 128 : i32
      %parallel_loop3A_371 = arith.addi %parallel_loop3A_189, %parallel_loop3A_370 : i32
      %parallel_loop3A_372 = arith.constant 112 : i32
      %parallel_loop3A_373 = arith.addi %parallel_loop3A_371, %parallel_loop3A_372 : i32
      %parallel_loop3A_374 = arith.index_cast %parallel_loop3A_373 : i32 to index
      %parallel_loop3A_375 = tpu.vector_load %arg5[%parallel_loop3A_374] {strides = array<i32>} : memref<78352xf32, #tpu.memory_space<vmem>>, vector<16xf32>,
      %parallel_loop3A_376 = vector.shape_cast %parallel_loop3A_375 : vector<16xf32> to vector<16xf32>
      %parallel_loop3A_377 = arith.addf %parallel_loop3A_376, %broadcast_in_dim3A_139 : vector<16xf32>
      %parallel_loop3A_378 = arith.index_cast %parallel_loop3A_373 : i32 to index
      %parallel_loop3A_379 = tpu.vector_load %arg5[%parallel_loop3A_378] {strides = array<i32>} : memref<78352xf32, #tpu.memory_space<vmem>>, vector<16xf32>,
      %parallel_loop3A_380 = vector.shape_cast %parallel_loop3A_379 : vector<16xf32> to vector<16xf32>
      %parallel_loop3A_381 = vector.shape_cast %parallel_loop3A_377 : vector<16xf32> to vector<16xf32>
      tpu.vector_store %arg5[%parallel_loop3A_378], %parallel_loop3A_381 {strides = array<i32>} : memref<78352xf32, #tpu.memory_space<vmem>>, vector<16xf32>,
      %parallel_loop3A_382 = arith.constant 256 : i32
      %parallel_loop3A_383 = arith.addi %parallel_loop3A_189, %parallel_loop3A_382 : i32
      %parallel_loop3A_384 = arith.constant 0 : i32
      %parallel_loop3A_385 = arith.addi %parallel_loop3A_383, %parallel_loop3A_384 : i32
      %parallel_loop3A_386 = arith.index_cast %parallel_loop3A_385 : i32 to index
      %parallel_loop3A_387 = tpu.vector_load %arg5[%parallel_loop3A_386] {strides = array<i32>} : memref<78352xf32, #tpu.memory_space<vmem>>, vector<16xf32>,
      %parallel_loop3A_388 = vector.shape_cast %parallel_loop3A_387 : vector<16xf32> to vector<16xf32>
      %parallel_loop3A_389 = arith.addf %parallel_loop3A_388, %broadcast_in_dim3A_142 : vector<16xf32>
      %parallel_loop3A_390 = arith.index_cast %parallel_loop3A_385 : i32 to index
      %parallel_loop3A_391 = tpu.vector_load %arg5[%parallel_loop3A_390] {strides = array<i32>} : memref<78352xf32, #tpu.memory_space<vmem>>, vector<16xf32>,
      %parallel_loop3A_392 = vector.shape_cast %parallel_loop3A_391 : vector<16xf32> to vector<16xf32>
      %parallel_loop3A_393 = vector.shape_cast %parallel_loop3A_389 : vector<16xf32> to vector<16xf32>
      tpu.vector_store %arg5[%parallel_loop3A_390], %parallel_loop3A_393 {strides = array<i32>} : memref<78352xf32, #tpu.memory_space<vmem>>, vector<16xf32>,
      %parallel_loop3A_394 = arith.constant 256 : i32
      %parallel_loop3A_395 = arith.addi %parallel_loop3A_189, %parallel_loop3A_394 : i32
      %parallel_loop3A_396 = arith.constant 16 : i32
      %parallel_loop3A_397 = arith.addi %parallel_loop3A_395, %parallel_loop3A_396 : i32
      %parallel_loop3A_398 = arith.index_cast %parallel_loop3A_397 : i32 to index
      %parallel_loop3A_399 = tpu.vector_load %arg5[%parallel_loop3A_398] {strides = array<i32>} : memref<78352xf32, #tpu.memory_space<vmem>>, vector<16xf32>,
      %parallel_loop3A_400 = vector.shape_cast %parallel_loop3A_399 : vector<16xf32> to vector<16xf32>
      %parallel_loop3A_401 = arith.addf %parallel_loop3A_400, %broadcast_in_dim3A_142 : vector<16xf32>
      %parallel_loop3A_402 = arith.index_cast %parallel_loop3A_397 : i32 to index
      %parallel_loop3A_403 = tpu.vector_load %arg5[%parallel_loop3A_402] {strides = array<i32>} : memref<78352xf32, #tpu.memory_space<vmem>>, vector<16xf32>,
      %parallel_loop3A_404 = vector.shape_cast %parallel_loop3A_403 : vector<16xf32> to vector<16xf32>
      %parallel_loop3A_405 = vector.shape_cast %parallel_loop3A_401 : vector<16xf32> to vector<16xf32>
      tpu.vector_store %arg5[%parallel_loop3A_402], %parallel_loop3A_405 {strides = array<i32>} : memref<78352xf32, #tpu.memory_space<vmem>>, vector<16xf32>,
      %parallel_loop3A_406 = arith.constant 256 : i32
      %parallel_loop3A_407 = arith.addi %parallel_loop3A_189, %parallel_loop3A_406 : i32
      %parallel_loop3A_408 = arith.constant 32 : i32
      %parallel_loop3A_409 = arith.addi %parallel_loop3A_407, %parallel_loop3A_408 : i32
      %parallel_loop3A_410 = arith.index_cast %parallel_loop3A_409 : i32 to index
      %parallel_loop3A_411 = tpu.vector_load %arg5[%parallel_loop3A_410] {strides = array<i32>} : memref<78352xf32, #tpu.memory_space<vmem>>, vector<16xf32>,
      %parallel_loop3A_412 = vector.shape_cast %parallel_loop3A_411 : vector<16xf32> to vector<16xf32>
      %parallel_loop3A_413 = arith.addf %parallel_loop3A_412, %broadcast_in_dim3A_142 : vector<16xf32>
      %parallel_loop3A_414 = arith.index_cast %parallel_loop3A_409 : i32 to index
      %parallel_loop3A_415 = tpu.vector_load %arg5[%parallel_loop3A_414] {strides = array<i32>} : memref<78352xf32, #tpu.memory_space<vmem>>, vector<16xf32>,
      %parallel_loop3A_416 = vector.shape_cast %parallel_loop3A_415 : vector<16xf32> to vector<16xf32>
      %parallel_loop3A_417 = vector.shape_cast %parallel_loop3A_413 : vector<16xf32> to vector<16xf32>
      tpu.vector_store %arg5[%parallel_loop3A_414], %parallel_loop3A_417 {strides = array<i32>} : memref<78352xf32, #tpu.memory_space<vmem>>, vector<16xf32>,
      %parallel_loop3A_418 = arith.constant 256 : i32
      %parallel_loop3A_419 = arith.addi %parallel_loop3A_189, %parallel_loop3A_418 : i32
      %parallel_loop3A_420 = arith.constant 48 : i32
      %parallel_loop3A_421 = arith.addi %parallel_loop3A_419, %parallel_loop3A_420 : i32
      %parallel_loop3A_422 = arith.index_cast %parallel_loop3A_421 : i32 to index
      %parallel_loop3A_423 = tpu.vector_load %arg5[%parallel_loop3A_422] {strides = array<i32>} : memref<78352xf32, #tpu.memory_space<vmem>>, vector<16xf32>,
      %parallel_loop3A_424 = vector.shape_cast %parallel_loop3A_423 : vector<16xf32> to vector<16xf32>
      %parallel_loop3A_425 = arith.addf %parallel_loop3A_424, %broadcast_in_dim3A_142 : vector<16xf32>
      %parallel_loop3A_426 = arith.index_cast %parallel_loop3A_421 : i32 to index
      %parallel_loop3A_427 = tpu.vector_load %arg5[%parallel_loop3A_426] {strides = array<i32>} : memref<78352xf32, #tpu.memory_space<vmem>>, vector<16xf32>,
      %parallel_loop3A_428 = vector.shape_cast %parallel_loop3A_427 : vector<16xf32> to vector<16xf32>
      %parallel_loop3A_429 = vector.shape_cast %parallel_loop3A_425 : vector<16xf32> to vector<16xf32>
      tpu.vector_store %arg5[%parallel_loop3A_426], %parallel_loop3A_429 {strides = array<i32>} : memref<78352xf32, #tpu.memory_space<vmem>>, vector<16xf32>,
      %parallel_loop3A_430 = arith.constant 256 : i32
      %parallel_loop3A_431 = arith.addi %parallel_loop3A_189, %parallel_loop3A_430 : i32
      %parallel_loop3A_432 = arith.constant 64 : i32
      %parallel_loop3A_433 = arith.addi %parallel_loop3A_431, %parallel_loop3A_432 : i32
      %parallel_loop3A_434 = arith.index_cast %parallel_loop3A_433 : i32 to index
      %parallel_loop3A_435 = tpu.vector_load %arg5[%parallel_loop3A_434] {strides = array<i32>} : memref<78352xf32, #tpu.memory_space<vmem>>, vector<16xf32>,
      %parallel_loop3A_436 = vector.shape_cast %parallel_loop3A_435 : vector<16xf32> to vector<16xf32>
      %parallel_loop3A_437 = arith.addf %parallel_loop3A_436, %broadcast_in_dim3A_142 : vector<16xf32>
      %parallel_loop3A_438 = arith.index_cast %parallel_loop3A_433 : i32 to index
      %parallel_loop3A_439 = tpu.vector_load %arg5[%parallel_loop3A_438] {strides = array<i32>} : memref<78352xf32, #tpu.memory_space<vmem>>, vector<16xf32>,
      %parallel_loop3A_440 = vector.shape_cast %parallel_loop3A_439 : vector<16xf32> to vector<16xf32>
      %parallel_loop3A_441 = vector.shape_cast %parallel_loop3A_437 : vector<16xf32> to vector<16xf32>
      tpu.vector_store %arg5[%parallel_loop3A_438], %parallel_loop3A_441 {strides = array<i32>} : memref<78352xf32, #tpu.memory_space<vmem>>, vector<16xf32>,
      %parallel_loop3A_442 = arith.constant 256 : i32
      %parallel_loop3A_443 = arith.addi %parallel_loop3A_189, %parallel_loop3A_442 : i32
      %parallel_loop3A_444 = arith.constant 80 : i32
      %parallel_loop3A_445 = arith.addi %parallel_loop3A_443, %parallel_loop3A_444 : i32
      %parallel_loop3A_446 = arith.index_cast %parallel_loop3A_445 : i32 to index
      %parallel_loop3A_447 = tpu.vector_load %arg5[%parallel_loop3A_446] {strides = array<i32>} : memref<78352xf32, #tpu.memory_space<vmem>>, vector<16xf32>,
      %parallel_loop3A_448 = vector.shape_cast %parallel_loop3A_447 : vector<16xf32> to vector<16xf32>
      %parallel_loop3A_449 = arith.addf %parallel_loop3A_448, %broadcast_in_dim3A_142 : vector<16xf32>
      %parallel_loop3A_450 = arith.index_cast %parallel_loop3A_445 : i32 to index
      %parallel_loop3A_451 = tpu.vector_load %arg5[%parallel_loop3A_450] {strides = array<i32>} : memref<78352xf32, #tpu.memory_space<vmem>>, vector<16xf32>,
      %parallel_loop3A_452 = vector.shape_cast %parallel_loop3A_451 : vector<16xf32> to vector<16xf32>
      %parallel_loop3A_453 = vector.shape_cast %parallel_loop3A_449 : vector<16xf32> to vector<16xf32>
      tpu.vector_store %arg5[%parallel_loop3A_450], %parallel_loop3A_453 {strides = array<i32>} : memref<78352xf32, #tpu.memory_space<vmem>>, vector<16xf32>,
      %parallel_loop3A_454 = arith.constant 256 : i32
      %parallel_loop3A_455 = arith.addi %parallel_loop3A_189, %parallel_loop3A_454 : i32
      %parallel_loop3A_456 = arith.constant 96 : i32
      %parallel_loop3A_457 = arith.addi %parallel_loop3A_455, %parallel_loop3A_456 : i32
      %parallel_loop3A_458 = arith.index_cast %parallel_loop3A_457 : i32 to index
      %parallel_loop3A_459 = tpu.vector_load %arg5[%parallel_loop3A_458] {strides = array<i32>} : memref<78352xf32, #tpu.memory_space<vmem>>, vector<16xf32>,
      %parallel_loop3A_460 = vector.shape_cast %parallel_loop3A_459 : vector<16xf32> to vector<16xf32>
      %parallel_loop3A_461 = arith.addf %parallel_loop3A_460, %broadcast_in_dim3A_142 : vector<16xf32>
      %parallel_loop3A_462 = arith.index_cast %parallel_loop3A_457 : i32 to index
      %parallel_loop3A_463 = tpu.vector_load %arg5[%parallel_loop3A_462] {strides = array<i32>} : memref<78352xf32, #tpu.memory_space<vmem>>, vector<16xf32>,
      %parallel_loop3A_464 = vector.shape_cast %parallel_loop3A_463 : vector<16xf32> to vector<16xf32>
      %parallel_loop3A_465 = vector.shape_cast %parallel_loop3A_461 : vector<16xf32> to vector<16xf32>
      tpu.vector_store %arg5[%parallel_loop3A_462], %parallel_loop3A_465 {strides = array<i32>} : memref<78352xf32, #tpu.memory_space<vmem>>, vector<16xf32>,
      %parallel_loop3A_466 = arith.constant 256 : i32
      %parallel_loop3A_467 = arith.addi %parallel_loop3A_189, %parallel_loop3A_466 : i32
      %parallel_loop3A_468 = arith.constant 112 : i32
      %parallel_loop3A_469 = arith.addi %parallel_loop3A_467, %parallel_loop3A_468 : i32
      %parallel_loop3A_470 = arith.index_cast %parallel_loop3A_469 : i32 to index
      %parallel_loop3A_471 = tpu.vector_load %arg5[%parallel_loop3A_470] {strides = array<i32>} : memref<78352xf32, #tpu.memory_space<vmem>>, vector<16xf32>,
      %parallel_loop3A_472 = vector.shape_cast %parallel_loop3A_471 : vector<16xf32> to vector<16xf32>
      %parallel_loop3A_473 = arith.addf %parallel_loop3A_472, %broadcast_in_dim3A_142 : vector<16xf32>
      %parallel_loop3A_474 = arith.index_cast %parallel_loop3A_469 : i32 to index
      %parallel_loop3A_475 = tpu.vector_load %arg5[%parallel_loop3A_474] {strides = array<i32>} : memref<78352xf32, #tpu.memory_space<vmem>>, vector<16xf32>,
      %parallel_loop3A_476 = vector.shape_cast %parallel_loop3A_475 : vector<16xf32> to vector<16xf32>
      %parallel_loop3A_477 = vector.shape_cast %parallel_loop3A_473 : vector<16xf32> to vector<16xf32>
      tpu.vector_store %arg5[%parallel_loop3A_474], %parallel_loop3A_477 {strides = array<i32>} : memref<78352xf32, #tpu.memory_space<vmem>>, vector<16xf32>,
      %parallel_loop3A_478 = arith.constant 384 : i32
      %parallel_loop3A_479 = arith.addi %parallel_loop3A_189, %parallel_loop3A_478 : i32
      %parallel_loop3A_480 = arith.constant 0 : i32
      %parallel_loop3A_481 = arith.addi %parallel_loop3A_479, %parallel_loop3A_480 : i32
      %parallel_loop3A_482 = arith.index_cast %parallel_loop3A_481 : i32 to index
      %parallel_loop3A_483 = tpu.vector_load %arg5[%parallel_loop3A_482] {strides = array<i32>} : memref<78352xf32, #tpu.memory_space<vmem>>, vector<16xf32>,
      %parallel_loop3A_484 = vector.shape_cast %parallel_loop3A_483 : vector<16xf32> to vector<16xf32>
      %parallel_loop3A_485 = arith.addf %parallel_loop3A_484, %broadcast_in_dim3A_145 : vector<16xf32>
      %parallel_loop3A_486 = arith.index_cast %parallel_loop3A_481 : i32 to index
      %parallel_loop3A_487 = tpu.vector_load %arg5[%parallel_loop3A_486] {strides = array<i32>} : memref<78352xf32, #tpu.memory_space<vmem>>, vector<16xf32>,
      %parallel_loop3A_488 = vector.shape_cast %parallel_loop3A_487 : vector<16xf32> to vector<16xf32>
      %parallel_loop3A_489 = vector.shape_cast %parallel_loop3A_485 : vector<16xf32> to vector<16xf32>
      tpu.vector_store %arg5[%parallel_loop3A_486], %parallel_loop3A_489 {strides = array<i32>} : memref<78352xf32, #tpu.memory_space<vmem>>, vector<16xf32>,
      %parallel_loop3A_490 = arith.constant 384 : i32
      %parallel_loop3A_491 = arith.addi %parallel_loop3A_189, %parallel_loop3A_490 : i32
      %parallel_loop3A_492 = arith.constant 16 : i32
      %parallel_loop3A_493 = arith.addi %parallel_loop3A_491, %parallel_loop3A_492 : i32
      %parallel_loop3A_494 = arith.index_cast %parallel_loop3A_493 : i32 to index
      %parallel_loop3A_495 = tpu.vector_load %arg5[%parallel_loop3A_494] {strides = array<i32>} : memref<78352xf32, #tpu.memory_space<vmem>>, vector<16xf32>,
      %parallel_loop3A_496 = vector.shape_cast %parallel_loop3A_495 : vector<16xf32> to vector<16xf32>
      %parallel_loop3A_497 = arith.addf %parallel_loop3A_496, %broadcast_in_dim3A_145 : vector<16xf32>
      %parallel_loop3A_498 = arith.index_cast %parallel_loop3A_493 : i32 to index
      %parallel_loop3A_499 = tpu.vector_load %arg5[%parallel_loop3A_498] {strides = array<i32>} : memref<78352xf32, #tpu.memory_space<vmem>>, vector<16xf32>,
      %parallel_loop3A_500 = vector.shape_cast %parallel_loop3A_499 : vector<16xf32> to vector<16xf32>
      %parallel_loop3A_501 = vector.shape_cast %parallel_loop3A_497 : vector<16xf32> to vector<16xf32>
      tpu.vector_store %arg5[%parallel_loop3A_498], %parallel_loop3A_501 {strides = array<i32>} : memref<78352xf32, #tpu.memory_space<vmem>>, vector<16xf32>,
      %parallel_loop3A_502 = arith.constant 384 : i32
      %parallel_loop3A_503 = arith.addi %parallel_loop3A_189, %parallel_loop3A_502 : i32
      %parallel_loop3A_504 = arith.constant 32 : i32
      %parallel_loop3A_505 = arith.addi %parallel_loop3A_503, %parallel_loop3A_504 : i32
      %parallel_loop3A_506 = arith.index_cast %parallel_loop3A_505 : i32 to index
      %parallel_loop3A_507 = tpu.vector_load %arg5[%parallel_loop3A_506] {strides = array<i32>} : memref<78352xf32, #tpu.memory_space<vmem>>, vector<16xf32>,
      %parallel_loop3A_508 = vector.shape_cast %parallel_loop3A_507 : vector<16xf32> to vector<16xf32>
      %parallel_loop3A_509 = arith.addf %parallel_loop3A_508, %broadcast_in_dim3A_145 : vector<16xf32>
      %parallel_loop3A_510 = arith.index_cast %parallel_loop3A_505 : i32 to index
      %parallel_loop3A_511 = tpu.vector_load %arg5[%parallel_loop3A_510] {strides = array<i32>} : memref<78352xf32, #tpu.memory_space<vmem>>, vector<16xf32>,
      %parallel_loop3A_512 = vector.shape_cast %parallel_loop3A_511 : vector<16xf32> to vector<16xf32>
      %parallel_loop3A_513 = vector.shape_cast %parallel_loop3A_509 : vector<16xf32> to vector<16xf32>
      tpu.vector_store %arg5[%parallel_loop3A_510], %parallel_loop3A_513 {strides = array<i32>} : memref<78352xf32, #tpu.memory_space<vmem>>, vector<16xf32>,
      %parallel_loop3A_514 = arith.constant 384 : i32
      %parallel_loop3A_515 = arith.addi %parallel_loop3A_189, %parallel_loop3A_514 : i32
      %parallel_loop3A_516 = arith.constant 48 : i32
      %parallel_loop3A_517 = arith.addi %parallel_loop3A_515, %parallel_loop3A_516 : i32
      %parallel_loop3A_518 = arith.index_cast %parallel_loop3A_517 : i32 to index
      %parallel_loop3A_519 = tpu.vector_load %arg5[%parallel_loop3A_518] {strides = array<i32>} : memref<78352xf32, #tpu.memory_space<vmem>>, vector<16xf32>,
      %parallel_loop3A_520 = vector.shape_cast %parallel_loop3A_519 : vector<16xf32> to vector<16xf32>
      %parallel_loop3A_521 = arith.addf %parallel_loop3A_520, %broadcast_in_dim3A_145 : vector<16xf32>
      %parallel_loop3A_522 = arith.index_cast %parallel_loop3A_517 : i32 to index
      %parallel_loop3A_523 = tpu.vector_load %arg5[%parallel_loop3A_522] {strides = array<i32>} : memref<78352xf32, #tpu.memory_space<vmem>>, vector<16xf32>,
      %parallel_loop3A_524 = vector.shape_cast %parallel_loop3A_523 : vector<16xf32> to vector<16xf32>
      %parallel_loop3A_525 = vector.shape_cast %parallel_loop3A_521 : vector<16xf32> to vector<16xf32>
      tpu.vector_store %arg5[%parallel_loop3A_522], %parallel_loop3A_525 {strides = array<i32>} : memref<78352xf32, #tpu.memory_space<vmem>>, vector<16xf32>,
      %parallel_loop3A_526 = arith.constant 384 : i32
      %parallel_loop3A_527 = arith.addi %parallel_loop3A_189, %parallel_loop3A_526 : i32
      %parallel_loop3A_528 = arith.constant 64 : i32
      %parallel_loop3A_529 = arith.addi %parallel_loop3A_527, %parallel_loop3A_528 : i32
      %parallel_loop3A_530 = arith.index_cast %parallel_loop3A_529 : i32 to index
      %parallel_loop3A_531 = tpu.vector_load %arg5[%parallel_loop3A_530] {strides = array<i32>} : memref<78352xf32, #tpu.memory_space<vmem>>, vector<16xf32>,
      %parallel_loop3A_532 = vector.shape_cast %parallel_loop3A_531 : vector<16xf32> to vector<16xf32>
      %parallel_loop3A_533 = arith.addf %parallel_loop3A_532, %broadcast_in_dim3A_145 : vector<16xf32>
      %parallel_loop3A_534 = arith.index_cast %parallel_loop3A_529 : i32 to index
      %parallel_loop3A_535 = tpu.vector_load %arg5[%parallel_loop3A_534] {strides = array<i32>} : memref<78352xf32, #tpu.memory_space<vmem>>, vector<16xf32>,
      %parallel_loop3A_536 = vector.shape_cast %parallel_loop3A_535 : vector<16xf32> to vector<16xf32>
      %parallel_loop3A_537 = vector.shape_cast %parallel_loop3A_533 : vector<16xf32> to vector<16xf32>
      tpu.vector_store %arg5[%parallel_loop3A_534], %parallel_loop3A_537 {strides = array<i32>} : memref<78352xf32, #tpu.memory_space<vmem>>, vector<16xf32>,
      %parallel_loop3A_538 = arith.constant 384 : i32
      %parallel_loop3A_539 = arith.addi %parallel_loop3A_189, %parallel_loop3A_538 : i32
      %parallel_loop3A_540 = arith.constant 80 : i32
      %parallel_loop3A_541 = arith.addi %parallel_loop3A_539, %parallel_loop3A_540 : i32
      %parallel_loop3A_542 = arith.index_cast %parallel_loop3A_541 : i32 to index
      %parallel_loop3A_543 = tpu.vector_load %arg5[%parallel_loop3A_542] {strides = array<i32>} : memref<78352xf32, #tpu.memory_space<vmem>>, vector<16xf32>,
      %parallel_loop3A_544 = vector.shape_cast %parallel_loop3A_543 : vector<16xf32> to vector<16xf32>
      %parallel_loop3A_545 = arith.addf %parallel_loop3A_544, %broadcast_in_dim3A_145 : vector<16xf32>
      %parallel_loop3A_546 = arith.index_cast %parallel_loop3A_541 : i32 to index
      %parallel_loop3A_547 = tpu.vector_load %arg5[%parallel_loop3A_546] {strides = array<i32>} : memref<78352xf32, #tpu.memory_space<vmem>>, vector<16xf32>,
      %parallel_loop3A_548 = vector.shape_cast %parallel_loop3A_547 : vector<16xf32> to vector<16xf32>
      %parallel_loop3A_549 = vector.shape_cast %parallel_loop3A_545 : vector<16xf32> to vector<16xf32>
      tpu.vector_store %arg5[%parallel_loop3A_546], %parallel_loop3A_549 {strides = array<i32>} : memref<78352xf32, #tpu.memory_space<vmem>>, vector<16xf32>,
      %parallel_loop3A_550 = arith.constant 384 : i32
      %parallel_loop3A_551 = arith.addi %parallel_loop3A_189, %parallel_loop3A_550 : i32
      %parallel_loop3A_552 = arith.constant 96 : i32
      %parallel_loop3A_553 = arith.addi %parallel_loop3A_551, %parallel_loop3A_552 : i32
      %parallel_loop3A_554 = arith.index_cast %parallel_loop3A_553 : i32 to index
      %parallel_loop3A_555 = tpu.vector_load %arg5[%parallel_loop3A_554] {strides = array<i32>} : memref<78352xf32, #tpu.memory_space<vmem>>, vector<16xf32>,
      %parallel_loop3A_556 = vector.shape_cast %parallel_loop3A_555 : vector<16xf32> to vector<16xf32>
      %parallel_loop3A_557 = arith.addf %parallel_loop3A_556, %broadcast_in_dim3A_145 : vector<16xf32>
      %parallel_loop3A_558 = arith.index_cast %parallel_loop3A_553 : i32 to index
      %parallel_loop3A_559 = tpu.vector_load %arg5[%parallel_loop3A_558] {strides = array<i32>} : memref<78352xf32, #tpu.memory_space<vmem>>, vector<16xf32>,
      %parallel_loop3A_560 = vector.shape_cast %parallel_loop3A_559 : vector<16xf32> to vector<16xf32>
      %parallel_loop3A_561 = vector.shape_cast %parallel_loop3A_557 : vector<16xf32> to vector<16xf32>
      tpu.vector_store %arg5[%parallel_loop3A_558], %parallel_loop3A_561 {strides = array<i32>} : memref<78352xf32, #tpu.memory_space<vmem>>, vector<16xf32>,
      %parallel_loop3A_562 = arith.constant 384 : i32
      %parallel_loop3A_563 = arith.addi %parallel_loop3A_189, %parallel_loop3A_562 : i32
      %parallel_loop3A_564 = arith.constant 112 : i32
      %parallel_loop3A_565 = arith.addi %parallel_loop3A_563, %parallel_loop3A_564 : i32
      %parallel_loop3A_566 = arith.index_cast %parallel_loop3A_565 : i32 to index
      %parallel_loop3A_567 = tpu.vector_load %arg5[%parallel_loop3A_566] {strides = array<i32>} : memref<78352xf32, #tpu.memory_space<vmem>>, vector<16xf32>,
      %parallel_loop3A_568 = vector.shape_cast %parallel_loop3A_567 : vector<16xf32> to vector<16xf32>
      %parallel_loop3A_569 = arith.addf %parallel_loop3A_568, %broadcast_in_dim3A_145 : vector<16xf32>
      %parallel_loop3A_570 = arith.index_cast %parallel_loop3A_565 : i32 to index
      %parallel_loop3A_571 = tpu.vector_load %arg5[%parallel_loop3A_570] {strides = array<i32>} : memref<78352xf32, #tpu.memory_space<vmem>>, vector<16xf32>,
      %parallel_loop3A_572 = vector.shape_cast %parallel_loop3A_571 : vector<16xf32> to vector<16xf32>
      %parallel_loop3A_573 = vector.shape_cast %parallel_loop3A_569 : vector<16xf32> to vector<16xf32>
      tpu.vector_store %arg5[%parallel_loop3A_570], %parallel_loop3A_573 {strides = array<i32>} : memref<78352xf32, #tpu.memory_space<vmem>>, vector<16xf32>,
      %parallel_loop3A_574 = arith.constant 512 : i32
      %parallel_loop3A_575 = arith.addi %parallel_loop3A_189, %parallel_loop3A_574 : i32
      %parallel_loop3A_576 = arith.constant 0 : i32
      %parallel_loop3A_577 = arith.addi %parallel_loop3A_575, %parallel_loop3A_576 : i32
      %parallel_loop3A_578 = arith.index_cast %parallel_loop3A_577 : i32 to index
      %parallel_loop3A_579 = tpu.vector_load %arg5[%parallel_loop3A_578] {strides = array<i32>} : memref<78352xf32, #tpu.memory_space<vmem>>, vector<16xf32>,
      %parallel_loop3A_580 = vector.shape_cast %parallel_loop3A_579 : vector<16xf32> to vector<16xf32>
      %parallel_loop3A_581 = arith.addf %parallel_loop3A_580, %broadcast_in_dim3A_148 : vector<16xf32>
      %parallel_loop3A_582 = arith.index_cast %parallel_loop3A_577 : i32 to index
      %parallel_loop3A_583 = tpu.vector_load %arg5[%parallel_loop3A_582] {strides = array<i32>} : memref<78352xf32, #tpu.memory_space<vmem>>, vector<16xf32>,
      %parallel_loop3A_584 = vector.shape_cast %parallel_loop3A_583 : vector<16xf32> to vector<16xf32>
      %parallel_loop3A_585 = vector.shape_cast %parallel_loop3A_581 : vector<16xf32> to vector<16xf32>
      tpu.vector_store %arg5[%parallel_loop3A_582], %parallel_loop3A_585 {strides = array<i32>} : memref<78352xf32, #tpu.memory_space<vmem>>, vector<16xf32>,
      %parallel_loop3A_586 = arith.constant 512 : i32
      %parallel_loop3A_587 = arith.addi %parallel_loop3A_189, %parallel_loop3A_586 : i32
      %parallel_loop3A_588 = arith.constant 16 : i32
      %parallel_loop3A_589 = arith.addi %parallel_loop3A_587, %parallel_loop3A_588 : i32
      %parallel_loop3A_590 = arith.index_cast %parallel_loop3A_589 : i32 to index
      %parallel_loop3A_591 = tpu.vector_load %arg5[%parallel_loop3A_590] {strides = array<i32>} : memref<78352xf32, #tpu.memory_space<vmem>>, vector<16xf32>,
      %parallel_loop3A_592 = vector.shape_cast %parallel_loop3A_591 : vector<16xf32> to vector<16xf32>
      %parallel_loop3A_593 = arith.addf %parallel_loop3A_592, %broadcast_in_dim3A_148 : vector<16xf32>
      %parallel_loop3A_594 = arith.index_cast %parallel_loop3A_589 : i32 to index
      %parallel_loop3A_595 = tpu.vector_load %arg5[%parallel_loop3A_594] {strides = array<i32>} : memref<78352xf32, #tpu.memory_space<vmem>>, vector<16xf32>,
      %parallel_loop3A_596 = vector.shape_cast %parallel_loop3A_595 : vector<16xf32> to vector<16xf32>
      %parallel_loop3A_597 = vector.shape_cast %parallel_loop3A_593 : vector<16xf32> to vector<16xf32>
      tpu.vector_store %arg5[%parallel_loop3A_594], %parallel_loop3A_597 {strides = array<i32>} : memref<78352xf32, #tpu.memory_space<vmem>>, vector<16xf32>,
      %parallel_loop3A_598 = arith.constant 512 : i32
      %parallel_loop3A_599 = arith.addi %parallel_loop3A_189, %parallel_loop3A_598 : i32
      %parallel_loop3A_600 = arith.constant 32 : i32
      %parallel_loop3A_601 = arith.addi %parallel_loop3A_599, %parallel_loop3A_600 : i32
      %parallel_loop3A_602 = arith.index_cast %parallel_loop3A_601 : i32 to index
      %parallel_loop3A_603 = tpu.vector_load %arg5[%parallel_loop3A_602] {strides = array<i32>} : memref<78352xf32, #tpu.memory_space<vmem>>, vector<16xf32>,
      %parallel_loop3A_604 = vector.shape_cast %parallel_loop3A_603 : vector<16xf32> to vector<16xf32>
      %parallel_loop3A_605 = arith.addf %parallel_loop3A_604, %broadcast_in_dim3A_148 : vector<16xf32>
      %parallel_loop3A_606 = arith.index_cast %parallel_loop3A_601 : i32 to index
      %parallel_loop3A_607 = tpu.vector_load %arg5[%parallel_loop3A_606] {strides = array<i32>} : memref<78352xf32, #tpu.memory_space<vmem>>, vector<16xf32>,
      %parallel_loop3A_608 = vector.shape_cast %parallel_loop3A_607 : vector<16xf32> to vector<16xf32>
      %parallel_loop3A_609 = vector.shape_cast %parallel_loop3A_605 : vector<16xf32> to vector<16xf32>
      tpu.vector_store %arg5[%parallel_loop3A_606], %parallel_loop3A_609 {strides = array<i32>} : memref<78352xf32, #tpu.memory_space<vmem>>, vector<16xf32>,
      %parallel_loop3A_610 = arith.constant 512 : i32
      %parallel_loop3A_611 = arith.addi %parallel_loop3A_189, %parallel_loop3A_610 : i32
      %parallel_loop3A_612 = arith.constant 48 : i32
      %parallel_loop3A_613 = arith.addi %parallel_loop3A_611, %parallel_loop3A_612 : i32
      %parallel_loop3A_614 = arith.index_cast %parallel_loop3A_613 : i32 to index
      %parallel_loop3A_615 = tpu.vector_load %arg5[%parallel_loop3A_614] {strides = array<i32>} : memref<78352xf32, #tpu.memory_space<vmem>>, vector<16xf32>,
      %parallel_loop3A_616 = vector.shape_cast %parallel_loop3A_615 : vector<16xf32> to vector<16xf32>
      %parallel_loop3A_617 = arith.addf %parallel_loop3A_616, %broadcast_in_dim3A_148 : vector<16xf32>
      %parallel_loop3A_618 = arith.index_cast %parallel_loop3A_613 : i32 to index
      %parallel_loop3A_619 = tpu.vector_load %arg5[%parallel_loop3A_618] {strides = array<i32>} : memref<78352xf32, #tpu.memory_space<vmem>>, vector<16xf32>,
      %parallel_loop3A_620 = vector.shape_cast %parallel_loop3A_619 : vector<16xf32> to vector<16xf32>
      %parallel_loop3A_621 = vector.shape_cast %parallel_loop3A_617 : vector<16xf32> to vector<16xf32>
      tpu.vector_store %arg5[%parallel_loop3A_618], %parallel_loop3A_621 {strides = array<i32>} : memref<78352xf32, #tpu.memory_space<vmem>>, vector<16xf32>,
      %parallel_loop3A_622 = arith.constant 512 : i32
      %parallel_loop3A_623 = arith.addi %parallel_loop3A_189, %parallel_loop3A_622 : i32
      %parallel_loop3A_624 = arith.constant 64 : i32
      %parallel_loop3A_625 = arith.addi %parallel_loop3A_623, %parallel_loop3A_624 : i32
      %parallel_loop3A_626 = arith.index_cast %parallel_loop3A_625 : i32 to index
      %parallel_loop3A_627 = tpu.vector_load %arg5[%parallel_loop3A_626] {strides = array<i32>} : memref<78352xf32, #tpu.memory_space<vmem>>, vector<16xf32>,
      %parallel_loop3A_628 = vector.shape_cast %parallel_loop3A_627 : vector<16xf32> to vector<16xf32>
      %parallel_loop3A_629 = arith.addf %parallel_loop3A_628, %broadcast_in_dim3A_148 : vector<16xf32>
      %parallel_loop3A_630 = arith.index_cast %parallel_loop3A_625 : i32 to index
      %parallel_loop3A_631 = tpu.vector_load %arg5[%parallel_loop3A_630] {strides = array<i32>} : memref<78352xf32, #tpu.memory_space<vmem>>, vector<16xf32>,
      %parallel_loop3A_632 = vector.shape_cast %parallel_loop3A_631 : vector<16xf32> to vector<16xf32>
      %parallel_loop3A_633 = vector.shape_cast %parallel_loop3A_629 : vector<16xf32> to vector<16xf32>
      tpu.vector_store %arg5[%parallel_loop3A_630], %parallel_loop3A_633 {strides = array<i32>} : memref<78352xf32, #tpu.memory_space<vmem>>, vector<16xf32>,
      %parallel_loop3A_634 = arith.constant 512 : i32
      %parallel_loop3A_635 = arith.addi %parallel_loop3A_189, %parallel_loop3A_634 : i32
      %parallel_loop3A_636 = arith.constant 80 : i32
      %parallel_loop3A_637 = arith.addi %parallel_loop3A_635, %parallel_loop3A_636 : i32
      %parallel_loop3A_638 = arith.index_cast %parallel_loop3A_637 : i32 to index
      %parallel_loop3A_639 = tpu.vector_load %arg5[%parallel_loop3A_638] {strides = array<i32>} : memref<78352xf32, #tpu.memory_space<vmem>>, vector<16xf32>,
      %parallel_loop3A_640 = vector.shape_cast %parallel_loop3A_639 : vector<16xf32> to vector<16xf32>
      %parallel_loop3A_641 = arith.addf %parallel_loop3A_640, %broadcast_in_dim3A_148 : vector<16xf32>
      %parallel_loop3A_642 = arith.index_cast %parallel_loop3A_637 : i32 to index
      %parallel_loop3A_643 = tpu.vector_load %arg5[%parallel_loop3A_642] {strides = array<i32>} : memref<78352xf32, #tpu.memory_space<vmem>>, vector<16xf32>,
      %parallel_loop3A_644 = vector.shape_cast %parallel_loop3A_643 : vector<16xf32> to vector<16xf32>
      %parallel_loop3A_645 = vector.shape_cast %parallel_loop3A_641 : vector<16xf32> to vector<16xf32>
      tpu.vector_store %arg5[%parallel_loop3A_642], %parallel_loop3A_645 {strides = array<i32>} : memref<78352xf32, #tpu.memory_space<vmem>>, vector<16xf32>,
      %parallel_loop3A_646 = arith.constant 512 : i32
      %parallel_loop3A_647 = arith.addi %parallel_loop3A_189, %parallel_loop3A_646 : i32
      %parallel_loop3A_648 = arith.constant 96 : i32
      %parallel_loop3A_649 = arith.addi %parallel_loop3A_647, %parallel_loop3A_648 : i32
      %parallel_loop3A_650 = arith.index_cast %parallel_loop3A_649 : i32 to index
      %parallel_loop3A_651 = tpu.vector_load %arg5[%parallel_loop3A_650] {strides = array<i32>} : memref<78352xf32, #tpu.memory_space<vmem>>, vector<16xf32>,
      %parallel_loop3A_652 = vector.shape_cast %parallel_loop3A_651 : vector<16xf32> to vector<16xf32>
      %parallel_loop3A_653 = arith.addf %parallel_loop3A_652, %broadcast_in_dim3A_148 : vector<16xf32>
      %parallel_loop3A_654 = arith.index_cast %parallel_loop3A_649 : i32 to index
      %parallel_loop3A_655 = tpu.vector_load %arg5[%parallel_loop3A_654] {strides = array<i32>} : memref<78352xf32, #tpu.memory_space<vmem>>, vector<16xf32>,
      %parallel_loop3A_656 = vector.shape_cast %parallel_loop3A_655 : vector<16xf32> to vector<16xf32>
      %parallel_loop3A_657 = vector.shape_cast %parallel_loop3A_653 : vector<16xf32> to vector<16xf32>
      tpu.vector_store %arg5[%parallel_loop3A_654], %parallel_loop3A_657 {strides = array<i32>} : memref<78352xf32, #tpu.memory_space<vmem>>, vector<16xf32>,
      %parallel_loop3A_658 = arith.constant 512 : i32
      %parallel_loop3A_659 = arith.addi %parallel_loop3A_189, %parallel_loop3A_658 : i32
      %parallel_loop3A_660 = arith.constant 112 : i32
      %parallel_loop3A_661 = arith.addi %parallel_loop3A_659, %parallel_loop3A_660 : i32
      %parallel_loop3A_662 = arith.index_cast %parallel_loop3A_661 : i32 to index
      %parallel_loop3A_663 = tpu.vector_load %arg5[%parallel_loop3A_662] {strides = array<i32>} : memref<78352xf32, #tpu.memory_space<vmem>>, vector<16xf32>,
      %parallel_loop3A_664 = vector.shape_cast %parallel_loop3A_663 : vector<16xf32> to vector<16xf32>
      %parallel_loop3A_665 = arith.addf %parallel_loop3A_664, %broadcast_in_dim3A_148 : vector<16xf32>
      %parallel_loop3A_666 = arith.index_cast %parallel_loop3A_661 : i32 to index
      %parallel_loop3A_667 = tpu.vector_load %arg5[%parallel_loop3A_666] {strides = array<i32>} : memref<78352xf32, #tpu.memory_space<vmem>>, vector<16xf32>,
      %parallel_loop3A_668 = vector.shape_cast %parallel_loop3A_667 : vector<16xf32> to vector<16xf32>
      %parallel_loop3A_669 = vector.shape_cast %parallel_loop3A_665 : vector<16xf32> to vector<16xf32>
      tpu.vector_store %arg5[%parallel_loop3A_666], %parallel_loop3A_669 {strides = array<i32>} : memref<78352xf32, #tpu.memory_space<vmem>>, vector<16xf32>,
      %parallel_loop3A_670 = arith.constant 640 : i32
      %parallel_loop3A_671 = arith.addi %parallel_loop3A_189, %parallel_loop3A_670 : i32
      %parallel_loop3A_672 = arith.constant 0 : i32
      %parallel_loop3A_673 = arith.addi %parallel_loop3A_671, %parallel_loop3A_672 : i32
      %parallel_loop3A_674 = arith.index_cast %parallel_loop3A_673 : i32 to index
      %parallel_loop3A_675 = tpu.vector_load %arg5[%parallel_loop3A_674] {strides = array<i32>} : memref<78352xf32, #tpu.memory_space<vmem>>, vector<16xf32>,
      %parallel_loop3A_676 = vector.shape_cast %parallel_loop3A_675 : vector<16xf32> to vector<16xf32>
      %parallel_loop3A_677 = arith.addf %parallel_loop3A_676, %broadcast_in_dim3A_151 : vector<16xf32>
      %parallel_loop3A_678 = arith.index_cast %parallel_loop3A_673 : i32 to index
      %parallel_loop3A_679 = tpu.vector_load %arg5[%parallel_loop3A_678] {strides = array<i32>} : memref<78352xf32, #tpu.memory_space<vmem>>, vector<16xf32>,
      %parallel_loop3A_680 = vector.shape_cast %parallel_loop3A_679 : vector<16xf32> to vector<16xf32>
      %parallel_loop3A_681 = vector.shape_cast %parallel_loop3A_677 : vector<16xf32> to vector<16xf32>
      tpu.vector_store %arg5[%parallel_loop3A_678], %parallel_loop3A_681 {strides = array<i32>} : memref<78352xf32, #tpu.memory_space<vmem>>, vector<16xf32>,
      %parallel_loop3A_682 = arith.constant 640 : i32
      %parallel_loop3A_683 = arith.addi %parallel_loop3A_189, %parallel_loop3A_682 : i32
      %parallel_loop3A_684 = arith.constant 16 : i32
      %parallel_loop3A_685 = arith.addi %parallel_loop3A_683, %parallel_loop3A_684 : i32
      %parallel_loop3A_686 = arith.index_cast %parallel_loop3A_685 : i32 to index
      %parallel_loop3A_687 = tpu.vector_load %arg5[%parallel_loop3A_686] {strides = array<i32>} : memref<78352xf32, #tpu.memory_space<vmem>>, vector<16xf32>,
      %parallel_loop3A_688 = vector.shape_cast %parallel_loop3A_687 : vector<16xf32> to vector<16xf32>
      %parallel_loop3A_689 = arith.addf %parallel_loop3A_688, %broadcast_in_dim3A_151 : vector<16xf32>
      %parallel_loop3A_690 = arith.index_cast %parallel_loop3A_685 : i32 to index
      %parallel_loop3A_691 = tpu.vector_load %arg5[%parallel_loop3A_690] {strides = array<i32>} : memref<78352xf32, #tpu.memory_space<vmem>>, vector<16xf32>,
      %parallel_loop3A_692 = vector.shape_cast %parallel_loop3A_691 : vector<16xf32> to vector<16xf32>
      %parallel_loop3A_693 = vector.shape_cast %parallel_loop3A_689 : vector<16xf32> to vector<16xf32>
      tpu.vector_store %arg5[%parallel_loop3A_690], %parallel_loop3A_693 {strides = array<i32>} : memref<78352xf32, #tpu.memory_space<vmem>>, vector<16xf32>,
      %parallel_loop3A_694 = arith.constant 640 : i32
      %parallel_loop3A_695 = arith.addi %parallel_loop3A_189, %parallel_loop3A_694 : i32
      %parallel_loop3A_696 = arith.constant 32 : i32
      %parallel_loop3A_697 = arith.addi %parallel_loop3A_695, %parallel_loop3A_696 : i32
      %parallel_loop3A_698 = arith.index_cast %parallel_loop3A_697 : i32 to index
      %parallel_loop3A_699 = tpu.vector_load %arg5[%parallel_loop3A_698] {strides = array<i32>} : memref<78352xf32, #tpu.memory_space<vmem>>, vector<16xf32>,
      %parallel_loop3A_700 = vector.shape_cast %parallel_loop3A_699 : vector<16xf32> to vector<16xf32>
      %parallel_loop3A_701 = arith.addf %parallel_loop3A_700, %broadcast_in_dim3A_151 : vector<16xf32>
      %parallel_loop3A_702 = arith.index_cast %parallel_loop3A_697 : i32 to index
      %parallel_loop3A_703 = tpu.vector_load %arg5[%parallel_loop3A_702] {strides = array<i32>} : memref<78352xf32, #tpu.memory_space<vmem>>, vector<16xf32>,
      %parallel_loop3A_704 = vector.shape_cast %parallel_loop3A_703 : vector<16xf32> to vector<16xf32>
      %parallel_loop3A_705 = vector.shape_cast %parallel_loop3A_701 : vector<16xf32> to vector<16xf32>
      tpu.vector_store %arg5[%parallel_loop3A_702], %parallel_loop3A_705 {strides = array<i32>} : memref<78352xf32, #tpu.memory_space<vmem>>, vector<16xf32>,
      %parallel_loop3A_706 = arith.constant 640 : i32
      %parallel_loop3A_707 = arith.addi %parallel_loop3A_189, %parallel_loop3A_706 : i32
      %parallel_loop3A_708 = arith.constant 48 : i32
      %parallel_loop3A_709 = arith.addi %parallel_loop3A_707, %parallel_loop3A_708 : i32
      %parallel_loop3A_710 = arith.index_cast %parallel_loop3A_709 : i32 to index
      %parallel_loop3A_711 = tpu.vector_load %arg5[%parallel_loop3A_710] {strides = array<i32>} : memref<78352xf32, #tpu.memory_space<vmem>>, vector<16xf32>,
      %parallel_loop3A_712 = vector.shape_cast %parallel_loop3A_711 : vector<16xf32> to vector<16xf32>
      %parallel_loop3A_713 = arith.addf %parallel_loop3A_712, %broadcast_in_dim3A_151 : vector<16xf32>
      %parallel_loop3A_714 = arith.index_cast %parallel_loop3A_709 : i32 to index
      %parallel_loop3A_715 = tpu.vector_load %arg5[%parallel_loop3A_714] {strides = array<i32>} : memref<78352xf32, #tpu.memory_space<vmem>>, vector<16xf32>,
      %parallel_loop3A_716 = vector.shape_cast %parallel_loop3A_715 : vector<16xf32> to vector<16xf32>
      %parallel_loop3A_717 = vector.shape_cast %parallel_loop3A_713 : vector<16xf32> to vector<16xf32>
      tpu.vector_store %arg5[%parallel_loop3A_714], %parallel_loop3A_717 {strides = array<i32>} : memref<78352xf32, #tpu.memory_space<vmem>>, vector<16xf32>,
      %parallel_loop3A_718 = arith.constant 640 : i32
      %parallel_loop3A_719 = arith.addi %parallel_loop3A_189, %parallel_loop3A_718 : i32
      %parallel_loop3A_720 = arith.constant 64 : i32
      %parallel_loop3A_721 = arith.addi %parallel_loop3A_719, %parallel_loop3A_720 : i32
      %parallel_loop3A_722 = arith.index_cast %parallel_loop3A_721 : i32 to index
      %parallel_loop3A_723 = tpu.vector_load %arg5[%parallel_loop3A_722] {strides = array<i32>} : memref<78352xf32, #tpu.memory_space<vmem>>, vector<16xf32>,
      %parallel_loop3A_724 = vector.shape_cast %parallel_loop3A_723 : vector<16xf32> to vector<16xf32>
      %parallel_loop3A_725 = arith.addf %parallel_loop3A_724, %broadcast_in_dim3A_151 : vector<16xf32>
      %parallel_loop3A_726 = arith.index_cast %parallel_loop3A_721 : i32 to index
      %parallel_loop3A_727 = tpu.vector_load %arg5[%parallel_loop3A_726] {strides = array<i32>} : memref<78352xf32, #tpu.memory_space<vmem>>, vector<16xf32>,
      %parallel_loop3A_728 = vector.shape_cast %parallel_loop3A_727 : vector<16xf32> to vector<16xf32>
      %parallel_loop3A_729 = vector.shape_cast %parallel_loop3A_725 : vector<16xf32> to vector<16xf32>
      tpu.vector_store %arg5[%parallel_loop3A_726], %parallel_loop3A_729 {strides = array<i32>} : memref<78352xf32, #tpu.memory_space<vmem>>, vector<16xf32>,
      %parallel_loop3A_730 = arith.constant 640 : i32
      %parallel_loop3A_731 = arith.addi %parallel_loop3A_189, %parallel_loop3A_730 : i32
      %parallel_loop3A_732 = arith.constant 80 : i32
      %parallel_loop3A_733 = arith.addi %parallel_loop3A_731, %parallel_loop3A_732 : i32
      %parallel_loop3A_734 = arith.index_cast %parallel_loop3A_733 : i32 to index
      %parallel_loop3A_735 = tpu.vector_load %arg5[%parallel_loop3A_734] {strides = array<i32>} : memref<78352xf32, #tpu.memory_space<vmem>>, vector<16xf32>,
      %parallel_loop3A_736 = vector.shape_cast %parallel_loop3A_735 : vector<16xf32> to vector<16xf32>
      %parallel_loop3A_737 = arith.addf %parallel_loop3A_736, %broadcast_in_dim3A_151 : vector<16xf32>
      %parallel_loop3A_738 = arith.index_cast %parallel_loop3A_733 : i32 to index
      %parallel_loop3A_739 = tpu.vector_load %arg5[%parallel_loop3A_738] {strides = array<i32>} : memref<78352xf32, #tpu.memory_space<vmem>>, vector<16xf32>,
      %parallel_loop3A_740 = vector.shape_cast %parallel_loop3A_739 : vector<16xf32> to vector<16xf32>
      %parallel_loop3A_741 = vector.shape_cast %parallel_loop3A_737 : vector<16xf32> to vector<16xf32>
      tpu.vector_store %arg5[%parallel_loop3A_738], %parallel_loop3A_741 {strides = array<i32>} : memref<78352xf32, #tpu.memory_space<vmem>>, vector<16xf32>,
      %parallel_loop3A_742 = arith.constant 640 : i32
      %parallel_loop3A_743 = arith.addi %parallel_loop3A_189, %parallel_loop3A_742 : i32
      %parallel_loop3A_744 = arith.constant 96 : i32
      %parallel_loop3A_745 = arith.addi %parallel_loop3A_743, %parallel_loop3A_744 : i32
      %parallel_loop3A_746 = arith.index_cast %parallel_loop3A_745 : i32 to index
      %parallel_loop3A_747 = tpu.vector_load %arg5[%parallel_loop3A_746] {strides = array<i32>} : memref<78352xf32, #tpu.memory_space<vmem>>, vector<16xf32>,
      %parallel_loop3A_748 = vector.shape_cast %parallel_loop3A_747 : vector<16xf32> to vector<16xf32>
      %parallel_loop3A_749 = arith.addf %parallel_loop3A_748, %broadcast_in_dim3A_151 : vector<16xf32>
      %parallel_loop3A_750 = arith.index_cast %parallel_loop3A_745 : i32 to index
      %parallel_loop3A_751 = tpu.vector_load %arg5[%parallel_loop3A_750] {strides = array<i32>} : memref<78352xf32, #tpu.memory_space<vmem>>, vector<16xf32>,
      %parallel_loop3A_752 = vector.shape_cast %parallel_loop3A_751 : vector<16xf32> to vector<16xf32>
      %parallel_loop3A_753 = vector.shape_cast %parallel_loop3A_749 : vector<16xf32> to vector<16xf32>
      tpu.vector_store %arg5[%parallel_loop3A_750], %parallel_loop3A_753 {strides = array<i32>} : memref<78352xf32, #tpu.memory_space<vmem>>, vector<16xf32>,
      %parallel_loop3A_754 = arith.constant 640 : i32
      %parallel_loop3A_755 = arith.addi %parallel_loop3A_189, %parallel_loop3A_754 : i32
      %parallel_loop3A_756 = arith.constant 112 : i32
      %parallel_loop3A_757 = arith.addi %parallel_loop3A_755, %parallel_loop3A_756 : i32
      %parallel_loop3A_758 = arith.index_cast %parallel_loop3A_757 : i32 to index
      %parallel_loop3A_759 = tpu.vector_load %arg5[%parallel_loop3A_758] {strides = array<i32>} : memref<78352xf32, #tpu.memory_space<vmem>>, vector<16xf32>,
      %parallel_loop3A_760 = vector.shape_cast %parallel_loop3A_759 : vector<16xf32> to vector<16xf32>
      %parallel_loop3A_761 = arith.addf %parallel_loop3A_760, %broadcast_in_dim3A_151 : vector<16xf32>
      %parallel_loop3A_762 = arith.index_cast %parallel_loop3A_757 : i32 to index
      %parallel_loop3A_763 = tpu.vector_load %arg5[%parallel_loop3A_762] {strides = array<i32>} : memref<78352xf32, #tpu.memory_space<vmem>>, vector<16xf32>,
      %parallel_loop3A_764 = vector.shape_cast %parallel_loop3A_763 : vector<16xf32> to vector<16xf32>
      %parallel_loop3A_765 = vector.shape_cast %parallel_loop3A_761 : vector<16xf32> to vector<16xf32>
      tpu.vector_store %arg5[%parallel_loop3A_762], %parallel_loop3A_765 {strides = array<i32>} : memref<78352xf32, #tpu.memory_space<vmem>>, vector<16xf32>,
      %parallel_loop3A_766 = arith.constant 768 : i32
      %parallel_loop3A_767 = arith.addi %parallel_loop3A_189, %parallel_loop3A_766 : i32
      %parallel_loop3A_768 = arith.constant 0 : i32
      %parallel_loop3A_769 = arith.addi %parallel_loop3A_767, %parallel_loop3A_768 : i32
      %parallel_loop3A_770 = arith.index_cast %parallel_loop3A_769 : i32 to index
      %parallel_loop3A_771 = tpu.vector_load %arg5[%parallel_loop3A_770] {strides = array<i32>} : memref<78352xf32, #tpu.memory_space<vmem>>, vector<16xf32>,
      %parallel_loop3A_772 = vector.shape_cast %parallel_loop3A_771 : vector<16xf32> to vector<16xf32>
      %parallel_loop3A_773 = arith.addf %parallel_loop3A_772, %broadcast_in_dim3A_154 : vector<16xf32>
      %parallel_loop3A_774 = arith.index_cast %parallel_loop3A_769 : i32 to index
      %parallel_loop3A_775 = tpu.vector_load %arg5[%parallel_loop3A_774] {strides = array<i32>} : memref<78352xf32, #tpu.memory_space<vmem>>, vector<16xf32>,
      %parallel_loop3A_776 = vector.shape_cast %parallel_loop3A_775 : vector<16xf32> to vector<16xf32>
      %parallel_loop3A_777 = vector.shape_cast %parallel_loop3A_773 : vector<16xf32> to vector<16xf32>
      tpu.vector_store %arg5[%parallel_loop3A_774], %parallel_loop3A_777 {strides = array<i32>} : memref<78352xf32, #tpu.memory_space<vmem>>, vector<16xf32>,
      %parallel_loop3A_778 = arith.constant 768 : i32
      %parallel_loop3A_779 = arith.addi %parallel_loop3A_189, %parallel_loop3A_778 : i32
      %parallel_loop3A_780 = arith.constant 16 : i32
      %parallel_loop3A_781 = arith.addi %parallel_loop3A_779, %parallel_loop3A_780 : i32
      %parallel_loop3A_782 = arith.index_cast %parallel_loop3A_781 : i32 to index
      %parallel_loop3A_783 = tpu.vector_load %arg5[%parallel_loop3A_782] {strides = array<i32>} : memref<78352xf32, #tpu.memory_space<vmem>>, vector<16xf32>,
      %parallel_loop3A_784 = vector.shape_cast %parallel_loop3A_783 : vector<16xf32> to vector<16xf32>
      %parallel_loop3A_785 = arith.addf %parallel_loop3A_784, %broadcast_in_dim3A_154 : vector<16xf32>
      %parallel_loop3A_786 = arith.index_cast %parallel_loop3A_781 : i32 to index
      %parallel_loop3A_787 = tpu.vector_load %arg5[%parallel_loop3A_786] {strides = array<i32>} : memref<78352xf32, #tpu.memory_space<vmem>>, vector<16xf32>,
      %parallel_loop3A_788 = vector.shape_cast %parallel_loop3A_787 : vector<16xf32> to vector<16xf32>
      %parallel_loop3A_789 = vector.shape_cast %parallel_loop3A_785 : vector<16xf32> to vector<16xf32>
      tpu.vector_store %arg5[%parallel_loop3A_786], %parallel_loop3A_789 {strides = array<i32>} : memref<78352xf32, #tpu.memory_space<vmem>>, vector<16xf32>,
      %parallel_loop3A_790 = arith.constant 768 : i32
      %parallel_loop3A_791 = arith.addi %parallel_loop3A_189, %parallel_loop3A_790 : i32
      %parallel_loop3A_792 = arith.constant 32 : i32
      %parallel_loop3A_793 = arith.addi %parallel_loop3A_791, %parallel_loop3A_792 : i32
      %parallel_loop3A_794 = arith.index_cast %parallel_loop3A_793 : i32 to index
      %parallel_loop3A_795 = tpu.vector_load %arg5[%parallel_loop3A_794] {strides = array<i32>} : memref<78352xf32, #tpu.memory_space<vmem>>, vector<16xf32>,
      %parallel_loop3A_796 = vector.shape_cast %parallel_loop3A_795 : vector<16xf32> to vector<16xf32>
      %parallel_loop3A_797 = arith.addf %parallel_loop3A_796, %broadcast_in_dim3A_154 : vector<16xf32>
      %parallel_loop3A_798 = arith.index_cast %parallel_loop3A_793 : i32 to index
      %parallel_loop3A_799 = tpu.vector_load %arg5[%parallel_loop3A_798] {strides = array<i32>} : memref<78352xf32, #tpu.memory_space<vmem>>, vector<16xf32>,
      %parallel_loop3A_800 = vector.shape_cast %parallel_loop3A_799 : vector<16xf32> to vector<16xf32>
      %parallel_loop3A_801 = vector.shape_cast %parallel_loop3A_797 : vector<16xf32> to vector<16xf32>
      tpu.vector_store %arg5[%parallel_loop3A_798], %parallel_loop3A_801 {strides = array<i32>} : memref<78352xf32, #tpu.memory_space<vmem>>, vector<16xf32>,
      %parallel_loop3A_802 = arith.constant 768 : i32
      %parallel_loop3A_803 = arith.addi %parallel_loop3A_189, %parallel_loop3A_802 : i32
      %parallel_loop3A_804 = arith.constant 48 : i32
      %parallel_loop3A_805 = arith.addi %parallel_loop3A_803, %parallel_loop3A_804 : i32
      %parallel_loop3A_806 = arith.index_cast %parallel_loop3A_805 : i32 to index
      %parallel_loop3A_807 = tpu.vector_load %arg5[%parallel_loop3A_806] {strides = array<i32>} : memref<78352xf32, #tpu.memory_space<vmem>>, vector<16xf32>,
      %parallel_loop3A_808 = vector.shape_cast %parallel_loop3A_807 : vector<16xf32> to vector<16xf32>
      %parallel_loop3A_809 = arith.addf %parallel_loop3A_808, %broadcast_in_dim3A_154 : vector<16xf32>
      %parallel_loop3A_810 = arith.index_cast %parallel_loop3A_805 : i32 to index
      %parallel_loop3A_811 = tpu.vector_load %arg5[%parallel_loop3A_810] {strides = array<i32>} : memref<78352xf32, #tpu.memory_space<vmem>>, vector<16xf32>,
      %parallel_loop3A_812 = vector.shape_cast %parallel_loop3A_811 : vector<16xf32> to vector<16xf32>
      %parallel_loop3A_813 = vector.shape_cast %parallel_loop3A_809 : vector<16xf32> to vector<16xf32>
      tpu.vector_store %arg5[%parallel_loop3A_810], %parallel_loop3A_813 {strides = array<i32>} : memref<78352xf32, #tpu.memory_space<vmem>>, vector<16xf32>,
      %parallel_loop3A_814 = arith.constant 768 : i32
      %parallel_loop3A_815 = arith.addi %parallel_loop3A_189, %parallel_loop3A_814 : i32
      %parallel_loop3A_816 = arith.constant 64 : i32
      %parallel_loop3A_817 = arith.addi %parallel_loop3A_815, %parallel_loop3A_816 : i32
      %parallel_loop3A_818 = arith.index_cast %parallel_loop3A_817 : i32 to index
      %parallel_loop3A_819 = tpu.vector_load %arg5[%parallel_loop3A_818] {strides = array<i32>} : memref<78352xf32, #tpu.memory_space<vmem>>, vector<16xf32>,
      %parallel_loop3A_820 = vector.shape_cast %parallel_loop3A_819 : vector<16xf32> to vector<16xf32>
      %parallel_loop3A_821 = arith.addf %parallel_loop3A_820, %broadcast_in_dim3A_154 : vector<16xf32>
      %parallel_loop3A_822 = arith.index_cast %parallel_loop3A_817 : i32 to index
      %parallel_loop3A_823 = tpu.vector_load %arg5[%parallel_loop3A_822] {strides = array<i32>} : memref<78352xf32, #tpu.memory_space<vmem>>, vector<16xf32>,
      %parallel_loop3A_824 = vector.shape_cast %parallel_loop3A_823 : vector<16xf32> to vector<16xf32>
      %parallel_loop3A_825 = vector.shape_cast %parallel_loop3A_821 : vector<16xf32> to vector<16xf32>
      tpu.vector_store %arg5[%parallel_loop3A_822], %parallel_loop3A_825 {strides = array<i32>} : memref<78352xf32, #tpu.memory_space<vmem>>, vector<16xf32>,
      %parallel_loop3A_826 = arith.constant 768 : i32
      %parallel_loop3A_827 = arith.addi %parallel_loop3A_189, %parallel_loop3A_826 : i32
      %parallel_loop3A_828 = arith.constant 80 : i32
      %parallel_loop3A_829 = arith.addi %parallel_loop3A_827, %parallel_loop3A_828 : i32
      %parallel_loop3A_830 = arith.index_cast %parallel_loop3A_829 : i32 to index
      %parallel_loop3A_831 = tpu.vector_load %arg5[%parallel_loop3A_830] {strides = array<i32>} : memref<78352xf32, #tpu.memory_space<vmem>>, vector<16xf32>,
      %parallel_loop3A_832 = vector.shape_cast %parallel_loop3A_831 : vector<16xf32> to vector<16xf32>
      %parallel_loop3A_833 = arith.addf %parallel_loop3A_832, %broadcast_in_dim3A_154 : vector<16xf32>
      %parallel_loop3A_834 = arith.index_cast %parallel_loop3A_829 : i32 to index
      %parallel_loop3A_835 = tpu.vector_load %arg5[%parallel_loop3A_834] {strides = array<i32>} : memref<78352xf32, #tpu.memory_space<vmem>>, vector<16xf32>,
      %parallel_loop3A_836 = vector.shape_cast %parallel_loop3A_835 : vector<16xf32> to vector<16xf32>
      %parallel_loop3A_837 = vector.shape_cast %parallel_loop3A_833 : vector<16xf32> to vector<16xf32>
      tpu.vector_store %arg5[%parallel_loop3A_834], %parallel_loop3A_837 {strides = array<i32>} : memref<78352xf32, #tpu.memory_space<vmem>>, vector<16xf32>,
      %parallel_loop3A_838 = arith.constant 768 : i32
      %parallel_loop3A_839 = arith.addi %parallel_loop3A_189, %parallel_loop3A_838 : i32
      %parallel_loop3A_840 = arith.constant 96 : i32
      %parallel_loop3A_841 = arith.addi %parallel_loop3A_839, %parallel_loop3A_840 : i32
      %parallel_loop3A_842 = arith.index_cast %parallel_loop3A_841 : i32 to index
      %parallel_loop3A_843 = tpu.vector_load %arg5[%parallel_loop3A_842] {strides = array<i32>} : memref<78352xf32, #tpu.memory_space<vmem>>, vector<16xf32>,
      %parallel_loop3A_844 = vector.shape_cast %parallel_loop3A_843 : vector<16xf32> to vector<16xf32>
      %parallel_loop3A_845 = arith.addf %parallel_loop3A_844, %broadcast_in_dim3A_154 : vector<16xf32>
      %parallel_loop3A_846 = arith.index_cast %parallel_loop3A_841 : i32 to index
      %parallel_loop3A_847 = tpu.vector_load %arg5[%parallel_loop3A_846] {strides = array<i32>} : memref<78352xf32, #tpu.memory_space<vmem>>, vector<16xf32>,
      %parallel_loop3A_848 = vector.shape_cast %parallel_loop3A_847 : vector<16xf32> to vector<16xf32>
      %parallel_loop3A_849 = vector.shape_cast %parallel_loop3A_845 : vector<16xf32> to vector<16xf32>
      tpu.vector_store %arg5[%parallel_loop3A_846], %parallel_loop3A_849 {strides = array<i32>} : memref<78352xf32, #tpu.memory_space<vmem>>, vector<16xf32>,
      %parallel_loop3A_850 = arith.constant 768 : i32
      %parallel_loop3A_851 = arith.addi %parallel_loop3A_189, %parallel_loop3A_850 : i32
      %parallel_loop3A_852 = arith.constant 112 : i32
      %parallel_loop3A_853 = arith.addi %parallel_loop3A_851, %parallel_loop3A_852 : i32
      %parallel_loop3A_854 = arith.index_cast %parallel_loop3A_853 : i32 to index
      %parallel_loop3A_855 = tpu.vector_load %arg5[%parallel_loop3A_854] {strides = array<i32>} : memref<78352xf32, #tpu.memory_space<vmem>>, vector<16xf32>,
      %parallel_loop3A_856 = vector.shape_cast %parallel_loop3A_855 : vector<16xf32> to vector<16xf32>
      %parallel_loop3A_857 = arith.addf %parallel_loop3A_856, %broadcast_in_dim3A_154 : vector<16xf32>
      %parallel_loop3A_858 = arith.index_cast %parallel_loop3A_853 : i32 to index
      %parallel_loop3A_859 = tpu.vector_load %arg5[%parallel_loop3A_858] {strides = array<i32>} : memref<78352xf32, #tpu.memory_space<vmem>>, vector<16xf32>,
      %parallel_loop3A_860 = vector.shape_cast %parallel_loop3A_859 : vector<16xf32> to vector<16xf32>
      %parallel_loop3A_861 = vector.shape_cast %parallel_loop3A_857 : vector<16xf32> to vector<16xf32>
      tpu.vector_store %arg5[%parallel_loop3A_858], %parallel_loop3A_861 {strides = array<i32>} : memref<78352xf32, #tpu.memory_space<vmem>>, vector<16xf32>,
      %parallel_loop3A_862 = arith.constant 896 : i32
      %parallel_loop3A_863 = arith.addi %parallel_loop3A_189, %parallel_loop3A_862 : i32
      %parallel_loop3A_864 = arith.constant 0 : i32
      %parallel_loop3A_865 = arith.addi %parallel_loop3A_863, %parallel_loop3A_864 : i32
      %parallel_loop3A_866 = arith.index_cast %parallel_loop3A_865 : i32 to index
      %parallel_loop3A_867 = tpu.vector_load %arg5[%parallel_loop3A_866] {strides = array<i32>} : memref<78352xf32, #tpu.memory_space<vmem>>, vector<16xf32>,
      %parallel_loop3A_868 = vector.shape_cast %parallel_loop3A_867 : vector<16xf32> to vector<16xf32>
      %parallel_loop3A_869 = arith.addf %parallel_loop3A_868, %broadcast_in_dim3A_157 : vector<16xf32>
      %parallel_loop3A_870 = arith.index_cast %parallel_loop3A_865 : i32 to index
      %parallel_loop3A_871 = tpu.vector_load %arg5[%parallel_loop3A_870] {strides = array<i32>} : memref<78352xf32, #tpu.memory_space<vmem>>, vector<16xf32>,
      %parallel_loop3A_872 = vector.shape_cast %parallel_loop3A_871 : vector<16xf32> to vector<16xf32>
      %parallel_loop3A_873 = vector.shape_cast %parallel_loop3A_869 : vector<16xf32> to vector<16xf32>
      tpu.vector_store %arg5[%parallel_loop3A_870], %parallel_loop3A_873 {strides = array<i32>} : memref<78352xf32, #tpu.memory_space<vmem>>, vector<16xf32>,
      %parallel_loop3A_874 = arith.constant 896 : i32
      %parallel_loop3A_875 = arith.addi %parallel_loop3A_189, %parallel_loop3A_874 : i32
      %parallel_loop3A_876 = arith.constant 16 : i32
      %parallel_loop3A_877 = arith.addi %parallel_loop3A_875, %parallel_loop3A_876 : i32
      %parallel_loop3A_878 = arith.index_cast %parallel_loop3A_877 : i32 to index
      %parallel_loop3A_879 = tpu.vector_load %arg5[%parallel_loop3A_878] {strides = array<i32>} : memref<78352xf32, #tpu.memory_space<vmem>>, vector<16xf32>,
      %parallel_loop3A_880 = vector.shape_cast %parallel_loop3A_879 : vector<16xf32> to vector<16xf32>
      %parallel_loop3A_881 = arith.addf %parallel_loop3A_880, %broadcast_in_dim3A_157 : vector<16xf32>
      %parallel_loop3A_882 = arith.index_cast %parallel_loop3A_877 : i32 to index
      %parallel_loop3A_883 = tpu.vector_load %arg5[%parallel_loop3A_882] {strides = array<i32>} : memref<78352xf32, #tpu.memory_space<vmem>>, vector<16xf32>,
      %parallel_loop3A_884 = vector.shape_cast %parallel_loop3A_883 : vector<16xf32> to vector<16xf32>
      %parallel_loop3A_885 = vector.shape_cast %parallel_loop3A_881 : vector<16xf32> to vector<16xf32>
      tpu.vector_store %arg5[%parallel_loop3A_882], %parallel_loop3A_885 {strides = array<i32>} : memref<78352xf32, #tpu.memory_space<vmem>>, vector<16xf32>,
      %parallel_loop3A_886 = arith.constant 896 : i32
      %parallel_loop3A_887 = arith.addi %parallel_loop3A_189, %parallel_loop3A_886 : i32
      %parallel_loop3A_888 = arith.constant 32 : i32
      %parallel_loop3A_889 = arith.addi %parallel_loop3A_887, %parallel_loop3A_888 : i32
      %parallel_loop3A_890 = arith.index_cast %parallel_loop3A_889 : i32 to index
      %parallel_loop3A_891 = tpu.vector_load %arg5[%parallel_loop3A_890] {strides = array<i32>} : memref<78352xf32, #tpu.memory_space<vmem>>, vector<16xf32>,
      %parallel_loop3A_892 = vector.shape_cast %parallel_loop3A_891 : vector<16xf32> to vector<16xf32>
      %parallel_loop3A_893 = arith.addf %parallel_loop3A_892, %broadcast_in_dim3A_157 : vector<16xf32>
      %parallel_loop3A_894 = arith.index_cast %parallel_loop3A_889 : i32 to index
      %parallel_loop3A_895 = tpu.vector_load %arg5[%parallel_loop3A_894] {strides = array<i32>} : memref<78352xf32, #tpu.memory_space<vmem>>, vector<16xf32>,
      %parallel_loop3A_896 = vector.shape_cast %parallel_loop3A_895 : vector<16xf32> to vector<16xf32>
      %parallel_loop3A_897 = vector.shape_cast %parallel_loop3A_893 : vector<16xf32> to vector<16xf32>
      tpu.vector_store %arg5[%parallel_loop3A_894], %parallel_loop3A_897 {strides = array<i32>} : memref<78352xf32, #tpu.memory_space<vmem>>, vector<16xf32>,
      %parallel_loop3A_898 = arith.constant 896 : i32
      %parallel_loop3A_899 = arith.addi %parallel_loop3A_189, %parallel_loop3A_898 : i32
      %parallel_loop3A_900 = arith.constant 48 : i32
      %parallel_loop3A_901 = arith.addi %parallel_loop3A_899, %parallel_loop3A_900 : i32
      %parallel_loop3A_902 = arith.index_cast %parallel_loop3A_901 : i32 to index
      %parallel_loop3A_903 = tpu.vector_load %arg5[%parallel_loop3A_902] {strides = array<i32>} : memref<78352xf32, #tpu.memory_space<vmem>>, vector<16xf32>,
      %parallel_loop3A_904 = vector.shape_cast %parallel_loop3A_903 : vector<16xf32> to vector<16xf32>
      %parallel_loop3A_905 = arith.addf %parallel_loop3A_904, %broadcast_in_dim3A_157 : vector<16xf32>
      %parallel_loop3A_906 = arith.index_cast %parallel_loop3A_901 : i32 to index
      %parallel_loop3A_907 = tpu.vector_load %arg5[%parallel_loop3A_906] {strides = array<i32>} : memref<78352xf32, #tpu.memory_space<vmem>>, vector<16xf32>,
      %parallel_loop3A_908 = vector.shape_cast %parallel_loop3A_907 : vector<16xf32> to vector<16xf32>
      %parallel_loop3A_909 = vector.shape_cast %parallel_loop3A_905 : vector<16xf32> to vector<16xf32>
      tpu.vector_store %arg5[%parallel_loop3A_906], %parallel_loop3A_909 {strides = array<i32>} : memref<78352xf32, #tpu.memory_space<vmem>>, vector<16xf32>,
      %parallel_loop3A_910 = arith.constant 896 : i32
      %parallel_loop3A_911 = arith.addi %parallel_loop3A_189, %parallel_loop3A_910 : i32
      %parallel_loop3A_912 = arith.constant 64 : i32
      %parallel_loop3A_913 = arith.addi %parallel_loop3A_911, %parallel_loop3A_912 : i32
      %parallel_loop3A_914 = arith.index_cast %parallel_loop3A_913 : i32 to index
      %parallel_loop3A_915 = tpu.vector_load %arg5[%parallel_loop3A_914] {strides = array<i32>} : memref<78352xf32, #tpu.memory_space<vmem>>, vector<16xf32>,
      %parallel_loop3A_916 = vector.shape_cast %parallel_loop3A_915 : vector<16xf32> to vector<16xf32>
      %parallel_loop3A_917 = arith.addf %parallel_loop3A_916, %broadcast_in_dim3A_157 : vector<16xf32>
      %parallel_loop3A_918 = arith.index_cast %parallel_loop3A_913 : i32 to index
      %parallel_loop3A_919 = tpu.vector_load %arg5[%parallel_loop3A_918] {strides = array<i32>} : memref<78352xf32, #tpu.memory_space<vmem>>, vector<16xf32>,
      %parallel_loop3A_920 = vector.shape_cast %parallel_loop3A_919 : vector<16xf32> to vector<16xf32>
      %parallel_loop3A_921 = vector.shape_cast %parallel_loop3A_917 : vector<16xf32> to vector<16xf32>
      tpu.vector_store %arg5[%parallel_loop3A_918], %parallel_loop3A_921 {strides = array<i32>} : memref<78352xf32, #tpu.memory_space<vmem>>, vector<16xf32>,
      %parallel_loop3A_922 = arith.constant 896 : i32
      %parallel_loop3A_923 = arith.addi %parallel_loop3A_189, %parallel_loop3A_922 : i32
      %parallel_loop3A_924 = arith.constant 80 : i32
      %parallel_loop3A_925 = arith.addi %parallel_loop3A_923, %parallel_loop3A_924 : i32
      %parallel_loop3A_926 = arith.index_cast %parallel_loop3A_925 : i32 to index
      %parallel_loop3A_927 = tpu.vector_load %arg5[%parallel_loop3A_926] {strides = array<i32>} : memref<78352xf32, #tpu.memory_space<vmem>>, vector<16xf32>,
      %parallel_loop3A_928 = vector.shape_cast %parallel_loop3A_927 : vector<16xf32> to vector<16xf32>
      %parallel_loop3A_929 = arith.addf %parallel_loop3A_928, %broadcast_in_dim3A_157 : vector<16xf32>
      %parallel_loop3A_930 = arith.index_cast %parallel_loop3A_925 : i32 to index
      %parallel_loop3A_931 = tpu.vector_load %arg5[%parallel_loop3A_930] {strides = array<i32>} : memref<78352xf32, #tpu.memory_space<vmem>>, vector<16xf32>,
      %parallel_loop3A_932 = vector.shape_cast %parallel_loop3A_931 : vector<16xf32> to vector<16xf32>
      %parallel_loop3A_933 = vector.shape_cast %parallel_loop3A_929 : vector<16xf32> to vector<16xf32>
      tpu.vector_store %arg5[%parallel_loop3A_930], %parallel_loop3A_933 {strides = array<i32>} : memref<78352xf32, #tpu.memory_space<vmem>>, vector<16xf32>,
      %parallel_loop3A_934 = arith.constant 896 : i32
      %parallel_loop3A_935 = arith.addi %parallel_loop3A_189, %parallel_loop3A_934 : i32
      %parallel_loop3A_936 = arith.constant 96 : i32
      %parallel_loop3A_937 = arith.addi %parallel_loop3A_935, %parallel_loop3A_936 : i32
      %parallel_loop3A_938 = arith.index_cast %parallel_loop3A_937 : i32 to index
      %parallel_loop3A_939 = tpu.vector_load %arg5[%parallel_loop3A_938] {strides = array<i32>} : memref<78352xf32, #tpu.memory_space<vmem>>, vector<16xf32>,
      %parallel_loop3A_940 = vector.shape_cast %parallel_loop3A_939 : vector<16xf32> to vector<16xf32>
      %parallel_loop3A_941 = arith.addf %parallel_loop3A_940, %broadcast_in_dim3A_157 : vector<16xf32>
      %parallel_loop3A_942 = arith.index_cast %parallel_loop3A_937 : i32 to index
      %parallel_loop3A_943 = tpu.vector_load %arg5[%parallel_loop3A_942] {strides = array<i32>} : memref<78352xf32, #tpu.memory_space<vmem>>, vector<16xf32>,
      %parallel_loop3A_944 = vector.shape_cast %parallel_loop3A_943 : vector<16xf32> to vector<16xf32>
      %parallel_loop3A_945 = vector.shape_cast %parallel_loop3A_941 : vector<16xf32> to vector<16xf32>
      tpu.vector_store %arg5[%parallel_loop3A_942], %parallel_loop3A_945 {strides = array<i32>} : memref<78352xf32, #tpu.memory_space<vmem>>, vector<16xf32>,
      %parallel_loop3A_946 = arith.constant 896 : i32
      %parallel_loop3A_947 = arith.addi %parallel_loop3A_189, %parallel_loop3A_946 : i32
      %parallel_loop3A_948 = arith.constant 112 : i32
      %parallel_loop3A_949 = arith.addi %parallel_loop3A_947, %parallel_loop3A_948 : i32
      %parallel_loop3A_950 = arith.index_cast %parallel_loop3A_949 : i32 to index
      %parallel_loop3A_951 = tpu.vector_load %arg5[%parallel_loop3A_950] {strides = array<i32>} : memref<78352xf32, #tpu.memory_space<vmem>>, vector<16xf32>,
      %parallel_loop3A_952 = vector.shape_cast %parallel_loop3A_951 : vector<16xf32> to vector<16xf32>
      %parallel_loop3A_953 = arith.addf %parallel_loop3A_952, %broadcast_in_dim3A_157 : vector<16xf32>
      %parallel_loop3A_954 = arith.index_cast %parallel_loop3A_949 : i32 to index
      %parallel_loop3A_955 = tpu.vector_load %arg5[%parallel_loop3A_954] {strides = array<i32>} : memref<78352xf32, #tpu.memory_space<vmem>>, vector<16xf32>,
      %parallel_loop3A_956 = vector.shape_cast %parallel_loop3A_955 : vector<16xf32> to vector<16xf32>
      %parallel_loop3A_957 = vector.shape_cast %parallel_loop3A_953 : vector<16xf32> to vector<16xf32>
      tpu.vector_store %arg5[%parallel_loop3A_954], %parallel_loop3A_957 {strides = array<i32>} : memref<78352xf32, #tpu.memory_space<vmem>>, vector<16xf32>,
    } {sc.loop_unroll_factor = 2 : i64, sc.parallel_access}
    %mul3A_161 = arith.constant 32768 : i32
    %mul3A_162 = arith.muli %add3A_94, %mul3A_161 : i32
    %dma_start3A_163 = arith.constant 32768 : i32
    %dma_start3A_164 = tpu.memref_slice %arg5[%dma_start3A_163] : memref<78352xf32, #tpu.memory_space<vmem>> -> memref<32768xf32, #tpu.memory_space<vmem>>
    %dma_start3A_165 = tpu.memref_slice %arg4[%mul3A_162] : memref<52428800xf32, #tpu.memory_space<hbm>> -> memref<32768xf32, #tpu.memory_space<hbm>>
    %dma_start3A_166 = tpu.memref_slice %arg4[%mul3A_162] : memref<52428800xf32, #tpu.memory_space<hbm>> -> memref<32768xf32, #tpu.memory_space<hbm>>
    %dma_start3A_167 = arith.constant 32768 : i32
    %dma_start3A_168 = tpu.memref_slice %arg5[%dma_start3A_167] : memref<78352xf32, #tpu.memory_space<vmem>> -> memref<32768xf32, #tpu.memory_space<vmem>>
    tpu.enqueue_dma source(%dma_start3A_168 : memref<32768xf32, #tpu.memory_space<vmem>>) target(%dma_start3A_166 : memref<32768xf32, #tpu.memory_space<hbm>>) target_semaphore(%arg9 : memref<!tpu.dma_semaphore, #tpu.memory_space<semaphore_mem>>)
    %dma_wait3A_169 = arith.constant 0 : i32
    %dma_wait3A_170 = tpu.memref_slice %arg5[%dma_wait3A_169] : memref<78352xf32, #tpu.memory_space<vmem>> -> memref<32768xf32, #tpu.memory_space<vmem>>
    %dma_wait3A_171 = arith.constant 0 : i32
    %dma_wait3A_172 = tpu.memref_slice %arg4[%dma_wait3A_171] : memref<52428800xf32, #tpu.memory_space<hbm>> -> memref<32768xf32, #tpu.memory_space<hbm>>
    %dma_wait3A_173 = arith.constant 0 : i32
    %dma_wait3A_174 = tpu.memref_slice %arg4[%dma_wait3A_173] : memref<52428800xf32, #tpu.memory_space<hbm>> -> memref<32768xf32, #tpu.memory_space<hbm>>
    %dma_wait3A_175 = arith.constant 0 : i32
    %dma_wait3A_176 = tpu.memref_slice %arg5[%dma_wait3A_175] : memref<78352xf32, #tpu.memory_space<vmem>> -> memref<32768xf32, #tpu.memory_space<vmem>>
    tpu.wait_dma2 semaphore(%arg8 : memref<!tpu.dma_semaphore, #tpu.memory_space<semaphore_mem>>) src(%dma_wait3A_176 : memref<32768xf32, #tpu.memory_space<vmem>>) dst(%dma_wait3A_174 : memref<32768xf32, #tpu.memory_space<hbm>>)
    %dma_wait3A_177 = arith.constant 32768 : i32
    %dma_wait3A_178 = tpu.memref_slice %arg5[%dma_wait3A_177] : memref<78352xf32, #tpu.memory_space<vmem>> -> memref<32768xf32, #tpu.memory_space<vmem>>
    %dma_wait3A_179 = arith.constant 0 : i32
    %dma_wait3A_180 = tpu.memref_slice %arg4[%dma_wait3A_179] : memref<52428800xf32, #tpu.memory_space<hbm>> -> memref<32768xf32, #tpu.memory_space<hbm>>
    %dma_wait3A_181 = arith.constant 0 : i32
    %dma_wait3A_182 = tpu.memref_slice %arg4[%dma_wait3A_181] : memref<52428800xf32, #tpu.memory_space<hbm>> -> memref<32768xf32, #tpu.memory_space<hbm>>
    %dma_wait3A_183 = arith.constant 32768 : i32
    %dma_wait3A_184 = tpu.memref_slice %arg5[%dma_wait3A_183] : memref<78352xf32, #tpu.memory_space<vmem>> -> memref<32768xf32, #tpu.memory_space<vmem>>
    tpu.wait_dma2 semaphore(%arg9 : memref<!tpu.dma_semaphore, #tpu.memory_space<semaphore_mem>>) src(%dma_wait3A_184 : memref<32768xf32, #tpu.memory_space<vmem>>) dst(%dma_wait3A_182 : memref<32768xf32, #tpu.memory_space<hbm>>)
    return
  }
}

</mosaic_0001>

<sc_bundles>
// kernel: kernel.3.cloned.1.call-start
scs
__scs_entry_jumppad:
0x0: {  	(pc) =	sbr.rel $0x88, $3  }
0x1: {  	(tag) =	ssettag $0x0;
	lr =	simm.s32 $0x1  }
0x2: {  	[smem:$0x3F9F] =	sst lr;
	_ =	strace $0xD0000000  }
0x3: {  	_ = 	snop  }
0x4: {  	_ = 	snop  }
0x5: {  	_ = 	snop  }
0x6: {  	_ = 	snop  }
0x7: {  	_ = 	snop  }
__scs_overlays_trampoline_lowered:
0x8: {  	[smem:$0x3FAE] =	sst s0  }
0x9: {  	[smem:$0x3FAF] =	sst s1  }
0xa: {  	[smem:$0x3FB0] =	sst s2  }
0xb: {  	[smem:$0x3FB1] =	sst s3  }
0xc: {  	[smem:$0x3FB2] =	sst s4  }
0xd: {  	[smem:$0x3FB3] =	sst s5  }
0xe: {  	[smem:$0x3FB4] =	sst s6  }
0xf: {  	[smem:$0x3FB5] =	sst s7  }
0x10: {  	[smem:$0x3FB6] =	sst s8  }
0x11: {  	[smem:$0x3FB7] =	sst s9;
	s0 =	simm.s32 @!p0 $0x0  }
0x12: {  	s1 =	sld [smem:$0x3F9D];
	s0 =	simm.s32 @p0 $0x1  }
0x13: {  	[smem:$0x3FB8] =	sst s0;
	s0 =	simm.s32 @!p1 $0x0  }
0x14: {  	s2 =	sld [smem:$0x3F9C];
	s0 =	simm.s32 @p1 $0x1  }
0x15: {  	[smem:$0x3FB9] =	sst s0;
	s0 =	simm.s32 @!p2 $0x0  }
0x16: {  	s3 =	sld [smem:$0x3FDB];
	s0 =	simm.s32 @p2 $0x1  }
0x17: {  	s4 =	simm.s32 $0x1BF5;
	[smem:$0x3FBB] =	sst s0  }
0x18: {  	s0 =	sld [smem:$0x3F9E];
	_ =	swait.ge [sflag:s4], $0x0  }
0x19: {  	s7 =	sld [smem:$0x3F9F]  }
0x1a: {  	s8 =	sadd.s32 $0xFFFFE003, lr  }
0x1b: {  	s9 =	sadd.s32 $0xFFFFFEF7, lr;
	s5 =	simm.s32 $0xFFFFFFFF;
	p2 =	slt.u32 s8, $0xFFFFF086  }
0x1c: {  	p1 =	slt.u32 s9, $0xF7A;
	s5 =	simm.s32 @!p2 $0x0  }
0x1d: {  	s5 =	simm.s32 @p1 $0x1;
	p0 =	seq.s32 s7, s2  }
0x1e: {  	s7 =	smul.u32 @!p0 $0xF7A, s2;
	p2 =	seq.s32 @!p0 s5, $0x0  }
0x1f: {  	s9 =	smul.u32 $0xF7A, s1;
	s8 =	simm.s32 @!p0 $0x1BF5;
	p2 =	por !p2, p0  }
0x20: {  	[sflag:s8] =	ssyncset.s32 @!p0 $0xFFFFF086;
	s6 =	sadd.s32 @!p0 s3, s7;
	s7 =	simm.s32 @!p0 $0x108  }
0x21: {  	s3 =	sadd.s32 s3, s9;
	s6 =	sadd.s32 @!p0 $0x88, s6;
	s7 =	simm.s32 @p2 $0x1082  }
0x22: {  	[simem:s7], [sflag:s8] =	dma.local @!p0 [hbm:s6], $0xF7A  }
0x23: {  	s9 =	sor.u32 $0xD0000000, s2;
	s6 =	simm.s32 $0x108;
	_ =	swait.ge @!p0 [sflag:s8], $0x0  }
0x24: {  	s3 =	sadd.s32 $0x88, s3;
	s6 =	simm.s32 @!p1 $0x1082;
	[sflag:s4] =	ssyncset.s32 $0xFFFFF086  }
0x25: {  	[simem:s6], [sflag:s4] =	dma.local [hbm:s3], $0xF7A  }
0x26: {  	[smem:$0x3F9F] =	sst s1;
	(tag) =	ssettag s2;
	_ =	strace s9  }
0x27: {  	s1 =	sld [smem:$0x3FAF]  }
0x28: {  	s2 =	sld [smem:$0x3FB0]  }
0x29: {  	s4 =	sld [smem:$0x3FB2]  }
0x2a: {  	p0 =	seq.s32 s5, $0x0;
	s5 =	sld [smem:$0x3FB3]  }
0x2b: {  	s6 =	sld [smem:$0x3FB4]  }
0x2c: {  	s7 =	sld [smem:$0x3FB5]  }
0x2d: {  	s3 =	simm.s32 $0x108;
	s8 =	sld [smem:$0x3FB6]  }
0x2e: {  	s3 =	simm.s32 @!p0 $0x1082;
	s9 =	sld [smem:$0x3FB7]  }
0x2f: {  	lr =	sadd.s32 s0, s3;
	s0 =	sld [smem:$0x3FAE]  }
0x30: {  	s3 =	sld [smem:$0x3FB1]  }
0x31: {  	[smem:$0x3FBA] =	sst s10  }
0x32: {  	s10 =	sld [smem:$0x3FB8];
	_ =	sdelay $0x3  }
0x33: {  	p0 =	seq.s32 s10, $0x1;
	s10 =	sld [smem:$0x3FBA];
	_ =	sdelay $0x3  }
0x34: {  	[smem:$0x3FBA] =	sst s10  }
0x35: {  	s10 =	sld [smem:$0x3FB9];
	_ =	sdelay $0x3  }
0x36: {  	p1 =	seq.s32 s10, $0x1;
	s10 =	sld [smem:$0x3FBA];
	_ =	sdelay $0x3  }
0x37: {  	[smem:$0x3FBA] =	sst s10  }
0x38: {  	s10 =	sld [smem:$0x3FBB]  }
0x39: {  	_ = 	snop;
	(pc) =	sbr.ind lr, $3  }
0x3a: {  	_ = 	snop  }
0x3b: {  	_ = 	snop  }
0x3c: {  	p2 =	seq.s32 s10, $0x1;
	s10 =	sld [smem:$0x3FBA]  }
0x3d: {  	_ =	shalt  }
0x3e: {  	_ =	shalt  }
0x3f: {  	_ =	shalt  }
0x40: {  	_ =	shalt  }
0x41: {  	_ =	shalt  }
0x42: {  	_ =	shalt  }
0x43: {  	_ =	shalt  }
0x44: {  	_ =	shalt  }
0x45: {  	_ =	shalt  }
0x46: {  	_ =	shalt  }
0x47: {  	_ =	shalt  }
0x48: {  	_ =	shalt  }
0x49: {  	_ =	shalt  }
0x4a: {  	_ =	shalt  }
0x4b: {  	_ =	shalt  }
0x4c: {  	_ =	shalt  }
0x4d: {  	_ =	shalt  }
0x4e: {  	_ =	shalt  }
0x4f: {  	_ =	shalt  }
0x50: {  	_ =	shalt  }
0x51: {  	_ =	shalt  }
0x52: {  	_ =	shalt  }
0x53: {  	_ =	shalt  }
0x54: {  	_ =	shalt  }
0x55: {  	_ =	shalt  }
0x56: {  	_ =	shalt  }
0x57: {  	_ =	shalt  }
0x58: {  	_ =	shalt  }
0x59: {  	_ =	shalt  }
0x5a: {  	_ =	shalt  }
0x5b: {  	_ =	shalt  }
0x5c: {  	_ =	shalt  }
0x5d: {  	_ =	shalt  }
0x5e: {  	_ =	shalt  }
0x5f: {  	_ =	shalt  }
0x60: {  	_ =	shalt  }
0x61: {  	_ =	shalt  }
0x62: {  	_ =	shalt  }
0x63: {  	_ =	shalt  }
0x64: {  	_ =	shalt  }
0x65: {  	_ =	shalt  }
0x66: {  	_ =	shalt  }
0x67: {  	_ =	shalt  }
0x68: {  	_ =	shalt  }
0x69: {  	_ =	shalt  }
0x6a: {  	_ =	shalt  }
0x6b: {  	_ =	shalt  }
0x6c: {  	_ =	shalt  }
0x6d: {  	_ =	shalt  }
0x6e: {  	_ =	shalt  }
0x6f: {  	_ =	shalt  }
0x70: {  	_ =	shalt  }
0x71: {  	_ =	shalt  }
0x72: {  	_ =	shalt  }
0x73: {  	_ =	shalt  }
0x74: {  	_ =	shalt  }
0x75: {  	_ =	shalt  }
0x76: {  	_ =	shalt  }
0x77: {  	_ =	shalt  }
0x78: {  	_ =	shalt  }
0x79: {  	_ =	shalt  }
0x7a: {  	_ =	shalt  }
0x7b: {  	_ =	shalt  }
0x7c: {  	_ =	shalt  }
0x7d: {  	_ =	shalt  }
0x7e: {  	_ =	shalt  }
0x7f: {  	_ =	shalt  }
0x80: {  	_ =	shalt  }
0x81: {  	_ =	shalt  }
0x82: {  	_ =	shalt  }
0x83: {  	_ =	shalt  }
0x84: {  	_ =	shalt  }
0x85: {  	_ =	shalt  }
0x86: {  	_ =	shalt  }
0x87: {  	_ =	shalt  }
.Lfunc_end0:
.L_simem_size_0:
called_computation_lowered:
.L_overlay_start_0:
0x88: {  	s2 =	sld [smem:$0x3FD9]  }
0x89: {  	s3 =	sld [smem:$0x3FFE];
	_ =	sdelay $0x1  }
0x8a: {  	s1 =	srdreg.scid  }
0x8b: {  	s0 =	sand.u32 $0x1, s1  }
0x8c: {  	s17 =	sshll.u32 s0, $0xA;
	s2 =	sadd.s32 s3, s2  }
0x8d: {  	s2 =	sadd.s32 s2, s17  }
0x8e: {  	[smem:$0x3FC6] =	sst s2  }
0x8f: {  	_ = 	snop  }
0x90: {  	s2 =	sld [smem:$0x3FC9]  }
0x91: {  	s18 =	sld [smem:$0x3FD0];
	(tm) =	ssettm $0x1  }
0x92: {  	s4 =	sld [smem:$0x3FFB];
	_ =	sdelay $0x3  }
0x93: {  	_ =	strace s4  }
0x94: {  	s4 =	sld [smem:$0x3FFC];
	_ =	sdelay $0x3  }
0x95: {  	_ =	strace s4  }
0x96: {  	s4 =	sld [smem:$0x3FFD];
	_ =	sdelay $0x3  }
0x97: {  	_ =	strace s4  }
0x98: {  	_ =	strace $0x8FFFFFFF  }
0x99: {  	s19 =	sld [smem:$0x3FDB];
	_ =	sdelay $0x1  }
0x9a: {  	s5 =	simm.s32 $_scs_section_size  }
0x9b: {  	s6 =	simm.s32 $_size__tile_overlayer_lowered;
	s7 =	simm.s32 $_tile_overlayer_lowered  }
0x9c: {  	s22 =	simm.s32 $0x1BFF;
	s21 =	sshll.u32 s7, $0x1;
	s4 =	sadd.s32 s5, s19  }
0x9d: {  	s8 =	simm.s32 $0x0;
	s20 =	sshll.u32 s6, $0x1;
	s6 =	sadd.s32 s21, s4  }
0x9e: {  	[timem:s8], [sflag:s22] =	dma.local [hbm:s6], s20  }
0x9f: {  	_ =	swait.ge [sflag:s22], s20  }
0xa0: {  	s5 =	ssub.s32 $0x0, s20;
	[sflag:s22] =	ssyncset.done $0x0  }
0xa1: {  	[sflag:s22] =	ssyncadd.s32 s5;
	_ =	sdelay $0x1  }
0xa2: {  	s23 =	simm.s32 $0x1B8B  }
0xa3: {  	_ =	swait.ge [sflag:s23], $0x1  }
0xa4: {  	[sflag:s23] =	ssyncset.done $0x0  }
0xa5: {  	s25 =	simm.s32 $0x1B8E;
	s24 =	sld [smem:$0x3FFE];
	[sflag:s23] =	ssyncadd.s32 $0xFFFFFFFF  }
0xa6: {  	s26 =	simm.s32 $execute0_lowered;
	[smem:$0x3FD2] =	sst s25  }
0xa7: {  	s6 =	sshll.u32 s26, $0x1;
	_ =	strace $0x80000046;
	[dreg:$0x1] =	wrdreg $0xFFFFFFFF  }
0xa8: {  	s28 =	simm.s32 $_size_execute0_lowered;
	s4 =	sadd.s32 s4, s6;
	[dreg:$0x0] =	wrdreg $0x0  }
0xa9: {  	s6 =	sshll.u32 s28, $0x1;
	[dreg:$0x2] =	wrdreg s4  }
0xaa: {  	[dreg:$0x3] =	wrdreg s6  }
0xab: {  	[dreg:$0x4] =	wrdreg $0xC0  }
0xac: {  	_ =	task [dreg:s8], $0x5FFFF  }
0xad: {  	[dreg:$0x1] =	wrdreg $0xFFFFFFFF  }
0xae: {  	[dreg:$0x0] =	wrdreg $0x60  }
0xaf: {  	[dreg:$0x2] =	wrdreg s2  }
0xb0: {  	[dreg:$0x3] =	wrdreg s24  }
0xb1: {  	[dreg:$0x4] =	wrdreg s18  }
0xb2: {  	[dreg:$0x5] =	wrdreg $0x9  }
0xb3: {  	_ =	task.clear_ibuf [dreg:s8], $0x6FFFF;
	_ =	strace $0x90000046  }
0xb4: {  	s29 =	simm.s32 $0x9;
	_ =	strace $0x80000048  }
0xb5: {  	_ =	swait.ge [sflag:s29], $0x1  }
0xb6: {  	[sflag:s29] =	ssyncadd.s32 $0xFFFFFFFF  }
0xb7: {  	_ =	strace $0x90000048  }
0xb8: {  	_ =	sfence  }
0xb9: {  	s30 =	sld [smem:$0x0];
	_ =	sdelay $0x2  }
0xba: {  	s31 =	sshll.u32 s1, $0xD;
	s1 =	sshrl.u32 s1, $0x2  }
0xbb: {  	s3 =	sand.u32 $0x4000, s31;
	s1 =	sadd.s32 s1, s30  }
0xbc: {  	s0 =	sor.u32 s3, s0;
	s1 =	sshll.u32 s1, $0x11  }
0xbd: {  	s0 =	sor.u32 s1, s0  }
0xbe: {  	s0 =	sadd.s32 $0x8F2B, s0  }
0xbf: {  	[sflag:s0] =	ssyncadd.remote.s32 $0x1  }
0xc0: {  	_ =	sfence.sel $0xFFFF  }
0xc1: {  	[dreg:$0x0] =	wrdreg $0xFFFFFFFF;
	(pc) =	sbr.abs _section_cstart, $3  }
0xc2: {  	[dreg:$0x1] =	wrdreg $0xFFFFFFFF  }
0xc3: {  	_ =	task.clear_ibuf [dreg:s8], $0x2FFFF;
	_ =	strace $0x9FFFFFFF  }
0xc4: {  	(tm) =	ssettm $0x7FFFFFFF  }
0xc5: {  	_ =	shalt  }
tec
execute0_lowered:
.L_overlay_start_1:
0x0: {  	(tag) =	ssettag $0x1  }
0x1: {  	s1 =	rddreg [dreg:$0x0]  }
0x2: {  	s7 =	rddreg [dreg:$0x1]  }
0x3: {  	s2 =	srdreg.scid;
	s0 =	stileid.u32  }
0x4: {  	s3 =	rddreg [dreg:$0x2];
	s4 =	simm.s32 $0x0;
	s17 =	simm.s32 $0x10000  }
0x5: {  	s18 =	simm.s32 $0x5;
	s19 =	simm.s32 $0x1;
	s20 =	simm.s32 $0x2  }
0x6: {  	s21 =	simm.s32 $0x3;
	s5 =	sand.u32 $0x1, s2;
	s6 =	sshll.u32 s0, $0x1  }
0x7: {  	s22 =	simm.s32 $0x4;
	s23 =	simm.s32 $0x0;
	s6 =	sor.u32 s5, s6  }
0x8: {  	s2 =	rddreg [dreg:$0x3];
	s8 =	ssub.s32 $0x2, s5;
	s5 =	smul.u32 $0x32, s6  }
0x9: {  	[smem:$0x7FF] =	sst s4;
	s9 =	sshrl.u32 s8, $0x1;
	s6 =	smul.u32 $0x32000, s6  }
0xa: {  	s7 =	sadd.s32 $0x400, s7;
	_ =	strace $0x80000047;
	s15 =	ssub.s32 s8, s9  }
0xb: {  	s9 =	sadd.s32 $0x1000, s1;
	s12 =	sadd.s32 $0x30, s5;
	s8 =	sadd.s32 s1, s6  }
0xc: {  	s10 =	sadd.s32 s6, s9;
	s13 =	sadd.s32 $0x31, s5;
	s15 =	smax.u32 s15, $0x1  }
0xd: {  	s11 =	sshll.u32 s12, $0x3;
	s12 =	sshll.u32 s12, $0xC;
	s14 =	sshll.u32 s13, $0x3  }
0xe: {  	s16 =	sshll.u32 s13, $0xC;
	s11 =	sor.u32 $0x10000, s11;
	s12 =	sadd.s32 s3, s12  }
0xf: {  	s13 =	sor.u32 $0x10000, s14;
	s14 =	sadd.s32 s3, s16;
	s16 =	simm.s32 $0x8000  }
.LBB2_1:
0x10: {  	[tilespmem:s4], [sflag:$0x1] =	stream.linear.gather [hbm4b:s8+s4], $0x8000, $0x38;
	[tilespmem:$0x13280] =	vst v63  }
0x11: {  	_ = 	snop  }
0x12: {  	[tilespmem:s16], [sflag:$0x2] =	stream.linear.gather [hbm4b:s10+s4], $0x8000, $0x38;
	[tilespmem:$0x13280] =	vst v63  }
0x13: {  	_ = 	snop  }
0x14: {  	[tilespmem:s17], [sflag:$0x5] =	stream.linear.gather [hbm4b:s7+s4], $0x3200, $0x38;
	[tilespmem:$0x13280] =	vst v63  }
0x15: {  	_ =	swait.ge [sflag:s18], $0x3200  }
0x16: {  	[sflag:s18] =	ssyncset.done $0x0  }
0x17: {  	s24 =	simm.s32 $0x0;
	[sflag:s18] =	ssyncadd.s32 $0xFFFFCE00  }
.LBB2_2:
0x18: {  	s25 =	sshll.u32 s24, $0x1  }
0x19: {  	_ =	swait.ge [sflag:s19], $0x8000;
	s25 =	sadd.s32 s5, s25  }
0x1a: {  	[sflag:s19] =	ssyncset.done $0x0;
	s26 =	sshll.u32 s25, $0x3  }
0x1b: {  	s31 =	simm.s32 $0x0;
	[sflag:s19] =	ssyncadd.s32 $0xFFFF8000;
	s26 =	sand.u32 $0x7FFFFFF0, s26  }
0x1c: {  	v7 =	vld [tilespmem:s26+$0x10000];
	s26 =	sand.u32 $0x3FFFFC00, s31  }
0x1d: {  	v1 =	vld [tilespmem:s26+$0x0]  }
0x1e: {  	v2 =	vld [tilespmem:s26+$0x10]  }
0x1f: {  	v3 =	vld [tilespmem:s26+$0x20]  }
0x20: {  	v4 =	vld [tilespmem:s26+$0x30]  }
0x21: {  	v5 =	vld [tilespmem:s26+$0x40]  }
0x22: {  	v6 =	vld [tilespmem:s26+$0x50];
	v0 =	vbroadcast v7, $0x0  }
0x23: {  	v8 =	vld [tilespmem:s26+$0x60]  }
0x24: {  	v9 =	vld [tilespmem:s26+$0x80];
	v1 =	vadd.f32 v1, v0  }
0x25: {  	v17 =	vld [tilespmem:s26+$0x460];
	v2 =	vadd.f32 v2, v0  }
0x26: {  	v10 =	vld [tilespmem:s26+$0xC0];
	v3 =	vadd.f32 v3, v0;
	[tilespmem:s26+$0x0] =	vst v1  }
0x27: {  	v1 =	vld [tilespmem:s26+$0x70];
	[tilespmem:s26+$0x10] =	vst v2;
	v2 =	vadd.f32 v4, v0  }
0x28: {  	v12 =	vld [tilespmem:s26+$0x410];
	v8 =	vadd.f32 v8, v0;
	[tilespmem:s26+$0x20] =	vst v3  }
0x29: {  	v3 =	vld [tilespmem:s26+$0x90];
	[tilespmem:s26+$0x30] =	vst v2;
	v2 =	vadd.f32 v6, v0  }
0x2a: {  	v17 =	vadd.f32 v17, v0;
	v4 =	vadd.f32 v5, v0;
	v5 =	vld [tilespmem:s26+$0xA0];
	[tilespmem:s26+$0x60] =	vst v8  }
0x2b: {  	v8 =	vld [tilespmem:s26+$0xD0];
	[tilespmem:s26+$0x50] =	vst v2;
	v2 =	vbroadcast v7, $0x1  }
0x2c: {  	[tilespmem:s26+$0x460] =	vst v17;
	v6 =	vld [tilespmem:s26+$0x7F0];
	v11 =	vadd.f32 v1, v0  }
0x2d: {  	[tilespmem:s26+$0x40] =	vst v4;
	v4 =	vld [tilespmem:s26+$0xB0];
	v9 =	vadd.f32 v9, v2  }
0x2e: {  	v13 =	vld [tilespmem:s26+$0x420];
	v3 =	vadd.f32 v3, v2;
	[tilespmem:s26+$0x70] =	vst v11  }
0x2f: {  	v14 =	vld [tilespmem:s26+$0x430];
	v1 =	vbroadcast v7, $0x7;
	v5 =	vadd.f32 v5, v2;
	[tilespmem:s26+$0x80] =	vst v9  }
0x30: {  	v15 =	vld [tilespmem:s26+$0x440];
	v8 =	vadd.f32 v8, v2;
	[tilespmem:s26+$0x90] =	vst v3  }
0x31: {  	v16 =	vld [tilespmem:s26+$0x450];
	v6 =	vadd.f32 v6, v1;
	[tilespmem:s26+$0xA0] =	vst v5  }
0x32: {  	v18 =	vld [tilespmem:s26+$0x100];
	v4 =	vadd.f32 v4, v2;
	[tilespmem:s26+$0xD0] =	vst v8  }
0x33: {  	v11 =	vld [tilespmem:s26+$0xE0];
	v3 =	vadd.f32 v12, v0;
	[tilespmem:s26+$0x7F0] =	vst v6  }
0x34: {  	v31 =	vld [tilespmem:s26+$0x150];
	v12 =	vadd.f32 v13, v0;
	[tilespmem:s26+$0xB0] =	vst v4  }
0x35: {  	v9 =	vld [tilespmem:s26+$0x400];
	[tilespmem:s26+$0x410] =	vst v3;
	v3 =	vadd.f32 v10, v2  }
0x36: {  	v5 =	vld [tilespmem:s26+$0x470];
	v13 =	vadd.f32 v14, v0;
	[tilespmem:s26+$0x420] =	vst v12  }
0x37: {  	v8 =	vld [tilespmem:s26+$0x4A0];
	[tilespmem:s26+$0xC0] =	vst v3;
	v3 =	vadd.f32 v15, v0  }
0x38: {  	v6 =	vld [tilespmem:s26+$0xF0];
	[tilespmem:s26+$0x430] =	vst v13;
	v11 =	vadd.f32 v11, v2  }
0x39: {  	v4 =	vld [tilespmem:s26+$0x480];
	v15 =	vadd.f32 v16, v0;
	[tilespmem:s26+$0x440] =	vst v3  }
0x3a: {  	v12 =	vld [tilespmem:s26+$0x490];
	v9 =	vadd.f32 v9, v0;
	[tilespmem:s26+$0xE0] =	vst v11  }
0x3b: {  	v32 =	vld [tilespmem:s26+$0x160];
	v5 =	vadd.f32 v5, v0;
	[tilespmem:s26+$0x450] =	vst v15  }
0x3c: {  	v10 =	vld [tilespmem:s26+$0x120];
	v8 =	vadd.f32 v8, v2;
	[tilespmem:s26+$0x400] =	vst v9  }
0x3d: {  	v14 =	vld [tilespmem:s26+$0x130];
	v6 =	vadd.f32 v6, v2;
	[tilespmem:s26+$0x470] =	vst v5  }
0x3e: {  	v33 =	vld [tilespmem:s26+$0x170];
	v3 =	vbroadcast v7, $0x2;
	v4 =	vadd.f32 v4, v2;
	[tilespmem:s26+$0x4A0] =	vst v8  }
0x3f: {  	v19 =	vld [tilespmem:s26+$0x1A0];
	v12 =	vadd.f32 v12, v2;
	[tilespmem:s26+$0xF0] =	vst v6  }
0x40: {  	v36 =	vld [tilespmem:s26+$0x530];
	v15 =	vadd.f32 v18, v3;
	[tilespmem:s26+$0x480] =	vst v4  }
0x41: {  	v13 =	vld [tilespmem:s26+$0x140];
	v5 =	vadd.f32 v10, v3;
	[tilespmem:s26+$0x490] =	vst v12  }
0x42: {  	v11 =	vld [tilespmem:s26+$0x4B0];
	v4 =	vadd.f32 v14, v3;
	[tilespmem:s26+$0x100] =	vst v15  }
0x43: {  	v9 =	vld [tilespmem:s26+$0x110];
	v8 =	vadd.f32 v31, v3;
	[tilespmem:s26+$0x120] =	vst v5  }
0x44: {  	v6 =	vld [tilespmem:s26+$0x4C0];
	v34 =	vadd.f32 v32, v3;
	[tilespmem:s26+$0x130] =	vst v4  }
0x45: {  	v62 =	vld [tilespmem:s26+$0x3F0];
	v16 =	vadd.f32 v36, v3;
	[tilespmem:s26+$0x150] =	vst v8  }
0x46: {  	v12 =	vadd.f32 v13, v3;
	v13 =	vld [tilespmem:s26+$0x500];
	[tilespmem:s26+$0x160] =	vst v34  }
0x47: {  	v15 =	vld [tilespmem:s26+$0x4D0];
	[tilespmem:s26+$0x530] =	vst v16;
	v4 =	vadd.f32 v11, v2  }
0x48: {  	v40 =	vld [tilespmem:s26+$0x5A0];
	[tilespmem:s26+$0x140] =	vst v12;
	v9 =	vadd.f32 v9, v3  }
0x49: {  	v10 =	vld [tilespmem:s26+$0x180];
	v6 =	vadd.f32 v6, v2;
	[tilespmem:s26+$0x4B0] =	vst v4  }
0x4a: {  	v5 =	vld [tilespmem:s26+$0x4F0];
	v63 =	vadd.f32 v62, v1;
	[tilespmem:s26+$0x110] =	vst v9  }
0x4b: {  	v14 =	vld [tilespmem:s26+$0x190];
	v13 =	vadd.f32 v13, v3;
	[tilespmem:s26+$0x4C0] =	vst v6  }
0x4c: {  	v11 =	vld [tilespmem:s26+$0x510];
	v4 =	vbroadcast v7, $0x3;
	v15 =	vadd.f32 v15, v2;
	[tilespmem:s26+$0x3F0] =	vst v63  }
0x4d: {  	v12 =	vld [tilespmem:s26+$0x1B0];
	v6 =	vadd.f32 v33, v3;
	[tilespmem:s26+$0x500] =	vst v13  }
0x4e: {  	v10 =	vadd.f32 v10, v4;
	[tilespmem:s26+$0x4D0] =	vst v15  }
0x4f: {  	v9 =	vld [tilespmem:s26+$0x4E0];
	v5 =	vadd.f32 v5, v2;
	[tilespmem:s26+$0x170] =	vst v6  }
0x50: {  	v8 =	vld [tilespmem:s26+$0x520];
	v16 =	vadd.f32 v40, v4;
	[tilespmem:s26+$0x180] =	vst v10  }
0x51: {  	v35 =	vld [tilespmem:s26+$0x1C0];
	v11 =	vadd.f32 v11, v3;
	[tilespmem:s26+$0x4F0] =	vst v5  }
0x52: {  	v12 =	vadd.f32 v12, v4;
	[tilespmem:s26+$0x5A0] =	vst v16  }
0x53: {  	v37 =	vld [tilespmem:s26+$0x1D0];
	v5 =	vadd.f32 v19, v4;
	[tilespmem:s26+$0x510] =	vst v11  }
0x54: {  	v13 =	vld [tilespmem:s26+$0x570];
	[tilespmem:s26+$0x1B0] =	vst v12;
	v9 =	vadd.f32 v9, v2  }
0x55: {  	v6 =	vld [tilespmem:s26+$0x540];
	[tilespmem:s26+$0x1A0] =	vst v5;
	v5 =	vadd.f32 v8, v3  }
0x56: {  	v15 =	vld [tilespmem:s26+$0x1E0];
	v8 =	vadd.f32 v35, v4;
	[tilespmem:s26+$0x4E0] =	vst v9  }
0x57: {  	v10 =	vld [tilespmem:s26+$0x550];
	v9 =	vadd.f32 v14, v4;
	[tilespmem:s26+$0x520] =	vst v5  }
0x58: {  	v11 =	vld [tilespmem:s26+$0x580];
	v5 =	vadd.f32 v37, v4;
	[tilespmem:s26+$0x1C0] =	vst v8  }
0x59: {  	v38 =	vld [tilespmem:s26+$0x200];
	v13 =	vadd.f32 v13, v3;
	[tilespmem:s26+$0x190] =	vst v9  }
0x5a: {  	v12 =	vld [tilespmem:s26+$0x220];
	v6 =	vadd.f32 v6, v3;
	[tilespmem:s26+$0x1D0] =	vst v5  }
0x5b: {  	v39 =	vld [tilespmem:s26+$0x230];
	v15 =	vadd.f32 v15, v4;
	[tilespmem:s26+$0x570] =	vst v13  }
0x5c: {  	v14 =	vld [tilespmem:s26+$0x1F0];
	v10 =	vadd.f32 v10, v3;
	v5 =	vbroadcast v7, $0x4;
	[tilespmem:s26+$0x540] =	vst v6  }
0x5d: {  	v8 =	vld [tilespmem:s26+$0x590];
	v11 =	vadd.f32 v11, v4;
	[tilespmem:s26+$0x1E0] =	vst v15  }
0x5e: {  	v9 =	vld [tilespmem:s26+$0x560];
	[tilespmem:s26+$0x550] =	vst v10;
	v10 =	vadd.f32 v38, v5  }
0x5f: {  	v41 =	vld [tilespmem:s26+$0x240];
	v12 =	vadd.f32 v12, v5;
	[tilespmem:s26+$0x580] =	vst v11  }
0x60: {  	v15 =	vld [tilespmem:s26+$0x250];
	v11 =	vadd.f32 v39, v5;
	[tilespmem:s26+$0x200] =	vst v10  }
0x61: {  	v20 =	vld [tilespmem:s26+$0x210];
	v6 =	vadd.f32 v14, v4;
	[tilespmem:s26+$0x220] =	vst v12  }
0x62: {  	v43 =	vld [tilespmem:s26+$0x270];
	v8 =	vadd.f32 v8, v4;
	[tilespmem:s26+$0x230] =	vst v11  }
0x63: {  	v14 =	vld [tilespmem:s26+$0x5B0];
	v9 =	vadd.f32 v9, v3;
	[tilespmem:s26+$0x1F0] =	vst v6  }
0x64: {  	v10 =	vld [tilespmem:s26+$0x5D0];
	[tilespmem:s26+$0x590] =	vst v8;
	v8 =	vadd.f32 v41, v5  }
0x65: {  	v12 =	vld [tilespmem:s26+$0x5F0];
	v15 =	vadd.f32 v15, v5;
	[tilespmem:s26+$0x560] =	vst v9  }
0x66: {  	v11 =	vld [tilespmem:s26+$0x600];
	v9 =	vadd.f32 v20, v5;
	[tilespmem:s26+$0x240] =	vst v8  }
0x67: {  	v48 =	vld [tilespmem:s26+$0x640];
	v20 =	vadd.f32 v43, v5;
	[tilespmem:s26+$0x250] =	vst v15  }
0x68: {  	v6 =	vld [tilespmem:s26+$0x5C0];
	v14 =	vadd.f32 v14, v4;
	[tilespmem:s26+$0x210] =	vst v9  }
0x69: {  	v42 =	vld [tilespmem:s26+$0x260];
	v10 =	vadd.f32 v10, v4;
	[tilespmem:s26+$0x270] =	vst v20  }
0x6a: {  	v8 =	vld [tilespmem:s26+$0x610];
	v12 =	vadd.f32 v12, v4;
	[tilespmem:s26+$0x5B0] =	vst v14  }
0x6b: {  	v15 =	vld [tilespmem:s26+$0x620];
	v11 =	vadd.f32 v11, v5;
	[tilespmem:s26+$0x5D0] =	vst v10  }
0x6c: {  	v9 =	vld [tilespmem:s26+$0x5E0];
	v20 =	vadd.f32 v48, v5;
	[tilespmem:s26+$0x5F0] =	vst v12  }
0x6d: {  	v13 =	vld [tilespmem:s26+$0x280];
	v6 =	vadd.f32 v6, v4;
	[tilespmem:s26+$0x600] =	vst v11  }
0x6e: {  	v44 =	vld [tilespmem:s26+$0x290];
	v14 =	vadd.f32 v42, v5;
	[tilespmem:s26+$0x640] =	vst v20  }
0x6f: {  	v45 =	vld [tilespmem:s26+$0x2A0];
	[tilespmem:s26+$0x5C0] =	vst v6;
	v8 =	vadd.f32 v8, v5  }
0x70: {  	v46 =	vld [tilespmem:s26+$0x2B0];
	v6 =	vbroadcast v7, $0x5;
	[tilespmem:s26+$0x260] =	vst v14;
	v15 =	vadd.f32 v15, v5  }
0x71: {  	v47 =	vld [tilespmem:s26+$0x2C0];
	v9 =	vadd.f32 v9, v4;
	[tilespmem:s26+$0x610] =	vst v8  }
0x72: {  	v53 =	vld [tilespmem:s26+$0x340];
	v13 =	vadd.f32 v13, v6;
	[tilespmem:s26+$0x620] =	vst v15  }
0x73: {  	v10 =	vld [tilespmem:s26+$0x2D0];
	v17 =	vadd.f32 v44, v6;
	[tilespmem:s26+$0x5E0] =	vst v9  }
0x74: {  	v12 =	vld [tilespmem:s26+$0x2F0];
	v18 =	vadd.f32 v45, v6;
	[tilespmem:s26+$0x280] =	vst v13  }
0x75: {  	v49 =	vld [tilespmem:s26+$0x660];
	v7 =	vbroadcast v7, $0x6;
	v16 =	vadd.f32 v46, v6;
	[tilespmem:s26+$0x290] =	vst v17  }
0x76: {  	v11 =	vld [tilespmem:s26+$0x300];
	v19 =	vadd.f32 v47, v6;
	[tilespmem:s26+$0x2A0] =	vst v18  }
0x77: {  	v50 =	vld [tilespmem:s26+$0x670];
	v20 =	vadd.f32 v53, v7;
	[tilespmem:s26+$0x2B0] =	vst v16  }
0x78: {  	v51 =	vld [tilespmem:s26+$0x680];
	v10 =	vadd.f32 v10, v6;
	[tilespmem:s26+$0x2C0] =	vst v19  }
0x79: {  	v52 =	vld [tilespmem:s26+$0x690];
	v12 =	vadd.f32 v12, v6;
	[tilespmem:s26+$0x340] =	vst v20  }
0x7a: {  	v14 =	vld [tilespmem:s26+$0x630];
	v17 =	vadd.f32 v49, v5;
	[tilespmem:s26+$0x2D0] =	vst v10  }
0x7b: {  	v54 =	vld [tilespmem:s26+$0x360];
	v11 =	vadd.f32 v11, v7;
	[tilespmem:s26+$0x2F0] =	vst v12  }
0x7c: {  	v55 =	vld [tilespmem:s26+$0x370];
	v18 =	vadd.f32 v50, v5;
	[tilespmem:s26+$0x660] =	vst v17  }
0x7d: {  	v56 =	vld [tilespmem:s26+$0x380];
	v16 =	vadd.f32 v51, v6;
	[tilespmem:s26+$0x300] =	vst v11  }
0x7e: {  	v8 =	vld [tilespmem:s26+$0x310];
	v19 =	vadd.f32 v52, v6;
	[tilespmem:s26+$0x670] =	vst v18  }
0x7f: {  	v15 =	vld [tilespmem:s26+$0x320];
	v14 =	vadd.f32 v14, v5;
	[tilespmem:s26+$0x680] =	vst v16  }
0x80: {  	v9 =	vld [tilespmem:s26+$0x2E0];
	[tilespmem:s26+$0x690] =	vst v19;
	v17 =	vadd.f32 v54, v7  }
0x81: {  	v13 =	vld [tilespmem:s26+$0x650];
	v18 =	vadd.f32 v55, v7;
	[tilespmem:s26+$0x630] =	vst v14  }
0x82: {  	v10 =	vld [tilespmem:s26+$0x6A0];
	v16 =	vadd.f32 v56, v1;
	[tilespmem:s26+$0x360] =	vst v17  }
0x83: {  	v12 =	vld [tilespmem:s26+$0x6C0];
	v8 =	vadd.f32 v8, v7;
	[tilespmem:s26+$0x370] =	vst v18  }
0x84: {  	v11 =	vld [tilespmem:s26+$0x6D0];
	v15 =	vadd.f32 v15, v7;
	[tilespmem:s26+$0x380] =	vst v16  }
0x85: {  	v14 =	vld [tilespmem:s26+$0x330];
	v9 =	vadd.f32 v9, v6;
	[tilespmem:s26+$0x310] =	vst v8  }
0x86: {  	v13 =	vadd.f32 v13, v5;
	v8 =	vld [tilespmem:s26+$0x6E0];
	[tilespmem:s26+$0x320] =	vst v15  }
0x87: {  	[tilespmem:s26+$0x2E0] =	vst v9;
	v9 =	vld [tilespmem:s26+$0x6B0];
	v10 =	vadd.f32 v10, v6  }
0x88: {  	[tilespmem:s26+$0x650] =	vst v13;
	v13 =	vld [tilespmem:s26+$0x350];
	v12 =	vadd.f32 v12, v6  }
0x89: {  	v15 =	vld [tilespmem:s26+$0x6F0];
	v11 =	vadd.f32 v11, v6;
	[tilespmem:s26+$0x6A0] =	vst v10  }
0x8a: {  	v57 =	vld [tilespmem:s26+$0x390];
	v14 =	vadd.f32 v14, v7;
	[tilespmem:s26+$0x6C0] =	vst v12  }
0x8b: {  	v10 =	vld [tilespmem:s26+$0x3A0];
	[tilespmem:s26+$0x6D0] =	vst v11;
	v8 =	vadd.f32 v8, v6  }
0x8c: {  	v12 =	vld [tilespmem:s26+$0x3C0];
	[tilespmem:s26+$0x330] =	vst v14;
	v9 =	vadd.f32 v9, v6  }
0x8d: {  	v11 =	vld [tilespmem:s26+$0x3D0];
	v13 =	vadd.f32 v13, v7;
	[tilespmem:s26+$0x6E0] =	vst v8  }
0x8e: {  	v14 =	vld [tilespmem:s26+$0x700];
	v8 =	vadd.f32 v15, v6;
	[tilespmem:s26+$0x6B0] =	vst v9  }
0x8f: {  	v60 =	vld [tilespmem:s26+$0x740];
	v15 =	vadd.f32 v57, v1;
	[tilespmem:s26+$0x350] =	vst v13  }
0x90: {  	v58 =	vld [tilespmem:s26+$0x710];
	[tilespmem:s26+$0x6F0] =	vst v8;
	v10 =	vadd.f32 v10, v1  }
0x91: {  	v13 =	vld [tilespmem:s26+$0x720];
	[tilespmem:s26+$0x390] =	vst v15;
	v12 =	vadd.f32 v12, v1  }
0x92: {  	v9 =	vld [tilespmem:s26+$0x3B0];
	v11 =	vadd.f32 v11, v1;
	[tilespmem:s26+$0x3A0] =	vst v10  }
0x93: {  	v59 =	vld [tilespmem:s26+$0x730];
	v8 =	vadd.f32 v14, v7;
	[tilespmem:s26+$0x3C0] =	vst v12  }
0x94: {  	v61 =	vld [tilespmem:s26+$0x750];
	v12 =	vadd.f32 v60, v7;
	[tilespmem:s26+$0x3D0] =	vst v11  }
0x95: {  	v21 =	vld [tilespmem:s26+$0x3E0];
	[tilespmem:s26+$0x700] =	vst v8;
	v8 =	vadd.f32 v58, v7  }
0x96: {  	v14 =	vld [tilespmem:s26+$0x760];
	[tilespmem:s26+$0x740] =	vst v12;
	v10 =	vadd.f32 v13, v7  }
0x97: {  	v15 =	vld [tilespmem:s26+$0x770];
	v9 =	vadd.f32 v9, v1;
	[tilespmem:s26+$0x710] =	vst v8  }
0x98: {  	v8 =	vld [tilespmem:s26+$0x780];
	[tilespmem:s26+$0x720] =	vst v10;
	v10 =	vadd.f32 v59, v7  }
0x99: {  	v12 =	vadd.f32 v61, v7;
	[tilespmem:s26+$0x3B0] =	vst v9;
	v9 =	vld [tilespmem:s26+$0x790]  }
0x9a: {  	v13 =	vadd.f32 v21, v1;
	[tilespmem:s26+$0x730] =	vst v10;
	v10 =	vld [tilespmem:s26+$0x7A0]  }
0x9b: {  	v11 =	vld [tilespmem:s26+$0x7B0];
	[tilespmem:s26+$0x750] =	vst v12;
	v14 =	vadd.f32 v14, v7  }
0x9c: {  	s28 =	simm.s32 $0x2;
	v12 =	vld [tilespmem:s26+$0x7C0];
	[tilespmem:s26+$0x3E0] =	vst v13;
	v13 =	vadd.f32 v15, v7  }
.LBB2_3:
0x9d: {  	s29 =	sshll.u32 s28, $0xA;
	p0 =	slt.u32 s28, $0x1E;
	[tilespmem:s26+$0x760] =	vst v14;
	v8 =	vadd.f32 v8, v1;
	v14 =	vld [tilespmem:s26+$0x7D0]  }
0x9e: {  	s29 =	sand.u32 $0x3FFFFC00, s29;
	[tilespmem:s26+$0x770] =	vst v13;
	v9 =	vadd.f32 v9, v1;
	v13 =	vld [tilespmem:s26+$0x7E0]  }
0x9f: {  	v15 =	vld [tilespmem:s29+$0x7F0];
	[tilespmem:s26+$0x780] =	vst v8;
	v8 =	vadd.f32 v10, v1  }
0xa0: {  	v10 =	vld [tilespmem:s29+$0x0];
	[tilespmem:s26+$0x790] =	vst v9;
	v9 =	vadd.f32 v11, v1  }
0xa1: {  	v11 =	vld [tilespmem:s29+$0x10];
	[tilespmem:s26+$0x7A0] =	vst v8;
	v8 =	vadd.f32 v12, v1  }
0xa2: {  	v12 =	vld [tilespmem:s29+$0x20];
	[tilespmem:s26+$0x7B0] =	vst v9;
	v9 =	vadd.f32 v14, v1  }
0xa3: {  	v14 =	vld [tilespmem:s29+$0x30];
	[tilespmem:s26+$0x7C0] =	vst v8;
	v8 =	vadd.f32 v13, v1  }
0xa4: {  	v13 =	vld [tilespmem:s29+$0x40];
	v15 =	vadd.f32 v15, v1;
	[tilespmem:s26+$0x7D0] =	vst v9  }
0xa5: {  	v9 =	vadd.f32 v10, v0;
	v10 =	vld [tilespmem:s29+$0x50];
	[tilespmem:s26+$0x7E0] =	vst v8;
	s26 =	smov.u32 s29  }
0xa6: {  	v8 =	vadd.f32 v11, v0;
	v11 =	vld [tilespmem:s26+$0x60];
	[tilespmem:s26+$0x7F0] =	vst v15  }
0xa7: {  	[tilespmem:s26+$0x0] =	vst v9;
	v9 =	vadd.f32 v12, v0;
	v12 =	vld [tilespmem:s26+$0x70]  }
0xa8: {  	[tilespmem:s26+$0x10] =	vst v8;
	v8 =	vadd.f32 v14, v0;
	v14 =	vld [tilespmem:s26+$0x80]  }
0xa9: {  	[tilespmem:s26+$0x20] =	vst v9;
	v9 =	vadd.f32 v13, v0;
	v13 =	vld [tilespmem:s26+$0x90]  }
0xaa: {  	[tilespmem:s26+$0x30] =	vst v8;
	v8 =	vadd.f32 v10, v0;
	v10 =	vld [tilespmem:s26+$0xA0]  }
0xab: {  	[tilespmem:s26+$0x40] =	vst v9;
	v9 =	vadd.f32 v11, v0;
	v11 =	vld [tilespmem:s26+$0xB0]  }
0xac: {  	[tilespmem:s26+$0x50] =	vst v8;
	v8 =	vadd.f32 v12, v0;
	v12 =	vld [tilespmem:s26+$0xC0]  }
0xad: {  	[tilespmem:s26+$0x60] =	vst v9;
	v9 =	vadd.f32 v14, v2;
	v14 =	vld [tilespmem:s26+$0xD0]  }
0xae: {  	[tilespmem:s26+$0x70] =	vst v8;
	v8 =	vadd.f32 v13, v2;
	v13 =	vld [tilespmem:s26+$0xE0]  }
0xaf: {  	[tilespmem:s26+$0x80] =	vst v9;
	v9 =	vadd.f32 v10, v2;
	v10 =	vld [tilespmem:s26+$0xF0]  }
0xb0: {  	[tilespmem:s26+$0x90] =	vst v8;
	v8 =	vadd.f32 v11, v2;
	v11 =	vld [tilespmem:s26+$0x100]  }
0xb1: {  	[tilespmem:s26+$0xA0] =	vst v9;
	v9 =	vadd.f32 v12, v2;
	v12 =	vld [tilespmem:s26+$0x110]  }
0xb2: {  	[tilespmem:s26+$0xB0] =	vst v8;
	v8 =	vadd.f32 v14, v2;
	v14 =	vld [tilespmem:s26+$0x120]  }
0xb3: {  	[tilespmem:s26+$0xC0] =	vst v9;
	v9 =	vadd.f32 v13, v2;
	v13 =	vld [tilespmem:s26+$0x130]  }
0xb4: {  	[tilespmem:s26+$0xD0] =	vst v8;
	v8 =	vadd.f32 v10, v2;
	v10 =	vld [tilespmem:s26+$0x140]  }
0xb5: {  	[tilespmem:s26+$0xE0] =	vst v9;
	v9 =	vadd.f32 v11, v3;
	v11 =	vld [tilespmem:s26+$0x150]  }
0xb6: {  	[tilespmem:s26+$0xF0] =	vst v8;
	v8 =	vadd.f32 v12, v3;
	v12 =	vld [tilespmem:s26+$0x160]  }
0xb7: {  	[tilespmem:s26+$0x100] =	vst v9;
	v9 =	vadd.f32 v14, v3;
	v14 =	vld [tilespmem:s26+$0x170]  }
0xb8: {  	[tilespmem:s26+$0x110] =	vst v8;
	v8 =	vadd.f32 v13, v3;
	v13 =	vld [tilespmem:s26+$0x180]  }
0xb9: {  	[tilespmem:s26+$0x120] =	vst v9;
	v9 =	vadd.f32 v10, v3;
	v10 =	vld [tilespmem:s26+$0x190]  }
0xba: {  	[tilespmem:s26+$0x130] =	vst v8;
	v8 =	vadd.f32 v11, v3;
	v11 =	vld [tilespmem:s26+$0x1A0]  }
0xbb: {  	[tilespmem:s26+$0x140] =	vst v9;
	v9 =	vadd.f32 v12, v3;
	v12 =	vld [tilespmem:s26+$0x1B0]  }
0xbc: {  	[tilespmem:s26+$0x150] =	vst v8;
	v8 =	vadd.f32 v14, v3;
	v14 =	vld [tilespmem:s26+$0x1C0]  }
0xbd: {  	[tilespmem:s26+$0x160] =	vst v9;
	v9 =	vadd.f32 v13, v4;
	v13 =	vld [tilespmem:s26+$0x1D0]  }
0xbe: {  	[tilespmem:s26+$0x170] =	vst v8;
	v8 =	vadd.f32 v10, v4;
	v10 =	vld [tilespmem:s26+$0x1E0]  }
0xbf: {  	[tilespmem:s26+$0x180] =	vst v9;
	v9 =	vadd.f32 v11, v4;
	v11 =	vld [tilespmem:s26+$0x1F0]  }
0xc0: {  	[tilespmem:s26+$0x190] =	vst v8;
	v8 =	vadd.f32 v12, v4;
	v12 =	vld [tilespmem:s26+$0x200]  }
0xc1: {  	[tilespmem:s26+$0x1A0] =	vst v9;
	v9 =	vadd.f32 v14, v4;
	v14 =	vld [tilespmem:s26+$0x210]  }
0xc2: {  	[tilespmem:s26+$0x1B0] =	vst v8;
	v8 =	vadd.f32 v13, v4;
	v13 =	vld [tilespmem:s26+$0x220]  }
0xc3: {  	[tilespmem:s26+$0x1C0] =	vst v9;
	v9 =	vadd.f32 v10, v4;
	v10 =	vld [tilespmem:s26+$0x230]  }
0xc4: {  	[tilespmem:s26+$0x1D0] =	vst v8;
	v8 =	vadd.f32 v11, v4;
	v11 =	vld [tilespmem:s26+$0x240]  }
0xc5: {  	[tilespmem:s26+$0x1E0] =	vst v9;
	v9 =	vadd.f32 v12, v5;
	v12 =	vld [tilespmem:s26+$0x250]  }
0xc6: {  	[tilespmem:s26+$0x1F0] =	vst v8;
	v8 =	vadd.f32 v14, v5;
	v14 =	vld [tilespmem:s26+$0x260]  }
0xc7: {  	[tilespmem:s26+$0x200] =	vst v9;
	v9 =	vadd.f32 v13, v5;
	v13 =	vld [tilespmem:s26+$0x270]  }
0xc8: {  	[tilespmem:s26+$0x210] =	vst v8;
	v8 =	vadd.f32 v10, v5;
	v10 =	vld [tilespmem:s26+$0x280]  }
0xc9: {  	[tilespmem:s26+$0x220] =	vst v9;
	v9 =	vadd.f32 v11, v5;
	v11 =	vld [tilespmem:s26+$0x290]  }
0xca: {  	[tilespmem:s26+$0x230] =	vst v8;
	v8 =	vadd.f32 v12, v5;
	v12 =	vld [tilespmem:s26+$0x2A0]  }
0xcb: {  	[tilespmem:s26+$0x240] =	vst v9;
	v9 =	vadd.f32 v14, v5;
	v14 =	vld [tilespmem:s26+$0x2B0]  }
0xcc: {  	[tilespmem:s26+$0x250] =	vst v8;
	v8 =	vadd.f32 v13, v5;
	v13 =	vld [tilespmem:s26+$0x2C0]  }
0xcd: {  	[tilespmem:s26+$0x260] =	vst v9;
	v9 =	vadd.f32 v10, v6;
	v10 =	vld [tilespmem:s26+$0x2D0]  }
0xce: {  	[tilespmem:s26+$0x270] =	vst v8;
	v8 =	vadd.f32 v11, v6;
	v11 =	vld [tilespmem:s26+$0x2E0]  }
0xcf: {  	[tilespmem:s26+$0x280] =	vst v9;
	v9 =	vadd.f32 v12, v6;
	v12 =	vld [tilespmem:s26+$0x2F0]  }
0xd0: {  	[tilespmem:s26+$0x290] =	vst v8;
	v8 =	vadd.f32 v14, v6;
	v14 =	vld [tilespmem:s26+$0x300]  }
0xd1: {  	[tilespmem:s26+$0x2A0] =	vst v9;
	v9 =	vadd.f32 v13, v6;
	v13 =	vld [tilespmem:s26+$0x310]  }
0xd2: {  	[tilespmem:s26+$0x2B0] =	vst v8;
	v8 =	vadd.f32 v10, v6;
	v10 =	vld [tilespmem:s26+$0x320]  }
0xd3: {  	[tilespmem:s26+$0x2C0] =	vst v9;
	v9 =	vadd.f32 v11, v6;
	v11 =	vld [tilespmem:s26+$0x330]  }
0xd4: {  	[tilespmem:s26+$0x2D0] =	vst v8;
	v8 =	vadd.f32 v12, v6;
	v12 =	vld [tilespmem:s26+$0x340]  }
0xd5: {  	[tilespmem:s26+$0x2E0] =	vst v9;
	v9 =	vadd.f32 v14, v7;
	v14 =	vld [tilespmem:s26+$0x350]  }
0xd6: {  	[tilespmem:s26+$0x2F0] =	vst v8;
	v8 =	vadd.f32 v13, v7;
	v13 =	vld [tilespmem:s26+$0x360]  }
0xd7: {  	[tilespmem:s26+$0x300] =	vst v9;
	v9 =	vadd.f32 v10, v7;
	v10 =	vld [tilespmem:s26+$0x370]  }
0xd8: {  	[tilespmem:s26+$0x310] =	vst v8;
	v8 =	vadd.f32 v11, v7;
	v11 =	vld [tilespmem:s26+$0x380]  }
0xd9: {  	[tilespmem:s26+$0x320] =	vst v9;
	v9 =	vadd.f32 v12, v7;
	v12 =	vld [tilespmem:s26+$0x390]  }
0xda: {  	[tilespmem:s26+$0x330] =	vst v8;
	v8 =	vadd.f32 v14, v7;
	v14 =	vld [tilespmem:s26+$0x3A0]  }
0xdb: {  	[tilespmem:s26+$0x340] =	vst v9;
	v9 =	vadd.f32 v13, v7;
	v13 =	vld [tilespmem:s26+$0x3B0]  }
0xdc: {  	[tilespmem:s26+$0x350] =	vst v8;
	v8 =	vadd.f32 v10, v7;
	v10 =	vld [tilespmem:s26+$0x3C0]  }
0xdd: {  	[tilespmem:s26+$0x360] =	vst v9;
	v9 =	vadd.f32 v11, v1;
	v11 =	vld [tilespmem:s26+$0x3D0]  }
0xde: {  	[tilespmem:s26+$0x370] =	vst v8;
	v8 =	vadd.f32 v12, v1;
	v12 =	vld [tilespmem:s26+$0x3E0]  }
0xdf: {  	[tilespmem:s26+$0x380] =	vst v9;
	v9 =	vadd.f32 v14, v1;
	v14 =	vld [tilespmem:s26+$0x3F0]  }
0xe0: {  	[tilespmem:s26+$0x390] =	vst v8;
	v8 =	vadd.f32 v13, v1;
	v13 =	vld [tilespmem:s26+$0x400]  }
0xe1: {  	[tilespmem:s26+$0x3A0] =	vst v9;
	v9 =	vadd.f32 v10, v1;
	v10 =	vld [tilespmem:s26+$0x410]  }
0xe2: {  	[tilespmem:s26+$0x3B0] =	vst v8;
	v8 =	vadd.f32 v11, v1;
	v11 =	vld [tilespmem:s26+$0x420]  }
0xe3: {  	[tilespmem:s26+$0x3C0] =	vst v9;
	v9 =	vadd.f32 v12, v1;
	v12 =	vld [tilespmem:s26+$0x430]  }
0xe4: {  	[tilespmem:s26+$0x3D0] =	vst v8;
	v8 =	vadd.f32 v14, v1;
	v14 =	vld [tilespmem:s26+$0x440]  }
0xe5: {  	[tilespmem:s26+$0x3E0] =	vst v9;
	v9 =	vadd.f32 v13, v0;
	v13 =	vld [tilespmem:s26+$0x450]  }
0xe6: {  	[tilespmem:s26+$0x3F0] =	vst v8;
	v8 =	vadd.f32 v10, v0;
	v10 =	vld [tilespmem:s26+$0x460]  }
0xe7: {  	[tilespmem:s26+$0x400] =	vst v9;
	v9 =	vadd.f32 v11, v0;
	v11 =	vld [tilespmem:s26+$0x470]  }
0xe8: {  	[tilespmem:s26+$0x410] =	vst v8;
	v8 =	vadd.f32 v12, v0;
	v12 =	vld [tilespmem:s26+$0x480]  }
0xe9: {  	[tilespmem:s26+$0x420] =	vst v9;
	v9 =	vadd.f32 v14, v0;
	v14 =	vld [tilespmem:s26+$0x490]  }
0xea: {  	[tilespmem:s26+$0x430] =	vst v8;
	v8 =	vadd.f32 v13, v0;
	v13 =	vld [tilespmem:s26+$0x4A0]  }
0xeb: {  	[tilespmem:s26+$0x440] =	vst v9;
	v9 =	vadd.f32 v10, v0;
	v10 =	vld [tilespmem:s26+$0x4B0]  }
0xec: {  	[tilespmem:s26+$0x450] =	vst v8;
	v8 =	vadd.f32 v11, v0;
	v11 =	vld [tilespmem:s26+$0x4C0]  }
0xed: {  	[tilespmem:s26+$0x460] =	vst v9;
	v9 =	vadd.f32 v12, v2;
	v12 =	vld [tilespmem:s26+$0x4D0]  }
0xee: {  	[tilespmem:s26+$0x470] =	vst v8;
	v8 =	vadd.f32 v14, v2;
	v14 =	vld [tilespmem:s26+$0x4E0]  }
0xef: {  	[tilespmem:s26+$0x480] =	vst v9;
	v9 =	vadd.f32 v13, v2;
	v13 =	vld [tilespmem:s26+$0x4F0]  }
0xf0: {  	[tilespmem:s26+$0x490] =	vst v8;
	v8 =	vadd.f32 v10, v2;
	v10 =	vld [tilespmem:s26+$0x500]  }
0xf1: {  	[tilespmem:s26+$0x4A0] =	vst v9;
	v9 =	vadd.f32 v11, v2;
	v11 =	vld [tilespmem:s26+$0x510]  }
0xf2: {  	[tilespmem:s26+$0x4B0] =	vst v8;
	v8 =	vadd.f32 v12, v2;
	v12 =	vld [tilespmem:s26+$0x520]  }
0xf3: {  	[tilespmem:s26+$0x4C0] =	vst v9;
	v9 =	vadd.f32 v14, v2;
	v14 =	vld [tilespmem:s26+$0x530]  }
0xf4: {  	[tilespmem:s26+$0x4D0] =	vst v8;
	v8 =	vadd.f32 v13, v2;
	v13 =	vld [tilespmem:s26+$0x540]  }
0xf5: {  	[tilespmem:s26+$0x4E0] =	vst v9;
	v9 =	vadd.f32 v10, v3;
	v10 =	vld [tilespmem:s26+$0x550]  }
0xf6: {  	[tilespmem:s26+$0x4F0] =	vst v8;
	v8 =	vadd.f32 v11, v3;
	v11 =	vld [tilespmem:s26+$0x560]  }
0xf7: {  	[tilespmem:s26+$0x500] =	vst v9;
	v9 =	vadd.f32 v12, v3;
	v12 =	vld [tilespmem:s26+$0x570]  }
0xf8: {  	[tilespmem:s26+$0x510] =	vst v8;
	v8 =	vadd.f32 v14, v3;
	v14 =	vld [tilespmem:s26+$0x580]  }
0xf9: {  	[tilespmem:s26+$0x520] =	vst v9;
	v9 =	vadd.f32 v13, v3;
	v13 =	vld [tilespmem:s26+$0x590]  }
0xfa: {  	[tilespmem:s26+$0x530] =	vst v8;
	v8 =	vadd.f32 v10, v3;
	v10 =	vld [tilespmem:s26+$0x5A0]  }
0xfb: {  	[tilespmem:s26+$0x540] =	vst v9;
	v9 =	vadd.f32 v11, v3;
	v11 =	vld [tilespmem:s26+$0x5B0]  }
0xfc: {  	[tilespmem:s26+$0x550] =	vst v8;
	v8 =	vadd.f32 v12, v3;
	v12 =	vld [tilespmem:s26+$0x5C0]  }
0xfd: {  	[tilespmem:s26+$0x560] =	vst v9;
	v9 =	vadd.f32 v14, v4;
	v14 =	vld [tilespmem:s26+$0x5D0]  }
0xfe: {  	[tilespmem:s26+$0x570] =	vst v8;
	v8 =	vadd.f32 v13, v4;
	v13 =	vld [tilespmem:s26+$0x5E0]  }
0xff: {  	[tilespmem:s26+$0x580] =	vst v9;
	v9 =	vadd.f32 v10, v4;
	v10 =	vld [tilespmem:s26+$0x5F0]  }
0x100: {  	[tilespmem:s26+$0x590] =	vst v8;
	v8 =	vadd.f32 v11, v4;
	v11 =	vld [tilespmem:s26+$0x600]  }
0x101: {  	[tilespmem:s26+$0x5A0] =	vst v9;
	v9 =	vadd.f32 v12, v4;
	v12 =	vld [tilespmem:s26+$0x610]  }
0x102: {  	[tilespmem:s26+$0x5B0] =	vst v8;
	v8 =	vadd.f32 v14, v4;
	v14 =	vld [tilespmem:s26+$0x620]  }
0x103: {  	[tilespmem:s26+$0x5C0] =	vst v9;
	v9 =	vadd.f32 v13, v4;
	v13 =	vld [tilespmem:s26+$0x630]  }
0x104: {  	[tilespmem:s26+$0x5D0] =	vst v8;
	v8 =	vadd.f32 v10, v4;
	v10 =	vld [tilespmem:s26+$0x640]  }
0x105: {  	[tilespmem:s26+$0x5E0] =	vst v9;
	v9 =	vadd.f32 v11, v5;
	v11 =	vld [tilespmem:s26+$0x650]  }
0x106: {  	[tilespmem:s26+$0x5F0] =	vst v8;
	v8 =	vadd.f32 v12, v5;
	v12 =	vld [tilespmem:s26+$0x660]  }
0x107: {  	[tilespmem:s26+$0x600] =	vst v9;
	v9 =	vadd.f32 v14, v5;
	v14 =	vld [tilespmem:s26+$0x670]  }
0x108: {  	[tilespmem:s26+$0x610] =	vst v8;
	v8 =	vadd.f32 v13, v5;
	v13 =	vld [tilespmem:s26+$0x680]  }
0x109: {  	[tilespmem:s26+$0x620] =	vst v9;
	v9 =	vadd.f32 v10, v5;
	v10 =	vld [tilespmem:s26+$0x690]  }
0x10a: {  	[tilespmem:s26+$0x630] =	vst v8;
	v8 =	vadd.f32 v11, v5;
	v11 =	vld [tilespmem:s26+$0x6A0]  }
0x10b: {  	[tilespmem:s26+$0x640] =	vst v9;
	v9 =	vadd.f32 v12, v5;
	v12 =	vld [tilespmem:s26+$0x6B0]  }
0x10c: {  	[tilespmem:s26+$0x650] =	vst v8;
	v8 =	vadd.f32 v14, v5;
	v14 =	vld [tilespmem:s26+$0x6C0]  }
0x10d: {  	[tilespmem:s26+$0x660] =	vst v9;
	v9 =	vadd.f32 v13, v6;
	v13 =	vld [tilespmem:s26+$0x6D0]  }
0x10e: {  	[tilespmem:s26+$0x670] =	vst v8;
	v8 =	vadd.f32 v10, v6;
	v10 =	vld [tilespmem:s26+$0x6E0]  }
0x10f: {  	[tilespmem:s26+$0x680] =	vst v9;
	v9 =	vadd.f32 v11, v6;
	v11 =	vld [tilespmem:s26+$0x6F0]  }
0x110: {  	[tilespmem:s26+$0x690] =	vst v8;
	v8 =	vadd.f32 v12, v6;
	v12 =	vld [tilespmem:s26+$0x700]  }
0x111: {  	[tilespmem:s26+$0x6A0] =	vst v9;
	v9 =	vadd.f32 v14, v6;
	v14 =	vld [tilespmem:s26+$0x710]  }
0x112: {  	[tilespmem:s26+$0x6B0] =	vst v8;
	v8 =	vadd.f32 v13, v6;
	v13 =	vld [tilespmem:s26+$0x720]  }
0x113: {  	[tilespmem:s26+$0x6C0] =	vst v9;
	v9 =	vadd.f32 v10, v6;
	v10 =	vld [tilespmem:s26+$0x730]  }
0x114: {  	[tilespmem:s26+$0x6D0] =	vst v8;
	v8 =	vadd.f32 v11, v6;
	v11 =	vld [tilespmem:s26+$0x740]  }
0x115: {  	[tilespmem:s26+$0x6E0] =	vst v9;
	v9 =	vadd.f32 v12, v7;
	v12 =	vld [tilespmem:s26+$0x750]  }
0x116: {  	[tilespmem:s26+$0x6F0] =	vst v8;
	v8 =	vadd.f32 v14, v7;
	v14 =	vld [tilespmem:s26+$0x760]  }
0x117: {  	[tilespmem:s26+$0x700] =	vst v9;
	v9 =	vadd.f32 v13, v7;
	v13 =	vld [tilespmem:s26+$0x770]  }
.Ltmp0:
0x118: {  	[tilespmem:s26+$0x710] =	vst v8;
	v10 =	vadd.f32 v10, v7;
	v8 =	vld [tilespmem:s26+$0x780];
	(pc) =	sbr.rel @p0 .LBB2_3-.Ltmp0, $4  }
0x119: {  	[tilespmem:s26+$0x720] =	vst v9;
	v11 =	vadd.f32 v11, v7;
	v9 =	vld [tilespmem:s26+$0x790]  }
0x11a: {  	[tilespmem:s26+$0x730] =	vst v10;
	v12 =	vadd.f32 v12, v7;
	v10 =	vld [tilespmem:s26+$0x7A0]  }
0x11b: {  	[tilespmem:s26+$0x740] =	vst v11;
	v14 =	vadd.f32 v14, v7;
	v11 =	vld [tilespmem:s26+$0x7B0]  }
0x11c: {  	s28 =	sadd.s32 $0x2, s28;
	[tilespmem:s26+$0x750] =	vst v12;
	v13 =	vadd.f32 v13, v7;
	v12 =	vld [tilespmem:s26+$0x7C0]  }
0x11d: {  	[tilespmem:s26+$0x760] =	vst v14;
	v0 =	vld [tilespmem:s26+$0x7D0];
	v2 =	vadd.f32 v8, v1  }
0x11e: {  	v4 =	vld [tilespmem:s26+$0x7E0];
	[tilespmem:s26+$0x770] =	vst v13;
	v3 =	vadd.f32 v9, v1  }
0x11f: {  	[tilespmem:s26+$0x780] =	vst v2;
	v2 =	vadd.f32 v10, v1  }
0x120: {  	[tilespmem:s26+$0x790] =	vst v3;
	v3 =	vadd.f32 v11, v1  }
0x121: {  	[tilespmem:s26+$0x7A0] =	vst v2;
	v2 =	vadd.f32 v12, v1  }
0x122: {  	[tilespmem:s26+$0x7B0] =	vst v3;
	v0 =	vadd.f32 v0, v1  }
0x123: {  	v1 =	vadd.f32 v4, v1;
	[tilespmem:s26+$0x7C0] =	vst v2  }
0x124: {  	s28 =	sshll.u32 s25, $0xC;
	[tilespmem:s26+$0x7D0] =	vst v0  }
0x125: {  	s29 =	sadd.s32 s3, s28;
	s28 =	simm.s32 $0x0;
	[tilespmem:s26+$0x7E0] =	vst v1  }
0x126: {  	[hbm4b:s29+s28] =	stream.linear.scatter [tilespmem:s28], [sflag:$0x3], $0x8000, $0x38;
	[tilespmem:$0x13280] =	vst v63  }
0x127: {  	_ =	swait.ge [sflag:s20], $0x8000  }
0x128: {  	s25 =	sor.u32 $0x1, s25;
	[sflag:s20] =	ssyncset.done $0x0  }
0x129: {  	s31 =	simm.s32 $0x0;
	s30 =	sshll.u32 s25, $0x3;
	[sflag:s20] =	ssyncadd.s32 $0xFFFF8000  }
0x12a: {  	s26 =	sand.u32 $0x3FFFFC00, s31;
	v7 =	vld [tilespmem:s30+$0x10000]  }
0x12b: {  	v1 =	vld [tilespmem:s26+$0x8000]  }
0x12c: {  	v2 =	vld [tilespmem:s26+$0x8010]  }
0x12d: {  	v3 =	vld [tilespmem:s26+$0x8020]  }
0x12e: {  	v4 =	vld [tilespmem:s26+$0x8030]  }
0x12f: {  	v5 =	vld [tilespmem:s26+$0x8040]  }
0x130: {  	v6 =	vld [tilespmem:s26+$0x8050];
	v0 =	vbroadcast v7, $0x0  }
0x131: {  	v8 =	vld [tilespmem:s26+$0x8060]  }
0x132: {  	v9 =	vld [tilespmem:s26+$0x8080];
	v1 =	vadd.f32 v1, v0  }
0x133: {  	v17 =	vld [tilespmem:s26+$0x8460];
	v2 =	vadd.f32 v2, v0  }
0x134: {  	v10 =	vld [tilespmem:s26+$0x80C0];
	v3 =	vadd.f32 v3, v0;
	[tilespmem:s26+$0x8000] =	vst v1  }
0x135: {  	v1 =	vld [tilespmem:s26+$0x8070];
	[tilespmem:s26+$0x8010] =	vst v2;
	v2 =	vadd.f32 v4, v0  }
0x136: {  	v12 =	vld [tilespmem:s26+$0x8410];
	v8 =	vadd.f32 v8, v0;
	[tilespmem:s26+$0x8020] =	vst v3  }
0x137: {  	v3 =	vld [tilespmem:s26+$0x8090];
	[tilespmem:s26+$0x8030] =	vst v2;
	v2 =	vadd.f32 v6, v0  }
0x138: {  	v17 =	vadd.f32 v17, v0;
	v4 =	vadd.f32 v5, v0;
	v5 =	vld [tilespmem:s26+$0x80A0];
	[tilespmem:s26+$0x8060] =	vst v8  }
0x139: {  	v8 =	vld [tilespmem:s26+$0x80D0];
	[tilespmem:s26+$0x8050] =	vst v2;
	v2 =	vbroadcast v7, $0x1  }
0x13a: {  	[tilespmem:s26+$0x8460] =	vst v17;
	v6 =	vld [tilespmem:s26+$0x87F0];
	v11 =	vadd.f32 v1, v0  }
0x13b: {  	[tilespmem:s26+$0x8040] =	vst v4;
	v4 =	vld [tilespmem:s26+$0x80B0];
	v9 =	vadd.f32 v9, v2  }
0x13c: {  	v13 =	vld [tilespmem:s26+$0x8420];
	v3 =	vadd.f32 v3, v2;
	[tilespmem:s26+$0x8070] =	vst v11  }
0x13d: {  	v14 =	vld [tilespmem:s26+$0x8430];
	v1 =	vbroadcast v7, $0x7;
	v5 =	vadd.f32 v5, v2;
	[tilespmem:s26+$0x8080] =	vst v9  }
0x13e: {  	v15 =	vld [tilespmem:s26+$0x8440];
	v8 =	vadd.f32 v8, v2;
	[tilespmem:s26+$0x8090] =	vst v3  }
0x13f: {  	v16 =	vld [tilespmem:s26+$0x8450];
	v6 =	vadd.f32 v6, v1;
	[tilespmem:s26+$0x80A0] =	vst v5  }
0x140: {  	v18 =	vld [tilespmem:s26+$0x8100];
	v4 =	vadd.f32 v4, v2;
	[tilespmem:s26+$0x80D0] =	vst v8  }
0x141: {  	v11 =	vld [tilespmem:s26+$0x80E0];
	v3 =	vadd.f32 v12, v0;
	[tilespmem:s26+$0x87F0] =	vst v6  }
0x142: {  	v31 =	vld [tilespmem:s26+$0x8150];
	v12 =	vadd.f32 v13, v0;
	[tilespmem:s26+$0x80B0] =	vst v4  }
0x143: {  	v9 =	vld [tilespmem:s26+$0x8400];
	[tilespmem:s26+$0x8410] =	vst v3;
	v3 =	vadd.f32 v10, v2  }
0x144: {  	v5 =	vld [tilespmem:s26+$0x8470];
	v13 =	vadd.f32 v14, v0;
	[tilespmem:s26+$0x8420] =	vst v12  }
0x145: {  	v8 =	vld [tilespmem:s26+$0x84A0];
	[tilespmem:s26+$0x80C0] =	vst v3;
	v3 =	vadd.f32 v15, v0  }
0x146: {  	v6 =	vld [tilespmem:s26+$0x80F0];
	[tilespmem:s26+$0x8430] =	vst v13;
	v11 =	vadd.f32 v11, v2  }
0x147: {  	v4 =	vld [tilespmem:s26+$0x8480];
	v15 =	vadd.f32 v16, v0;
	[tilespmem:s26+$0x8440] =	vst v3  }
0x148: {  	v12 =	vld [tilespmem:s26+$0x8490];
	v9 =	vadd.f32 v9, v0;
	[tilespmem:s26+$0x80E0] =	vst v11  }
0x149: {  	v32 =	vld [tilespmem:s26+$0x8160];
	v5 =	vadd.f32 v5, v0;
	[tilespmem:s26+$0x8450] =	vst v15  }
0x14a: {  	v10 =	vld [tilespmem:s26+$0x8120];
	v8 =	vadd.f32 v8, v2;
	[tilespmem:s26+$0x8400] =	vst v9  }
0x14b: {  	v14 =	vld [tilespmem:s26+$0x8130];
	v6 =	vadd.f32 v6, v2;
	[tilespmem:s26+$0x8470] =	vst v5  }
0x14c: {  	v33 =	vld [tilespmem:s26+$0x8170];
	v3 =	vbroadcast v7, $0x2;
	v4 =	vadd.f32 v4, v2;
	[tilespmem:s26+$0x84A0] =	vst v8  }
0x14d: {  	v19 =	vld [tilespmem:s26+$0x81A0];
	v12 =	vadd.f32 v12, v2;
	[tilespmem:s26+$0x80F0] =	vst v6  }
0x14e: {  	v36 =	vld [tilespmem:s26+$0x8530];
	v15 =	vadd.f32 v18, v3;
	[tilespmem:s26+$0x8480] =	vst v4  }
0x14f: {  	v13 =	vld [tilespmem:s26+$0x8140];
	v5 =	vadd.f32 v10, v3;
	[tilespmem:s26+$0x8490] =	vst v12  }
0x150: {  	v11 =	vld [tilespmem:s26+$0x84B0];
	v4 =	vadd.f32 v14, v3;
	[tilespmem:s26+$0x8100] =	vst v15  }
0x151: {  	v9 =	vld [tilespmem:s26+$0x8110];
	v8 =	vadd.f32 v31, v3;
	[tilespmem:s26+$0x8120] =	vst v5  }
0x152: {  	v6 =	vld [tilespmem:s26+$0x84C0];
	v34 =	vadd.f32 v32, v3;
	[tilespmem:s26+$0x8130] =	vst v4  }
0x153: {  	v62 =	vld [tilespmem:s26+$0x83F0];
	v16 =	vadd.f32 v36, v3;
	[tilespmem:s26+$0x8150] =	vst v8  }
0x154: {  	v12 =	vadd.f32 v13, v3;
	v13 =	vld [tilespmem:s26+$0x8500];
	[tilespmem:s26+$0x8160] =	vst v34  }
0x155: {  	v15 =	vld [tilespmem:s26+$0x84D0];
	[tilespmem:s26+$0x8530] =	vst v16;
	v4 =	vadd.f32 v11, v2  }
0x156: {  	v40 =	vld [tilespmem:s26+$0x85A0];
	[tilespmem:s26+$0x8140] =	vst v12;
	v9 =	vadd.f32 v9, v3  }
0x157: {  	v10 =	vld [tilespmem:s26+$0x8180];
	v6 =	vadd.f32 v6, v2;
	[tilespmem:s26+$0x84B0] =	vst v4  }
0x158: {  	v5 =	vld [tilespmem:s26+$0x84F0];
	v63 =	vadd.f32 v62, v1;
	[tilespmem:s26+$0x8110] =	vst v9  }
0x159: {  	v14 =	vld [tilespmem:s26+$0x8190];
	v13 =	vadd.f32 v13, v3;
	[tilespmem:s26+$0x84C0] =	vst v6  }
0x15a: {  	v11 =	vld [tilespmem:s26+$0x8510];
	v4 =	vbroadcast v7, $0x3;
	v15 =	vadd.f32 v15, v2;
	[tilespmem:s26+$0x83F0] =	vst v63  }
0x15b: {  	v12 =	vld [tilespmem:s26+$0x81B0];
	v6 =	vadd.f32 v33, v3;
	[tilespmem:s26+$0x8500] =	vst v13  }
0x15c: {  	v10 =	vadd.f32 v10, v4;
	[tilespmem:s26+$0x84D0] =	vst v15  }
0x15d: {  	v9 =	vld [tilespmem:s26+$0x84E0];
	v5 =	vadd.f32 v5, v2;
	[tilespmem:s26+$0x8170] =	vst v6  }
0x15e: {  	v8 =	vld [tilespmem:s26+$0x8520];
	v16 =	vadd.f32 v40, v4;
	[tilespmem:s26+$0x8180] =	vst v10  }
0x15f: {  	v35 =	vld [tilespmem:s26+$0x81C0];
	v11 =	vadd.f32 v11, v3;
	[tilespmem:s26+$0x84F0] =	vst v5  }
0x160: {  	v12 =	vadd.f32 v12, v4;
	[tilespmem:s26+$0x85A0] =	vst v16  }
0x161: {  	v37 =	vld [tilespmem:s26+$0x81D0];
	v5 =	vadd.f32 v19, v4;
	[tilespmem:s26+$0x8510] =	vst v11  }
0x162: {  	v13 =	vld [tilespmem:s26+$0x8570];
	[tilespmem:s26+$0x81B0] =	vst v12;
	v9 =	vadd.f32 v9, v2  }
0x163: {  	v6 =	vld [tilespmem:s26+$0x8540];
	[tilespmem:s26+$0x81A0] =	vst v5;
	v5 =	vadd.f32 v8, v3  }
0x164: {  	v15 =	vld [tilespmem:s26+$0x81E0];
	v8 =	vadd.f32 v35, v4;
	[tilespmem:s26+$0x84E0] =	vst v9  }
0x165: {  	v10 =	vld [tilespmem:s26+$0x8550];
	v9 =	vadd.f32 v14, v4;
	[tilespmem:s26+$0x8520] =	vst v5  }
0x166: {  	v11 =	vld [tilespmem:s26+$0x8580];
	v5 =	vadd.f32 v37, v4;
	[tilespmem:s26+$0x81C0] =	vst v8  }
0x167: {  	v38 =	vld [tilespmem:s26+$0x8200];
	v13 =	vadd.f32 v13, v3;
	[tilespmem:s26+$0x8190] =	vst v9  }
0x168: {  	v12 =	vld [tilespmem:s26+$0x8220];
	v6 =	vadd.f32 v6, v3;
	[tilespmem:s26+$0x81D0] =	vst v5  }
0x169: {  	v39 =	vld [tilespmem:s26+$0x8230];
	v15 =	vadd.f32 v15, v4;
	[tilespmem:s26+$0x8570] =	vst v13  }
0x16a: {  	v14 =	vld [tilespmem:s26+$0x81F0];
	v10 =	vadd.f32 v10, v3;
	v5 =	vbroadcast v7, $0x4;
	[tilespmem:s26+$0x8540] =	vst v6  }
0x16b: {  	v8 =	vld [tilespmem:s26+$0x8590];
	v11 =	vadd.f32 v11, v4;
	[tilespmem:s26+$0x81E0] =	vst v15  }
0x16c: {  	v9 =	vld [tilespmem:s26+$0x8560];
	[tilespmem:s26+$0x8550] =	vst v10;
	v10 =	vadd.f32 v38, v5  }
0x16d: {  	v41 =	vld [tilespmem:s26+$0x8240];
	v12 =	vadd.f32 v12, v5;
	[tilespmem:s26+$0x8580] =	vst v11  }
0x16e: {  	v15 =	vld [tilespmem:s26+$0x8250];
	v11 =	vadd.f32 v39, v5;
	[tilespmem:s26+$0x8200] =	vst v10  }
0x16f: {  	v20 =	vld [tilespmem:s26+$0x8210];
	v6 =	vadd.f32 v14, v4;
	[tilespmem:s26+$0x8220] =	vst v12  }
0x170: {  	v43 =	vld [tilespmem:s26+$0x8270];
	v8 =	vadd.f32 v8, v4;
	[tilespmem:s26+$0x8230] =	vst v11  }
0x171: {  	v14 =	vld [tilespmem:s26+$0x85B0];
	v9 =	vadd.f32 v9, v3;
	[tilespmem:s26+$0x81F0] =	vst v6  }
0x172: {  	v10 =	vld [tilespmem:s26+$0x85D0];
	[tilespmem:s26+$0x8590] =	vst v8;
	v8 =	vadd.f32 v41, v5  }
0x173: {  	v12 =	vld [tilespmem:s26+$0x85F0];
	v15 =	vadd.f32 v15, v5;
	[tilespmem:s26+$0x8560] =	vst v9  }
0x174: {  	v11 =	vld [tilespmem:s26+$0x8600];
	v9 =	vadd.f32 v20, v5;
	[tilespmem:s26+$0x8240] =	vst v8  }
0x175: {  	v48 =	vld [tilespmem:s26+$0x8640];
	v20 =	vadd.f32 v43, v5;
	[tilespmem:s26+$0x8250] =	vst v15  }
0x176: {  	v6 =	vld [tilespmem:s26+$0x85C0];
	v14 =	vadd.f32 v14, v4;
	[tilespmem:s26+$0x8210] =	vst v9  }
0x177: {  	v42 =	vld [tilespmem:s26+$0x8260];
	v10 =	vadd.f32 v10, v4;
	[tilespmem:s26+$0x8270] =	vst v20  }
0x178: {  	v8 =	vld [tilespmem:s26+$0x8610];
	v12 =	vadd.f32 v12, v4;
	[tilespmem:s26+$0x85B0] =	vst v14  }
0x179: {  	v15 =	vld [tilespmem:s26+$0x8620];
	v11 =	vadd.f32 v11, v5;
	[tilespmem:s26+$0x85D0] =	vst v10  }
0x17a: {  	v9 =	vld [tilespmem:s26+$0x85E0];
	v20 =	vadd.f32 v48, v5;
	[tilespmem:s26+$0x85F0] =	vst v12  }
0x17b: {  	v13 =	vld [tilespmem:s26+$0x8280];
	v6 =	vadd.f32 v6, v4;
	[tilespmem:s26+$0x8600] =	vst v11  }
0x17c: {  	v44 =	vld [tilespmem:s26+$0x8290];
	v14 =	vadd.f32 v42, v5;
	[tilespmem:s26+$0x8640] =	vst v20  }
0x17d: {  	v45 =	vld [tilespmem:s26+$0x82A0];
	[tilespmem:s26+$0x85C0] =	vst v6;
	v8 =	vadd.f32 v8, v5  }
0x17e: {  	v46 =	vld [tilespmem:s26+$0x82B0];
	v6 =	vbroadcast v7, $0x5;
	[tilespmem:s26+$0x8260] =	vst v14;
	v15 =	vadd.f32 v15, v5  }
0x17f: {  	v47 =	vld [tilespmem:s26+$0x82C0];
	v9 =	vadd.f32 v9, v4;
	[tilespmem:s26+$0x8610] =	vst v8  }
0x180: {  	v53 =	vld [tilespmem:s26+$0x8340];
	v13 =	vadd.f32 v13, v6;
	[tilespmem:s26+$0x8620] =	vst v15  }
0x181: {  	v10 =	vld [tilespmem:s26+$0x82D0];
	v17 =	vadd.f32 v44, v6;
	[tilespmem:s26+$0x85E0] =	vst v9  }
0x182: {  	v12 =	vld [tilespmem:s26+$0x82F0];
	v18 =	vadd.f32 v45, v6;
	[tilespmem:s26+$0x8280] =	vst v13  }
0x183: {  	v49 =	vld [tilespmem:s26+$0x8660];
	v7 =	vbroadcast v7, $0x6;
	v16 =	vadd.f32 v46, v6;
	[tilespmem:s26+$0x8290] =	vst v17  }
0x184: {  	v11 =	vld [tilespmem:s26+$0x8300];
	v19 =	vadd.f32 v47, v6;
	[tilespmem:s26+$0x82A0] =	vst v18  }
0x185: {  	v50 =	vld [tilespmem:s26+$0x8670];
	v20 =	vadd.f32 v53, v7;
	[tilespmem:s26+$0x82B0] =	vst v16  }
0x186: {  	v51 =	vld [tilespmem:s26+$0x8680];
	v10 =	vadd.f32 v10, v6;
	[tilespmem:s26+$0x82C0] =	vst v19  }
0x187: {  	v52 =	vld [tilespmem:s26+$0x8690];
	v12 =	vadd.f32 v12, v6;
	[tilespmem:s26+$0x8340] =	vst v20  }
0x188: {  	v14 =	vld [tilespmem:s26+$0x8630];
	v17 =	vadd.f32 v49, v5;
	[tilespmem:s26+$0x82D0] =	vst v10  }
0x189: {  	v54 =	vld [tilespmem:s26+$0x8360];
	v11 =	vadd.f32 v11, v7;
	[tilespmem:s26+$0x82F0] =	vst v12  }
0x18a: {  	v55 =	vld [tilespmem:s26+$0x8370];
	v18 =	vadd.f32 v50, v5;
	[tilespmem:s26+$0x8660] =	vst v17  }
0x18b: {  	v56 =	vld [tilespmem:s26+$0x8380];
	v16 =	vadd.f32 v51, v6;
	[tilespmem:s26+$0x8300] =	vst v11  }
0x18c: {  	v8 =	vld [tilespmem:s26+$0x8310];
	v19 =	vadd.f32 v52, v6;
	[tilespmem:s26+$0x8670] =	vst v18  }
0x18d: {  	v15 =	vld [tilespmem:s26+$0x8320];
	v14 =	vadd.f32 v14, v5;
	[tilespmem:s26+$0x8680] =	vst v16  }
0x18e: {  	v9 =	vld [tilespmem:s26+$0x82E0];
	[tilespmem:s26+$0x8690] =	vst v19;
	v17 =	vadd.f32 v54, v7  }
0x18f: {  	v13 =	vld [tilespmem:s26+$0x8650];
	v18 =	vadd.f32 v55, v7;
	[tilespmem:s26+$0x8630] =	vst v14  }
0x190: {  	v10 =	vld [tilespmem:s26+$0x86A0];
	v16 =	vadd.f32 v56, v1;
	[tilespmem:s26+$0x8360] =	vst v17  }
0x191: {  	v12 =	vld [tilespmem:s26+$0x86C0];
	v8 =	vadd.f32 v8, v7;
	[tilespmem:s26+$0x8370] =	vst v18  }
0x192: {  	v11 =	vld [tilespmem:s26+$0x86D0];
	v15 =	vadd.f32 v15, v7;
	[tilespmem:s26+$0x8380] =	vst v16  }
0x193: {  	v14 =	vld [tilespmem:s26+$0x8330];
	v9 =	vadd.f32 v9, v6;
	[tilespmem:s26+$0x8310] =	vst v8  }
0x194: {  	v13 =	vadd.f32 v13, v5;
	v8 =	vld [tilespmem:s26+$0x86E0];
	[tilespmem:s26+$0x8320] =	vst v15  }
0x195: {  	[tilespmem:s26+$0x82E0] =	vst v9;
	v9 =	vld [tilespmem:s26+$0x86B0];
	v10 =	vadd.f32 v10, v6  }
0x196: {  	[tilespmem:s26+$0x8650] =	vst v13;
	v13 =	vld [tilespmem:s26+$0x8350];
	v12 =	vadd.f32 v12, v6  }
0x197: {  	v15 =	vld [tilespmem:s26+$0x86F0];
	v11 =	vadd.f32 v11, v6;
	[tilespmem:s26+$0x86A0] =	vst v10  }
0x198: {  	v57 =	vld [tilespmem:s26+$0x8390];
	v14 =	vadd.f32 v14, v7;
	[tilespmem:s26+$0x86C0] =	vst v12  }
0x199: {  	v10 =	vld [tilespmem:s26+$0x83A0];
	[tilespmem:s26+$0x86D0] =	vst v11;
	v8 =	vadd.f32 v8, v6  }
0x19a: {  	v12 =	vld [tilespmem:s26+$0x83C0];
	[tilespmem:s26+$0x8330] =	vst v14;
	v9 =	vadd.f32 v9, v6  }
0x19b: {  	v11 =	vld [tilespmem:s26+$0x83D0];
	v13 =	vadd.f32 v13, v7;
	[tilespmem:s26+$0x86E0] =	vst v8  }
0x19c: {  	v14 =	vld [tilespmem:s26+$0x8700];
	v8 =	vadd.f32 v15, v6;
	[tilespmem:s26+$0x86B0] =	vst v9  }
0x19d: {  	v60 =	vld [tilespmem:s26+$0x8740];
	v15 =	vadd.f32 v57, v1;
	[tilespmem:s26+$0x8350] =	vst v13  }
0x19e: {  	v58 =	vld [tilespmem:s26+$0x8710];
	[tilespmem:s26+$0x86F0] =	vst v8;
	v10 =	vadd.f32 v10, v1  }
0x19f: {  	v13 =	vld [tilespmem:s26+$0x8720];
	[tilespmem:s26+$0x8390] =	vst v15;
	v12 =	vadd.f32 v12, v1  }
0x1a0: {  	v9 =	vld [tilespmem:s26+$0x83B0];
	v11 =	vadd.f32 v11, v1;
	[tilespmem:s26+$0x83A0] =	vst v10  }
0x1a1: {  	v59 =	vld [tilespmem:s26+$0x8730];
	v8 =	vadd.f32 v14, v7;
	[tilespmem:s26+$0x83C0] =	vst v12  }
0x1a2: {  	v61 =	vld [tilespmem:s26+$0x8750];
	v12 =	vadd.f32 v60, v7;
	[tilespmem:s26+$0x83D0] =	vst v11  }
0x1a3: {  	v21 =	vld [tilespmem:s26+$0x83E0];
	[tilespmem:s26+$0x8700] =	vst v8;
	v8 =	vadd.f32 v58, v7  }
0x1a4: {  	v14 =	vld [tilespmem:s26+$0x8760];
	[tilespmem:s26+$0x8740] =	vst v12;
	v10 =	vadd.f32 v13, v7  }
0x1a5: {  	v15 =	vld [tilespmem:s26+$0x8770];
	v9 =	vadd.f32 v9, v1;
	[tilespmem:s26+$0x8710] =	vst v8  }
0x1a6: {  	v8 =	vld [tilespmem:s26+$0x8780];
	[tilespmem:s26+$0x8720] =	vst v10;
	v10 =	vadd.f32 v59, v7  }
0x1a7: {  	v12 =	vadd.f32 v61, v7;
	[tilespmem:s26+$0x83B0] =	vst v9;
	v9 =	vld [tilespmem:s26+$0x8790]  }
0x1a8: {  	v13 =	vadd.f32 v21, v1;
	[tilespmem:s26+$0x8730] =	vst v10;
	v10 =	vld [tilespmem:s26+$0x87A0]  }
0x1a9: {  	v11 =	vld [tilespmem:s26+$0x87B0];
	[tilespmem:s26+$0x8750] =	vst v12;
	v14 =	vadd.f32 v14, v7  }
0x1aa: {  	s28 =	simm.s32 $0x2;
	v12 =	vld [tilespmem:s26+$0x87C0];
	[tilespmem:s26+$0x83E0] =	vst v13;
	v13 =	vadd.f32 v15, v7  }
.LBB2_5:
0x1ab: {  	s29 =	sshll.u32 s28, $0xA;
	p0 =	slt.u32 s28, $0x1E;
	[tilespmem:s26+$0x8760] =	vst v14;
	v8 =	vadd.f32 v8, v1;
	v14 =	vld [tilespmem:s26+$0x87D0]  }
0x1ac: {  	s29 =	sand.u32 $0x3FFFFC00, s29;
	[tilespmem:s26+$0x8770] =	vst v13;
	v9 =	vadd.f32 v9, v1;
	v13 =	vld [tilespmem:s26+$0x87E0]  }
0x1ad: {  	v15 =	vld [tilespmem:s29+$0x87F0];
	[tilespmem:s26+$0x8780] =	vst v8;
	v8 =	vadd.f32 v10, v1  }
0x1ae: {  	v10 =	vld [tilespmem:s29+$0x8000];
	[tilespmem:s26+$0x8790] =	vst v9;
	v9 =	vadd.f32 v11, v1  }
0x1af: {  	v11 =	vld [tilespmem:s29+$0x8010];
	[tilespmem:s26+$0x87A0] =	vst v8;
	v8 =	vadd.f32 v12, v1  }
0x1b0: {  	v12 =	vld [tilespmem:s29+$0x8020];
	[tilespmem:s26+$0x87B0] =	vst v9;
	v9 =	vadd.f32 v14, v1  }
0x1b1: {  	v14 =	vld [tilespmem:s29+$0x8030];
	[tilespmem:s26+$0x87C0] =	vst v8;
	v8 =	vadd.f32 v13, v1  }
0x1b2: {  	v13 =	vld [tilespmem:s29+$0x8040];
	v15 =	vadd.f32 v15, v1;
	[tilespmem:s26+$0x87D0] =	vst v9  }
0x1b3: {  	v9 =	vadd.f32 v10, v0;
	v10 =	vld [tilespmem:s29+$0x8050];
	[tilespmem:s26+$0x87E0] =	vst v8;
	s26 =	smov.u32 s29  }
0x1b4: {  	v8 =	vadd.f32 v11, v0;
	v11 =	vld [tilespmem:s26+$0x8060];
	[tilespmem:s26+$0x87F0] =	vst v15  }
0x1b5: {  	[tilespmem:s26+$0x8000] =	vst v9;
	v9 =	vadd.f32 v12, v0;
	v12 =	vld [tilespmem:s26+$0x8070]  }
0x1b6: {  	[tilespmem:s26+$0x8010] =	vst v8;
	v8 =	vadd.f32 v14, v0;
	v14 =	vld [tilespmem:s26+$0x8080]  }
0x1b7: {  	[tilespmem:s26+$0x8020] =	vst v9;
	v9 =	vadd.f32 v13, v0;
	v13 =	vld [tilespmem:s26+$0x8090]  }
0x1b8: {  	[tilespmem:s26+$0x8030] =	vst v8;
	v8 =	vadd.f32 v10, v0;
	v10 =	vld [tilespmem:s26+$0x80A0]  }
0x1b9: {  	[tilespmem:s26+$0x8040] =	vst v9;
	v9 =	vadd.f32 v11, v0;
	v11 =	vld [tilespmem:s26+$0x80B0]  }
0x1ba: {  	[tilespmem:s26+$0x8050] =	vst v8;
	v8 =	vadd.f32 v12, v0;
	v12 =	vld [tilespmem:s26+$0x80C0]  }
0x1bb: {  	[tilespmem:s26+$0x8060] =	vst v9;
	v9 =	vadd.f32 v14, v2;
	v14 =	vld [tilespmem:s26+$0x80D0]  }
0x1bc: {  	[tilespmem:s26+$0x8070] =	vst v8;
	v8 =	vadd.f32 v13, v2;
	v13 =	vld [tilespmem:s26+$0x80E0]  }
0x1bd: {  	[tilespmem:s26+$0x8080] =	vst v9;
	v9 =	vadd.f32 v10, v2;
	v10 =	vld [tilespmem:s26+$0x80F0]  }
0x1be: {  	[tilespmem:s26+$0x8090] =	vst v8;
	v8 =	vadd.f32 v11, v2;
	v11 =	vld [tilespmem:s26+$0x8100]  }
0x1bf: {  	[tilespmem:s26+$0x80A0] =	vst v9;
	v9 =	vadd.f32 v12, v2;
	v12 =	vld [tilespmem:s26+$0x8110]  }
0x1c0: {  	[tilespmem:s26+$0x80B0] =	vst v8;
	v8 =	vadd.f32 v14, v2;
	v14 =	vld [tilespmem:s26+$0x8120]  }
0x1c1: {  	[tilespmem:s26+$0x80C0] =	vst v9;
	v9 =	vadd.f32 v13, v2;
	v13 =	vld [tilespmem:s26+$0x8130]  }
0x1c2: {  	[tilespmem:s26+$0x80D0] =	vst v8;
	v8 =	vadd.f32 v10, v2;
	v10 =	vld [tilespmem:s26+$0x8140]  }
0x1c3: {  	[tilespmem:s26+$0x80E0] =	vst v9;
	v9 =	vadd.f32 v11, v3;
	v11 =	vld [tilespmem:s26+$0x8150]  }
0x1c4: {  	[tilespmem:s26+$0x80F0] =	vst v8;
	v8 =	vadd.f32 v12, v3;
	v12 =	vld [tilespmem:s26+$0x8160]  }
0x1c5: {  	[tilespmem:s26+$0x8100] =	vst v9;
	v9 =	vadd.f32 v14, v3;
	v14 =	vld [tilespmem:s26+$0x8170]  }
0x1c6: {  	[tilespmem:s26+$0x8110] =	vst v8;
	v8 =	vadd.f32 v13, v3;
	v13 =	vld [tilespmem:s26+$0x8180]  }
0x1c7: {  	[tilespmem:s26+$0x8120] =	vst v9;
	v9 =	vadd.f32 v10, v3;
	v10 =	vld [tilespmem:s26+$0x8190]  }
0x1c8: {  	[tilespmem:s26+$0x8130] =	vst v8;
	v8 =	vadd.f32 v11, v3;
	v11 =	vld [tilespmem:s26+$0x81A0]  }
0x1c9: {  	[tilespmem:s26+$0x8140] =	vst v9;
	v9 =	vadd.f32 v12, v3;
	v12 =	vld [tilespmem:s26+$0x81B0]  }
0x1ca: {  	[tilespmem:s26+$0x8150] =	vst v8;
	v8 =	vadd.f32 v14, v3;
	v14 =	vld [tilespmem:s26+$0x81C0]  }
0x1cb: {  	[tilespmem:s26+$0x8160] =	vst v9;
	v9 =	vadd.f32 v13, v4;
	v13 =	vld [tilespmem:s26+$0x81D0]  }
0x1cc: {  	[tilespmem:s26+$0x8170] =	vst v8;
	v8 =	vadd.f32 v10, v4;
	v10 =	vld [tilespmem:s26+$0x81E0]  }
0x1cd: {  	[tilespmem:s26+$0x8180] =	vst v9;
	v9 =	vadd.f32 v11, v4;
	v11 =	vld [tilespmem:s26+$0x81F0]  }
0x1ce: {  	[tilespmem:s26+$0x8190] =	vst v8;
	v8 =	vadd.f32 v12, v4;
	v12 =	vld [tilespmem:s26+$0x8200]  }
0x1cf: {  	[tilespmem:s26+$0x81A0] =	vst v9;
	v9 =	vadd.f32 v14, v4;
	v14 =	vld [tilespmem:s26+$0x8210]  }
0x1d0: {  	[tilespmem:s26+$0x81B0] =	vst v8;
	v8 =	vadd.f32 v13, v4;
	v13 =	vld [tilespmem:s26+$0x8220]  }
0x1d1: {  	[tilespmem:s26+$0x81C0] =	vst v9;
	v9 =	vadd.f32 v10, v4;
	v10 =	vld [tilespmem:s26+$0x8230]  }
0x1d2: {  	[tilespmem:s26+$0x81D0] =	vst v8;
	v8 =	vadd.f32 v11, v4;
	v11 =	vld [tilespmem:s26+$0x8240]  }
0x1d3: {  	[tilespmem:s26+$0x81E0] =	vst v9;
	v9 =	vadd.f32 v12, v5;
	v12 =	vld [tilespmem:s26+$0x8250]  }
0x1d4: {  	[tilespmem:s26+$0x81F0] =	vst v8;
	v8 =	vadd.f32 v14, v5;
	v14 =	vld [tilespmem:s26+$0x8260]  }
0x1d5: {  	[tilespmem:s26+$0x8200] =	vst v9;
	v9 =	vadd.f32 v13, v5;
	v13 =	vld [tilespmem:s26+$0x8270]  }
0x1d6: {  	[tilespmem:s26+$0x8210] =	vst v8;
	v8 =	vadd.f32 v10, v5;
	v10 =	vld [tilespmem:s26+$0x8280]  }
0x1d7: {  	[tilespmem:s26+$0x8220] =	vst v9;
	v9 =	vadd.f32 v11, v5;
	v11 =	vld [tilespmem:s26+$0x8290]  }
0x1d8: {  	[tilespmem:s26+$0x8230] =	vst v8;
	v8 =	vadd.f32 v12, v5;
	v12 =	vld [tilespmem:s26+$0x82A0]  }
0x1d9: {  	[tilespmem:s26+$0x8240] =	vst v9;
	v9 =	vadd.f32 v14, v5;
	v14 =	vld [tilespmem:s26+$0x82B0]  }
0x1da: {  	[tilespmem:s26+$0x8250] =	vst v8;
	v8 =	vadd.f32 v13, v5;
	v13 =	vld [tilespmem:s26+$0x82C0]  }
0x1db: {  	[tilespmem:s26+$0x8260] =	vst v9;
	v9 =	vadd.f32 v10, v6;
	v10 =	vld [tilespmem:s26+$0x82D0]  }
0x1dc: {  	[tilespmem:s26+$0x8270] =	vst v8;
	v8 =	vadd.f32 v11, v6;
	v11 =	vld [tilespmem:s26+$0x82E0]  }
0x1dd: {  	[tilespmem:s26+$0x8280] =	vst v9;
	v9 =	vadd.f32 v12, v6;
	v12 =	vld [tilespmem:s26+$0x82F0]  }
0x1de: {  	[tilespmem:s26+$0x8290] =	vst v8;
	v8 =	vadd.f32 v14, v6;
	v14 =	vld [tilespmem:s26+$0x8300]  }
0x1df: {  	[tilespmem:s26+$0x82A0] =	vst v9;
	v9 =	vadd.f32 v13, v6;
	v13 =	vld [tilespmem:s26+$0x8310]  }
0x1e0: {  	[tilespmem:s26+$0x82B0] =	vst v8;
	v8 =	vadd.f32 v10, v6;
	v10 =	vld [tilespmem:s26+$0x8320]  }
0x1e1: {  	[tilespmem:s26+$0x82C0] =	vst v9;
	v9 =	vadd.f32 v11, v6;
	v11 =	vld [tilespmem:s26+$0x8330]  }
0x1e2: {  	[tilespmem:s26+$0x82D0] =	vst v8;
	v8 =	vadd.f32 v12, v6;
	v12 =	vld [tilespmem:s26+$0x8340]  }
0x1e3: {  	[tilespmem:s26+$0x82E0] =	vst v9;
	v9 =	vadd.f32 v14, v7;
	v14 =	vld [tilespmem:s26+$0x8350]  }
0x1e4: {  	[tilespmem:s26+$0x82F0] =	vst v8;
	v8 =	vadd.f32 v13, v7;
	v13 =	vld [tilespmem:s26+$0x8360]  }
0x1e5: {  	[tilespmem:s26+$0x8300] =	vst v9;
	v9 =	vadd.f32 v10, v7;
	v10 =	vld [tilespmem:s26+$0x8370]  }
0x1e6: {  	[tilespmem:s26+$0x8310] =	vst v8;
	v8 =	vadd.f32 v11, v7;
	v11 =	vld [tilespmem:s26+$0x8380]  }
0x1e7: {  	[tilespmem:s26+$0x8320] =	vst v9;
	v9 =	vadd.f32 v12, v7;
	v12 =	vld [tilespmem:s26+$0x8390]  }
0x1e8: {  	[tilespmem:s26+$0x8330] =	vst v8;
	v8 =	vadd.f32 v14, v7;
	v14 =	vld [tilespmem:s26+$0x83A0]  }
0x1e9: {  	[tilespmem:s26+$0x8340] =	vst v9;
	v9 =	vadd.f32 v13, v7;
	v13 =	vld [tilespmem:s26+$0x83B0]  }
0x1ea: {  	[tilespmem:s26+$0x8350] =	vst v8;
	v8 =	vadd.f32 v10, v7;
	v10 =	vld [tilespmem:s26+$0x83C0]  }
0x1eb: {  	[tilespmem:s26+$0x8360] =	vst v9;
	v9 =	vadd.f32 v11, v1;
	v11 =	vld [tilespmem:s26+$0x83D0]  }
0x1ec: {  	[tilespmem:s26+$0x8370] =	vst v8;
	v8 =	vadd.f32 v12, v1;
	v12 =	vld [tilespmem:s26+$0x83E0]  }
0x1ed: {  	[tilespmem:s26+$0x8380] =	vst v9;
	v9 =	vadd.f32 v14, v1;
	v14 =	vld [tilespmem:s26+$0x83F0]  }
0x1ee: {  	[tilespmem:s26+$0x8390] =	vst v8;
	v8 =	vadd.f32 v13, v1;
	v13 =	vld [tilespmem:s26+$0x8400]  }
0x1ef: {  	[tilespmem:s26+$0x83A0] =	vst v9;
	v9 =	vadd.f32 v10, v1;
	v10 =	vld [tilespmem:s26+$0x8410]  }
0x1f0: {  	[tilespmem:s26+$0x83B0] =	vst v8;
	v8 =	vadd.f32 v11, v1;
	v11 =	vld [tilespmem:s26+$0x8420]  }
0x1f1: {  	[tilespmem:s26+$0x83C0] =	vst v9;
	v9 =	vadd.f32 v12, v1;
	v12 =	vld [tilespmem:s26+$0x8430]  }
0x1f2: {  	[tilespmem:s26+$0x83D0] =	vst v8;
	v8 =	vadd.f32 v14, v1;
	v14 =	vld [tilespmem:s26+$0x8440]  }
0x1f3: {  	[tilespmem:s26+$0x83E0] =	vst v9;
	v9 =	vadd.f32 v13, v0;
	v13 =	vld [tilespmem:s26+$0x8450]  }
0x1f4: {  	[tilespmem:s26+$0x83F0] =	vst v8;
	v8 =	vadd.f32 v10, v0;
	v10 =	vld [tilespmem:s26+$0x8460]  }
0x1f5: {  	[tilespmem:s26+$0x8400] =	vst v9;
	v9 =	vadd.f32 v11, v0;
	v11 =	vld [tilespmem:s26+$0x8470]  }
0x1f6: {  	[tilespmem:s26+$0x8410] =	vst v8;
	v8 =	vadd.f32 v12, v0;
	v12 =	vld [tilespmem:s26+$0x8480]  }
0x1f7: {  	[tilespmem:s26+$0x8420] =	vst v9;
	v9 =	vadd.f32 v14, v0;
	v14 =	vld [tilespmem:s26+$0x8490]  }
0x1f8: {  	[tilespmem:s26+$0x8430] =	vst v8;
	v8 =	vadd.f32 v13, v0;
	v13 =	vld [tilespmem:s26+$0x84A0]  }
0x1f9: {  	[tilespmem:s26+$0x8440] =	vst v9;
	v9 =	vadd.f32 v10, v0;
	v10 =	vld [tilespmem:s26+$0x84B0]  }
0x1fa: {  	[tilespmem:s26+$0x8450] =	vst v8;
	v8 =	vadd.f32 v11, v0;
	v11 =	vld [tilespmem:s26+$0x84C0]  }
0x1fb: {  	[tilespmem:s26+$0x8460] =	vst v9;
	v9 =	vadd.f32 v12, v2;
	v12 =	vld [tilespmem:s26+$0x84D0]  }
0x1fc: {  	[tilespmem:s26+$0x8470] =	vst v8;
	v8 =	vadd.f32 v14, v2;
	v14 =	vld [tilespmem:s26+$0x84E0]  }
0x1fd: {  	[tilespmem:s26+$0x8480] =	vst v9;
	v9 =	vadd.f32 v13, v2;
	v13 =	vld [tilespmem:s26+$0x84F0]  }
0x1fe: {  	[tilespmem:s26+$0x8490] =	vst v8;
	v8 =	vadd.f32 v10, v2;
	v10 =	vld [tilespmem:s26+$0x8500]  }
0x1ff: {  	[tilespmem:s26+$0x84A0] =	vst v9;
	v9 =	vadd.f32 v11, v2;
	v11 =	vld [tilespmem:s26+$0x8510]  }
0x200: {  	[tilespmem:s26+$0x84B0] =	vst v8;
	v8 =	vadd.f32 v12, v2;
	v12 =	vld [tilespmem:s26+$0x8520]  }
0x201: {  	[tilespmem:s26+$0x84C0] =	vst v9;
	v9 =	vadd.f32 v14, v2;
	v14 =	vld [tilespmem:s26+$0x8530]  }
0x202: {  	[tilespmem:s26+$0x84D0] =	vst v8;
	v8 =	vadd.f32 v13, v2;
	v13 =	vld [tilespmem:s26+$0x8540]  }
0x203: {  	[tilespmem:s26+$0x84E0] =	vst v9;
	v9 =	vadd.f32 v10, v3;
	v10 =	vld [tilespmem:s26+$0x8550]  }
0x204: {  	[tilespmem:s26+$0x84F0] =	vst v8;
	v8 =	vadd.f32 v11, v3;
	v11 =	vld [tilespmem:s26+$0x8560]  }
0x205: {  	[tilespmem:s26+$0x8500] =	vst v9;
	v9 =	vadd.f32 v12, v3;
	v12 =	vld [tilespmem:s26+$0x8570]  }
0x206: {  	[tilespmem:s26+$0x8510] =	vst v8;
	v8 =	vadd.f32 v14, v3;
	v14 =	vld [tilespmem:s26+$0x8580]  }
0x207: {  	[tilespmem:s26+$0x8520] =	vst v9;
	v9 =	vadd.f32 v13, v3;
	v13 =	vld [tilespmem:s26+$0x8590]  }
0x208: {  	[tilespmem:s26+$0x8530] =	vst v8;
	v8 =	vadd.f32 v10, v3;
	v10 =	vld [tilespmem:s26+$0x85A0]  }
0x209: {  	[tilespmem:s26+$0x8540] =	vst v9;
	v9 =	vadd.f32 v11, v3;
	v11 =	vld [tilespmem:s26+$0x85B0]  }
0x20a: {  	[tilespmem:s26+$0x8550] =	vst v8;
	v8 =	vadd.f32 v12, v3;
	v12 =	vld [tilespmem:s26+$0x85C0]  }
0x20b: {  	[tilespmem:s26+$0x8560] =	vst v9;
	v9 =	vadd.f32 v14, v4;
	v14 =	vld [tilespmem:s26+$0x85D0]  }
0x20c: {  	[tilespmem:s26+$0x8570] =	vst v8;
	v8 =	vadd.f32 v13, v4;
	v13 =	vld [tilespmem:s26+$0x85E0]  }
0x20d: {  	[tilespmem:s26+$0x8580] =	vst v9;
	v9 =	vadd.f32 v10, v4;
	v10 =	vld [tilespmem:s26+$0x85F0]  }
0x20e: {  	[tilespmem:s26+$0x8590] =	vst v8;
	v8 =	vadd.f32 v11, v4;
	v11 =	vld [tilespmem:s26+$0x8600]  }
0x20f: {  	[tilespmem:s26+$0x85A0] =	vst v9;
	v9 =	vadd.f32 v12, v4;
	v12 =	vld [tilespmem:s26+$0x8610]  }
0x210: {  	[tilespmem:s26+$0x85B0] =	vst v8;
	v8 =	vadd.f32 v14, v4;
	v14 =	vld [tilespmem:s26+$0x8620]  }
0x211: {  	[tilespmem:s26+$0x85C0] =	vst v9;
	v9 =	vadd.f32 v13, v4;
	v13 =	vld [tilespmem:s26+$0x8630]  }
0x212: {  	[tilespmem:s26+$0x85D0] =	vst v8;
	v8 =	vadd.f32 v10, v4;
	v10 =	vld [tilespmem:s26+$0x8640]  }
0x213: {  	[tilespmem:s26+$0x85E0] =	vst v9;
	v9 =	vadd.f32 v11, v5;
	v11 =	vld [tilespmem:s26+$0x8650]  }
0x214: {  	[tilespmem:s26+$0x85F0] =	vst v8;
	v8 =	vadd.f32 v12, v5;
	v12 =	vld [tilespmem:s26+$0x8660]  }
0x215: {  	[tilespmem:s26+$0x8600] =	vst v9;
	v9 =	vadd.f32 v14, v5;
	v14 =	vld [tilespmem:s26+$0x8670]  }
0x216: {  	[tilespmem:s26+$0x8610] =	vst v8;
	v8 =	vadd.f32 v13, v5;
	v13 =	vld [tilespmem:s26+$0x8680]  }
0x217: {  	[tilespmem:s26+$0x8620] =	vst v9;
	v9 =	vadd.f32 v10, v5;
	v10 =	vld [tilespmem:s26+$0x8690]  }
0x218: {  	[tilespmem:s26+$0x8630] =	vst v8;
	v8 =	vadd.f32 v11, v5;
	v11 =	vld [tilespmem:s26+$0x86A0]  }
0x219: {  	[tilespmem:s26+$0x8640] =	vst v9;
	v9 =	vadd.f32 v12, v5;
	v12 =	vld [tilespmem:s26+$0x86B0]  }
0x21a: {  	[tilespmem:s26+$0x8650] =	vst v8;
	v8 =	vadd.f32 v14, v5;
	v14 =	vld [tilespmem:s26+$0x86C0]  }
0x21b: {  	[tilespmem:s26+$0x8660] =	vst v9;
	v9 =	vadd.f32 v13, v6;
	v13 =	vld [tilespmem:s26+$0x86D0]  }
0x21c: {  	[tilespmem:s26+$0x8670] =	vst v8;
	v8 =	vadd.f32 v10, v6;
	v10 =	vld [tilespmem:s26+$0x86E0]  }
0x21d: {  	[tilespmem:s26+$0x8680] =	vst v9;
	v9 =	vadd.f32 v11, v6;
	v11 =	vld [tilespmem:s26+$0x86F0]  }
0x21e: {  	[tilespmem:s26+$0x8690] =	vst v8;
	v8 =	vadd.f32 v12, v6;
	v12 =	vld [tilespmem:s26+$0x8700]  }
0x21f: {  	[tilespmem:s26+$0x86A0] =	vst v9;
	v9 =	vadd.f32 v14, v6;
	v14 =	vld [tilespmem:s26+$0x8710]  }
0x220: {  	[tilespmem:s26+$0x86B0] =	vst v8;
	v8 =	vadd.f32 v13, v6;
	v13 =	vld [tilespmem:s26+$0x8720]  }
0x221: {  	[tilespmem:s26+$0x86C0] =	vst v9;
	v9 =	vadd.f32 v10, v6;
	v10 =	vld [tilespmem:s26+$0x8730]  }
0x222: {  	[tilespmem:s26+$0x86D0] =	vst v8;
	v8 =	vadd.f32 v11, v6;
	v11 =	vld [tilespmem:s26+$0x8740]  }
0x223: {  	[tilespmem:s26+$0x86E0] =	vst v9;
	v9 =	vadd.f32 v12, v7;
	v12 =	vld [tilespmem:s26+$0x8750]  }
0x224: {  	[tilespmem:s26+$0x86F0] =	vst v8;
	v8 =	vadd.f32 v14, v7;
	v14 =	vld [tilespmem:s26+$0x8760]  }
0x225: {  	[tilespmem:s26+$0x8700] =	vst v9;
	v9 =	vadd.f32 v13, v7;
	v13 =	vld [tilespmem:s26+$0x8770]  }
.Ltmp1:
0x226: {  	[tilespmem:s26+$0x8710] =	vst v8;
	v10 =	vadd.f32 v10, v7;
	v8 =	vld [tilespmem:s26+$0x8780];
	(pc) =	sbr.rel @p0 .LBB2_5-.Ltmp1, $4  }
0x227: {  	[tilespmem:s26+$0x8720] =	vst v9;
	v11 =	vadd.f32 v11, v7;
	v9 =	vld [tilespmem:s26+$0x8790]  }
0x228: {  	[tilespmem:s26+$0x8730] =	vst v10;
	v12 =	vadd.f32 v12, v7;
	v10 =	vld [tilespmem:s26+$0x87A0]  }
0x229: {  	[tilespmem:s26+$0x8740] =	vst v11;
	v14 =	vadd.f32 v14, v7;
	v11 =	vld [tilespmem:s26+$0x87B0]  }
0x22a: {  	s28 =	sadd.s32 $0x2, s28;
	[tilespmem:s26+$0x8750] =	vst v12;
	v13 =	vadd.f32 v13, v7;
	v12 =	vld [tilespmem:s26+$0x87C0]  }
0x22b: {  	[tilespmem:s26+$0x8760] =	vst v14;
	v0 =	vld [tilespmem:s26+$0x87D0];
	v2 =	vadd.f32 v8, v1  }
0x22c: {  	v4 =	vld [tilespmem:s26+$0x87E0];
	[tilespmem:s26+$0x8770] =	vst v13;
	v3 =	vadd.f32 v9, v1  }
0x22d: {  	[tilespmem:s26+$0x8780] =	vst v2;
	v60 =	vadd.f32 v10, v1  }
0x22e: {  	[tilespmem:s26+$0x8790] =	vst v3;
	v61 =	vadd.f32 v11, v1  }
0x22f: {  	[tilespmem:s26+$0x87A0] =	vst v60;
	v62 =	vadd.f32 v12, v1  }
0x230: {  	[tilespmem:s26+$0x87B0] =	vst v61;
	v0 =	vadd.f32 v0, v1  }
0x231: {  	s25 =	sshll.u32 s25, $0xC;
	v63 =	vadd.f32 v4, v1;
	[tilespmem:s26+$0x87C0] =	vst v62  }
0x232: {  	s25 =	sand.u32 $0x1FFFF000, s25;
	[tilespmem:s26+$0x87D0] =	vst v0  }
0x233: {  	s24 =	sadd.s32 $0x1, s24;
	s25 =	sadd.s32 s3, s25;
	[tilespmem:s26+$0x87E0] =	vst v63  }
0x234: {  	[hbm4b:s25+s4] =	stream.linear.scatter [tilespmem:s16], [sflag:$0x4], $0x8000, $0x38;
	[tilespmem:$0x13280] =	vst v63  }
0x235: {  	s30 =	sshll.u32 s24, $0xD;
	_ =	swait.ge [sflag:s21], $0x8000  }
0x236: {  	s25 =	sadd.s32 s6, s30;
	[sflag:s21] =	ssyncset.done $0x0  }
0x237: {  	p0 =	sne.s32 s24, $0x18;
	s31 =	sadd.s32 s1, s25;
	[sflag:s21] =	ssyncadd.s32 $0xFFFF8000  }
0x238: {  	[tilespmem:s4], [sflag:$0x1] =	stream.linear.gather [hbm4b:s31+s4], $0x8000, $0x38;
	[tilespmem:$0x13280] =	vst v63  }
.Ltmp2:
0x239: {  	_ = 	snop;
	(pc) =	sbr.rel @p0 .LBB2_2-.Ltmp2, $4  }
0x23a: {  	_ =	swait.ge [sflag:s22], $0x8000  }
0x23b: {  	[sflag:s22] =	ssyncset.done $0x0  }
0x23c: {  	s25 =	sadd.s32 s25, s9;
	[sflag:s22] =	ssyncadd.s32 $0xFFFF8000  }
0x23d: {  	[tilespmem:s16], [sflag:$0x2] =	stream.linear.gather [hbm4b:s25+s4], $0x8000, $0x38;
	[tilespmem:$0x13280] =	vst v63  }
0x23e: {  	_ =	swait.ge [sflag:s19], $0x8000  }
0x23f: {  	[sflag:s19] =	ssyncset.done $0x0  }
0x240: {  	s24 =	simm.s32 $0x0;
	[sflag:s19] =	ssyncadd.s32 $0xFFFF8000  }
0x241: {  	s24 =	sand.u32 $0x3FFFFC00, s24;
	v7 =	vld [tilespmem:s11+$0x0]  }
0x242: {  	v1 =	vld [tilespmem:s24+$0x0]  }
0x243: {  	v2 =	vld [tilespmem:s24+$0x10]  }
0x244: {  	v3 =	vld [tilespmem:s24+$0x20]  }
0x245: {  	v4 =	vld [tilespmem:s24+$0x30]  }
0x246: {  	v5 =	vld [tilespmem:s24+$0x40]  }
0x247: {  	v6 =	vld [tilespmem:s24+$0x50];
	v0 =	vbroadcast v7, $0x0  }
0x248: {  	v8 =	vld [tilespmem:s24+$0x60]  }
0x249: {  	v9 =	vld [tilespmem:s24+$0x80];
	v1 =	vadd.f32 v1, v0  }
0x24a: {  	v17 =	vld [tilespmem:s24+$0x460];
	v2 =	vadd.f32 v2, v0  }
0x24b: {  	v10 =	vld [tilespmem:s24+$0xC0];
	v3 =	vadd.f32 v3, v0;
	[tilespmem:s24+$0x0] =	vst v1  }
0x24c: {  	v1 =	vld [tilespmem:s24+$0x70];
	[tilespmem:s24+$0x10] =	vst v2;
	v2 =	vadd.f32 v4, v0  }
0x24d: {  	v12 =	vld [tilespmem:s24+$0x410];
	v8 =	vadd.f32 v8, v0;
	[tilespmem:s24+$0x20] =	vst v3  }
0x24e: {  	v3 =	vld [tilespmem:s24+$0x90];
	[tilespmem:s24+$0x30] =	vst v2;
	v2 =	vadd.f32 v6, v0  }
0x24f: {  	v17 =	vadd.f32 v17, v0;
	v4 =	vadd.f32 v5, v0;
	v5 =	vld [tilespmem:s24+$0xA0];
	[tilespmem:s24+$0x60] =	vst v8  }
0x250: {  	v8 =	vld [tilespmem:s24+$0xD0];
	[tilespmem:s24+$0x50] =	vst v2;
	v2 =	vbroadcast v7, $0x1  }
0x251: {  	[tilespmem:s24+$0x460] =	vst v17;
	v6 =	vld [tilespmem:s24+$0x7F0];
	v11 =	vadd.f32 v1, v0  }
0x252: {  	[tilespmem:s24+$0x40] =	vst v4;
	v4 =	vld [tilespmem:s24+$0xB0];
	v9 =	vadd.f32 v9, v2  }
0x253: {  	v13 =	vld [tilespmem:s24+$0x420];
	v3 =	vadd.f32 v3, v2;
	[tilespmem:s24+$0x70] =	vst v11  }
0x254: {  	v14 =	vld [tilespmem:s24+$0x430];
	v1 =	vbroadcast v7, $0x7;
	v5 =	vadd.f32 v5, v2;
	[tilespmem:s24+$0x80] =	vst v9  }
0x255: {  	v15 =	vld [tilespmem:s24+$0x440];
	v8 =	vadd.f32 v8, v2;
	[tilespmem:s24+$0x90] =	vst v3  }
0x256: {  	v16 =	vld [tilespmem:s24+$0x450];
	v6 =	vadd.f32 v6, v1;
	[tilespmem:s24+$0xA0] =	vst v5  }
0x257: {  	v18 =	vld [tilespmem:s24+$0x100];
	v4 =	vadd.f32 v4, v2;
	[tilespmem:s24+$0xD0] =	vst v8  }
0x258: {  	v11 =	vld [tilespmem:s24+$0xE0];
	v3 =	vadd.f32 v12, v0;
	[tilespmem:s24+$0x7F0] =	vst v6  }
0x259: {  	v31 =	vld [tilespmem:s24+$0x150];
	v12 =	vadd.f32 v13, v0;
	[tilespmem:s24+$0xB0] =	vst v4  }
0x25a: {  	v9 =	vld [tilespmem:s24+$0x400];
	[tilespmem:s24+$0x410] =	vst v3;
	v3 =	vadd.f32 v10, v2  }
0x25b: {  	v5 =	vld [tilespmem:s24+$0x470];
	v13 =	vadd.f32 v14, v0;
	[tilespmem:s24+$0x420] =	vst v12  }
0x25c: {  	v8 =	vld [tilespmem:s24+$0x4A0];
	[tilespmem:s24+$0xC0] =	vst v3;
	v3 =	vadd.f32 v15, v0  }
0x25d: {  	v6 =	vld [tilespmem:s24+$0xF0];
	[tilespmem:s24+$0x430] =	vst v13;
	v11 =	vadd.f32 v11, v2  }
0x25e: {  	v4 =	vld [tilespmem:s24+$0x480];
	v15 =	vadd.f32 v16, v0;
	[tilespmem:s24+$0x440] =	vst v3  }
0x25f: {  	v12 =	vld [tilespmem:s24+$0x490];
	v9 =	vadd.f32 v9, v0;
	[tilespmem:s24+$0xE0] =	vst v11  }
0x260: {  	v32 =	vld [tilespmem:s24+$0x160];
	v5 =	vadd.f32 v5, v0;
	[tilespmem:s24+$0x450] =	vst v15  }
0x261: {  	v10 =	vld [tilespmem:s24+$0x120];
	v8 =	vadd.f32 v8, v2;
	[tilespmem:s24+$0x400] =	vst v9  }
0x262: {  	v14 =	vld [tilespmem:s24+$0x130];
	v6 =	vadd.f32 v6, v2;
	[tilespmem:s24+$0x470] =	vst v5  }
0x263: {  	v33 =	vld [tilespmem:s24+$0x170];
	v3 =	vbroadcast v7, $0x2;
	v4 =	vadd.f32 v4, v2;
	[tilespmem:s24+$0x4A0] =	vst v8  }
0x264: {  	v19 =	vld [tilespmem:s24+$0x1A0];
	v12 =	vadd.f32 v12, v2;
	[tilespmem:s24+$0xF0] =	vst v6  }
0x265: {  	v36 =	vld [tilespmem:s24+$0x530];
	v15 =	vadd.f32 v18, v3;
	[tilespmem:s24+$0x480] =	vst v4  }
0x266: {  	v13 =	vld [tilespmem:s24+$0x140];
	v5 =	vadd.f32 v10, v3;
	[tilespmem:s24+$0x490] =	vst v12  }
0x267: {  	v11 =	vld [tilespmem:s24+$0x4B0];
	v4 =	vadd.f32 v14, v3;
	[tilespmem:s24+$0x100] =	vst v15  }
0x268: {  	v9 =	vld [tilespmem:s24+$0x110];
	v8 =	vadd.f32 v31, v3;
	[tilespmem:s24+$0x120] =	vst v5  }
0x269: {  	v6 =	vld [tilespmem:s24+$0x4C0];
	v34 =	vadd.f32 v32, v3;
	[tilespmem:s24+$0x130] =	vst v4  }
0x26a: {  	v62 =	vld [tilespmem:s24+$0x3F0];
	v16 =	vadd.f32 v36, v3;
	[tilespmem:s24+$0x150] =	vst v8  }
0x26b: {  	v12 =	vadd.f32 v13, v3;
	v13 =	vld [tilespmem:s24+$0x500];
	[tilespmem:s24+$0x160] =	vst v34  }
0x26c: {  	v15 =	vld [tilespmem:s24+$0x4D0];
	[tilespmem:s24+$0x530] =	vst v16;
	v4 =	vadd.f32 v11, v2  }
0x26d: {  	v40 =	vld [tilespmem:s24+$0x5A0];
	[tilespmem:s24+$0x140] =	vst v12;
	v9 =	vadd.f32 v9, v3  }
0x26e: {  	v10 =	vld [tilespmem:s24+$0x180];
	v6 =	vadd.f32 v6, v2;
	[tilespmem:s24+$0x4B0] =	vst v4  }
0x26f: {  	v5 =	vld [tilespmem:s24+$0x4F0];
	v63 =	vadd.f32 v62, v1;
	[tilespmem:s24+$0x110] =	vst v9  }
0x270: {  	v14 =	vld [tilespmem:s24+$0x190];
	v13 =	vadd.f32 v13, v3;
	[tilespmem:s24+$0x4C0] =	vst v6  }
0x271: {  	v11 =	vld [tilespmem:s24+$0x510];
	v4 =	vbroadcast v7, $0x3;
	v15 =	vadd.f32 v15, v2;
	[tilespmem:s24+$0x3F0] =	vst v63  }
0x272: {  	v12 =	vld [tilespmem:s24+$0x1B0];
	v6 =	vadd.f32 v33, v3;
	[tilespmem:s24+$0x500] =	vst v13  }
0x273: {  	v10 =	vadd.f32 v10, v4;
	[tilespmem:s24+$0x4D0] =	vst v15  }
0x274: {  	v9 =	vld [tilespmem:s24+$0x4E0];
	v5 =	vadd.f32 v5, v2;
	[tilespmem:s24+$0x170] =	vst v6  }
0x275: {  	v8 =	vld [tilespmem:s24+$0x520];
	v16 =	vadd.f32 v40, v4;
	[tilespmem:s24+$0x180] =	vst v10  }
0x276: {  	v35 =	vld [tilespmem:s24+$0x1C0];
	v11 =	vadd.f32 v11, v3;
	[tilespmem:s24+$0x4F0] =	vst v5  }
0x277: {  	v12 =	vadd.f32 v12, v4;
	[tilespmem:s24+$0x5A0] =	vst v16  }
0x278: {  	v37 =	vld [tilespmem:s24+$0x1D0];
	v5 =	vadd.f32 v19, v4;
	[tilespmem:s24+$0x510] =	vst v11  }
0x279: {  	v13 =	vld [tilespmem:s24+$0x570];
	[tilespmem:s24+$0x1B0] =	vst v12;
	v9 =	vadd.f32 v9, v2  }
0x27a: {  	v6 =	vld [tilespmem:s24+$0x540];
	[tilespmem:s24+$0x1A0] =	vst v5;
	v5 =	vadd.f32 v8, v3  }
0x27b: {  	v15 =	vld [tilespmem:s24+$0x1E0];
	v8 =	vadd.f32 v35, v4;
	[tilespmem:s24+$0x4E0] =	vst v9  }
0x27c: {  	v10 =	vld [tilespmem:s24+$0x550];
	v9 =	vadd.f32 v14, v4;
	[tilespmem:s24+$0x520] =	vst v5  }
0x27d: {  	v11 =	vld [tilespmem:s24+$0x580];
	v5 =	vadd.f32 v37, v4;
	[tilespmem:s24+$0x1C0] =	vst v8  }
0x27e: {  	v38 =	vld [tilespmem:s24+$0x200];
	v13 =	vadd.f32 v13, v3;
	[tilespmem:s24+$0x190] =	vst v9  }
0x27f: {  	v12 =	vld [tilespmem:s24+$0x220];
	v6 =	vadd.f32 v6, v3;
	[tilespmem:s24+$0x1D0] =	vst v5  }
0x280: {  	v39 =	vld [tilespmem:s24+$0x230];
	v15 =	vadd.f32 v15, v4;
	[tilespmem:s24+$0x570] =	vst v13  }
0x281: {  	v14 =	vld [tilespmem:s24+$0x1F0];
	v10 =	vadd.f32 v10, v3;
	v5 =	vbroadcast v7, $0x4;
	[tilespmem:s24+$0x540] =	vst v6  }
0x282: {  	v8 =	vld [tilespmem:s24+$0x590];
	v11 =	vadd.f32 v11, v4;
	[tilespmem:s24+$0x1E0] =	vst v15  }
0x283: {  	v9 =	vld [tilespmem:s24+$0x560];
	[tilespmem:s24+$0x550] =	vst v10;
	v10 =	vadd.f32 v38, v5  }
0x284: {  	v41 =	vld [tilespmem:s24+$0x240];
	v12 =	vadd.f32 v12, v5;
	[tilespmem:s24+$0x580] =	vst v11  }
0x285: {  	v15 =	vld [tilespmem:s24+$0x250];
	v11 =	vadd.f32 v39, v5;
	[tilespmem:s24+$0x200] =	vst v10  }
0x286: {  	v20 =	vld [tilespmem:s24+$0x210];
	v6 =	vadd.f32 v14, v4;
	[tilespmem:s24+$0x220] =	vst v12  }
0x287: {  	v43 =	vld [tilespmem:s24+$0x270];
	v8 =	vadd.f32 v8, v4;
	[tilespmem:s24+$0x230] =	vst v11  }
0x288: {  	v14 =	vld [tilespmem:s24+$0x5B0];
	v9 =	vadd.f32 v9, v3;
	[tilespmem:s24+$0x1F0] =	vst v6  }
0x289: {  	v10 =	vld [tilespmem:s24+$0x5D0];
	[tilespmem:s24+$0x590] =	vst v8;
	v8 =	vadd.f32 v41, v5  }
0x28a: {  	v12 =	vld [tilespmem:s24+$0x5F0];
	v15 =	vadd.f32 v15, v5;
	[tilespmem:s24+$0x560] =	vst v9  }
0x28b: {  	v11 =	vld [tilespmem:s24+$0x600];
	v9 =	vadd.f32 v20, v5;
	[tilespmem:s24+$0x240] =	vst v8  }
0x28c: {  	v48 =	vld [tilespmem:s24+$0x640];
	v20 =	vadd.f32 v43, v5;
	[tilespmem:s24+$0x250] =	vst v15  }
0x28d: {  	v6 =	vld [tilespmem:s24+$0x5C0];
	v14 =	vadd.f32 v14, v4;
	[tilespmem:s24+$0x210] =	vst v9  }
0x28e: {  	v42 =	vld [tilespmem:s24+$0x260];
	v10 =	vadd.f32 v10, v4;
	[tilespmem:s24+$0x270] =	vst v20  }
0x28f: {  	v8 =	vld [tilespmem:s24+$0x610];
	v12 =	vadd.f32 v12, v4;
	[tilespmem:s24+$0x5B0] =	vst v14  }
0x290: {  	v15 =	vld [tilespmem:s24+$0x620];
	v11 =	vadd.f32 v11, v5;
	[tilespmem:s24+$0x5D0] =	vst v10  }
0x291: {  	v9 =	vld [tilespmem:s24+$0x5E0];
	v20 =	vadd.f32 v48, v5;
	[tilespmem:s24+$0x5F0] =	vst v12  }
0x292: {  	v13 =	vld [tilespmem:s24+$0x280];
	v6 =	vadd.f32 v6, v4;
	[tilespmem:s24+$0x600] =	vst v11  }
0x293: {  	v44 =	vld [tilespmem:s24+$0x290];
	v14 =	vadd.f32 v42, v5;
	[tilespmem:s24+$0x640] =	vst v20  }
0x294: {  	v45 =	vld [tilespmem:s24+$0x2A0];
	[tilespmem:s24+$0x5C0] =	vst v6;
	v8 =	vadd.f32 v8, v5  }
0x295: {  	v46 =	vld [tilespmem:s24+$0x2B0];
	v6 =	vbroadcast v7, $0x5;
	[tilespmem:s24+$0x260] =	vst v14;
	v15 =	vadd.f32 v15, v5  }
0x296: {  	v47 =	vld [tilespmem:s24+$0x2C0];
	v9 =	vadd.f32 v9, v4;
	[tilespmem:s24+$0x610] =	vst v8  }
0x297: {  	v53 =	vld [tilespmem:s24+$0x340];
	v13 =	vadd.f32 v13, v6;
	[tilespmem:s24+$0x620] =	vst v15  }
0x298: {  	v10 =	vld [tilespmem:s24+$0x2D0];
	v17 =	vadd.f32 v44, v6;
	[tilespmem:s24+$0x5E0] =	vst v9  }
0x299: {  	v12 =	vld [tilespmem:s24+$0x2F0];
	v18 =	vadd.f32 v45, v6;
	[tilespmem:s24+$0x280] =	vst v13  }
0x29a: {  	v49 =	vld [tilespmem:s24+$0x660];
	v7 =	vbroadcast v7, $0x6;
	v16 =	vadd.f32 v46, v6;
	[tilespmem:s24+$0x290] =	vst v17  }
0x29b: {  	v11 =	vld [tilespmem:s24+$0x300];
	v19 =	vadd.f32 v47, v6;
	[tilespmem:s24+$0x2A0] =	vst v18  }
0x29c: {  	v50 =	vld [tilespmem:s24+$0x670];
	v20 =	vadd.f32 v53, v7;
	[tilespmem:s24+$0x2B0] =	vst v16  }
0x29d: {  	v51 =	vld [tilespmem:s24+$0x680];
	v10 =	vadd.f32 v10, v6;
	[tilespmem:s24+$0x2C0] =	vst v19  }
0x29e: {  	v52 =	vld [tilespmem:s24+$0x690];
	v12 =	vadd.f32 v12, v6;
	[tilespmem:s24+$0x340] =	vst v20  }
0x29f: {  	v14 =	vld [tilespmem:s24+$0x630];
	v17 =	vadd.f32 v49, v5;
	[tilespmem:s24+$0x2D0] =	vst v10  }
0x2a0: {  	v54 =	vld [tilespmem:s24+$0x360];
	v11 =	vadd.f32 v11, v7;
	[tilespmem:s24+$0x2F0] =	vst v12  }
0x2a1: {  	v55 =	vld [tilespmem:s24+$0x370];
	v18 =	vadd.f32 v50, v5;
	[tilespmem:s24+$0x660] =	vst v17  }
0x2a2: {  	v56 =	vld [tilespmem:s24+$0x380];
	v16 =	vadd.f32 v51, v6;
	[tilespmem:s24+$0x300] =	vst v11  }
0x2a3: {  	v8 =	vld [tilespmem:s24+$0x310];
	v19 =	vadd.f32 v52, v6;
	[tilespmem:s24+$0x670] =	vst v18  }
0x2a4: {  	v15 =	vld [tilespmem:s24+$0x320];
	v14 =	vadd.f32 v14, v5;
	[tilespmem:s24+$0x680] =	vst v16  }
0x2a5: {  	v9 =	vld [tilespmem:s24+$0x2E0];
	[tilespmem:s24+$0x690] =	vst v19;
	v17 =	vadd.f32 v54, v7  }
0x2a6: {  	v13 =	vld [tilespmem:s24+$0x650];
	v18 =	vadd.f32 v55, v7;
	[tilespmem:s24+$0x630] =	vst v14  }
0x2a7: {  	v10 =	vld [tilespmem:s24+$0x6A0];
	v16 =	vadd.f32 v56, v1;
	[tilespmem:s24+$0x360] =	vst v17  }
0x2a8: {  	v12 =	vld [tilespmem:s24+$0x6C0];
	v8 =	vadd.f32 v8, v7;
	[tilespmem:s24+$0x370] =	vst v18  }
0x2a9: {  	v11 =	vld [tilespmem:s24+$0x6D0];
	v15 =	vadd.f32 v15, v7;
	[tilespmem:s24+$0x380] =	vst v16  }
0x2aa: {  	v14 =	vld [tilespmem:s24+$0x330];
	v9 =	vadd.f32 v9, v6;
	[tilespmem:s24+$0x310] =	vst v8  }
0x2ab: {  	v13 =	vadd.f32 v13, v5;
	v8 =	vld [tilespmem:s24+$0x6E0];
	[tilespmem:s24+$0x320] =	vst v15  }
0x2ac: {  	[tilespmem:s24+$0x2E0] =	vst v9;
	v9 =	vld [tilespmem:s24+$0x6B0];
	v10 =	vadd.f32 v10, v6  }
0x2ad: {  	[tilespmem:s24+$0x650] =	vst v13;
	v13 =	vld [tilespmem:s24+$0x350];
	v12 =	vadd.f32 v12, v6  }
0x2ae: {  	v15 =	vld [tilespmem:s24+$0x6F0];
	v11 =	vadd.f32 v11, v6;
	[tilespmem:s24+$0x6A0] =	vst v10  }
0x2af: {  	v57 =	vld [tilespmem:s24+$0x390];
	v14 =	vadd.f32 v14, v7;
	[tilespmem:s24+$0x6C0] =	vst v12  }
0x2b0: {  	v10 =	vld [tilespmem:s24+$0x3A0];
	[tilespmem:s24+$0x6D0] =	vst v11;
	v8 =	vadd.f32 v8, v6  }
0x2b1: {  	v12 =	vld [tilespmem:s24+$0x3C0];
	[tilespmem:s24+$0x330] =	vst v14;
	v9 =	vadd.f32 v9, v6  }
0x2b2: {  	v11 =	vld [tilespmem:s24+$0x3D0];
	v13 =	vadd.f32 v13, v7;
	[tilespmem:s24+$0x6E0] =	vst v8  }
0x2b3: {  	v14 =	vld [tilespmem:s24+$0x700];
	v8 =	vadd.f32 v15, v6;
	[tilespmem:s24+$0x6B0] =	vst v9  }
0x2b4: {  	v60 =	vld [tilespmem:s24+$0x740];
	v15 =	vadd.f32 v57, v1;
	[tilespmem:s24+$0x350] =	vst v13  }
0x2b5: {  	v58 =	vld [tilespmem:s24+$0x710];
	[tilespmem:s24+$0x6F0] =	vst v8;
	v10 =	vadd.f32 v10, v1  }
0x2b6: {  	v13 =	vld [tilespmem:s24+$0x720];
	[tilespmem:s24+$0x390] =	vst v15;
	v12 =	vadd.f32 v12, v1  }
0x2b7: {  	v9 =	vld [tilespmem:s24+$0x3B0];
	v11 =	vadd.f32 v11, v1;
	[tilespmem:s24+$0x3A0] =	vst v10  }
0x2b8: {  	v59 =	vld [tilespmem:s24+$0x730];
	v8 =	vadd.f32 v14, v7;
	[tilespmem:s24+$0x3C0] =	vst v12  }
0x2b9: {  	v61 =	vld [tilespmem:s24+$0x750];
	v12 =	vadd.f32 v60, v7;
	[tilespmem:s24+$0x3D0] =	vst v11  }
0x2ba: {  	v21 =	vld [tilespmem:s24+$0x3E0];
	[tilespmem:s24+$0x700] =	vst v8;
	v8 =	vadd.f32 v58, v7  }
0x2bb: {  	v14 =	vld [tilespmem:s24+$0x760];
	[tilespmem:s24+$0x740] =	vst v12;
	v10 =	vadd.f32 v13, v7  }
0x2bc: {  	v15 =	vld [tilespmem:s24+$0x770];
	v9 =	vadd.f32 v9, v1;
	[tilespmem:s24+$0x710] =	vst v8  }
0x2bd: {  	v8 =	vld [tilespmem:s24+$0x780];
	[tilespmem:s24+$0x720] =	vst v10;
	v10 =	vadd.f32 v59, v7  }
0x2be: {  	v12 =	vadd.f32 v61, v7;
	[tilespmem:s24+$0x3B0] =	vst v9;
	v9 =	vld [tilespmem:s24+$0x790]  }
0x2bf: {  	v13 =	vadd.f32 v21, v1;
	[tilespmem:s24+$0x730] =	vst v10;
	v10 =	vld [tilespmem:s24+$0x7A0]  }
0x2c0: {  	v11 =	vld [tilespmem:s24+$0x7B0];
	[tilespmem:s24+$0x750] =	vst v12;
	v14 =	vadd.f32 v14, v7  }
0x2c1: {  	s25 =	simm.s32 $0x2;
	v12 =	vld [tilespmem:s24+$0x7C0];
	[tilespmem:s24+$0x3E0] =	vst v13;
	v13 =	vadd.f32 v15, v7  }
.LBB2_8:
0x2c2: {  	s26 =	sshll.u32 s25, $0xA;
	p0 =	slt.u32 s25, $0x1E;
	[tilespmem:s24+$0x760] =	vst v14;
	v8 =	vadd.f32 v8, v1;
	v14 =	vld [tilespmem:s24+$0x7D0]  }
0x2c3: {  	s26 =	sand.u32 $0x3FFFFC00, s26;
	[tilespmem:s24+$0x770] =	vst v13;
	v9 =	vadd.f32 v9, v1;
	v13 =	vld [tilespmem:s24+$0x7E0]  }
0x2c4: {  	v15 =	vld [tilespmem:s26+$0x7F0];
	[tilespmem:s24+$0x780] =	vst v8;
	v8 =	vadd.f32 v10, v1  }
0x2c5: {  	v10 =	vld [tilespmem:s26+$0x0];
	[tilespmem:s24+$0x790] =	vst v9;
	v9 =	vadd.f32 v11, v1  }
0x2c6: {  	v11 =	vld [tilespmem:s26+$0x10];
	[tilespmem:s24+$0x7A0] =	vst v8;
	v8 =	vadd.f32 v12, v1  }
0x2c7: {  	v12 =	vld [tilespmem:s26+$0x20];
	[tilespmem:s24+$0x7B0] =	vst v9;
	v9 =	vadd.f32 v14, v1  }
0x2c8: {  	v14 =	vld [tilespmem:s26+$0x30];
	[tilespmem:s24+$0x7C0] =	vst v8;
	v8 =	vadd.f32 v13, v1  }
0x2c9: {  	v13 =	vld [tilespmem:s26+$0x40];
	v15 =	vadd.f32 v15, v1;
	[tilespmem:s24+$0x7D0] =	vst v9  }
0x2ca: {  	v9 =	vadd.f32 v10, v0;
	v10 =	vld [tilespmem:s26+$0x50];
	[tilespmem:s24+$0x7E0] =	vst v8;
	s24 =	smov.u32 s26  }
0x2cb: {  	v8 =	vadd.f32 v11, v0;
	v11 =	vld [tilespmem:s24+$0x60];
	[tilespmem:s24+$0x7F0] =	vst v15  }
0x2cc: {  	[tilespmem:s24+$0x0] =	vst v9;
	v9 =	vadd.f32 v12, v0;
	v12 =	vld [tilespmem:s24+$0x70]  }
0x2cd: {  	[tilespmem:s24+$0x10] =	vst v8;
	v8 =	vadd.f32 v14, v0;
	v14 =	vld [tilespmem:s24+$0x80]  }
0x2ce: {  	[tilespmem:s24+$0x20] =	vst v9;
	v9 =	vadd.f32 v13, v0;
	v13 =	vld [tilespmem:s24+$0x90]  }
0x2cf: {  	[tilespmem:s24+$0x30] =	vst v8;
	v8 =	vadd.f32 v10, v0;
	v10 =	vld [tilespmem:s24+$0xA0]  }
0x2d0: {  	[tilespmem:s24+$0x40] =	vst v9;
	v9 =	vadd.f32 v11, v0;
	v11 =	vld [tilespmem:s24+$0xB0]  }
0x2d1: {  	[tilespmem:s24+$0x50] =	vst v8;
	v8 =	vadd.f32 v12, v0;
	v12 =	vld [tilespmem:s24+$0xC0]  }
0x2d2: {  	[tilespmem:s24+$0x60] =	vst v9;
	v9 =	vadd.f32 v14, v2;
	v14 =	vld [tilespmem:s24+$0xD0]  }
0x2d3: {  	[tilespmem:s24+$0x70] =	vst v8;
	v8 =	vadd.f32 v13, v2;
	v13 =	vld [tilespmem:s24+$0xE0]  }
0x2d4: {  	[tilespmem:s24+$0x80] =	vst v9;
	v9 =	vadd.f32 v10, v2;
	v10 =	vld [tilespmem:s24+$0xF0]  }
0x2d5: {  	[tilespmem:s24+$0x90] =	vst v8;
	v8 =	vadd.f32 v11, v2;
	v11 =	vld [tilespmem:s24+$0x100]  }
0x2d6: {  	[tilespmem:s24+$0xA0] =	vst v9;
	v9 =	vadd.f32 v12, v2;
	v12 =	vld [tilespmem:s24+$0x110]  }
0x2d7: {  	[tilespmem:s24+$0xB0] =	vst v8;
	v8 =	vadd.f32 v14, v2;
	v14 =	vld [tilespmem:s24+$0x120]  }
0x2d8: {  	[tilespmem:s24+$0xC0] =	vst v9;
	v9 =	vadd.f32 v13, v2;
	v13 =	vld [tilespmem:s24+$0x130]  }
0x2d9: {  	[tilespmem:s24+$0xD0] =	vst v8;
	v8 =	vadd.f32 v10, v2;
	v10 =	vld [tilespmem:s24+$0x140]  }
0x2da: {  	[tilespmem:s24+$0xE0] =	vst v9;
	v9 =	vadd.f32 v11, v3;
	v11 =	vld [tilespmem:s24+$0x150]  }
0x2db: {  	[tilespmem:s24+$0xF0] =	vst v8;
	v8 =	vadd.f32 v12, v3;
	v12 =	vld [tilespmem:s24+$0x160]  }
0x2dc: {  	[tilespmem:s24+$0x100] =	vst v9;
	v9 =	vadd.f32 v14, v3;
	v14 =	vld [tilespmem:s24+$0x170]  }
0x2dd: {  	[tilespmem:s24+$0x110] =	vst v8;
	v8 =	vadd.f32 v13, v3;
	v13 =	vld [tilespmem:s24+$0x180]  }
0x2de: {  	[tilespmem:s24+$0x120] =	vst v9;
	v9 =	vadd.f32 v10, v3;
	v10 =	vld [tilespmem:s24+$0x190]  }
0x2df: {  	[tilespmem:s24+$0x130] =	vst v8;
	v8 =	vadd.f32 v11, v3;
	v11 =	vld [tilespmem:s24+$0x1A0]  }
0x2e0: {  	[tilespmem:s24+$0x140] =	vst v9;
	v9 =	vadd.f32 v12, v3;
	v12 =	vld [tilespmem:s24+$0x1B0]  }
0x2e1: {  	[tilespmem:s24+$0x150] =	vst v8;
	v8 =	vadd.f32 v14, v3;
	v14 =	vld [tilespmem:s24+$0x1C0]  }
0x2e2: {  	[tilespmem:s24+$0x160] =	vst v9;
	v9 =	vadd.f32 v13, v4;
	v13 =	vld [tilespmem:s24+$0x1D0]  }
0x2e3: {  	[tilespmem:s24+$0x170] =	vst v8;
	v8 =	vadd.f32 v10, v4;
	v10 =	vld [tilespmem:s24+$0x1E0]  }
0x2e4: {  	[tilespmem:s24+$0x180] =	vst v9;
	v9 =	vadd.f32 v11, v4;
	v11 =	vld [tilespmem:s24+$0x1F0]  }
0x2e5: {  	[tilespmem:s24+$0x190] =	vst v8;
	v8 =	vadd.f32 v12, v4;
	v12 =	vld [tilespmem:s24+$0x200]  }
0x2e6: {  	[tilespmem:s24+$0x1A0] =	vst v9;
	v9 =	vadd.f32 v14, v4;
	v14 =	vld [tilespmem:s24+$0x210]  }
0x2e7: {  	[tilespmem:s24+$0x1B0] =	vst v8;
	v8 =	vadd.f32 v13, v4;
	v13 =	vld [tilespmem:s24+$0x220]  }
0x2e8: {  	[tilespmem:s24+$0x1C0] =	vst v9;
	v9 =	vadd.f32 v10, v4;
	v10 =	vld [tilespmem:s24+$0x230]  }
0x2e9: {  	[tilespmem:s24+$0x1D0] =	vst v8;
	v8 =	vadd.f32 v11, v4;
	v11 =	vld [tilespmem:s24+$0x240]  }
0x2ea: {  	[tilespmem:s24+$0x1E0] =	vst v9;
	v9 =	vadd.f32 v12, v5;
	v12 =	vld [tilespmem:s24+$0x250]  }
0x2eb: {  	[tilespmem:s24+$0x1F0] =	vst v8;
	v8 =	vadd.f32 v14, v5;
	v14 =	vld [tilespmem:s24+$0x260]  }
0x2ec: {  	[tilespmem:s24+$0x200] =	vst v9;
	v9 =	vadd.f32 v13, v5;
	v13 =	vld [tilespmem:s24+$0x270]  }
0x2ed: {  	[tilespmem:s24+$0x210] =	vst v8;
	v8 =	vadd.f32 v10, v5;
	v10 =	vld [tilespmem:s24+$0x280]  }
0x2ee: {  	[tilespmem:s24+$0x220] =	vst v9;
	v9 =	vadd.f32 v11, v5;
	v11 =	vld [tilespmem:s24+$0x290]  }
0x2ef: {  	[tilespmem:s24+$0x230] =	vst v8;
	v8 =	vadd.f32 v12, v5;
	v12 =	vld [tilespmem:s24+$0x2A0]  }
0x2f0: {  	[tilespmem:s24+$0x240] =	vst v9;
	v9 =	vadd.f32 v14, v5;
	v14 =	vld [tilespmem:s24+$0x2B0]  }
0x2f1: {  	[tilespmem:s24+$0x250] =	vst v8;
	v8 =	vadd.f32 v13, v5;
	v13 =	vld [tilespmem:s24+$0x2C0]  }
0x2f2: {  	[tilespmem:s24+$0x260] =	vst v9;
	v9 =	vadd.f32 v10, v6;
	v10 =	vld [tilespmem:s24+$0x2D0]  }
0x2f3: {  	[tilespmem:s24+$0x270] =	vst v8;
	v8 =	vadd.f32 v11, v6;
	v11 =	vld [tilespmem:s24+$0x2E0]  }
0x2f4: {  	[tilespmem:s24+$0x280] =	vst v9;
	v9 =	vadd.f32 v12, v6;
	v12 =	vld [tilespmem:s24+$0x2F0]  }
0x2f5: {  	[tilespmem:s24+$0x290] =	vst v8;
	v8 =	vadd.f32 v14, v6;
	v14 =	vld [tilespmem:s24+$0x300]  }
0x2f6: {  	[tilespmem:s24+$0x2A0] =	vst v9;
	v9 =	vadd.f32 v13, v6;
	v13 =	vld [tilespmem:s24+$0x310]  }
0x2f7: {  	[tilespmem:s24+$0x2B0] =	vst v8;
	v8 =	vadd.f32 v10, v6;
	v10 =	vld [tilespmem:s24+$0x320]  }
0x2f8: {  	[tilespmem:s24+$0x2C0] =	vst v9;
	v9 =	vadd.f32 v11, v6;
	v11 =	vld [tilespmem:s24+$0x330]  }
0x2f9: {  	[tilespmem:s24+$0x2D0] =	vst v8;
	v8 =	vadd.f32 v12, v6;
	v12 =	vld [tilespmem:s24+$0x340]  }
0x2fa: {  	[tilespmem:s24+$0x2E0] =	vst v9;
	v9 =	vadd.f32 v14, v7;
	v14 =	vld [tilespmem:s24+$0x350]  }
0x2fb: {  	[tilespmem:s24+$0x2F0] =	vst v8;
	v8 =	vadd.f32 v13, v7;
	v13 =	vld [tilespmem:s24+$0x360]  }
0x2fc: {  	[tilespmem:s24+$0x300] =	vst v9;
	v9 =	vadd.f32 v10, v7;
	v10 =	vld [tilespmem:s24+$0x370]  }
0x2fd: {  	[tilespmem:s24+$0x310] =	vst v8;
	v8 =	vadd.f32 v11, v7;
	v11 =	vld [tilespmem:s24+$0x380]  }
0x2fe: {  	[tilespmem:s24+$0x320] =	vst v9;
	v9 =	vadd.f32 v12, v7;
	v12 =	vld [tilespmem:s24+$0x390]  }
0x2ff: {  	[tilespmem:s24+$0x330] =	vst v8;
	v8 =	vadd.f32 v14, v7;
	v14 =	vld [tilespmem:s24+$0x3A0]  }
0x300: {  	[tilespmem:s24+$0x340] =	vst v9;
	v9 =	vadd.f32 v13, v7;
	v13 =	vld [tilespmem:s24+$0x3B0]  }
0x301: {  	[tilespmem:s24+$0x350] =	vst v8;
	v8 =	vadd.f32 v10, v7;
	v10 =	vld [tilespmem:s24+$0x3C0]  }
0x302: {  	[tilespmem:s24+$0x360] =	vst v9;
	v9 =	vadd.f32 v11, v1;
	v11 =	vld [tilespmem:s24+$0x3D0]  }
0x303: {  	[tilespmem:s24+$0x370] =	vst v8;
	v8 =	vadd.f32 v12, v1;
	v12 =	vld [tilespmem:s24+$0x3E0]  }
0x304: {  	[tilespmem:s24+$0x380] =	vst v9;
	v9 =	vadd.f32 v14, v1;
	v14 =	vld [tilespmem:s24+$0x3F0]  }
0x305: {  	[tilespmem:s24+$0x390] =	vst v8;
	v8 =	vadd.f32 v13, v1;
	v13 =	vld [tilespmem:s24+$0x400]  }
0x306: {  	[tilespmem:s24+$0x3A0] =	vst v9;
	v9 =	vadd.f32 v10, v1;
	v10 =	vld [tilespmem:s24+$0x410]  }
0x307: {  	[tilespmem:s24+$0x3B0] =	vst v8;
	v8 =	vadd.f32 v11, v1;
	v11 =	vld [tilespmem:s24+$0x420]  }
0x308: {  	[tilespmem:s24+$0x3C0] =	vst v9;
	v9 =	vadd.f32 v12, v1;
	v12 =	vld [tilespmem:s24+$0x430]  }
0x309: {  	[tilespmem:s24+$0x3D0] =	vst v8;
	v8 =	vadd.f32 v14, v1;
	v14 =	vld [tilespmem:s24+$0x440]  }
0x30a: {  	[tilespmem:s24+$0x3E0] =	vst v9;
	v9 =	vadd.f32 v13, v0;
	v13 =	vld [tilespmem:s24+$0x450]  }
0x30b: {  	[tilespmem:s24+$0x3F0] =	vst v8;
	v8 =	vadd.f32 v10, v0;
	v10 =	vld [tilespmem:s24+$0x460]  }
0x30c: {  	[tilespmem:s24+$0x400] =	vst v9;
	v9 =	vadd.f32 v11, v0;
	v11 =	vld [tilespmem:s24+$0x470]  }
0x30d: {  	[tilespmem:s24+$0x410] =	vst v8;
	v8 =	vadd.f32 v12, v0;
	v12 =	vld [tilespmem:s24+$0x480]  }
0x30e: {  	[tilespmem:s24+$0x420] =	vst v9;
	v9 =	vadd.f32 v14, v0;
	v14 =	vld [tilespmem:s24+$0x490]  }
0x30f: {  	[tilespmem:s24+$0x430] =	vst v8;
	v8 =	vadd.f32 v13, v0;
	v13 =	vld [tilespmem:s24+$0x4A0]  }
0x310: {  	[tilespmem:s24+$0x440] =	vst v9;
	v9 =	vadd.f32 v10, v0;
	v10 =	vld [tilespmem:s24+$0x4B0]  }
0x311: {  	[tilespmem:s24+$0x450] =	vst v8;
	v8 =	vadd.f32 v11, v0;
	v11 =	vld [tilespmem:s24+$0x4C0]  }
0x312: {  	[tilespmem:s24+$0x460] =	vst v9;
	v9 =	vadd.f32 v12, v2;
	v12 =	vld [tilespmem:s24+$0x4D0]  }
0x313: {  	[tilespmem:s24+$0x470] =	vst v8;
	v8 =	vadd.f32 v14, v2;
	v14 =	vld [tilespmem:s24+$0x4E0]  }
0x314: {  	[tilespmem:s24+$0x480] =	vst v9;
	v9 =	vadd.f32 v13, v2;
	v13 =	vld [tilespmem:s24+$0x4F0]  }
0x315: {  	[tilespmem:s24+$0x490] =	vst v8;
	v8 =	vadd.f32 v10, v2;
	v10 =	vld [tilespmem:s24+$0x500]  }
0x316: {  	[tilespmem:s24+$0x4A0] =	vst v9;
	v9 =	vadd.f32 v11, v2;
	v11 =	vld [tilespmem:s24+$0x510]  }
0x317: {  	[tilespmem:s24+$0x4B0] =	vst v8;
	v8 =	vadd.f32 v12, v2;
	v12 =	vld [tilespmem:s24+$0x520]  }
0x318: {  	[tilespmem:s24+$0x4C0] =	vst v9;
	v9 =	vadd.f32 v14, v2;
	v14 =	vld [tilespmem:s24+$0x530]  }
0x319: {  	[tilespmem:s24+$0x4D0] =	vst v8;
	v8 =	vadd.f32 v13, v2;
	v13 =	vld [tilespmem:s24+$0x540]  }
0x31a: {  	[tilespmem:s24+$0x4E0] =	vst v9;
	v9 =	vadd.f32 v10, v3;
	v10 =	vld [tilespmem:s24+$0x550]  }
0x31b: {  	[tilespmem:s24+$0x4F0] =	vst v8;
	v8 =	vadd.f32 v11, v3;
	v11 =	vld [tilespmem:s24+$0x560]  }
0x31c: {  	[tilespmem:s24+$0x500] =	vst v9;
	v9 =	vadd.f32 v12, v3;
	v12 =	vld [tilespmem:s24+$0x570]  }
0x31d: {  	[tilespmem:s24+$0x510] =	vst v8;
	v8 =	vadd.f32 v14, v3;
	v14 =	vld [tilespmem:s24+$0x580]  }
0x31e: {  	[tilespmem:s24+$0x520] =	vst v9;
	v9 =	vadd.f32 v13, v3;
	v13 =	vld [tilespmem:s24+$0x590]  }
0x31f: {  	[tilespmem:s24+$0x530] =	vst v8;
	v8 =	vadd.f32 v10, v3;
	v10 =	vld [tilespmem:s24+$0x5A0]  }
0x320: {  	[tilespmem:s24+$0x540] =	vst v9;
	v9 =	vadd.f32 v11, v3;
	v11 =	vld [tilespmem:s24+$0x5B0]  }
0x321: {  	[tilespmem:s24+$0x550] =	vst v8;
	v8 =	vadd.f32 v12, v3;
	v12 =	vld [tilespmem:s24+$0x5C0]  }
0x322: {  	[tilespmem:s24+$0x560] =	vst v9;
	v9 =	vadd.f32 v14, v4;
	v14 =	vld [tilespmem:s24+$0x5D0]  }
0x323: {  	[tilespmem:s24+$0x570] =	vst v8;
	v8 =	vadd.f32 v13, v4;
	v13 =	vld [tilespmem:s24+$0x5E0]  }
0x324: {  	[tilespmem:s24+$0x580] =	vst v9;
	v9 =	vadd.f32 v10, v4;
	v10 =	vld [tilespmem:s24+$0x5F0]  }
0x325: {  	[tilespmem:s24+$0x590] =	vst v8;
	v8 =	vadd.f32 v11, v4;
	v11 =	vld [tilespmem:s24+$0x600]  }
0x326: {  	[tilespmem:s24+$0x5A0] =	vst v9;
	v9 =	vadd.f32 v12, v4;
	v12 =	vld [tilespmem:s24+$0x610]  }
0x327: {  	[tilespmem:s24+$0x5B0] =	vst v8;
	v8 =	vadd.f32 v14, v4;
	v14 =	vld [tilespmem:s24+$0x620]  }
0x328: {  	[tilespmem:s24+$0x5C0] =	vst v9;
	v9 =	vadd.f32 v13, v4;
	v13 =	vld [tilespmem:s24+$0x630]  }
0x329: {  	[tilespmem:s24+$0x5D0] =	vst v8;
	v8 =	vadd.f32 v10, v4;
	v10 =	vld [tilespmem:s24+$0x640]  }
0x32a: {  	[tilespmem:s24+$0x5E0] =	vst v9;
	v9 =	vadd.f32 v11, v5;
	v11 =	vld [tilespmem:s24+$0x650]  }
0x32b: {  	[tilespmem:s24+$0x5F0] =	vst v8;
	v8 =	vadd.f32 v12, v5;
	v12 =	vld [tilespmem:s24+$0x660]  }
0x32c: {  	[tilespmem:s24+$0x600] =	vst v9;
	v9 =	vadd.f32 v14, v5;
	v14 =	vld [tilespmem:s24+$0x670]  }
0x32d: {  	[tilespmem:s24+$0x610] =	vst v8;
	v8 =	vadd.f32 v13, v5;
	v13 =	vld [tilespmem:s24+$0x680]  }
0x32e: {  	[tilespmem:s24+$0x620] =	vst v9;
	v9 =	vadd.f32 v10, v5;
	v10 =	vld [tilespmem:s24+$0x690]  }
0x32f: {  	[tilespmem:s24+$0x630] =	vst v8;
	v8 =	vadd.f32 v11, v5;
	v11 =	vld [tilespmem:s24+$0x6A0]  }
0x330: {  	[tilespmem:s24+$0x640] =	vst v9;
	v9 =	vadd.f32 v12, v5;
	v12 =	vld [tilespmem:s24+$0x6B0]  }
0x331: {  	[tilespmem:s24+$0x650] =	vst v8;
	v8 =	vadd.f32 v14, v5;
	v14 =	vld [tilespmem:s24+$0x6C0]  }
0x332: {  	[tilespmem:s24+$0x660] =	vst v9;
	v9 =	vadd.f32 v13, v6;
	v13 =	vld [tilespmem:s24+$0x6D0]  }
0x333: {  	[tilespmem:s24+$0x670] =	vst v8;
	v8 =	vadd.f32 v10, v6;
	v10 =	vld [tilespmem:s24+$0x6E0]  }
0x334: {  	[tilespmem:s24+$0x680] =	vst v9;
	v9 =	vadd.f32 v11, v6;
	v11 =	vld [tilespmem:s24+$0x6F0]  }
0x335: {  	[tilespmem:s24+$0x690] =	vst v8;
	v8 =	vadd.f32 v12, v6;
	v12 =	vld [tilespmem:s24+$0x700]  }
0x336: {  	[tilespmem:s24+$0x6A0] =	vst v9;
	v9 =	vadd.f32 v14, v6;
	v14 =	vld [tilespmem:s24+$0x710]  }
0x337: {  	[tilespmem:s24+$0x6B0] =	vst v8;
	v8 =	vadd.f32 v13, v6;
	v13 =	vld [tilespmem:s24+$0x720]  }
0x338: {  	[tilespmem:s24+$0x6C0] =	vst v9;
	v9 =	vadd.f32 v10, v6;
	v10 =	vld [tilespmem:s24+$0x730]  }
0x339: {  	[tilespmem:s24+$0x6D0] =	vst v8;
	v8 =	vadd.f32 v11, v6;
	v11 =	vld [tilespmem:s24+$0x740]  }
0x33a: {  	[tilespmem:s24+$0x6E0] =	vst v9;
	v9 =	vadd.f32 v12, v7;
	v12 =	vld [tilespmem:s24+$0x750]  }
0x33b: {  	[tilespmem:s24+$0x6F0] =	vst v8;
	v8 =	vadd.f32 v14, v7;
	v14 =	vld [tilespmem:s24+$0x760]  }
0x33c: {  	[tilespmem:s24+$0x700] =	vst v9;
	v9 =	vadd.f32 v13, v7;
	v13 =	vld [tilespmem:s24+$0x770]  }
.Ltmp3:
0x33d: {  	[tilespmem:s24+$0x710] =	vst v8;
	v10 =	vadd.f32 v10, v7;
	v8 =	vld [tilespmem:s24+$0x780];
	(pc) =	sbr.rel @p0 .LBB2_8-.Ltmp3, $4  }
0x33e: {  	[tilespmem:s24+$0x720] =	vst v9;
	v11 =	vadd.f32 v11, v7;
	v9 =	vld [tilespmem:s24+$0x790]  }
0x33f: {  	[tilespmem:s24+$0x730] =	vst v10;
	v12 =	vadd.f32 v12, v7;
	v10 =	vld [tilespmem:s24+$0x7A0]  }
0x340: {  	[tilespmem:s24+$0x740] =	vst v11;
	v14 =	vadd.f32 v14, v7;
	v11 =	vld [tilespmem:s24+$0x7B0]  }
0x341: {  	s25 =	sadd.s32 $0x2, s25;
	[tilespmem:s24+$0x750] =	vst v12;
	v13 =	vadd.f32 v13, v7;
	v12 =	vld [tilespmem:s24+$0x7C0]  }
0x342: {  	[tilespmem:s24+$0x760] =	vst v14;
	v0 =	vld [tilespmem:s24+$0x7D0];
	v2 =	vadd.f32 v8, v1  }
0x343: {  	v4 =	vld [tilespmem:s24+$0x7E0];
	[tilespmem:s24+$0x770] =	vst v13;
	v3 =	vadd.f32 v9, v1  }
0x344: {  	[tilespmem:s24+$0x780] =	vst v2;
	v2 =	vadd.f32 v10, v1  }
0x345: {  	[tilespmem:s24+$0x790] =	vst v3;
	v3 =	vadd.f32 v11, v1  }
0x346: {  	[tilespmem:s24+$0x7A0] =	vst v2;
	v2 =	vadd.f32 v12, v1  }
0x347: {  	[tilespmem:s24+$0x7B0] =	vst v3;
	v0 =	vadd.f32 v0, v1  }
0x348: {  	v1 =	vadd.f32 v4, v1;
	[tilespmem:s24+$0x7C0] =	vst v2  }
0x349: {  	[tilespmem:s24+$0x7D0] =	vst v0  }
0x34a: {  	s30 =	simm.s32 $0x0;
	[tilespmem:s24+$0x7E0] =	vst v1  }
0x34b: {  	[hbm4b:s12+s30] =	stream.linear.scatter [tilespmem:s30], [sflag:$0x3], $0x8000, $0x38;
	[tilespmem:$0x13280] =	vst v63  }
0x34c: {  	_ =	swait.ge [sflag:s20], $0x8000  }
0x34d: {  	[sflag:s20] =	ssyncset.done $0x0  }
0x34e: {  	s31 =	simm.s32 $0x0;
	[sflag:s20] =	ssyncadd.s32 $0xFFFF8000  }
0x34f: {  	s24 =	sand.u32 $0x3FFFFC00, s31;
	v7 =	vld [tilespmem:s13+$0x0]  }
0x350: {  	v1 =	vld [tilespmem:s24+$0x8000]  }
0x351: {  	v2 =	vld [tilespmem:s24+$0x8010]  }
0x352: {  	v3 =	vld [tilespmem:s24+$0x8020]  }
0x353: {  	v4 =	vld [tilespmem:s24+$0x8030]  }
0x354: {  	v5 =	vld [tilespmem:s24+$0x8040]  }
0x355: {  	v6 =	vld [tilespmem:s24+$0x8050];
	v0 =	vbroadcast v7, $0x0  }
0x356: {  	v8 =	vld [tilespmem:s24+$0x8060]  }
0x357: {  	v9 =	vld [tilespmem:s24+$0x8080];
	v1 =	vadd.f32 v1, v0  }
0x358: {  	v17 =	vld [tilespmem:s24+$0x8460];
	v2 =	vadd.f32 v2, v0  }
0x359: {  	v10 =	vld [tilespmem:s24+$0x80C0];
	v3 =	vadd.f32 v3, v0;
	[tilespmem:s24+$0x8000] =	vst v1  }
0x35a: {  	v1 =	vld [tilespmem:s24+$0x8070];
	[tilespmem:s24+$0x8010] =	vst v2;
	v2 =	vadd.f32 v4, v0  }
0x35b: {  	v12 =	vld [tilespmem:s24+$0x8410];
	v8 =	vadd.f32 v8, v0;
	[tilespmem:s24+$0x8020] =	vst v3  }
0x35c: {  	v3 =	vld [tilespmem:s24+$0x8090];
	[tilespmem:s24+$0x8030] =	vst v2;
	v2 =	vadd.f32 v6, v0  }
0x35d: {  	v17 =	vadd.f32 v17, v0;
	v4 =	vadd.f32 v5, v0;
	v5 =	vld [tilespmem:s24+$0x80A0];
	[tilespmem:s24+$0x8060] =	vst v8  }
0x35e: {  	v8 =	vld [tilespmem:s24+$0x80D0];
	[tilespmem:s24+$0x8050] =	vst v2;
	v2 =	vbroadcast v7, $0x1  }
0x35f: {  	[tilespmem:s24+$0x8460] =	vst v17;
	v6 =	vld [tilespmem:s24+$0x87F0];
	v11 =	vadd.f32 v1, v0  }
0x360: {  	[tilespmem:s24+$0x8040] =	vst v4;
	v4 =	vld [tilespmem:s24+$0x80B0];
	v9 =	vadd.f32 v9, v2  }
0x361: {  	v13 =	vld [tilespmem:s24+$0x8420];
	v3 =	vadd.f32 v3, v2;
	[tilespmem:s24+$0x8070] =	vst v11  }
0x362: {  	v14 =	vld [tilespmem:s24+$0x8430];
	v1 =	vbroadcast v7, $0x7;
	v5 =	vadd.f32 v5, v2;
	[tilespmem:s24+$0x8080] =	vst v9  }
0x363: {  	v15 =	vld [tilespmem:s24+$0x8440];
	v8 =	vadd.f32 v8, v2;
	[tilespmem:s24+$0x8090] =	vst v3  }
0x364: {  	v16 =	vld [tilespmem:s24+$0x8450];
	v6 =	vadd.f32 v6, v1;
	[tilespmem:s24+$0x80A0] =	vst v5  }
0x365: {  	v18 =	vld [tilespmem:s24+$0x8100];
	v4 =	vadd.f32 v4, v2;
	[tilespmem:s24+$0x80D0] =	vst v8  }
0x366: {  	v11 =	vld [tilespmem:s24+$0x80E0];
	v3 =	vadd.f32 v12, v0;
	[tilespmem:s24+$0x87F0] =	vst v6  }
0x367: {  	v31 =	vld [tilespmem:s24+$0x8150];
	v12 =	vadd.f32 v13, v0;
	[tilespmem:s24+$0x80B0] =	vst v4  }
0x368: {  	v9 =	vld [tilespmem:s24+$0x8400];
	[tilespmem:s24+$0x8410] =	vst v3;
	v3 =	vadd.f32 v10, v2  }
0x369: {  	v5 =	vld [tilespmem:s24+$0x8470];
	v13 =	vadd.f32 v14, v0;
	[tilespmem:s24+$0x8420] =	vst v12  }
0x36a: {  	v8 =	vld [tilespmem:s24+$0x84A0];
	[tilespmem:s24+$0x80C0] =	vst v3;
	v3 =	vadd.f32 v15, v0  }
0x36b: {  	v6 =	vld [tilespmem:s24+$0x80F0];
	[tilespmem:s24+$0x8430] =	vst v13;
	v11 =	vadd.f32 v11, v2  }
0x36c: {  	v4 =	vld [tilespmem:s24+$0x8480];
	v15 =	vadd.f32 v16, v0;
	[tilespmem:s24+$0x8440] =	vst v3  }
0x36d: {  	v12 =	vld [tilespmem:s24+$0x8490];
	v9 =	vadd.f32 v9, v0;
	[tilespmem:s24+$0x80E0] =	vst v11  }
0x36e: {  	v32 =	vld [tilespmem:s24+$0x8160];
	v5 =	vadd.f32 v5, v0;
	[tilespmem:s24+$0x8450] =	vst v15  }
0x36f: {  	v10 =	vld [tilespmem:s24+$0x8120];
	v8 =	vadd.f32 v8, v2;
	[tilespmem:s24+$0x8400] =	vst v9  }
0x370: {  	v14 =	vld [tilespmem:s24+$0x8130];
	v6 =	vadd.f32 v6, v2;
	[tilespmem:s24+$0x8470] =	vst v5  }
0x371: {  	v33 =	vld [tilespmem:s24+$0x8170];
	v3 =	vbroadcast v7, $0x2;
	v4 =	vadd.f32 v4, v2;
	[tilespmem:s24+$0x84A0] =	vst v8  }
0x372: {  	v19 =	vld [tilespmem:s24+$0x81A0];
	v12 =	vadd.f32 v12, v2;
	[tilespmem:s24+$0x80F0] =	vst v6  }
0x373: {  	v36 =	vld [tilespmem:s24+$0x8530];
	v15 =	vadd.f32 v18, v3;
	[tilespmem:s24+$0x8480] =	vst v4  }
0x374: {  	v13 =	vld [tilespmem:s24+$0x8140];
	v5 =	vadd.f32 v10, v3;
	[tilespmem:s24+$0x8490] =	vst v12  }
0x375: {  	v11 =	vld [tilespmem:s24+$0x84B0];
	v4 =	vadd.f32 v14, v3;
	[tilespmem:s24+$0x8100] =	vst v15  }
0x376: {  	v9 =	vld [tilespmem:s24+$0x8110];
	v8 =	vadd.f32 v31, v3;
	[tilespmem:s24+$0x8120] =	vst v5  }
0x377: {  	v6 =	vld [tilespmem:s24+$0x84C0];
	v34 =	vadd.f32 v32, v3;
	[tilespmem:s24+$0x8130] =	vst v4  }
0x378: {  	v62 =	vld [tilespmem:s24+$0x83F0];
	v16 =	vadd.f32 v36, v3;
	[tilespmem:s24+$0x8150] =	vst v8  }
0x379: {  	v12 =	vadd.f32 v13, v3;
	v13 =	vld [tilespmem:s24+$0x8500];
	[tilespmem:s24+$0x8160] =	vst v34  }
0x37a: {  	v15 =	vld [tilespmem:s24+$0x84D0];
	[tilespmem:s24+$0x8530] =	vst v16;
	v4 =	vadd.f32 v11, v2  }
0x37b: {  	v40 =	vld [tilespmem:s24+$0x85A0];
	[tilespmem:s24+$0x8140] =	vst v12;
	v9 =	vadd.f32 v9, v3  }
0x37c: {  	v10 =	vld [tilespmem:s24+$0x8180];
	v6 =	vadd.f32 v6, v2;
	[tilespmem:s24+$0x84B0] =	vst v4  }
0x37d: {  	v5 =	vld [tilespmem:s24+$0x84F0];
	v63 =	vadd.f32 v62, v1;
	[tilespmem:s24+$0x8110] =	vst v9  }
0x37e: {  	v14 =	vld [tilespmem:s24+$0x8190];
	v13 =	vadd.f32 v13, v3;
	[tilespmem:s24+$0x84C0] =	vst v6  }
0x37f: {  	v11 =	vld [tilespmem:s24+$0x8510];
	v4 =	vbroadcast v7, $0x3;
	v15 =	vadd.f32 v15, v2;
	[tilespmem:s24+$0x83F0] =	vst v63  }
0x380: {  	v12 =	vld [tilespmem:s24+$0x81B0];
	v6 =	vadd.f32 v33, v3;
	[tilespmem:s24+$0x8500] =	vst v13  }
0x381: {  	v10 =	vadd.f32 v10, v4;
	[tilespmem:s24+$0x84D0] =	vst v15  }
0x382: {  	v9 =	vld [tilespmem:s24+$0x84E0];
	v5 =	vadd.f32 v5, v2;
	[tilespmem:s24+$0x8170] =	vst v6  }
0x383: {  	v8 =	vld [tilespmem:s24+$0x8520];
	v16 =	vadd.f32 v40, v4;
	[tilespmem:s24+$0x8180] =	vst v10  }
0x384: {  	v35 =	vld [tilespmem:s24+$0x81C0];
	v11 =	vadd.f32 v11, v3;
	[tilespmem:s24+$0x84F0] =	vst v5  }
0x385: {  	v12 =	vadd.f32 v12, v4;
	[tilespmem:s24+$0x85A0] =	vst v16  }
0x386: {  	v37 =	vld [tilespmem:s24+$0x81D0];
	v5 =	vadd.f32 v19, v4;
	[tilespmem:s24+$0x8510] =	vst v11  }
0x387: {  	v13 =	vld [tilespmem:s24+$0x8570];
	[tilespmem:s24+$0x81B0] =	vst v12;
	v9 =	vadd.f32 v9, v2  }
0x388: {  	v6 =	vld [tilespmem:s24+$0x8540];
	[tilespmem:s24+$0x81A0] =	vst v5;
	v5 =	vadd.f32 v8, v3  }
0x389: {  	v15 =	vld [tilespmem:s24+$0x81E0];
	v8 =	vadd.f32 v35, v4;
	[tilespmem:s24+$0x84E0] =	vst v9  }
0x38a: {  	v10 =	vld [tilespmem:s24+$0x8550];
	v9 =	vadd.f32 v14, v4;
	[tilespmem:s24+$0x8520] =	vst v5  }
0x38b: {  	v11 =	vld [tilespmem:s24+$0x8580];
	v5 =	vadd.f32 v37, v4;
	[tilespmem:s24+$0x81C0] =	vst v8  }
0x38c: {  	v38 =	vld [tilespmem:s24+$0x8200];
	v13 =	vadd.f32 v13, v3;
	[tilespmem:s24+$0x8190] =	vst v9  }
0x38d: {  	v12 =	vld [tilespmem:s24+$0x8220];
	v6 =	vadd.f32 v6, v3;
	[tilespmem:s24+$0x81D0] =	vst v5  }
0x38e: {  	v39 =	vld [tilespmem:s24+$0x8230];
	v15 =	vadd.f32 v15, v4;
	[tilespmem:s24+$0x8570] =	vst v13  }
0x38f: {  	v14 =	vld [tilespmem:s24+$0x81F0];
	v10 =	vadd.f32 v10, v3;
	v5 =	vbroadcast v7, $0x4;
	[tilespmem:s24+$0x8540] =	vst v6  }
0x390: {  	v8 =	vld [tilespmem:s24+$0x8590];
	v11 =	vadd.f32 v11, v4;
	[tilespmem:s24+$0x81E0] =	vst v15  }
0x391: {  	v9 =	vld [tilespmem:s24+$0x8560];
	[tilespmem:s24+$0x8550] =	vst v10;
	v10 =	vadd.f32 v38, v5  }
0x392: {  	v41 =	vld [tilespmem:s24+$0x8240];
	v12 =	vadd.f32 v12, v5;
	[tilespmem:s24+$0x8580] =	vst v11  }
0x393: {  	v15 =	vld [tilespmem:s24+$0x8250];
	v11 =	vadd.f32 v39, v5;
	[tilespmem:s24+$0x8200] =	vst v10  }
0x394: {  	v20 =	vld [tilespmem:s24+$0x8210];
	v6 =	vadd.f32 v14, v4;
	[tilespmem:s24+$0x8220] =	vst v12  }
0x395: {  	v43 =	vld [tilespmem:s24+$0x8270];
	v8 =	vadd.f32 v8, v4;
	[tilespmem:s24+$0x8230] =	vst v11  }
0x396: {  	v14 =	vld [tilespmem:s24+$0x85B0];
	v9 =	vadd.f32 v9, v3;
	[tilespmem:s24+$0x81F0] =	vst v6  }
0x397: {  	v10 =	vld [tilespmem:s24+$0x85D0];
	[tilespmem:s24+$0x8590] =	vst v8;
	v8 =	vadd.f32 v41, v5  }
0x398: {  	v12 =	vld [tilespmem:s24+$0x85F0];
	v15 =	vadd.f32 v15, v5;
	[tilespmem:s24+$0x8560] =	vst v9  }
0x399: {  	v11 =	vld [tilespmem:s24+$0x8600];
	v9 =	vadd.f32 v20, v5;
	[tilespmem:s24+$0x8240] =	vst v8  }
0x39a: {  	v48 =	vld [tilespmem:s24+$0x8640];
	v20 =	vadd.f32 v43, v5;
	[tilespmem:s24+$0x8250] =	vst v15  }
0x39b: {  	v6 =	vld [tilespmem:s24+$0x85C0];
	v14 =	vadd.f32 v14, v4;
	[tilespmem:s24+$0x8210] =	vst v9  }
0x39c: {  	v42 =	vld [tilespmem:s24+$0x8260];
	v10 =	vadd.f32 v10, v4;
	[tilespmem:s24+$0x8270] =	vst v20  }
0x39d: {  	v8 =	vld [tilespmem:s24+$0x8610];
	v12 =	vadd.f32 v12, v4;
	[tilespmem:s24+$0x85B0] =	vst v14  }
0x39e: {  	v15 =	vld [tilespmem:s24+$0x8620];
	v11 =	vadd.f32 v11, v5;
	[tilespmem:s24+$0x85D0] =	vst v10  }
0x39f: {  	v9 =	vld [tilespmem:s24+$0x85E0];
	v20 =	vadd.f32 v48, v5;
	[tilespmem:s24+$0x85F0] =	vst v12  }
0x3a0: {  	v13 =	vld [tilespmem:s24+$0x8280];
	v6 =	vadd.f32 v6, v4;
	[tilespmem:s24+$0x8600] =	vst v11  }
0x3a1: {  	v44 =	vld [tilespmem:s24+$0x8290];
	v14 =	vadd.f32 v42, v5;
	[tilespmem:s24+$0x8640] =	vst v20  }
0x3a2: {  	v45 =	vld [tilespmem:s24+$0x82A0];
	[tilespmem:s24+$0x85C0] =	vst v6;
	v8 =	vadd.f32 v8, v5  }
0x3a3: {  	v46 =	vld [tilespmem:s24+$0x82B0];
	v6 =	vbroadcast v7, $0x5;
	[tilespmem:s24+$0x8260] =	vst v14;
	v15 =	vadd.f32 v15, v5  }
0x3a4: {  	v47 =	vld [tilespmem:s24+$0x82C0];
	v9 =	vadd.f32 v9, v4;
	[tilespmem:s24+$0x8610] =	vst v8  }
0x3a5: {  	v53 =	vld [tilespmem:s24+$0x8340];
	v13 =	vadd.f32 v13, v6;
	[tilespmem:s24+$0x8620] =	vst v15  }
0x3a6: {  	v10 =	vld [tilespmem:s24+$0x82D0];
	v17 =	vadd.f32 v44, v6;
	[tilespmem:s24+$0x85E0] =	vst v9  }
0x3a7: {  	v12 =	vld [tilespmem:s24+$0x82F0];
	v18 =	vadd.f32 v45, v6;
	[tilespmem:s24+$0x8280] =	vst v13  }
0x3a8: {  	v49 =	vld [tilespmem:s24+$0x8660];
	v7 =	vbroadcast v7, $0x6;
	v16 =	vadd.f32 v46, v6;
	[tilespmem:s24+$0x8290] =	vst v17  }
0x3a9: {  	v11 =	vld [tilespmem:s24+$0x8300];
	v19 =	vadd.f32 v47, v6;
	[tilespmem:s24+$0x82A0] =	vst v18  }
0x3aa: {  	v50 =	vld [tilespmem:s24+$0x8670];
	v20 =	vadd.f32 v53, v7;
	[tilespmem:s24+$0x82B0] =	vst v16  }
0x3ab: {  	v51 =	vld [tilespmem:s24+$0x8680];
	v10 =	vadd.f32 v10, v6;
	[tilespmem:s24+$0x82C0] =	vst v19  }
0x3ac: {  	v52 =	vld [tilespmem:s24+$0x8690];
	v12 =	vadd.f32 v12, v6;
	[tilespmem:s24+$0x8340] =	vst v20  }
0x3ad: {  	v14 =	vld [tilespmem:s24+$0x8630];
	v17 =	vadd.f32 v49, v5;
	[tilespmem:s24+$0x82D0] =	vst v10  }
0x3ae: {  	v54 =	vld [tilespmem:s24+$0x8360];
	v11 =	vadd.f32 v11, v7;
	[tilespmem:s24+$0x82F0] =	vst v12  }
0x3af: {  	v55 =	vld [tilespmem:s24+$0x8370];
	v18 =	vadd.f32 v50, v5;
	[tilespmem:s24+$0x8660] =	vst v17  }
0x3b0: {  	v56 =	vld [tilespmem:s24+$0x8380];
	v16 =	vadd.f32 v51, v6;
	[tilespmem:s24+$0x8300] =	vst v11  }
0x3b1: {  	v8 =	vld [tilespmem:s24+$0x8310];
	v19 =	vadd.f32 v52, v6;
	[tilespmem:s24+$0x8670] =	vst v18  }
0x3b2: {  	v15 =	vld [tilespmem:s24+$0x8320];
	v14 =	vadd.f32 v14, v5;
	[tilespmem:s24+$0x8680] =	vst v16  }
0x3b3: {  	v9 =	vld [tilespmem:s24+$0x82E0];
	[tilespmem:s24+$0x8690] =	vst v19;
	v17 =	vadd.f32 v54, v7  }
0x3b4: {  	v13 =	vld [tilespmem:s24+$0x8650];
	v18 =	vadd.f32 v55, v7;
	[tilespmem:s24+$0x8630] =	vst v14  }
0x3b5: {  	v10 =	vld [tilespmem:s24+$0x86A0];
	v16 =	vadd.f32 v56, v1;
	[tilespmem:s24+$0x8360] =	vst v17  }
0x3b6: {  	v12 =	vld [tilespmem:s24+$0x86C0];
	v8 =	vadd.f32 v8, v7;
	[tilespmem:s24+$0x8370] =	vst v18  }
0x3b7: {  	v11 =	vld [tilespmem:s24+$0x86D0];
	v15 =	vadd.f32 v15, v7;
	[tilespmem:s24+$0x8380] =	vst v16  }
0x3b8: {  	v14 =	vld [tilespmem:s24+$0x8330];
	v9 =	vadd.f32 v9, v6;
	[tilespmem:s24+$0x8310] =	vst v8  }
0x3b9: {  	v13 =	vadd.f32 v13, v5;
	v8 =	vld [tilespmem:s24+$0x86E0];
	[tilespmem:s24+$0x8320] =	vst v15  }
0x3ba: {  	[tilespmem:s24+$0x82E0] =	vst v9;
	v9 =	vld [tilespmem:s24+$0x86B0];
	v10 =	vadd.f32 v10, v6  }
0x3bb: {  	[tilespmem:s24+$0x8650] =	vst v13;
	v13 =	vld [tilespmem:s24+$0x8350];
	v12 =	vadd.f32 v12, v6  }
0x3bc: {  	v15 =	vld [tilespmem:s24+$0x86F0];
	v11 =	vadd.f32 v11, v6;
	[tilespmem:s24+$0x86A0] =	vst v10  }
0x3bd: {  	v57 =	vld [tilespmem:s24+$0x8390];
	v14 =	vadd.f32 v14, v7;
	[tilespmem:s24+$0x86C0] =	vst v12  }
0x3be: {  	v10 =	vld [tilespmem:s24+$0x83A0];
	[tilespmem:s24+$0x86D0] =	vst v11;
	v8 =	vadd.f32 v8, v6  }
0x3bf: {  	v12 =	vld [tilespmem:s24+$0x83C0];
	[tilespmem:s24+$0x8330] =	vst v14;
	v9 =	vadd.f32 v9, v6  }
0x3c0: {  	v11 =	vld [tilespmem:s24+$0x83D0];
	v13 =	vadd.f32 v13, v7;
	[tilespmem:s24+$0x86E0] =	vst v8  }
0x3c1: {  	v14 =	vld [tilespmem:s24+$0x8700];
	v8 =	vadd.f32 v15, v6;
	[tilespmem:s24+$0x86B0] =	vst v9  }
0x3c2: {  	v60 =	vld [tilespmem:s24+$0x8740];
	v15 =	vadd.f32 v57, v1;
	[tilespmem:s24+$0x8350] =	vst v13  }
0x3c3: {  	v58 =	vld [tilespmem:s24+$0x8710];
	[tilespmem:s24+$0x86F0] =	vst v8;
	v10 =	vadd.f32 v10, v1  }
0x3c4: {  	v13 =	vld [tilespmem:s24+$0x8720];
	[tilespmem:s24+$0x8390] =	vst v15;
	v12 =	vadd.f32 v12, v1  }
0x3c5: {  	v9 =	vld [tilespmem:s24+$0x83B0];
	v11 =	vadd.f32 v11, v1;
	[tilespmem:s24+$0x83A0] =	vst v10  }
0x3c6: {  	v59 =	vld [tilespmem:s24+$0x8730];
	v8 =	vadd.f32 v14, v7;
	[tilespmem:s24+$0x83C0] =	vst v12  }
0x3c7: {  	v61 =	vld [tilespmem:s24+$0x8750];
	v12 =	vadd.f32 v60, v7;
	[tilespmem:s24+$0x83D0] =	vst v11  }
0x3c8: {  	v21 =	vld [tilespmem:s24+$0x83E0];
	[tilespmem:s24+$0x8700] =	vst v8;
	v8 =	vadd.f32 v58, v7  }
0x3c9: {  	v14 =	vld [tilespmem:s24+$0x8760];
	[tilespmem:s24+$0x8740] =	vst v12;
	v10 =	vadd.f32 v13, v7  }
0x3ca: {  	v15 =	vld [tilespmem:s24+$0x8770];
	v9 =	vadd.f32 v9, v1;
	[tilespmem:s24+$0x8710] =	vst v8  }
0x3cb: {  	v8 =	vld [tilespmem:s24+$0x8780];
	[tilespmem:s24+$0x8720] =	vst v10;
	v10 =	vadd.f32 v59, v7  }
0x3cc: {  	v12 =	vadd.f32 v61, v7;
	[tilespmem:s24+$0x83B0] =	vst v9;
	v9 =	vld [tilespmem:s24+$0x8790]  }
0x3cd: {  	v13 =	vadd.f32 v21, v1;
	[tilespmem:s24+$0x8730] =	vst v10;
	v10 =	vld [tilespmem:s24+$0x87A0]  }
0x3ce: {  	v11 =	vld [tilespmem:s24+$0x87B0];
	[tilespmem:s24+$0x8750] =	vst v12;
	v14 =	vadd.f32 v14, v7  }
0x3cf: {  	s25 =	simm.s32 $0x2;
	v12 =	vld [tilespmem:s24+$0x87C0];
	[tilespmem:s24+$0x83E0] =	vst v13;
	v13 =	vadd.f32 v15, v7  }
.LBB2_10:
0x3d0: {  	s26 =	sshll.u32 s25, $0xA;
	p0 =	slt.u32 s25, $0x1E;
	[tilespmem:s24+$0x8760] =	vst v14;
	v8 =	vadd.f32 v8, v1;
	v14 =	vld [tilespmem:s24+$0x87D0]  }
0x3d1: {  	s26 =	sand.u32 $0x3FFFFC00, s26;
	[tilespmem:s24+$0x8770] =	vst v13;
	v9 =	vadd.f32 v9, v1;
	v13 =	vld [tilespmem:s24+$0x87E0]  }
0x3d2: {  	v15 =	vld [tilespmem:s26+$0x87F0];
	[tilespmem:s24+$0x8780] =	vst v8;
	v8 =	vadd.f32 v10, v1  }
0x3d3: {  	v10 =	vld [tilespmem:s26+$0x8000];
	[tilespmem:s24+$0x8790] =	vst v9;
	v9 =	vadd.f32 v11, v1  }
0x3d4: {  	v11 =	vld [tilespmem:s26+$0x8010];
	[tilespmem:s24+$0x87A0] =	vst v8;
	v8 =	vadd.f32 v12, v1  }
0x3d5: {  	v12 =	vld [tilespmem:s26+$0x8020];
	[tilespmem:s24+$0x87B0] =	vst v9;
	v9 =	vadd.f32 v14, v1  }
0x3d6: {  	v14 =	vld [tilespmem:s26+$0x8030];
	[tilespmem:s24+$0x87C0] =	vst v8;
	v8 =	vadd.f32 v13, v1  }
0x3d7: {  	v13 =	vld [tilespmem:s26+$0x8040];
	v15 =	vadd.f32 v15, v1;
	[tilespmem:s24+$0x87D0] =	vst v9  }
0x3d8: {  	v9 =	vadd.f32 v10, v0;
	v10 =	vld [tilespmem:s26+$0x8050];
	[tilespmem:s24+$0x87E0] =	vst v8;
	s24 =	smov.u32 s26  }
0x3d9: {  	v8 =	vadd.f32 v11, v0;
	v11 =	vld [tilespmem:s24+$0x8060];
	[tilespmem:s24+$0x87F0] =	vst v15  }
0x3da: {  	[tilespmem:s24+$0x8000] =	vst v9;
	v9 =	vadd.f32 v12, v0;
	v12 =	vld [tilespmem:s24+$0x8070]  }
0x3db: {  	[tilespmem:s24+$0x8010] =	vst v8;
	v8 =	vadd.f32 v14, v0;
	v14 =	vld [tilespmem:s24+$0x8080]  }
0x3dc: {  	[tilespmem:s24+$0x8020] =	vst v9;
	v9 =	vadd.f32 v13, v0;
	v13 =	vld [tilespmem:s24+$0x8090]  }
0x3dd: {  	[tilespmem:s24+$0x8030] =	vst v8;
	v8 =	vadd.f32 v10, v0;
	v10 =	vld [tilespmem:s24+$0x80A0]  }
0x3de: {  	[tilespmem:s24+$0x8040] =	vst v9;
	v9 =	vadd.f32 v11, v0;
	v11 =	vld [tilespmem:s24+$0x80B0]  }
0x3df: {  	[tilespmem:s24+$0x8050] =	vst v8;
	v8 =	vadd.f32 v12, v0;
	v12 =	vld [tilespmem:s24+$0x80C0]  }
0x3e0: {  	[tilespmem:s24+$0x8060] =	vst v9;
	v9 =	vadd.f32 v14, v2;
	v14 =	vld [tilespmem:s24+$0x80D0]  }
0x3e1: {  	[tilespmem:s24+$0x8070] =	vst v8;
	v8 =	vadd.f32 v13, v2;
	v13 =	vld [tilespmem:s24+$0x80E0]  }
0x3e2: {  	[tilespmem:s24+$0x8080] =	vst v9;
	v9 =	vadd.f32 v10, v2;
	v10 =	vld [tilespmem:s24+$0x80F0]  }
0x3e3: {  	[tilespmem:s24+$0x8090] =	vst v8;
	v8 =	vadd.f32 v11, v2;
	v11 =	vld [tilespmem:s24+$0x8100]  }
0x3e4: {  	[tilespmem:s24+$0x80A0] =	vst v9;
	v9 =	vadd.f32 v12, v2;
	v12 =	vld [tilespmem:s24+$0x8110]  }
0x3e5: {  	[tilespmem:s24+$0x80B0] =	vst v8;
	v8 =	vadd.f32 v14, v2;
	v14 =	vld [tilespmem:s24+$0x8120]  }
0x3e6: {  	[tilespmem:s24+$0x80C0] =	vst v9;
	v9 =	vadd.f32 v13, v2;
	v13 =	vld [tilespmem:s24+$0x8130]  }
0x3e7: {  	[tilespmem:s24+$0x80D0] =	vst v8;
	v8 =	vadd.f32 v10, v2;
	v10 =	vld [tilespmem:s24+$0x8140]  }
0x3e8: {  	[tilespmem:s24+$0x80E0] =	vst v9;
	v9 =	vadd.f32 v11, v3;
	v11 =	vld [tilespmem:s24+$0x8150]  }
0x3e9: {  	[tilespmem:s24+$0x80F0] =	vst v8;
	v8 =	vadd.f32 v12, v3;
	v12 =	vld [tilespmem:s24+$0x8160]  }
0x3ea: {  	[tilespmem:s24+$0x8100] =	vst v9;
	v9 =	vadd.f32 v14, v3;
	v14 =	vld [tilespmem:s24+$0x8170]  }
0x3eb: {  	[tilespmem:s24+$0x8110] =	vst v8;
	v8 =	vadd.f32 v13, v3;
	v13 =	vld [tilespmem:s24+$0x8180]  }
0x3ec: {  	[tilespmem:s24+$0x8120] =	vst v9;
	v9 =	vadd.f32 v10, v3;
	v10 =	vld [tilespmem:s24+$0x8190]  }
0x3ed: {  	[tilespmem:s24+$0x8130] =	vst v8;
	v8 =	vadd.f32 v11, v3;
	v11 =	vld [tilespmem:s24+$0x81A0]  }
0x3ee: {  	[tilespmem:s24+$0x8140] =	vst v9;
	v9 =	vadd.f32 v12, v3;
	v12 =	vld [tilespmem:s24+$0x81B0]  }
0x3ef: {  	[tilespmem:s24+$0x8150] =	vst v8;
	v8 =	vadd.f32 v14, v3;
	v14 =	vld [tilespmem:s24+$0x81C0]  }
0x3f0: {  	[tilespmem:s24+$0x8160] =	vst v9;
	v9 =	vadd.f32 v13, v4;
	v13 =	vld [tilespmem:s24+$0x81D0]  }
0x3f1: {  	[tilespmem:s24+$0x8170] =	vst v8;
	v8 =	vadd.f32 v10, v4;
	v10 =	vld [tilespmem:s24+$0x81E0]  }
0x3f2: {  	[tilespmem:s24+$0x8180] =	vst v9;
	v9 =	vadd.f32 v11, v4;
	v11 =	vld [tilespmem:s24+$0x81F0]  }
0x3f3: {  	[tilespmem:s24+$0x8190] =	vst v8;
	v8 =	vadd.f32 v12, v4;
	v12 =	vld [tilespmem:s24+$0x8200]  }
0x3f4: {  	[tilespmem:s24+$0x81A0] =	vst v9;
	v9 =	vadd.f32 v14, v4;
	v14 =	vld [tilespmem:s24+$0x8210]  }
0x3f5: {  	[tilespmem:s24+$0x81B0] =	vst v8;
	v8 =	vadd.f32 v13, v4;
	v13 =	vld [tilespmem:s24+$0x8220]  }
0x3f6: {  	[tilespmem:s24+$0x81C0] =	vst v9;
	v9 =	vadd.f32 v10, v4;
	v10 =	vld [tilespmem:s24+$0x8230]  }
0x3f7: {  	[tilespmem:s24+$0x81D0] =	vst v8;
	v8 =	vadd.f32 v11, v4;
	v11 =	vld [tilespmem:s24+$0x8240]  }
0x3f8: {  	[tilespmem:s24+$0x81E0] =	vst v9;
	v9 =	vadd.f32 v12, v5;
	v12 =	vld [tilespmem:s24+$0x8250]  }
0x3f9: {  	[tilespmem:s24+$0x81F0] =	vst v8;
	v8 =	vadd.f32 v14, v5;
	v14 =	vld [tilespmem:s24+$0x8260]  }
0x3fa: {  	[tilespmem:s24+$0x8200] =	vst v9;
	v9 =	vadd.f32 v13, v5;
	v13 =	vld [tilespmem:s24+$0x8270]  }
0x3fb: {  	[tilespmem:s24+$0x8210] =	vst v8;
	v8 =	vadd.f32 v10, v5;
	v10 =	vld [tilespmem:s24+$0x8280]  }
0x3fc: {  	[tilespmem:s24+$0x8220] =	vst v9;
	v9 =	vadd.f32 v11, v5;
	v11 =	vld [tilespmem:s24+$0x8290]  }
0x3fd: {  	[tilespmem:s24+$0x8230] =	vst v8;
	v8 =	vadd.f32 v12, v5;
	v12 =	vld [tilespmem:s24+$0x82A0]  }
0x3fe: {  	[tilespmem:s24+$0x8240] =	vst v9;
	v9 =	vadd.f32 v14, v5;
	v14 =	vld [tilespmem:s24+$0x82B0]  }
0x3ff: {  	[tilespmem:s24+$0x8250] =	vst v8;
	v8 =	vadd.f32 v13, v5;
	v13 =	vld [tilespmem:s24+$0x82C0]  }
0x400: {  	[tilespmem:s24+$0x8260] =	vst v9;
	v9 =	vadd.f32 v10, v6;
	v10 =	vld [tilespmem:s24+$0x82D0]  }
0x401: {  	[tilespmem:s24+$0x8270] =	vst v8;
	v8 =	vadd.f32 v11, v6;
	v11 =	vld [tilespmem:s24+$0x82E0]  }
0x402: {  	[tilespmem:s24+$0x8280] =	vst v9;
	v9 =	vadd.f32 v12, v6;
	v12 =	vld [tilespmem:s24+$0x82F0]  }
0x403: {  	[tilespmem:s24+$0x8290] =	vst v8;
	v8 =	vadd.f32 v14, v6;
	v14 =	vld [tilespmem:s24+$0x8300]  }
0x404: {  	[tilespmem:s24+$0x82A0] =	vst v9;
	v9 =	vadd.f32 v13, v6;
	v13 =	vld [tilespmem:s24+$0x8310]  }
0x405: {  	[tilespmem:s24+$0x82B0] =	vst v8;
	v8 =	vadd.f32 v10, v6;
	v10 =	vld [tilespmem:s24+$0x8320]  }
0x406: {  	[tilespmem:s24+$0x82C0] =	vst v9;
	v9 =	vadd.f32 v11, v6;
	v11 =	vld [tilespmem:s24+$0x8330]  }
0x407: {  	[tilespmem:s24+$0x82D0] =	vst v8;
	v8 =	vadd.f32 v12, v6;
	v12 =	vld [tilespmem:s24+$0x8340]  }
0x408: {  	[tilespmem:s24+$0x82E0] =	vst v9;
	v9 =	vadd.f32 v14, v7;
	v14 =	vld [tilespmem:s24+$0x8350]  }
0x409: {  	[tilespmem:s24+$0x82F0] =	vst v8;
	v8 =	vadd.f32 v13, v7;
	v13 =	vld [tilespmem:s24+$0x8360]  }
0x40a: {  	[tilespmem:s24+$0x8300] =	vst v9;
	v9 =	vadd.f32 v10, v7;
	v10 =	vld [tilespmem:s24+$0x8370]  }
0x40b: {  	[tilespmem:s24+$0x8310] =	vst v8;
	v8 =	vadd.f32 v11, v7;
	v11 =	vld [tilespmem:s24+$0x8380]  }
0x40c: {  	[tilespmem:s24+$0x8320] =	vst v9;
	v9 =	vadd.f32 v12, v7;
	v12 =	vld [tilespmem:s24+$0x8390]  }
0x40d: {  	[tilespmem:s24+$0x8330] =	vst v8;
	v8 =	vadd.f32 v14, v7;
	v14 =	vld [tilespmem:s24+$0x83A0]  }
0x40e: {  	[tilespmem:s24+$0x8340] =	vst v9;
	v9 =	vadd.f32 v13, v7;
	v13 =	vld [tilespmem:s24+$0x83B0]  }
0x40f: {  	[tilespmem:s24+$0x8350] =	vst v8;
	v8 =	vadd.f32 v10, v7;
	v10 =	vld [tilespmem:s24+$0x83C0]  }
0x410: {  	[tilespmem:s24+$0x8360] =	vst v9;
	v9 =	vadd.f32 v11, v1;
	v11 =	vld [tilespmem:s24+$0x83D0]  }
0x411: {  	[tilespmem:s24+$0x8370] =	vst v8;
	v8 =	vadd.f32 v12, v1;
	v12 =	vld [tilespmem:s24+$0x83E0]  }
0x412: {  	[tilespmem:s24+$0x8380] =	vst v9;
	v9 =	vadd.f32 v14, v1;
	v14 =	vld [tilespmem:s24+$0x83F0]  }
0x413: {  	[tilespmem:s24+$0x8390] =	vst v8;
	v8 =	vadd.f32 v13, v1;
	v13 =	vld [tilespmem:s24+$0x8400]  }
0x414: {  	[tilespmem:s24+$0x83A0] =	vst v9;
	v9 =	vadd.f32 v10, v1;
	v10 =	vld [tilespmem:s24+$0x8410]  }
0x415: {  	[tilespmem:s24+$0x83B0] =	vst v8;
	v8 =	vadd.f32 v11, v1;
	v11 =	vld [tilespmem:s24+$0x8420]  }
0x416: {  	[tilespmem:s24+$0x83C0] =	vst v9;
	v9 =	vadd.f32 v12, v1;
	v12 =	vld [tilespmem:s24+$0x8430]  }
0x417: {  	[tilespmem:s24+$0x83D0] =	vst v8;
	v8 =	vadd.f32 v14, v1;
	v14 =	vld [tilespmem:s24+$0x8440]  }
0x418: {  	[tilespmem:s24+$0x83E0] =	vst v9;
	v9 =	vadd.f32 v13, v0;
	v13 =	vld [tilespmem:s24+$0x8450]  }
0x419: {  	[tilespmem:s24+$0x83F0] =	vst v8;
	v8 =	vadd.f32 v10, v0;
	v10 =	vld [tilespmem:s24+$0x8460]  }
0x41a: {  	[tilespmem:s24+$0x8400] =	vst v9;
	v9 =	vadd.f32 v11, v0;
	v11 =	vld [tilespmem:s24+$0x8470]  }
0x41b: {  	[tilespmem:s24+$0x8410] =	vst v8;
	v8 =	vadd.f32 v12, v0;
	v12 =	vld [tilespmem:s24+$0x8480]  }
0x41c: {  	[tilespmem:s24+$0x8420] =	vst v9;
	v9 =	vadd.f32 v14, v0;
	v14 =	vld [tilespmem:s24+$0x8490]  }
0x41d: {  	[tilespmem:s24+$0x8430] =	vst v8;
	v8 =	vadd.f32 v13, v0;
	v13 =	vld [tilespmem:s24+$0x84A0]  }
0x41e: {  	[tilespmem:s24+$0x8440] =	vst v9;
	v9 =	vadd.f32 v10, v0;
	v10 =	vld [tilespmem:s24+$0x84B0]  }
0x41f: {  	[tilespmem:s24+$0x8450] =	vst v8;
	v8 =	vadd.f32 v11, v0;
	v11 =	vld [tilespmem:s24+$0x84C0]  }
0x420: {  	[tilespmem:s24+$0x8460] =	vst v9;
	v9 =	vadd.f32 v12, v2;
	v12 =	vld [tilespmem:s24+$0x84D0]  }
0x421: {  	[tilespmem:s24+$0x8470] =	vst v8;
	v8 =	vadd.f32 v14, v2;
	v14 =	vld [tilespmem:s24+$0x84E0]  }
0x422: {  	[tilespmem:s24+$0x8480] =	vst v9;
	v9 =	vadd.f32 v13, v2;
	v13 =	vld [tilespmem:s24+$0x84F0]  }
0x423: {  	[tilespmem:s24+$0x8490] =	vst v8;
	v8 =	vadd.f32 v10, v2;
	v10 =	vld [tilespmem:s24+$0x8500]  }
0x424: {  	[tilespmem:s24+$0x84A0] =	vst v9;
	v9 =	vadd.f32 v11, v2;
	v11 =	vld [tilespmem:s24+$0x8510]  }
0x425: {  	[tilespmem:s24+$0x84B0] =	vst v8;
	v8 =	vadd.f32 v12, v2;
	v12 =	vld [tilespmem:s24+$0x8520]  }
0x426: {  	[tilespmem:s24+$0x84C0] =	vst v9;
	v9 =	vadd.f32 v14, v2;
	v14 =	vld [tilespmem:s24+$0x8530]  }
0x427: {  	[tilespmem:s24+$0x84D0] =	vst v8;
	v8 =	vadd.f32 v13, v2;
	v13 =	vld [tilespmem:s24+$0x8540]  }
0x428: {  	[tilespmem:s24+$0x84E0] =	vst v9;
	v9 =	vadd.f32 v10, v3;
	v10 =	vld [tilespmem:s24+$0x8550]  }
0x429: {  	[tilespmem:s24+$0x84F0] =	vst v8;
	v8 =	vadd.f32 v11, v3;
	v11 =	vld [tilespmem:s24+$0x8560]  }
0x42a: {  	[tilespmem:s24+$0x8500] =	vst v9;
	v9 =	vadd.f32 v12, v3;
	v12 =	vld [tilespmem:s24+$0x8570]  }
0x42b: {  	[tilespmem:s24+$0x8510] =	vst v8;
	v8 =	vadd.f32 v14, v3;
	v14 =	vld [tilespmem:s24+$0x8580]  }
0x42c: {  	[tilespmem:s24+$0x8520] =	vst v9;
	v9 =	vadd.f32 v13, v3;
	v13 =	vld [tilespmem:s24+$0x8590]  }
0x42d: {  	[tilespmem:s24+$0x8530] =	vst v8;
	v8 =	vadd.f32 v10, v3;
	v10 =	vld [tilespmem:s24+$0x85A0]  }
0x42e: {  	[tilespmem:s24+$0x8540] =	vst v9;
	v9 =	vadd.f32 v11, v3;
	v11 =	vld [tilespmem:s24+$0x85B0]  }
0x42f: {  	[tilespmem:s24+$0x8550] =	vst v8;
	v8 =	vadd.f32 v12, v3;
	v12 =	vld [tilespmem:s24+$0x85C0]  }
0x430: {  	[tilespmem:s24+$0x8560] =	vst v9;
	v9 =	vadd.f32 v14, v4;
	v14 =	vld [tilespmem:s24+$0x85D0]  }
0x431: {  	[tilespmem:s24+$0x8570] =	vst v8;
	v8 =	vadd.f32 v13, v4;
	v13 =	vld [tilespmem:s24+$0x85E0]  }
0x432: {  	[tilespmem:s24+$0x8580] =	vst v9;
	v9 =	vadd.f32 v10, v4;
	v10 =	vld [tilespmem:s24+$0x85F0]  }
0x433: {  	[tilespmem:s24+$0x8590] =	vst v8;
	v8 =	vadd.f32 v11, v4;
	v11 =	vld [tilespmem:s24+$0x8600]  }
0x434: {  	[tilespmem:s24+$0x85A0] =	vst v9;
	v9 =	vadd.f32 v12, v4;
	v12 =	vld [tilespmem:s24+$0x8610]  }
0x435: {  	[tilespmem:s24+$0x85B0] =	vst v8;
	v8 =	vadd.f32 v14, v4;
	v14 =	vld [tilespmem:s24+$0x8620]  }
0x436: {  	[tilespmem:s24+$0x85C0] =	vst v9;
	v9 =	vadd.f32 v13, v4;
	v13 =	vld [tilespmem:s24+$0x8630]  }
0x437: {  	[tilespmem:s24+$0x85D0] =	vst v8;
	v8 =	vadd.f32 v10, v4;
	v10 =	vld [tilespmem:s24+$0x8640]  }
0x438: {  	[tilespmem:s24+$0x85E0] =	vst v9;
	v9 =	vadd.f32 v11, v5;
	v11 =	vld [tilespmem:s24+$0x8650]  }
0x439: {  	[tilespmem:s24+$0x85F0] =	vst v8;
	v8 =	vadd.f32 v12, v5;
	v12 =	vld [tilespmem:s24+$0x8660]  }
0x43a: {  	[tilespmem:s24+$0x8600] =	vst v9;
	v9 =	vadd.f32 v14, v5;
	v14 =	vld [tilespmem:s24+$0x8670]  }
0x43b: {  	[tilespmem:s24+$0x8610] =	vst v8;
	v8 =	vadd.f32 v13, v5;
	v13 =	vld [tilespmem:s24+$0x8680]  }
0x43c: {  	[tilespmem:s24+$0x8620] =	vst v9;
	v9 =	vadd.f32 v10, v5;
	v10 =	vld [tilespmem:s24+$0x8690]  }
0x43d: {  	[tilespmem:s24+$0x8630] =	vst v8;
	v8 =	vadd.f32 v11, v5;
	v11 =	vld [tilespmem:s24+$0x86A0]  }
0x43e: {  	[tilespmem:s24+$0x8640] =	vst v9;
	v9 =	vadd.f32 v12, v5;
	v12 =	vld [tilespmem:s24+$0x86B0]  }
0x43f: {  	[tilespmem:s24+$0x8650] =	vst v8;
	v8 =	vadd.f32 v14, v5;
	v14 =	vld [tilespmem:s24+$0x86C0]  }
0x440: {  	[tilespmem:s24+$0x8660] =	vst v9;
	v9 =	vadd.f32 v13, v6;
	v13 =	vld [tilespmem:s24+$0x86D0]  }
0x441: {  	[tilespmem:s24+$0x8670] =	vst v8;
	v8 =	vadd.f32 v10, v6;
	v10 =	vld [tilespmem:s24+$0x86E0]  }
0x442: {  	[tilespmem:s24+$0x8680] =	vst v9;
	v9 =	vadd.f32 v11, v6;
	v11 =	vld [tilespmem:s24+$0x86F0]  }
0x443: {  	[tilespmem:s24+$0x8690] =	vst v8;
	v8 =	vadd.f32 v12, v6;
	v12 =	vld [tilespmem:s24+$0x8700]  }
0x444: {  	[tilespmem:s24+$0x86A0] =	vst v9;
	v9 =	vadd.f32 v14, v6;
	v14 =	vld [tilespmem:s24+$0x8710]  }
0x445: {  	[tilespmem:s24+$0x86B0] =	vst v8;
	v8 =	vadd.f32 v13, v6;
	v13 =	vld [tilespmem:s24+$0x8720]  }
0x446: {  	[tilespmem:s24+$0x86C0] =	vst v9;
	v9 =	vadd.f32 v10, v6;
	v10 =	vld [tilespmem:s24+$0x8730]  }
0x447: {  	[tilespmem:s24+$0x86D0] =	vst v8;
	v8 =	vadd.f32 v11, v6;
	v11 =	vld [tilespmem:s24+$0x8740]  }
0x448: {  	[tilespmem:s24+$0x86E0] =	vst v9;
	v9 =	vadd.f32 v12, v7;
	v12 =	vld [tilespmem:s24+$0x8750]  }
0x449: {  	[tilespmem:s24+$0x86F0] =	vst v8;
	v8 =	vadd.f32 v14, v7;
	v14 =	vld [tilespmem:s24+$0x8760]  }
0x44a: {  	[tilespmem:s24+$0x8700] =	vst v9;
	v9 =	vadd.f32 v13, v7;
	v13 =	vld [tilespmem:s24+$0x8770]  }
.Ltmp4:
0x44b: {  	[tilespmem:s24+$0x8710] =	vst v8;
	v10 =	vadd.f32 v10, v7;
	v8 =	vld [tilespmem:s24+$0x8780];
	(pc) =	sbr.rel @p0 .LBB2_10-.Ltmp4, $4  }
0x44c: {  	[tilespmem:s24+$0x8720] =	vst v9;
	v11 =	vadd.f32 v11, v7;
	v9 =	vld [tilespmem:s24+$0x8790]  }
0x44d: {  	[tilespmem:s24+$0x8730] =	vst v10;
	v12 =	vadd.f32 v12, v7;
	v10 =	vld [tilespmem:s24+$0x87A0]  }
0x44e: {  	[tilespmem:s24+$0x8740] =	vst v11;
	v14 =	vadd.f32 v14, v7;
	v11 =	vld [tilespmem:s24+$0x87B0]  }
0x44f: {  	s25 =	sadd.s32 $0x2, s25;
	[tilespmem:s24+$0x8750] =	vst v12;
	v13 =	vadd.f32 v13, v7;
	v12 =	vld [tilespmem:s24+$0x87C0]  }
0x450: {  	[tilespmem:s24+$0x8760] =	vst v14;
	v0 =	vld [tilespmem:s24+$0x87D0];
	v2 =	vadd.f32 v8, v1  }
0x451: {  	v4 =	vld [tilespmem:s24+$0x87E0];
	[tilespmem:s24+$0x8770] =	vst v13;
	v3 =	vadd.f32 v9, v1  }
0x452: {  	[tilespmem:s24+$0x8780] =	vst v2;
	v60 =	vadd.f32 v10, v1  }
0x453: {  	[tilespmem:s24+$0x8790] =	vst v3;
	v61 =	vadd.f32 v11, v1  }
0x454: {  	[tilespmem:s24+$0x87A0] =	vst v60;
	v62 =	vadd.f32 v12, v1  }
0x455: {  	[tilespmem:s24+$0x87B0] =	vst v61;
	v0 =	vadd.f32 v0, v1  }
0x456: {  	v63 =	vadd.f32 v4, v1;
	[tilespmem:s24+$0x87C0] =	vst v62  }
0x457: {  	[tilespmem:s24+$0x87D0] =	vst v0  }
0x458: {  	s23 =	sadd.s32 $0x1, s23;
	[tilespmem:s24+$0x87E0] =	vst v63  }
0x459: {  	[hbm4b:s14+s4] =	stream.linear.scatter [tilespmem:s16], [sflag:$0x4], $0x8000, $0x38;
	[tilespmem:$0x13280] =	vst v63  }
0x45a: {  	p0 =	sne.s32 s23, s15;
	_ =	swait.ge [sflag:s21], $0x8000  }
.Ltmp5:
0x45b: {  	[sflag:s21] =	ssyncset.done $0x0;
	(pc) =	sbr.rel @p0 .LBB2_1-.Ltmp5, $4  }
0x45c: {  	[sflag:s21] =	ssyncadd.s32 $0xFFFF8000  }
0x45d: {  	_ =	swait.ge [sflag:s22], $0x8000  }
0x45e: {  	[sflag:s22] =	ssyncset.done $0x0  }
0x45f: {  	[sflag:s22] =	ssyncadd.s32 $0xFFFF8000  }
0x460: {  	_ =	sfence.sel $0x180000  }
0x461: {  	[bflag:$0x0] =	sbarrier.arrive $0xFFFF  }
0x462: {  	p0 =	sne.s32 s0, $0x0;
	_ =	strace $0x90000047  }
0x463: {  	s0 =	sadd.s32 @!p0 $0x100000, s2;
	[bflag:$0x2] =	sbarrier.arrive $0xFFFF  }
0x464: {  	[sflag:s0] =	ssyncadd.tile.s32 @!p0 $0x1;
	_ =	shalt  }
.Lfunc_end2:
_tile_overlayer_lowered:
.L_overlay_start_2:
0x465: {  	(tag) =	ssettag $0x2  }
0x466: {  	s0 =	rddreg [dreg:$0x0];
	s2 =	stileid.u32  }
0x467: {  	s1 =	rddreg [dreg:$0x1];
	p0 =	sne.s32 s2, $0x0  }
0x468: {  	s3 =	rddreg [dreg:$0x2];
	[bflag:$0x3] =	sbarrier.arrive $0xFFFF;
	s2 =	simm.s32 @!p0 $0x1C05  }
0x469: {  	[timem:s3], [sflag:s2] =	dma.local @!p0 [hbm:s0], s1  }
0x46a: {  	s0 =	simm.s32 @!p0 $0x5  }
0x46b: {  	_ =	swait.ge @!p0 [sflag:s0], s1  }
0x46c: {  	s1 =	ssub.s32 @!p0 $0x0, s1;
	[sflag:s0] =	ssyncset.done @!p0 $0x0  }
0x46d: {  	[sflag:s0] =	ssyncadd.s32 @!p0 s1  }
0x46e: {  	[bflag:$0x3] =	sbarrier.arrive $0xFFFF  }
0x46f: {  	_ =	shalt  }

</sc_bundles>
